<compile_context>
chip_gen: v7x
topology: tpu7x:2x2x1
jax: 0.10.2.dev20260603
libtpu: 0.0.44.dev20260713+nightly
codegen_flags: <defaults>
</compile_context>

<pallas_src>
import functools

import jax
import jax.numpy as jnp
from jax import lax
from jax.experimental import pallas as pl
from jax.experimental.pallas import tpu as pltpu
from jax.experimental.pallas import tpu_sc as plsc

_K = 8192
_D = 32
_B = 16384
_TAU = 0.07
_BLOCK_B = 2048
_DP = 128
_L = 16


def _nr_rsqrt(x):
    x = jnp.maximum(x, 1e-35)
    i = plsc.bitcast(x, jnp.int32)
    y = plsc.bitcast(jnp.int32(0x5F3759DF) - (i >> 1), jnp.float32)
    for _ in range(3):
        y = y * (1.5 - 0.5 * x * y * y)
    return y


def _sc_pos_term(ptab_padded, emb_hbm_arg, pos_idx):
    info = plsc.get_sparse_core_info()
    nw = info.num_cores * info.num_subcores
    bpw = _B // nw
    ngroups = bpw // _L
    mesh = plsc.VectorSubcoreMesh(core_axis_name="c", subcore_axis_name="s")

    @functools.partial(
        pl.kernel,
        mesh=mesh,
        out_type=jax.ShapeDtypeStruct((nw * _L,), jnp.float32),
        compiler_params=pltpu.CompilerParams(needs_layout_passes=False),
        scratch_types=[
            pltpu.VMEM((4, bpw // 4), jnp.int32),
            pltpu.VMEM((bpw // 4, _DP), jnp.float32),
            pltpu.VMEM((bpw, _D), jnp.float32),
            pltpu.VMEM((_L,), jnp.float32),
            pltpu.SemaphoreType.DMA,
        ],
    )
    def pos_kernel(table_hbm, emb_hbm, idx_hbm, out_hbm,
                   idx_v, rows_v, e_v, acc_v, sem):
        wid = lax.axis_index("s") * info.num_cores + lax.axis_index("c")
        base = wid * bpw
        qtr = bpw // 4
        pltpu.sync_copy(emb_hbm.at[pl.ds(base, bpw)], e_v)
        for c in range(4):
            pltpu.sync_copy(
                idx_hbm.at[pl.ds(base + c * qtr, qtr)], idx_v.at[c])

        lane = lax.broadcasted_iota(jnp.int32, (_L,), 0)
        acc = jnp.zeros((_L,), jnp.float32)
        for c in range(4):
            pltpu.async_copy(table_hbm.at[idx_v.at[c]], rows_v, sem).wait()

            def group(g, acc, _c=c):
                rows16 = g * _L + lane
                accd = jnp.zeros((_L,), jnp.float32)
                accn = jnp.zeros((_L,), jnp.float32)
                for j in range(_D):
                    col = jnp.full((_L,), j, jnp.int32)
                    ev = plsc.load_gather(e_v, [_c * qtr + rows16, col])
                    pv = plsc.load_gather(rows_v, [rows16, col])
                    accd = accd + ev * pv
                    accn = accn + ev * ev
                return acc + accd * _nr_rsqrt(accn)

            acc = lax.fori_loop(0, qtr // _L, group, acc)
        acc_v[...] = acc
        pltpu.sync_copy(acc_v, out_hbm.at[pl.ds(wid * _L, _L)])

    return pos_kernel(ptab_padded, emb_hbm_arg, pos_idx)


def _loss_body(emb_ref, protos_ref, out_ref, acc_ref):
    e = emb_ref[...]
    n = jnp.sqrt(jnp.sum(e * e, axis=1, keepdims=True))
    es = e * ((1.0 / _TAU) / jnp.maximum(n, 1e-12))
    logits = lax.dot_general(
        es.astype(jnp.bfloat16), protos_ref[...], (((1,), (1,)), ((), ())),
        preferred_element_type=jnp.float32)
    denom = jnp.sum(jnp.exp(logits), axis=1)
    part = jnp.sum(jnp.log(denom + 1e-12))

    @pl.when(pl.program_id(0) == 0)
    def _():
        acc_ref[0] = 0.0

    acc_ref[0] += part

    @pl.when(pl.program_id(0) == pl.num_programs(0) - 1)
    def _():
        out_ref[0, 0] = acc_ref[0]


def _combine_body(dense_ref, sc_ref, out_ref):
    pos_sum = jnp.sum(sc_ref[...]) * (1.0 / _TAU)
    out_ref[0, 0] = (dense_ref[0, 0] - pos_sum) * (1.0 / _B)


def kernel(embeddings, positive_proto_ids, prototypes):
    ptab = jnp.pad(prototypes, ((0, 0), (0, _DP - _D)))
    sc_part = _sc_pos_term(ptab, embeddings,
                           positive_proto_ids.astype(jnp.int32))
    grid = _B // _BLOCK_B
    dense = pl.pallas_call(
        _loss_body,
        grid=(grid,),
        in_specs=[
            pl.BlockSpec((_BLOCK_B, _D), lambda i: (i, 0)),
            pl.BlockSpec((_K, _D), lambda i: (0, 0)),
        ],
        out_specs=pl.BlockSpec(memory_space=pltpu.SMEM),
        out_shape=jax.ShapeDtypeStruct((1, 1), jnp.float32),
        scratch_shapes=[pltpu.SMEM((1,), jnp.float32)],
        compiler_params=pltpu.CompilerParams(
            vmem_limit_bytes=128 * 1024 * 1024),
    )(embeddings, prototypes.astype(jnp.bfloat16))
    loss = pl.pallas_call(
        _combine_body,
        in_specs=[
            pl.BlockSpec(memory_space=pltpu.SMEM),
            pl.BlockSpec(memory_space=pltpu.VMEM),
        ],
        out_specs=pl.BlockSpec(memory_space=pltpu.SMEM),
        out_shape=jax.ShapeDtypeStruct((1, 1), jnp.float32),
    )(dense, sc_part)
    return loss[0, 0]

# --- scband reference (transcript-rebuilt; emitter-appended) ---
"""Pipeline reference for scband-prototype-contrastive-loss-11201274708675 (READ-ONLY COPY).

The authoritative reference and input builder live on the scoring server;
editing this copy changes nothing except your own understanding.
"""

import jax, jax.numpy as jnp
import numpy as np

NUM_PROTOTYPES = 8192
EMBED_DIM = 32
BATCH = 16384
TAU = 0.07
MOMENTUM = 0.99


def _l2_normalize(x, axis=1, eps=1e-12):
    # matches torch F.normalize(p=2): divide by norm clamped to eps
    n = jnp.linalg.norm(x, ord=2, axis=axis, keepdims=True)
    return x / jnp.maximum(n, eps)


def setup_inputs(seed: int = 0) -> dict:
    key = jax.random.key(seed)
    k1, k2, k3 = jax.random.split(key, 3)
    embeddings = jax.random.normal(k1, (BATCH, EMBED_DIM), dtype=jnp.float32)
    positive_proto_ids = jax.random.randint(k2, (BATCH,), 0, NUM_PROTOTYPES, dtype=jnp.int64 if jax.config.jax_enable_x64 else jnp.int32)
    protos = jax.random.normal(k3, (NUM_PROTOTYPES, EMBED_DIM), dtype=jnp.float32)
    protos = _l2_normalize(protos, axis=1)
    return {"embeddings": embeddings, "positive_proto_ids": positive_proto_ids, "prototypes": protos}


def reference(embeddings, positive_proto_ids, prototypes):
    B = embeddings.shape[0]
    emb_n = _l2_normalize(embeddings, axis=1)
    sims = jnp.matmul(emb_n, prototypes.T)  # [B, K]
    logits = sims / TAU
    pos_idx = positive_proto_ids.astype(jnp.int32)
    logits_pos = logits[jnp.arange(B), pos_idx]  # gather along vocab dim
    exp_logits = jnp.exp(logits)
    denom = jnp.sum(exp_logits, axis=1)
    numer = jnp.exp(logits_pos)
    loss = -jnp.log(numer / (denom + 1e-12))
    loss = jnp.mean(loss)
    # momentum buffer update (side effect in torch; detached, does not affect loss)
    p = prototypes[pos_idx]
    updated = MOMENTUM * p + (1.0 - MOMENTUM) * jax.lax.stop_gradient(emb_n)
    updated = _l2_normalize(updated, axis=1)
    _new_protos = prototypes.at[pos_idx].set(updated)
    return loss

if __name__ == "__main__":
    import jax
    _d = setup_inputs()
    print(jax.jit(kernel)(*tuple(_d.values())))

</pallas_src>

<mosaic_0001>
#map = affine_map<(d0, d1) -> (0, 0)>
#map1 = affine_map<(d0, d1) -> (0)>
module attributes {stable_mosaic.version = 14 : i64} {
  func.func @pos_kernel(%arg0: i32, %arg1: i32, %arg2: memref<8192x128xf32, #tpu.memory_space<hbm>>, %arg3: memref<16384x32xf32, #tpu.memory_space<hbm>>, %arg4: memref<16384xi32, #tpu.memory_space<hbm>>, %arg5: memref<512xf32, #tpu.memory_space<hbm>>, %arg6: memref<4x128xi32, #tpu.memory_space<vmem>>, %arg7: memref<128x128xf32, #tpu.memory_space<vmem>>, %arg8: memref<512x32xf32, #tpu.memory_space<vmem>>, %arg9: memref<16xf32, #tpu.memory_space<vmem>>, %arg10: memref<!tpu.dma_semaphore, #tpu.memory_space<semaphore_mem>>) attributes {dimension_semantics = [#tpu.dimension_semantics<core_parallel>, #tpu.dimension_semantics<subcore_parallel>], iteration_bounds = array<i64: 2, 16>, scalar_prefetch = 0 : i64, scratch_operands = 5 : i64, tpu.core_type = #tpu.core_type<sc_vector_subcore>, window_params = [{transform_indices = #map}, {transform_indices = #map}, {transform_indices = #map1}, {transform_indices = #map1}]} {
    %mul3A = arith.constant 2 : i32
    %mul3A_0 = arith.muli %arg1, %mul3A : i32
    %add3A = arith.addi %mul3A_0, %arg0 : i32
    %mul3A_1 = arith.constant 512 : i32
    %mul3A_2 = arith.muli %add3A, %mul3A_1 : i32
    "tpu.region"() ({
      %run_scoped3A_95 = tpu.sem_alloc : memref<!tpu.dma_semaphore, #tpu.memory_space<semaphore_mem>>
      %dma_start3A_96 = arith.constant 0 : i32
      %dma_start3A_97 = tpu.memref_slice %arg3[%mul3A_2, %dma_start3A_96] : memref<16384x32xf32, #tpu.memory_space<hbm>> -> memref<512x32xf32, #tpu.memory_space<hbm>>
      %dma_start3A_98 = arith.constant 0 : i32
      %dma_start3A_99 = tpu.memref_slice %arg3[%mul3A_2, %dma_start3A_98] : memref<16384x32xf32, #tpu.memory_space<hbm>> -> memref<512x32xf32, #tpu.memory_space<hbm>>
      tpu.enqueue_dma source(%dma_start3A_99 : memref<512x32xf32, #tpu.memory_space<hbm>>) target(%arg8 : memref<512x32xf32, #tpu.memory_space<vmem>>) target_semaphore(%run_scoped3A_95 : memref<!tpu.dma_semaphore, #tpu.memory_space<semaphore_mem>>)
      %dma_wait3A_100 = arith.constant 0 : i32
      %dma_wait3A_101 = tpu.memref_slice %arg3[%mul3A_2, %dma_wait3A_100] : memref<16384x32xf32, #tpu.memory_space<hbm>> -> memref<512x32xf32, #tpu.memory_space<hbm>>
      %dma_wait3A_102 = arith.constant 0 : i32
      %dma_wait3A_103 = tpu.memref_slice %arg3[%mul3A_2, %dma_wait3A_102] : memref<16384x32xf32, #tpu.memory_space<hbm>> -> memref<512x32xf32, #tpu.memory_space<hbm>>
      tpu.wait_dma2 semaphore(%run_scoped3A_95 : memref<!tpu.dma_semaphore, #tpu.memory_space<semaphore_mem>>) src(%dma_wait3A_103 : memref<512x32xf32, #tpu.memory_space<hbm>>) dst(%arg8 : memref<512x32xf32, #tpu.memory_space<vmem>>)
      tpu.yield
    }) : () -> ()
    %add3A_3 = arith.constant 0 : i32
    %add3A_4 = arith.addi %mul3A_2, %add3A_3 : i32
    %run_scoped3A = arith.constant 0 : i32
    "tpu.region"() ({
      %run_scoped3A_95 = tpu.sem_alloc : memref<!tpu.dma_semaphore, #tpu.memory_space<semaphore_mem>>
      %dma_start3A_96 = arith.constant 0 : i32
      %dma_start3A_97 = tpu.memref_slice %arg6[%run_scoped3A, %dma_start3A_96] : memref<4x128xi32, #tpu.memory_space<vmem>> -> memref<1x128xi32, #tpu.memory_space<vmem>>
      %dma_start3A_98 = tpu.memref_squeeze %dma_start3A_97 : memref<1x128xi32, #tpu.memory_space<vmem>> -> memref<128xi32, #tpu.memory_space<vmem>>
      %dma_start3A_99 = tpu.memref_slice %arg4[%add3A_4] : memref<16384xi32, #tpu.memory_space<hbm>> -> memref<128xi32, #tpu.memory_space<hbm>>
      %dma_start3A_100 = arith.constant 0 : i32
      %dma_start3A_101 = tpu.memref_slice %arg6[%run_scoped3A, %dma_start3A_100] : memref<4x128xi32, #tpu.memory_space<vmem>> -> memref<1x128xi32, #tpu.memory_space<vmem>>
      %dma_start3A_102 = tpu.memref_squeeze %dma_start3A_101 : memref<1x128xi32, #tpu.memory_space<vmem>> -> memref<128xi32, #tpu.memory_space<vmem>>
      %dma_start3A_103 = tpu.memref_slice %arg4[%add3A_4] : memref<16384xi32, #tpu.memory_space<hbm>> -> memref<128xi32, #tpu.memory_space<hbm>>
      tpu.enqueue_dma source(%dma_start3A_103 : memref<128xi32, #tpu.memory_space<hbm>>) target(%dma_start3A_102 : memref<128xi32, #tpu.memory_space<vmem>>) target_semaphore(%run_scoped3A_95 : memref<!tpu.dma_semaphore, #tpu.memory_space<semaphore_mem>>)
      %dma_wait3A_104 = arith.constant 0 : i32
      %dma_wait3A_105 = tpu.memref_slice %arg6[%run_scoped3A, %dma_wait3A_104] : memref<4x128xi32, #tpu.memory_space<vmem>> -> memref<1x128xi32, #tpu.memory_space<vmem>>
      %dma_wait3A_106 = tpu.memref_squeeze %dma_wait3A_105 : memref<1x128xi32, #tpu.memory_space<vmem>> -> memref<128xi32, #tpu.memory_space<vmem>>
      %dma_wait3A_107 = tpu.memref_slice %arg4[%add3A_4] : memref<16384xi32, #tpu.memory_space<hbm>> -> memref<128xi32, #tpu.memory_space<hbm>>
      %dma_wait3A_108 = arith.constant 0 : i32
      %dma_wait3A_109 = tpu.memref_slice %arg6[%run_scoped3A, %dma_wait3A_108] : memref<4x128xi32, #tpu.memory_space<vmem>> -> memref<1x128xi32, #tpu.memory_space<vmem>>
      %dma_wait3A_110 = tpu.memref_squeeze %dma_wait3A_109 : memref<1x128xi32, #tpu.memory_space<vmem>> -> memref<128xi32, #tpu.memory_space<vmem>>
      %dma_wait3A_111 = tpu.memref_slice %arg4[%add3A_4] : memref<16384xi32, #tpu.memory_space<hbm>> -> memref<128xi32, #tpu.memory_space<hbm>>
      tpu.wait_dma2 semaphore(%run_scoped3A_95 : memref<!tpu.dma_semaphore, #tpu.memory_space<semaphore_mem>>) src(%dma_wait3A_111 : memref<128xi32, #tpu.memory_space<hbm>>) dst(%dma_wait3A_110 : memref<128xi32, #tpu.memory_space<vmem>>)
      tpu.yield
    }) : () -> ()
    %add3A_5 = arith.constant 128 : i32
    %add3A_6 = arith.addi %mul3A_2, %add3A_5 : i32
    %run_scoped3A_7 = arith.constant 1 : i32
    "tpu.region"() ({
      %run_scoped3A_95 = tpu.sem_alloc : memref<!tpu.dma_semaphore, #tpu.memory_space<semaphore_mem>>
      %dma_start3A_96 = arith.constant 0 : i32
      %dma_start3A_97 = tpu.memref_slice %arg6[%run_scoped3A_7, %dma_start3A_96] : memref<4x128xi32, #tpu.memory_space<vmem>> -> memref<1x128xi32, #tpu.memory_space<vmem>>
      %dma_start3A_98 = tpu.memref_squeeze %dma_start3A_97 : memref<1x128xi32, #tpu.memory_space<vmem>> -> memref<128xi32, #tpu.memory_space<vmem>>
      %dma_start3A_99 = tpu.memref_slice %arg4[%add3A_6] : memref<16384xi32, #tpu.memory_space<hbm>> -> memref<128xi32, #tpu.memory_space<hbm>>
      %dma_start3A_100 = arith.constant 0 : i32
      %dma_start3A_101 = tpu.memref_slice %arg6[%run_scoped3A_7, %dma_start3A_100] : memref<4x128xi32, #tpu.memory_space<vmem>> -> memref<1x128xi32, #tpu.memory_space<vmem>>
      %dma_start3A_102 = tpu.memref_squeeze %dma_start3A_101 : memref<1x128xi32, #tpu.memory_space<vmem>> -> memref<128xi32, #tpu.memory_space<vmem>>
      %dma_start3A_103 = tpu.memref_slice %arg4[%add3A_6] : memref<16384xi32, #tpu.memory_space<hbm>> -> memref<128xi32, #tpu.memory_space<hbm>>
      tpu.enqueue_dma source(%dma_start3A_103 : memref<128xi32, #tpu.memory_space<hbm>>) target(%dma_start3A_102 : memref<128xi32, #tpu.memory_space<vmem>>) target_semaphore(%run_scoped3A_95 : memref<!tpu.dma_semaphore, #tpu.memory_space<semaphore_mem>>)
      %dma_wait3A_104 = arith.constant 0 : i32
      %dma_wait3A_105 = tpu.memref_slice %arg6[%run_scoped3A_7, %dma_wait3A_104] : memref<4x128xi32, #tpu.memory_space<vmem>> -> memref<1x128xi32, #tpu.memory_space<vmem>>
      %dma_wait3A_106 = tpu.memref_squeeze %dma_wait3A_105 : memref<1x128xi32, #tpu.memory_space<vmem>> -> memref<128xi32, #tpu.memory_space<vmem>>
      %dma_wait3A_107 = tpu.memref_slice %arg4[%add3A_6] : memref<16384xi32, #tpu.memory_space<hbm>> -> memref<128xi32, #tpu.memory_space<hbm>>
      %dma_wait3A_108 = arith.constant 0 : i32
      %dma_wait3A_109 = tpu.memref_slice %arg6[%run_scoped3A_7, %dma_wait3A_108] : memref<4x128xi32, #tpu.memory_space<vmem>> -> memref<1x128xi32, #tpu.memory_space<vmem>>
      %dma_wait3A_110 = tpu.memref_squeeze %dma_wait3A_109 : memref<1x128xi32, #tpu.memory_space<vmem>> -> memref<128xi32, #tpu.memory_space<vmem>>
      %dma_wait3A_111 = tpu.memref_slice %arg4[%add3A_6] : memref<16384xi32, #tpu.memory_space<hbm>> -> memref<128xi32, #tpu.memory_space<hbm>>
      tpu.wait_dma2 semaphore(%run_scoped3A_95 : memref<!tpu.dma_semaphore, #tpu.memory_space<semaphore_mem>>) src(%dma_wait3A_111 : memref<128xi32, #tpu.memory_space<hbm>>) dst(%dma_wait3A_110 : memref<128xi32, #tpu.memory_space<vmem>>)
      tpu.yield
    }) : () -> ()
    %add3A_8 = arith.constant 256 : i32
    %add3A_9 = arith.addi %mul3A_2, %add3A_8 : i32
    %run_scoped3A_10 = arith.constant 2 : i32
    "tpu.region"() ({
      %run_scoped3A_95 = tpu.sem_alloc : memref<!tpu.dma_semaphore, #tpu.memory_space<semaphore_mem>>
      %dma_start3A_96 = arith.constant 0 : i32
      %dma_start3A_97 = tpu.memref_slice %arg6[%run_scoped3A_10, %dma_start3A_96] : memref<4x128xi32, #tpu.memory_space<vmem>> -> memref<1x128xi32, #tpu.memory_space<vmem>>
      %dma_start3A_98 = tpu.memref_squeeze %dma_start3A_97 : memref<1x128xi32, #tpu.memory_space<vmem>> -> memref<128xi32, #tpu.memory_space<vmem>>
      %dma_start3A_99 = tpu.memref_slice %arg4[%add3A_9] : memref<16384xi32, #tpu.memory_space<hbm>> -> memref<128xi32, #tpu.memory_space<hbm>>
      %dma_start3A_100 = arith.constant 0 : i32
      %dma_start3A_101 = tpu.memref_slice %arg6[%run_scoped3A_10, %dma_start3A_100] : memref<4x128xi32, #tpu.memory_space<vmem>> -> memref<1x128xi32, #tpu.memory_space<vmem>>
      %dma_start3A_102 = tpu.memref_squeeze %dma_start3A_101 : memref<1x128xi32, #tpu.memory_space<vmem>> -> memref<128xi32, #tpu.memory_space<vmem>>
      %dma_start3A_103 = tpu.memref_slice %arg4[%add3A_9] : memref<16384xi32, #tpu.memory_space<hbm>> -> memref<128xi32, #tpu.memory_space<hbm>>
      tpu.enqueue_dma source(%dma_start3A_103 : memref<128xi32, #tpu.memory_space<hbm>>) target(%dma_start3A_102 : memref<128xi32, #tpu.memory_space<vmem>>) target_semaphore(%run_scoped3A_95 : memref<!tpu.dma_semaphore, #tpu.memory_space<semaphore_mem>>)
      %dma_wait3A_104 = arith.constant 0 : i32
      %dma_wait3A_105 = tpu.memref_slice %arg6[%run_scoped3A_10, %dma_wait3A_104] : memref<4x128xi32, #tpu.memory_space<vmem>> -> memref<1x128xi32, #tpu.memory_space<vmem>>
      %dma_wait3A_106 = tpu.memref_squeeze %dma_wait3A_105 : memref<1x128xi32, #tpu.memory_space<vmem>> -> memref<128xi32, #tpu.memory_space<vmem>>
      %dma_wait3A_107 = tpu.memref_slice %arg4[%add3A_9] : memref<16384xi32, #tpu.memory_space<hbm>> -> memref<128xi32, #tpu.memory_space<hbm>>
      %dma_wait3A_108 = arith.constant 0 : i32
      %dma_wait3A_109 = tpu.memref_slice %arg6[%run_scoped3A_10, %dma_wait3A_108] : memref<4x128xi32, #tpu.memory_space<vmem>> -> memref<1x128xi32, #tpu.memory_space<vmem>>
      %dma_wait3A_110 = tpu.memref_squeeze %dma_wait3A_109 : memref<1x128xi32, #tpu.memory_space<vmem>> -> memref<128xi32, #tpu.memory_space<vmem>>
      %dma_wait3A_111 = tpu.memref_slice %arg4[%add3A_9] : memref<16384xi32, #tpu.memory_space<hbm>> -> memref<128xi32, #tpu.memory_space<hbm>>
      tpu.wait_dma2 semaphore(%run_scoped3A_95 : memref<!tpu.dma_semaphore, #tpu.memory_space<semaphore_mem>>) src(%dma_wait3A_111 : memref<128xi32, #tpu.memory_space<hbm>>) dst(%dma_wait3A_110 : memref<128xi32, #tpu.memory_space<vmem>>)
      tpu.yield
    }) : () -> ()
    %add3A_11 = arith.constant 384 : i32
    %add3A_12 = arith.addi %mul3A_2, %add3A_11 : i32
    %run_scoped3A_13 = arith.constant 3 : i32
    "tpu.region"() ({
      %run_scoped3A_95 = tpu.sem_alloc : memref<!tpu.dma_semaphore, #tpu.memory_space<semaphore_mem>>
      %dma_start3A_96 = arith.constant 0 : i32
      %dma_start3A_97 = tpu.memref_slice %arg6[%run_scoped3A_13, %dma_start3A_96] : memref<4x128xi32, #tpu.memory_space<vmem>> -> memref<1x128xi32, #tpu.memory_space<vmem>>
      %dma_start3A_98 = tpu.memref_squeeze %dma_start3A_97 : memref<1x128xi32, #tpu.memory_space<vmem>> -> memref<128xi32, #tpu.memory_space<vmem>>
      %dma_start3A_99 = tpu.memref_slice %arg4[%add3A_12] : memref<16384xi32, #tpu.memory_space<hbm>> -> memref<128xi32, #tpu.memory_space<hbm>>
      %dma_start3A_100 = arith.constant 0 : i32
      %dma_start3A_101 = tpu.memref_slice %arg6[%run_scoped3A_13, %dma_start3A_100] : memref<4x128xi32, #tpu.memory_space<vmem>> -> memref<1x128xi32, #tpu.memory_space<vmem>>
      %dma_start3A_102 = tpu.memref_squeeze %dma_start3A_101 : memref<1x128xi32, #tpu.memory_space<vmem>> -> memref<128xi32, #tpu.memory_space<vmem>>
      %dma_start3A_103 = tpu.memref_slice %arg4[%add3A_12] : memref<16384xi32, #tpu.memory_space<hbm>> -> memref<128xi32, #tpu.memory_space<hbm>>
      tpu.enqueue_dma source(%dma_start3A_103 : memref<128xi32, #tpu.memory_space<hbm>>) target(%dma_start3A_102 : memref<128xi32, #tpu.memory_space<vmem>>) target_semaphore(%run_scoped3A_95 : memref<!tpu.dma_semaphore, #tpu.memory_space<semaphore_mem>>)
      %dma_wait3A_104 = arith.constant 0 : i32
      %dma_wait3A_105 = tpu.memref_slice %arg6[%run_scoped3A_13, %dma_wait3A_104] : memref<4x128xi32, #tpu.memory_space<vmem>> -> memref<1x128xi32, #tpu.memory_space<vmem>>
      %dma_wait3A_106 = tpu.memref_squeeze %dma_wait3A_105 : memref<1x128xi32, #tpu.memory_space<vmem>> -> memref<128xi32, #tpu.memory_space<vmem>>
      %dma_wait3A_107 = tpu.memref_slice %arg4[%add3A_12] : memref<16384xi32, #tpu.memory_space<hbm>> -> memref<128xi32, #tpu.memory_space<hbm>>
      %dma_wait3A_108 = arith.constant 0 : i32
      %dma_wait3A_109 = tpu.memref_slice %arg6[%run_scoped3A_13, %dma_wait3A_108] : memref<4x128xi32, #tpu.memory_space<vmem>> -> memref<1x128xi32, #tpu.memory_space<vmem>>
      %dma_wait3A_110 = tpu.memref_squeeze %dma_wait3A_109 : memref<1x128xi32, #tpu.memory_space<vmem>> -> memref<128xi32, #tpu.memory_space<vmem>>
      %dma_wait3A_111 = tpu.memref_slice %arg4[%add3A_12] : memref<16384xi32, #tpu.memory_space<hbm>> -> memref<128xi32, #tpu.memory_space<hbm>>
      tpu.wait_dma2 semaphore(%run_scoped3A_95 : memref<!tpu.dma_semaphore, #tpu.memory_space<semaphore_mem>>) src(%dma_wait3A_111 : memref<128xi32, #tpu.memory_space<hbm>>) dst(%dma_wait3A_110 : memref<128xi32, #tpu.memory_space<vmem>>)
      tpu.yield
    }) : () -> ()
    %iota3A = tpu.iota {dimensions = array<i32: 0>} : vector<16xi32>
    %broadcast_in_dim3A = arith.constant 0.000000e+00 : f32
    %broadcast_in_dim3A_14 = vector.broadcast %broadcast_in_dim3A : f32 to vector<16xf32>
    %dma_start3A = arith.constant 0 : i32
    %dma_start3A_15 = arith.constant 0 : i32
    %dma_start3A_16 = tpu.memref_slice %arg6[%dma_start3A, %dma_start3A_15] : memref<4x128xi32, #tpu.memory_space<vmem>> -> memref<1x128xi32, #tpu.memory_space<vmem>>
    %dma_start3A_17 = tpu.memref_squeeze %dma_start3A_16 : memref<1x128xi32, #tpu.memory_space<vmem>> -> memref<128xi32, #tpu.memory_space<vmem>>
    %dma_start3A_18 = arith.constant 0 : i32
    %dma_start3A_19 = arith.constant 0 : i32
    %dma_start3A_20 = tpu.memref_slice %arg2[%dma_start3A_18, %dma_start3A_19] : memref<8192x128xf32, #tpu.memory_space<hbm>> -> memref<8192x128xf32, #tpu.memory_space<hbm>>
    tpu.enqueue_indirect_dma source(%dma_start3A_20 : memref<8192x128xf32, #tpu.memory_space<hbm>>) target(%arg7 : memref<128x128xf32, #tpu.memory_space<vmem>>) offsets(%dma_start3A_17 : memref<128xi32, #tpu.memory_space<vmem>>) semaphore(%arg10 : memref<!tpu.dma_semaphore, #tpu.memory_space<semaphore_mem>>)
    %dma_wait3A = arith.constant 0 : i32
    %dma_wait3A_21 = arith.constant 0 : i32
    %dma_wait3A_22 = tpu.memref_slice %arg6[%dma_wait3A, %dma_wait3A_21] : memref<4x128xi32, #tpu.memory_space<vmem>> -> memref<1x128xi32, #tpu.memory_space<vmem>>
    %dma_wait3A_23 = tpu.memref_squeeze %dma_wait3A_22 : memref<1x128xi32, #tpu.memory_space<vmem>> -> memref<128xi32, #tpu.memory_space<vmem>>
    %dma_wait3A_24 = arith.constant 0 : i32
    %dma_wait3A_25 = arith.constant 0 : i32
    %dma_wait3A_26 = tpu.memref_slice %arg2[%dma_wait3A_24, %dma_wait3A_25] : memref<8192x128xf32, #tpu.memory_space<hbm>> -> memref<8192x128xf32, #tpu.memory_space<hbm>>
    tpu.wait_indirect_dma semaphore(%arg10 : memref<!tpu.dma_semaphore, #tpu.memory_space<semaphore_mem>>) src(%dma_wait3A_26 : memref<8192x128xf32, #tpu.memory_space<hbm>>) dst(%arg7 : memref<128x128xf32, #tpu.memory_space<vmem>>)
    %scan3A = arith.constant 0 : i32
    %scan3A_27 = arith.constant 8 : i32
    %scan3A_28 = arith.addi %scan3A, %scan3A_27 : i32
    %scan3A_29 = arith.constant 1 : i32
    %scan3A_30 = scf.for %scan3A_95 = %scan3A to %scan3A_28 step %scan3A_29 iter_args(%scan3A_96 = %broadcast_in_dim3A_14) -> (vector<16xf32>)  : i32 {
      %mul3A_97 = arith.constant 16 : i32
      %mul3A_98 = arith.muli %scan3A_95, %mul3A_97 : i32
      %add3A_99 = vector.broadcast %mul3A_98 : i32 to vector<16xi32>
      %add3A_100 = arith.addi %add3A_99, %iota3A : vector<16xi32>
      %broadcast_in_dim3A_101 = arith.constant 0.000000e+00 : f32
      %broadcast_in_dim3A_102 = vector.broadcast %broadcast_in_dim3A_101 : f32 to vector<16xf32>
      %broadcast_in_dim3A_103 = arith.constant 0.000000e+00 : f32
      %broadcast_in_dim3A_104 = vector.broadcast %broadcast_in_dim3A_103 : f32 to vector<16xf32>
      %broadcast_in_dim3A_105 = arith.constant 0 : i32
      %broadcast_in_dim3A_106 = vector.broadcast %broadcast_in_dim3A_105 : i32 to vector<16xi32>
      %add3A_107 = arith.constant 0 : i32
      %add3A_108 = vector.broadcast %add3A_107 : i32 to vector<16xi32>
      %add3A_109 = arith.addi %add3A_108, %add3A_100 : vector<16xi32>
      %gather3A = tpu.vector_load_idx %arg8[%add3A_109, %broadcast_in_dim3A_106] : memref<512x32xf32, #tpu.memory_space<vmem>>[vector<16xi32>, vector<16xi32>], vector<16xf32>,
      %gather3A_110 = tpu.vector_load_idx %arg7[%add3A_100, %broadcast_in_dim3A_106] : memref<128x128xf32, #tpu.memory_space<vmem>>[vector<16xi32>, vector<16xi32>], vector<16xf32>,
      %mul3A_111 = arith.mulf %gather3A, %gather3A_110 : vector<16xf32>
      %add3A_112 = arith.addf %broadcast_in_dim3A_102, %mul3A_111 : vector<16xf32>
      %mul3A_113 = arith.mulf %gather3A, %gather3A : vector<16xf32>
      %add3A_114 = arith.addf %broadcast_in_dim3A_104, %mul3A_113 : vector<16xf32>
      %broadcast_in_dim3A_115 = arith.constant 1 : i32
      %broadcast_in_dim3A_116 = vector.broadcast %broadcast_in_dim3A_115 : i32 to vector<16xi32>
      %add3A_117 = arith.constant 0 : i32
      %add3A_118 = vector.broadcast %add3A_117 : i32 to vector<16xi32>
      %add3A_119 = arith.addi %add3A_118, %add3A_100 : vector<16xi32>
      %gather3A_120 = tpu.vector_load_idx %arg8[%add3A_119, %broadcast_in_dim3A_116] : memref<512x32xf32, #tpu.memory_space<vmem>>[vector<16xi32>, vector<16xi32>], vector<16xf32>,
      %gather3A_121 = tpu.vector_load_idx %arg7[%add3A_100, %broadcast_in_dim3A_116] : memref<128x128xf32, #tpu.memory_space<vmem>>[vector<16xi32>, vector<16xi32>], vector<16xf32>,
      %mul3A_122 = arith.mulf %gather3A_120, %gather3A_121 : vector<16xf32>
      %add3A_123 = arith.addf %add3A_112, %mul3A_122 : vector<16xf32>
      %mul3A_124 = arith.mulf %gather3A_120, %gather3A_120 : vector<16xf32>
      %add3A_125 = arith.addf %add3A_114, %mul3A_124 : vector<16xf32>
      %broadcast_in_dim3A_126 = arith.constant 2 : i32
      %broadcast_in_dim3A_127 = vector.broadcast %broadcast_in_dim3A_126 : i32 to vector<16xi32>
      %add3A_128 = arith.constant 0 : i32
      %add3A_129 = vector.broadcast %add3A_128 : i32 to vector<16xi32>
      %add3A_130 = arith.addi %add3A_129, %add3A_100 : vector<16xi32>
      %gather3A_131 = tpu.vector_load_idx %arg8[%add3A_130, %broadcast_in_dim3A_127] : memref<512x32xf32, #tpu.memory_space<vmem>>[vector<16xi32>, vector<16xi32>], vector<16xf32>,
      %gather3A_132 = tpu.vector_load_idx %arg7[%add3A_100, %broadcast_in_dim3A_127] : memref<128x128xf32, #tpu.memory_space<vmem>>[vector<16xi32>, vector<16xi32>], vector<16xf32>,
      %mul3A_133 = arith.mulf %gather3A_131, %gather3A_132 : vector<16xf32>
      %add3A_134 = arith.addf %add3A_123, %mul3A_133 : vector<16xf32>
      %mul3A_135 = arith.mulf %gather3A_131, %gather3A_131 : vector<16xf32>
      %add3A_136 = arith.addf %add3A_125, %mul3A_135 : vector<16xf32>
      %broadcast_in_dim3A_137 = arith.constant 3 : i32
      %broadcast_in_dim3A_138 = vector.broadcast %broadcast_in_dim3A_137 : i32 to vector<16xi32>
      %add3A_139 = arith.constant 0 : i32
      %add3A_140 = vector.broadcast %add3A_139 : i32 to vector<16xi32>
      %add3A_141 = arith.addi %add3A_140, %add3A_100 : vector<16xi32>
      %gather3A_142 = tpu.vector_load_idx %arg8[%add3A_141, %broadcast_in_dim3A_138] : memref<512x32xf32, #tpu.memory_space<vmem>>[vector<16xi32>, vector<16xi32>], vector<16xf32>,
      %gather3A_143 = tpu.vector_load_idx %arg7[%add3A_100, %broadcast_in_dim3A_138] : memref<128x128xf32, #tpu.memory_space<vmem>>[vector<16xi32>, vector<16xi32>], vector<16xf32>,
      %mul3A_144 = arith.mulf %gather3A_142, %gather3A_143 : vector<16xf32>
      %add3A_145 = arith.addf %add3A_134, %mul3A_144 : vector<16xf32>
      %mul3A_146 = arith.mulf %gather3A_142, %gather3A_142 : vector<16xf32>
      %add3A_147 = arith.addf %add3A_136, %mul3A_146 : vector<16xf32>
      %broadcast_in_dim3A_148 = arith.constant 4 : i32
      %broadcast_in_dim3A_149 = vector.broadcast %broadcast_in_dim3A_148 : i32 to vector<16xi32>
      %add3A_150 = arith.constant 0 : i32
      %add3A_151 = vector.broadcast %add3A_150 : i32 to vector<16xi32>
      %add3A_152 = arith.addi %add3A_151, %add3A_100 : vector<16xi32>
      %gather3A_153 = tpu.vector_load_idx %arg8[%add3A_152, %broadcast_in_dim3A_149] : memref<512x32xf32, #tpu.memory_space<vmem>>[vector<16xi32>, vector<16xi32>], vector<16xf32>,
      %gather3A_154 = tpu.vector_load_idx %arg7[%add3A_100, %broadcast_in_dim3A_149] : memref<128x128xf32, #tpu.memory_space<vmem>>[vector<16xi32>, vector<16xi32>], vector<16xf32>,
      %mul3A_155 = arith.mulf %gather3A_153, %gather3A_154 : vector<16xf32>
      %add3A_156 = arith.addf %add3A_145, %mul3A_155 : vector<16xf32>
      %mul3A_157 = arith.mulf %gather3A_153, %gather3A_153 : vector<16xf32>
      %add3A_158 = arith.addf %add3A_147, %mul3A_157 : vector<16xf32>
      %broadcast_in_dim3A_159 = arith.constant 5 : i32
      %broadcast_in_dim3A_160 = vector.broadcast %broadcast_in_dim3A_159 : i32 to vector<16xi32>
      %add3A_161 = arith.constant 0 : i32
      %add3A_162 = vector.broadcast %add3A_161 : i32 to vector<16xi32>
      %add3A_163 = arith.addi %add3A_162, %add3A_100 : vector<16xi32>
      %gather3A_164 = tpu.vector_load_idx %arg8[%add3A_163, %broadcast_in_dim3A_160] : memref<512x32xf32, #tpu.memory_space<vmem>>[vector<16xi32>, vector<16xi32>], vector<16xf32>,
      %gather3A_165 = tpu.vector_load_idx %arg7[%add3A_100, %broadcast_in_dim3A_160] : memref<128x128xf32, #tpu.memory_space<vmem>>[vector<16xi32>, vector<16xi32>], vector<16xf32>,
      %mul3A_166 = arith.mulf %gather3A_164, %gather3A_165 : vector<16xf32>
      %add3A_167 = arith.addf %add3A_156, %mul3A_166 : vector<16xf32>
      %mul3A_168 = arith.mulf %gather3A_164, %gather3A_164 : vector<16xf32>
      %add3A_169 = arith.addf %add3A_158, %mul3A_168 : vector<16xf32>
      %broadcast_in_dim3A_170 = arith.constant 6 : i32
      %broadcast_in_dim3A_171 = vector.broadcast %broadcast_in_dim3A_170 : i32 to vector<16xi32>
      %add3A_172 = arith.constant 0 : i32
      %add3A_173 = vector.broadcast %add3A_172 : i32 to vector<16xi32>
      %add3A_174 = arith.addi %add3A_173, %add3A_100 : vector<16xi32>
      %gather3A_175 = tpu.vector_load_idx %arg8[%add3A_174, %broadcast_in_dim3A_171] : memref<512x32xf32, #tpu.memory_space<vmem>>[vector<16xi32>, vector<16xi32>], vector<16xf32>,
      %gather3A_176 = tpu.vector_load_idx %arg7[%add3A_100, %broadcast_in_dim3A_171] : memref<128x128xf32, #tpu.memory_space<vmem>>[vector<16xi32>, vector<16xi32>], vector<16xf32>,
      %mul3A_177 = arith.mulf %gather3A_175, %gather3A_176 : vector<16xf32>
      %add3A_178 = arith.addf %add3A_167, %mul3A_177 : vector<16xf32>
      %mul3A_179 = arith.mulf %gather3A_175, %gather3A_175 : vector<16xf32>
      %add3A_180 = arith.addf %add3A_169, %mul3A_179 : vector<16xf32>
      %broadcast_in_dim3A_181 = arith.constant 7 : i32
      %broadcast_in_dim3A_182 = vector.broadcast %broadcast_in_dim3A_181 : i32 to vector<16xi32>
      %add3A_183 = arith.constant 0 : i32
      %add3A_184 = vector.broadcast %add3A_183 : i32 to vector<16xi32>
      %add3A_185 = arith.addi %add3A_184, %add3A_100 : vector<16xi32>
      %gather3A_186 = tpu.vector_load_idx %arg8[%add3A_185, %broadcast_in_dim3A_182] : memref<512x32xf32, #tpu.memory_space<vmem>>[vector<16xi32>, vector<16xi32>], vector<16xf32>,
      %gather3A_187 = tpu.vector_load_idx %arg7[%add3A_100, %broadcast_in_dim3A_182] : memref<128x128xf32, #tpu.memory_space<vmem>>[vector<16xi32>, vector<16xi32>], vector<16xf32>,
      %mul3A_188 = arith.mulf %gather3A_186, %gather3A_187 : vector<16xf32>
      %add3A_189 = arith.addf %add3A_178, %mul3A_188 : vector<16xf32>
      %mul3A_190 = arith.mulf %gather3A_186, %gather3A_186 : vector<16xf32>
      %add3A_191 = arith.addf %add3A_180, %mul3A_190 : vector<16xf32>
      %broadcast_in_dim3A_192 = arith.constant 8 : i32
      %broadcast_in_dim3A_193 = vector.broadcast %broadcast_in_dim3A_192 : i32 to vector<16xi32>
      %add3A_194 = arith.constant 0 : i32
      %add3A_195 = vector.broadcast %add3A_194 : i32 to vector<16xi32>
      %add3A_196 = arith.addi %add3A_195, %add3A_100 : vector<16xi32>
      %gather3A_197 = tpu.vector_load_idx %arg8[%add3A_196, %broadcast_in_dim3A_193] : memref<512x32xf32, #tpu.memory_space<vmem>>[vector<16xi32>, vector<16xi32>], vector<16xf32>,
      %gather3A_198 = tpu.vector_load_idx %arg7[%add3A_100, %broadcast_in_dim3A_193] : memref<128x128xf32, #tpu.memory_space<vmem>>[vector<16xi32>, vector<16xi32>], vector<16xf32>,
      %mul3A_199 = arith.mulf %gather3A_197, %gather3A_198 : vector<16xf32>
      %add3A_200 = arith.addf %add3A_189, %mul3A_199 : vector<16xf32>
      %mul3A_201 = arith.mulf %gather3A_197, %gather3A_197 : vector<16xf32>
      %add3A_202 = arith.addf %add3A_191, %mul3A_201 : vector<16xf32>
      %broadcast_in_dim3A_203 = arith.constant 9 : i32
      %broadcast_in_dim3A_204 = vector.broadcast %broadcast_in_dim3A_203 : i32 to vector<16xi32>
      %add3A_205 = arith.constant 0 : i32
      %add3A_206 = vector.broadcast %add3A_205 : i32 to vector<16xi32>
      %add3A_207 = arith.addi %add3A_206, %add3A_100 : vector<16xi32>
      %gather3A_208 = tpu.vector_load_idx %arg8[%add3A_207, %broadcast_in_dim3A_204] : memref<512x32xf32, #tpu.memory_space<vmem>>[vector<16xi32>, vector<16xi32>], vector<16xf32>,
      %gather3A_209 = tpu.vector_load_idx %arg7[%add3A_100, %broadcast_in_dim3A_204] : memref<128x128xf32, #tpu.memory_space<vmem>>[vector<16xi32>, vector<16xi32>], vector<16xf32>,
      %mul3A_210 = arith.mulf %gather3A_208, %gather3A_209 : vector<16xf32>
      %add3A_211 = arith.addf %add3A_200, %mul3A_210 : vector<16xf32>
      %mul3A_212 = arith.mulf %gather3A_208, %gather3A_208 : vector<16xf32>
      %add3A_213 = arith.addf %add3A_202, %mul3A_212 : vector<16xf32>
      %broadcast_in_dim3A_214 = arith.constant 10 : i32
      %broadcast_in_dim3A_215 = vector.broadcast %broadcast_in_dim3A_214 : i32 to vector<16xi32>
      %add3A_216 = arith.constant 0 : i32
      %add3A_217 = vector.broadcast %add3A_216 : i32 to vector<16xi32>
      %add3A_218 = arith.addi %add3A_217, %add3A_100 : vector<16xi32>
      %gather3A_219 = tpu.vector_load_idx %arg8[%add3A_218, %broadcast_in_dim3A_215] : memref<512x32xf32, #tpu.memory_space<vmem>>[vector<16xi32>, vector<16xi32>], vector<16xf32>,
      %gather3A_220 = tpu.vector_load_idx %arg7[%add3A_100, %broadcast_in_dim3A_215] : memref<128x128xf32, #tpu.memory_space<vmem>>[vector<16xi32>, vector<16xi32>], vector<16xf32>,
      %mul3A_221 = arith.mulf %gather3A_219, %gather3A_220 : vector<16xf32>
      %add3A_222 = arith.addf %add3A_211, %mul3A_221 : vector<16xf32>
      %mul3A_223 = arith.mulf %gather3A_219, %gather3A_219 : vector<16xf32>
      %add3A_224 = arith.addf %add3A_213, %mul3A_223 : vector<16xf32>
      %broadcast_in_dim3A_225 = arith.constant 11 : i32
      %broadcast_in_dim3A_226 = vector.broadcast %broadcast_in_dim3A_225 : i32 to vector<16xi32>
      %add3A_227 = arith.constant 0 : i32
      %add3A_228 = vector.broadcast %add3A_227 : i32 to vector<16xi32>
      %add3A_229 = arith.addi %add3A_228, %add3A_100 : vector<16xi32>
      %gather3A_230 = tpu.vector_load_idx %arg8[%add3A_229, %broadcast_in_dim3A_226] : memref<512x32xf32, #tpu.memory_space<vmem>>[vector<16xi32>, vector<16xi32>], vector<16xf32>,
      %gather3A_231 = tpu.vector_load_idx %arg7[%add3A_100, %broadcast_in_dim3A_226] : memref<128x128xf32, #tpu.memory_space<vmem>>[vector<16xi32>, vector<16xi32>], vector<16xf32>,
      %mul3A_232 = arith.mulf %gather3A_230, %gather3A_231 : vector<16xf32>
      %add3A_233 = arith.addf %add3A_222, %mul3A_232 : vector<16xf32>
      %mul3A_234 = arith.mulf %gather3A_230, %gather3A_230 : vector<16xf32>
      %add3A_235 = arith.addf %add3A_224, %mul3A_234 : vector<16xf32>
      %broadcast_in_dim3A_236 = arith.constant 12 : i32
      %broadcast_in_dim3A_237 = vector.broadcast %broadcast_in_dim3A_236 : i32 to vector<16xi32>
      %add3A_238 = arith.constant 0 : i32
      %add3A_239 = vector.broadcast %add3A_238 : i32 to vector<16xi32>
      %add3A_240 = arith.addi %add3A_239, %add3A_100 : vector<16xi32>
      %gather3A_241 = tpu.vector_load_idx %arg8[%add3A_240, %broadcast_in_dim3A_237] : memref<512x32xf32, #tpu.memory_space<vmem>>[vector<16xi32>, vector<16xi32>], vector<16xf32>,
      %gather3A_242 = tpu.vector_load_idx %arg7[%add3A_100, %broadcast_in_dim3A_237] : memref<128x128xf32, #tpu.memory_space<vmem>>[vector<16xi32>, vector<16xi32>], vector<16xf32>,
      %mul3A_243 = arith.mulf %gather3A_241, %gather3A_242 : vector<16xf32>
      %add3A_244 = arith.addf %add3A_233, %mul3A_243 : vector<16xf32>
      %mul3A_245 = arith.mulf %gather3A_241, %gather3A_241 : vector<16xf32>
      %add3A_246 = arith.addf %add3A_235, %mul3A_245 : vector<16xf32>
      %broadcast_in_dim3A_247 = arith.constant 13 : i32
      %broadcast_in_dim3A_248 = vector.broadcast %broadcast_in_dim3A_247 : i32 to vector<16xi32>
      %add3A_249 = arith.constant 0 : i32
      %add3A_250 = vector.broadcast %add3A_249 : i32 to vector<16xi32>
      %add3A_251 = arith.addi %add3A_250, %add3A_100 : vector<16xi32>
      %gather3A_252 = tpu.vector_load_idx %arg8[%add3A_251, %broadcast_in_dim3A_248] : memref<512x32xf32, #tpu.memory_space<vmem>>[vector<16xi32>, vector<16xi32>], vector<16xf32>,
      %gather3A_253 = tpu.vector_load_idx %arg7[%add3A_100, %broadcast_in_dim3A_248] : memref<128x128xf32, #tpu.memory_space<vmem>>[vector<16xi32>, vector<16xi32>], vector<16xf32>,
      %mul3A_254 = arith.mulf %gather3A_252, %gather3A_253 : vector<16xf32>
      %add3A_255 = arith.addf %add3A_244, %mul3A_254 : vector<16xf32>
      %mul3A_256 = arith.mulf %gather3A_252, %gather3A_252 : vector<16xf32>
      %add3A_257 = arith.addf %add3A_246, %mul3A_256 : vector<16xf32>
      %broadcast_in_dim3A_258 = arith.constant 14 : i32
      %broadcast_in_dim3A_259 = vector.broadcast %broadcast_in_dim3A_258 : i32 to vector<16xi32>
      %add3A_260 = arith.constant 0 : i32
      %add3A_261 = vector.broadcast %add3A_260 : i32 to vector<16xi32>
      %add3A_262 = arith.addi %add3A_261, %add3A_100 : vector<16xi32>
      %gather3A_263 = tpu.vector_load_idx %arg8[%add3A_262, %broadcast_in_dim3A_259] : memref<512x32xf32, #tpu.memory_space<vmem>>[vector<16xi32>, vector<16xi32>], vector<16xf32>,
      %gather3A_264 = tpu.vector_load_idx %arg7[%add3A_100, %broadcast_in_dim3A_259] : memref<128x128xf32, #tpu.memory_space<vmem>>[vector<16xi32>, vector<16xi32>], vector<16xf32>,
      %mul3A_265 = arith.mulf %gather3A_263, %gather3A_264 : vector<16xf32>
      %add3A_266 = arith.addf %add3A_255, %mul3A_265 : vector<16xf32>
      %mul3A_267 = arith.mulf %gather3A_263, %gather3A_263 : vector<16xf32>
      %add3A_268 = arith.addf %add3A_257, %mul3A_267 : vector<16xf32>
      %broadcast_in_dim3A_269 = arith.constant 15 : i32
      %broadcast_in_dim3A_270 = vector.broadcast %broadcast_in_dim3A_269 : i32 to vector<16xi32>
      %add3A_271 = arith.constant 0 : i32
      %add3A_272 = vector.broadcast %add3A_271 : i32 to vector<16xi32>
      %add3A_273 = arith.addi %add3A_272, %add3A_100 : vector<16xi32>
      %gather3A_274 = tpu.vector_load_idx %arg8[%add3A_273, %broadcast_in_dim3A_270] : memref<512x32xf32, #tpu.memory_space<vmem>>[vector<16xi32>, vector<16xi32>], vector<16xf32>,
      %gather3A_275 = tpu.vector_load_idx %arg7[%add3A_100, %broadcast_in_dim3A_270] : memref<128x128xf32, #tpu.memory_space<vmem>>[vector<16xi32>, vector<16xi32>], vector<16xf32>,
      %mul3A_276 = arith.mulf %gather3A_274, %gather3A_275 : vector<16xf32>
      %add3A_277 = arith.addf %add3A_266, %mul3A_276 : vector<16xf32>
      %mul3A_278 = arith.mulf %gather3A_274, %gather3A_274 : vector<16xf32>
      %add3A_279 = arith.addf %add3A_268, %mul3A_278 : vector<16xf32>
      %broadcast_in_dim3A_280 = arith.constant 16 : i32
      %broadcast_in_dim3A_281 = vector.broadcast %broadcast_in_dim3A_280 : i32 to vector<16xi32>
      %add3A_282 = arith.constant 0 : i32
      %add3A_283 = vector.broadcast %add3A_282 : i32 to vector<16xi32>
      %add3A_284 = arith.addi %add3A_283, %add3A_100 : vector<16xi32>
      %gather3A_285 = tpu.vector_load_idx %arg8[%add3A_284, %broadcast_in_dim3A_281] : memref<512x32xf32, #tpu.memory_space<vmem>>[vector<16xi32>, vector<16xi32>], vector<16xf32>,
      %gather3A_286 = tpu.vector_load_idx %arg7[%add3A_100, %broadcast_in_dim3A_281] : memref<128x128xf32, #tpu.memory_space<vmem>>[vector<16xi32>, vector<16xi32>], vector<16xf32>,
      %mul3A_287 = arith.mulf %gather3A_285, %gather3A_286 : vector<16xf32>
      %add3A_288 = arith.addf %add3A_277, %mul3A_287 : vector<16xf32>
      %mul3A_289 = arith.mulf %gather3A_285, %gather3A_285 : vector<16xf32>
      %add3A_290 = arith.addf %add3A_279, %mul3A_289 : vector<16xf32>
      %broadcast_in_dim3A_291 = arith.constant 17 : i32
      %broadcast_in_dim3A_292 = vector.broadcast %broadcast_in_dim3A_291 : i32 to vector<16xi32>
      %add3A_293 = arith.constant 0 : i32
      %add3A_294 = vector.broadcast %add3A_293 : i32 to vector<16xi32>
      %add3A_295 = arith.addi %add3A_294, %add3A_100 : vector<16xi32>
      %gather3A_296 = tpu.vector_load_idx %arg8[%add3A_295, %broadcast_in_dim3A_292] : memref<512x32xf32, #tpu.memory_space<vmem>>[vector<16xi32>, vector<16xi32>], vector<16xf32>,
      %gather3A_297 = tpu.vector_load_idx %arg7[%add3A_100, %broadcast_in_dim3A_292] : memref<128x128xf32, #tpu.memory_space<vmem>>[vector<16xi32>, vector<16xi32>], vector<16xf32>,
      %mul3A_298 = arith.mulf %gather3A_296, %gather3A_297 : vector<16xf32>
      %add3A_299 = arith.addf %add3A_288, %mul3A_298 : vector<16xf32>
      %mul3A_300 = arith.mulf %gather3A_296, %gather3A_296 : vector<16xf32>
      %add3A_301 = arith.addf %add3A_290, %mul3A_300 : vector<16xf32>
      %broadcast_in_dim3A_302 = arith.constant 18 : i32
      %broadcast_in_dim3A_303 = vector.broadcast %broadcast_in_dim3A_302 : i32 to vector<16xi32>
      %add3A_304 = arith.constant 0 : i32
      %add3A_305 = vector.broadcast %add3A_304 : i32 to vector<16xi32>
      %add3A_306 = arith.addi %add3A_305, %add3A_100 : vector<16xi32>
      %gather3A_307 = tpu.vector_load_idx %arg8[%add3A_306, %broadcast_in_dim3A_303] : memref<512x32xf32, #tpu.memory_space<vmem>>[vector<16xi32>, vector<16xi32>], vector<16xf32>,
      %gather3A_308 = tpu.vector_load_idx %arg7[%add3A_100, %broadcast_in_dim3A_303] : memref<128x128xf32, #tpu.memory_space<vmem>>[vector<16xi32>, vector<16xi32>], vector<16xf32>,
      %mul3A_309 = arith.mulf %gather3A_307, %gather3A_308 : vector<16xf32>
      %add3A_310 = arith.addf %add3A_299, %mul3A_309 : vector<16xf32>
      %mul3A_311 = arith.mulf %gather3A_307, %gather3A_307 : vector<16xf32>
      %add3A_312 = arith.addf %add3A_301, %mul3A_311 : vector<16xf32>
      %broadcast_in_dim3A_313 = arith.constant 19 : i32
      %broadcast_in_dim3A_314 = vector.broadcast %broadcast_in_dim3A_313 : i32 to vector<16xi32>
      %add3A_315 = arith.constant 0 : i32
      %add3A_316 = vector.broadcast %add3A_315 : i32 to vector<16xi32>
      %add3A_317 = arith.addi %add3A_316, %add3A_100 : vector<16xi32>
      %gather3A_318 = tpu.vector_load_idx %arg8[%add3A_317, %broadcast_in_dim3A_314] : memref<512x32xf32, #tpu.memory_space<vmem>>[vector<16xi32>, vector<16xi32>], vector<16xf32>,
      %gather3A_319 = tpu.vector_load_idx %arg7[%add3A_100, %broadcast_in_dim3A_314] : memref<128x128xf32, #tpu.memory_space<vmem>>[vector<16xi32>, vector<16xi32>], vector<16xf32>,
      %mul3A_320 = arith.mulf %gather3A_318, %gather3A_319 : vector<16xf32>
      %add3A_321 = arith.addf %add3A_310, %mul3A_320 : vector<16xf32>
      %mul3A_322 = arith.mulf %gather3A_318, %gather3A_318 : vector<16xf32>
      %add3A_323 = arith.addf %add3A_312, %mul3A_322 : vector<16xf32>
      %broadcast_in_dim3A_324 = arith.constant 20 : i32
      %broadcast_in_dim3A_325 = vector.broadcast %broadcast_in_dim3A_324 : i32 to vector<16xi32>
      %add3A_326 = arith.constant 0 : i32
      %add3A_327 = vector.broadcast %add3A_326 : i32 to vector<16xi32>
      %add3A_328 = arith.addi %add3A_327, %add3A_100 : vector<16xi32>
      %gather3A_329 = tpu.vector_load_idx %arg8[%add3A_328, %broadcast_in_dim3A_325] : memref<512x32xf32, #tpu.memory_space<vmem>>[vector<16xi32>, vector<16xi32>], vector<16xf32>,
      %gather3A_330 = tpu.vector_load_idx %arg7[%add3A_100, %broadcast_in_dim3A_325] : memref<128x128xf32, #tpu.memory_space<vmem>>[vector<16xi32>, vector<16xi32>], vector<16xf32>,
      %mul3A_331 = arith.mulf %gather3A_329, %gather3A_330 : vector<16xf32>
      %add3A_332 = arith.addf %add3A_321, %mul3A_331 : vector<16xf32>
      %mul3A_333 = arith.mulf %gather3A_329, %gather3A_329 : vector<16xf32>
      %add3A_334 = arith.addf %add3A_323, %mul3A_333 : vector<16xf32>
      %broadcast_in_dim3A_335 = arith.constant 21 : i32
      %broadcast_in_dim3A_336 = vector.broadcast %broadcast_in_dim3A_335 : i32 to vector<16xi32>
      %add3A_337 = arith.constant 0 : i32
      %add3A_338 = vector.broadcast %add3A_337 : i32 to vector<16xi32>
      %add3A_339 = arith.addi %add3A_338, %add3A_100 : vector<16xi32>
      %gather3A_340 = tpu.vector_load_idx %arg8[%add3A_339, %broadcast_in_dim3A_336] : memref<512x32xf32, #tpu.memory_space<vmem>>[vector<16xi32>, vector<16xi32>], vector<16xf32>,
      %gather3A_341 = tpu.vector_load_idx %arg7[%add3A_100, %broadcast_in_dim3A_336] : memref<128x128xf32, #tpu.memory_space<vmem>>[vector<16xi32>, vector<16xi32>], vector<16xf32>,
      %mul3A_342 = arith.mulf %gather3A_340, %gather3A_341 : vector<16xf32>
      %add3A_343 = arith.addf %add3A_332, %mul3A_342 : vector<16xf32>
      %mul3A_344 = arith.mulf %gather3A_340, %gather3A_340 : vector<16xf32>
      %add3A_345 = arith.addf %add3A_334, %mul3A_344 : vector<16xf32>
      %broadcast_in_dim3A_346 = arith.constant 22 : i32
      %broadcast_in_dim3A_347 = vector.broadcast %broadcast_in_dim3A_346 : i32 to vector<16xi32>
      %add3A_348 = arith.constant 0 : i32
      %add3A_349 = vector.broadcast %add3A_348 : i32 to vector<16xi32>
      %add3A_350 = arith.addi %add3A_349, %add3A_100 : vector<16xi32>
      %gather3A_351 = tpu.vector_load_idx %arg8[%add3A_350, %broadcast_in_dim3A_347] : memref<512x32xf32, #tpu.memory_space<vmem>>[vector<16xi32>, vector<16xi32>], vector<16xf32>,
      %gather3A_352 = tpu.vector_load_idx %arg7[%add3A_100, %broadcast_in_dim3A_347] : memref<128x128xf32, #tpu.memory_space<vmem>>[vector<16xi32>, vector<16xi32>], vector<16xf32>,
      %mul3A_353 = arith.mulf %gather3A_351, %gather3A_352 : vector<16xf32>
      %add3A_354 = arith.addf %add3A_343, %mul3A_353 : vector<16xf32>
      %mul3A_355 = arith.mulf %gather3A_351, %gather3A_351 : vector<16xf32>
      %add3A_356 = arith.addf %add3A_345, %mul3A_355 : vector<16xf32>
      %broadcast_in_dim3A_357 = arith.constant 23 : i32
      %broadcast_in_dim3A_358 = vector.broadcast %broadcast_in_dim3A_357 : i32 to vector<16xi32>
      %add3A_359 = arith.constant 0 : i32
      %add3A_360 = vector.broadcast %add3A_359 : i32 to vector<16xi32>
      %add3A_361 = arith.addi %add3A_360, %add3A_100 : vector<16xi32>
      %gather3A_362 = tpu.vector_load_idx %arg8[%add3A_361, %broadcast_in_dim3A_358] : memref<512x32xf32, #tpu.memory_space<vmem>>[vector<16xi32>, vector<16xi32>], vector<16xf32>,
      %gather3A_363 = tpu.vector_load_idx %arg7[%add3A_100, %broadcast_in_dim3A_358] : memref<128x128xf32, #tpu.memory_space<vmem>>[vector<16xi32>, vector<16xi32>], vector<16xf32>,
      %mul3A_364 = arith.mulf %gather3A_362, %gather3A_363 : vector<16xf32>
      %add3A_365 = arith.addf %add3A_354, %mul3A_364 : vector<16xf32>
      %mul3A_366 = arith.mulf %gather3A_362, %gather3A_362 : vector<16xf32>
      %add3A_367 = arith.addf %add3A_356, %mul3A_366 : vector<16xf32>
      %broadcast_in_dim3A_368 = arith.constant 24 : i32
      %broadcast_in_dim3A_369 = vector.broadcast %broadcast_in_dim3A_368 : i32 to vector<16xi32>
      %add3A_370 = arith.constant 0 : i32
      %add3A_371 = vector.broadcast %add3A_370 : i32 to vector<16xi32>
      %add3A_372 = arith.addi %add3A_371, %add3A_100 : vector<16xi32>
      %gather3A_373 = tpu.vector_load_idx %arg8[%add3A_372, %broadcast_in_dim3A_369] : memref<512x32xf32, #tpu.memory_space<vmem>>[vector<16xi32>, vector<16xi32>], vector<16xf32>,
      %gather3A_374 = tpu.vector_load_idx %arg7[%add3A_100, %broadcast_in_dim3A_369] : memref<128x128xf32, #tpu.memory_space<vmem>>[vector<16xi32>, vector<16xi32>], vector<16xf32>,
      %mul3A_375 = arith.mulf %gather3A_373, %gather3A_374 : vector<16xf32>
      %add3A_376 = arith.addf %add3A_365, %mul3A_375 : vector<16xf32>
      %mul3A_377 = arith.mulf %gather3A_373, %gather3A_373 : vector<16xf32>
      %add3A_378 = arith.addf %add3A_367, %mul3A_377 : vector<16xf32>
      %broadcast_in_dim3A_379 = arith.constant 25 : i32
      %broadcast_in_dim3A_380 = vector.broadcast %broadcast_in_dim3A_379 : i32 to vector<16xi32>
      %add3A_381 = arith.constant 0 : i32
      %add3A_382 = vector.broadcast %add3A_381 : i32 to vector<16xi32>
      %add3A_383 = arith.addi %add3A_382, %add3A_100 : vector<16xi32>
      %gather3A_384 = tpu.vector_load_idx %arg8[%add3A_383, %broadcast_in_dim3A_380] : memref<512x32xf32, #tpu.memory_space<vmem>>[vector<16xi32>, vector<16xi32>], vector<16xf32>,
      %gather3A_385 = tpu.vector_load_idx %arg7[%add3A_100, %broadcast_in_dim3A_380] : memref<128x128xf32, #tpu.memory_space<vmem>>[vector<16xi32>, vector<16xi32>], vector<16xf32>,
      %mul3A_386 = arith.mulf %gather3A_384, %gather3A_385 : vector<16xf32>
      %add3A_387 = arith.addf %add3A_376, %mul3A_386 : vector<16xf32>
      %mul3A_388 = arith.mulf %gather3A_384, %gather3A_384 : vector<16xf32>
      %add3A_389 = arith.addf %add3A_378, %mul3A_388 : vector<16xf32>
      %broadcast_in_dim3A_390 = arith.constant 26 : i32
      %broadcast_in_dim3A_391 = vector.broadcast %broadcast_in_dim3A_390 : i32 to vector<16xi32>
      %add3A_392 = arith.constant 0 : i32
      %add3A_393 = vector.broadcast %add3A_392 : i32 to vector<16xi32>
      %add3A_394 = arith.addi %add3A_393, %add3A_100 : vector<16xi32>
      %gather3A_395 = tpu.vector_load_idx %arg8[%add3A_394, %broadcast_in_dim3A_391] : memref<512x32xf32, #tpu.memory_space<vmem>>[vector<16xi32>, vector<16xi32>], vector<16xf32>,
      %gather3A_396 = tpu.vector_load_idx %arg7[%add3A_100, %broadcast_in_dim3A_391] : memref<128x128xf32, #tpu.memory_space<vmem>>[vector<16xi32>, vector<16xi32>], vector<16xf32>,
      %mul3A_397 = arith.mulf %gather3A_395, %gather3A_396 : vector<16xf32>
      %add3A_398 = arith.addf %add3A_387, %mul3A_397 : vector<16xf32>
      %mul3A_399 = arith.mulf %gather3A_395, %gather3A_395 : vector<16xf32>
      %add3A_400 = arith.addf %add3A_389, %mul3A_399 : vector<16xf32>
      %broadcast_in_dim3A_401 = arith.constant 27 : i32
      %broadcast_in_dim3A_402 = vector.broadcast %broadcast_in_dim3A_401 : i32 to vector<16xi32>
      %add3A_403 = arith.constant 0 : i32
      %add3A_404 = vector.broadcast %add3A_403 : i32 to vector<16xi32>
      %add3A_405 = arith.addi %add3A_404, %add3A_100 : vector<16xi32>
      %gather3A_406 = tpu.vector_load_idx %arg8[%add3A_405, %broadcast_in_dim3A_402] : memref<512x32xf32, #tpu.memory_space<vmem>>[vector<16xi32>, vector<16xi32>], vector<16xf32>,
      %gather3A_407 = tpu.vector_load_idx %arg7[%add3A_100, %broadcast_in_dim3A_402] : memref<128x128xf32, #tpu.memory_space<vmem>>[vector<16xi32>, vector<16xi32>], vector<16xf32>,
      %mul3A_408 = arith.mulf %gather3A_406, %gather3A_407 : vector<16xf32>
      %add3A_409 = arith.addf %add3A_398, %mul3A_408 : vector<16xf32>
      %mul3A_410 = arith.mulf %gather3A_406, %gather3A_406 : vector<16xf32>
      %add3A_411 = arith.addf %add3A_400, %mul3A_410 : vector<16xf32>
      %broadcast_in_dim3A_412 = arith.constant 28 : i32
      %broadcast_in_dim3A_413 = vector.broadcast %broadcast_in_dim3A_412 : i32 to vector<16xi32>
      %add3A_414 = arith.constant 0 : i32
      %add3A_415 = vector.broadcast %add3A_414 : i32 to vector<16xi32>
      %add3A_416 = arith.addi %add3A_415, %add3A_100 : vector<16xi32>
      %gather3A_417 = tpu.vector_load_idx %arg8[%add3A_416, %broadcast_in_dim3A_413] : memref<512x32xf32, #tpu.memory_space<vmem>>[vector<16xi32>, vector<16xi32>], vector<16xf32>,
      %gather3A_418 = tpu.vector_load_idx %arg7[%add3A_100, %broadcast_in_dim3A_413] : memref<128x128xf32, #tpu.memory_space<vmem>>[vector<16xi32>, vector<16xi32>], vector<16xf32>,
      %mul3A_419 = arith.mulf %gather3A_417, %gather3A_418 : vector<16xf32>
      %add3A_420 = arith.addf %add3A_409, %mul3A_419 : vector<16xf32>
      %mul3A_421 = arith.mulf %gather3A_417, %gather3A_417 : vector<16xf32>
      %add3A_422 = arith.addf %add3A_411, %mul3A_421 : vector<16xf32>
      %broadcast_in_dim3A_423 = arith.constant 29 : i32
      %broadcast_in_dim3A_424 = vector.broadcast %broadcast_in_dim3A_423 : i32 to vector<16xi32>
      %add3A_425 = arith.constant 0 : i32
      %add3A_426 = vector.broadcast %add3A_425 : i32 to vector<16xi32>
      %add3A_427 = arith.addi %add3A_426, %add3A_100 : vector<16xi32>
      %gather3A_428 = tpu.vector_load_idx %arg8[%add3A_427, %broadcast_in_dim3A_424] : memref<512x32xf32, #tpu.memory_space<vmem>>[vector<16xi32>, vector<16xi32>], vector<16xf32>,
      %gather3A_429 = tpu.vector_load_idx %arg7[%add3A_100, %broadcast_in_dim3A_424] : memref<128x128xf32, #tpu.memory_space<vmem>>[vector<16xi32>, vector<16xi32>], vector<16xf32>,
      %mul3A_430 = arith.mulf %gather3A_428, %gather3A_429 : vector<16xf32>
      %add3A_431 = arith.addf %add3A_420, %mul3A_430 : vector<16xf32>
      %mul3A_432 = arith.mulf %gather3A_428, %gather3A_428 : vector<16xf32>
      %add3A_433 = arith.addf %add3A_422, %mul3A_432 : vector<16xf32>
      %broadcast_in_dim3A_434 = arith.constant 30 : i32
      %broadcast_in_dim3A_435 = vector.broadcast %broadcast_in_dim3A_434 : i32 to vector<16xi32>
      %add3A_436 = arith.constant 0 : i32
      %add3A_437 = vector.broadcast %add3A_436 : i32 to vector<16xi32>
      %add3A_438 = arith.addi %add3A_437, %add3A_100 : vector<16xi32>
      %gather3A_439 = tpu.vector_load_idx %arg8[%add3A_438, %broadcast_in_dim3A_435] : memref<512x32xf32, #tpu.memory_space<vmem>>[vector<16xi32>, vector<16xi32>], vector<16xf32>,
      %gather3A_440 = tpu.vector_load_idx %arg7[%add3A_100, %broadcast_in_dim3A_435] : memref<128x128xf32, #tpu.memory_space<vmem>>[vector<16xi32>, vector<16xi32>], vector<16xf32>,
      %mul3A_441 = arith.mulf %gather3A_439, %gather3A_440 : vector<16xf32>
      %add3A_442 = arith.addf %add3A_431, %mul3A_441 : vector<16xf32>
      %mul3A_443 = arith.mulf %gather3A_439, %gather3A_439 : vector<16xf32>
      %add3A_444 = arith.addf %add3A_433, %mul3A_443 : vector<16xf32>
      %broadcast_in_dim3A_445 = arith.constant 31 : i32
      %broadcast_in_dim3A_446 = vector.broadcast %broadcast_in_dim3A_445 : i32 to vector<16xi32>
      %add3A_447 = arith.constant 0 : i32
      %add3A_448 = vector.broadcast %add3A_447 : i32 to vector<16xi32>
      %add3A_449 = arith.addi %add3A_448, %add3A_100 : vector<16xi32>
      %gather3A_450 = tpu.vector_load_idx %arg8[%add3A_449, %broadcast_in_dim3A_446] : memref<512x32xf32, #tpu.memory_space<vmem>>[vector<16xi32>, vector<16xi32>], vector<16xf32>,
      %gather3A_451 = tpu.vector_load_idx %arg7[%add3A_100, %broadcast_in_dim3A_446] : memref<128x128xf32, #tpu.memory_space<vmem>>[vector<16xi32>, vector<16xi32>], vector<16xf32>,
      %mul3A_452 = arith.mulf %gather3A_450, %gather3A_451 : vector<16xf32>
      %add3A_453 = arith.addf %add3A_442, %mul3A_452 : vector<16xf32>
      %mul3A_454 = arith.mulf %gather3A_450, %gather3A_450 : vector<16xf32>
      %add3A_455 = arith.addf %add3A_444, %mul3A_454 : vector<16xf32>
      %max3A = arith.constant 1.000000e-35 : f32
      %max3A_456 = vector.broadcast %max3A : f32 to vector<16xf32>
      %max3A_457 = arith.maximumf %add3A_455, %max3A_456 : vector<16xf32>
      %bitcast3A = vector.bitcast %max3A_457 : vector<16xf32> to vector<16xi32>
      %shift_right_arithmetic3A = arith.constant 1 : i32
      %shift_right_arithmetic3A_458 = vector.broadcast %shift_right_arithmetic3A : i32 to vector<16xi32>
      %shift_right_arithmetic3A_459 = arith.shrsi %bitcast3A, %shift_right_arithmetic3A_458 : vector<16xi32>
      %sub3A = arith.constant 1597463007 : i32
      %sub3A_460 = vector.broadcast %sub3A : i32 to vector<16xi32>
      %sub3A_461 = arith.subi %sub3A_460, %shift_right_arithmetic3A_459 : vector<16xi32>
      %bitcast3A_462 = vector.bitcast %sub3A_461 : vector<16xi32> to vector<16xf32>
      %mul3A_463 = arith.constant 5.000000e-01 : f32
      %mul3A_464 = vector.broadcast %mul3A_463 : f32 to vector<16xf32>
      %mul3A_465 = arith.mulf %mul3A_464, %max3A_457 : vector<16xf32>
      %mul3A_466 = arith.mulf %mul3A_465, %bitcast3A_462 : vector<16xf32>
      %mul3A_467 = arith.mulf %mul3A_466, %bitcast3A_462 : vector<16xf32>
      %sub3A_468 = arith.constant 1.500000e+00 : f32
      %sub3A_469 = vector.broadcast %sub3A_468 : f32 to vector<16xf32>
      %sub3A_470 = arith.subf %sub3A_469, %mul3A_467 : vector<16xf32>
      %mul3A_471 = arith.mulf %bitcast3A_462, %sub3A_470 : vector<16xf32>
      %mul3A_472 = arith.constant 5.000000e-01 : f32
      %mul3A_473 = vector.broadcast %mul3A_472 : f32 to vector<16xf32>
      %mul3A_474 = arith.mulf %mul3A_473, %max3A_457 : vector<16xf32>
      %mul3A_475 = arith.mulf %mul3A_474, %mul3A_471 : vector<16xf32>
      %mul3A_476 = arith.mulf %mul3A_475, %mul3A_471 : vector<16xf32>
      %sub3A_477 = arith.constant 1.500000e+00 : f32
      %sub3A_478 = vector.broadcast %sub3A_477 : f32 to vector<16xf32>
      %sub3A_479 = arith.subf %sub3A_478, %mul3A_476 : vector<16xf32>
      %mul3A_480 = arith.mulf %mul3A_471, %sub3A_479 : vector<16xf32>
      %mul3A_481 = arith.constant 5.000000e-01 : f32
      %mul3A_482 = vector.broadcast %mul3A_481 : f32 to vector<16xf32>
      %mul3A_483 = arith.mulf %mul3A_482, %max3A_457 : vector<16xf32>
      %mul3A_484 = arith.mulf %mul3A_483, %mul3A_480 : vector<16xf32>
      %mul3A_485 = arith.mulf %mul3A_484, %mul3A_480 : vector<16xf32>
      %sub3A_486 = arith.constant 1.500000e+00 : f32
      %sub3A_487 = vector.broadcast %sub3A_486 : f32 to vector<16xf32>
      %sub3A_488 = arith.subf %sub3A_487, %mul3A_485 : vector<16xf32>
      %mul3A_489 = arith.mulf %mul3A_480, %sub3A_488 : vector<16xf32>
      %mul3A_490 = arith.mulf %add3A_453, %mul3A_489 : vector<16xf32>
      %add3A_491 = arith.addf %scan3A_96, %mul3A_490 : vector<16xf32>
      scf.yield %add3A_491 : vector<16xf32>
    }
    %scan3A_31 = arith.constant 8 : i32
    %dma_start3A_32 = arith.constant 1 : i32
    %dma_start3A_33 = arith.constant 0 : i32
    %dma_start3A_34 = tpu.memref_slice %arg6[%dma_start3A_32, %dma_start3A_33] : memref<4x128xi32, #tpu.memory_space<vmem>> -> memref<1x128xi32, #tpu.memory_space<vmem>>
    %dma_start3A_35 = tpu.memref_squeeze %dma_start3A_34 : memref<1x128xi32, #tpu.memory_space<vmem>> -> memref<128xi32, #tpu.memory_space<vmem>>
    %dma_start3A_36 = arith.constant 0 : i32
    %dma_start3A_37 = arith.constant 0 : i32
    %dma_start3A_38 = tpu.memref_slice %arg2[%dma_start3A_36, %dma_start3A_37] : memref<8192x128xf32, #tpu.memory_space<hbm>> -> memref<8192x128xf32, #tpu.memory_space<hbm>>
    tpu.enqueue_indirect_dma source(%dma_start3A_38 : memref<8192x128xf32, #tpu.memory_space<hbm>>) target(%arg7 : memref<128x128xf32, #tpu.memory_space<vmem>>) offsets(%dma_start3A_35 : memref<128xi32, #tpu.memory_space<vmem>>) semaphore(%arg10 : memref<!tpu.dma_semaphore, #tpu.memory_space<semaphore_mem>>)
    %dma_wait3A_39 = arith.constant 1 : i32
    %dma_wait3A_40 = arith.constant 0 : i32
    %dma_wait3A_41 = tpu.memref_slice %arg6[%dma_wait3A_39, %dma_wait3A_40] : memref<4x128xi32, #tpu.memory_space<vmem>> -> memref<1x128xi32, #tpu.memory_space<vmem>>
    %dma_wait3A_42 = tpu.memref_squeeze %dma_wait3A_41 : memref<1x128xi32, #tpu.memory_space<vmem>> -> memref<128xi32, #tpu.memory_space<vmem>>
    %dma_wait3A_43 = arith.constant 0 : i32
    %dma_wait3A_44 = arith.constant 0 : i32
    %dma_wait3A_45 = tpu.memref_slice %arg2[%dma_wait3A_43, %dma_wait3A_44] : memref<8192x128xf32, #tpu.memory_space<hbm>> -> memref<8192x128xf32, #tpu.memory_space<hbm>>
    tpu.wait_indirect_dma semaphore(%arg10 : memref<!tpu.dma_semaphore, #tpu.memory_space<semaphore_mem>>) src(%dma_wait3A_45 : memref<8192x128xf32, #tpu.memory_space<hbm>>) dst(%arg7 : memref<128x128xf32, #tpu.memory_space<vmem>>)
    %scan3A_46 = arith.constant 0 : i32
    %scan3A_47 = arith.constant 8 : i32
    %scan3A_48 = arith.addi %scan3A_46, %scan3A_47 : i32
    %scan3A_49 = arith.constant 1 : i32
    %scan3A_50 = scf.for %scan3A_95 = %scan3A_46 to %scan3A_48 step %scan3A_49 iter_args(%scan3A_96 = %scan3A_30) -> (vector<16xf32>)  : i32 {
      %mul3A_97 = arith.constant 16 : i32
      %mul3A_98 = arith.muli %scan3A_95, %mul3A_97 : i32
      %add3A_99 = vector.broadcast %mul3A_98 : i32 to vector<16xi32>
      %add3A_100 = arith.addi %add3A_99, %iota3A : vector<16xi32>
      %broadcast_in_dim3A_101 = arith.constant 0.000000e+00 : f32
      %broadcast_in_dim3A_102 = vector.broadcast %broadcast_in_dim3A_101 : f32 to vector<16xf32>
      %broadcast_in_dim3A_103 = arith.constant 0.000000e+00 : f32
      %broadcast_in_dim3A_104 = vector.broadcast %broadcast_in_dim3A_103 : f32 to vector<16xf32>
      %broadcast_in_dim3A_105 = arith.constant 0 : i32
      %broadcast_in_dim3A_106 = vector.broadcast %broadcast_in_dim3A_105 : i32 to vector<16xi32>
      %add3A_107 = arith.constant 128 : i32
      %add3A_108 = vector.broadcast %add3A_107 : i32 to vector<16xi32>
      %add3A_109 = arith.addi %add3A_108, %add3A_100 : vector<16xi32>
      %gather3A = tpu.vector_load_idx %arg8[%add3A_109, %broadcast_in_dim3A_106] : memref<512x32xf32, #tpu.memory_space<vmem>>[vector<16xi32>, vector<16xi32>], vector<16xf32>,
      %gather3A_110 = tpu.vector_load_idx %arg7[%add3A_100, %broadcast_in_dim3A_106] : memref<128x128xf32, #tpu.memory_space<vmem>>[vector<16xi32>, vector<16xi32>], vector<16xf32>,
      %mul3A_111 = arith.mulf %gather3A, %gather3A_110 : vector<16xf32>
      %add3A_112 = arith.addf %broadcast_in_dim3A_102, %mul3A_111 : vector<16xf32>
      %mul3A_113 = arith.mulf %gather3A, %gather3A : vector<16xf32>
      %add3A_114 = arith.addf %broadcast_in_dim3A_104, %mul3A_113 : vector<16xf32>
      %broadcast_in_dim3A_115 = arith.constant 1 : i32
      %broadcast_in_dim3A_116 = vector.broadcast %broadcast_in_dim3A_115 : i32 to vector<16xi32>
      %add3A_117 = arith.constant 128 : i32
      %add3A_118 = vector.broadcast %add3A_117 : i32 to vector<16xi32>
      %add3A_119 = arith.addi %add3A_118, %add3A_100 : vector<16xi32>
      %gather3A_120 = tpu.vector_load_idx %arg8[%add3A_119, %broadcast_in_dim3A_116] : memref<512x32xf32, #tpu.memory_space<vmem>>[vector<16xi32>, vector<16xi32>], vector<16xf32>,
      %gather3A_121 = tpu.vector_load_idx %arg7[%add3A_100, %broadcast_in_dim3A_116] : memref<128x128xf32, #tpu.memory_space<vmem>>[vector<16xi32>, vector<16xi32>], vector<16xf32>,
      %mul3A_122 = arith.mulf %gather3A_120, %gather3A_121 : vector<16xf32>
      %add3A_123 = arith.addf %add3A_112, %mul3A_122 : vector<16xf32>
      %mul3A_124 = arith.mulf %gather3A_120, %gather3A_120 : vector<16xf32>
      %add3A_125 = arith.addf %add3A_114, %mul3A_124 : vector<16xf32>
      %broadcast_in_dim3A_126 = arith.constant 2 : i32
      %broadcast_in_dim3A_127 = vector.broadcast %broadcast_in_dim3A_126 : i32 to vector<16xi32>
      %add3A_128 = arith.constant 128 : i32
      %add3A_129 = vector.broadcast %add3A_128 : i32 to vector<16xi32>
      %add3A_130 = arith.addi %add3A_129, %add3A_100 : vector<16xi32>
      %gather3A_131 = tpu.vector_load_idx %arg8[%add3A_130, %broadcast_in_dim3A_127] : memref<512x32xf32, #tpu.memory_space<vmem>>[vector<16xi32>, vector<16xi32>], vector<16xf32>,
      %gather3A_132 = tpu.vector_load_idx %arg7[%add3A_100, %broadcast_in_dim3A_127] : memref<128x128xf32, #tpu.memory_space<vmem>>[vector<16xi32>, vector<16xi32>], vector<16xf32>,
      %mul3A_133 = arith.mulf %gather3A_131, %gather3A_132 : vector<16xf32>
      %add3A_134 = arith.addf %add3A_123, %mul3A_133 : vector<16xf32>
      %mul3A_135 = arith.mulf %gather3A_131, %gather3A_131 : vector<16xf32>
      %add3A_136 = arith.addf %add3A_125, %mul3A_135 : vector<16xf32>
      %broadcast_in_dim3A_137 = arith.constant 3 : i32
      %broadcast_in_dim3A_138 = vector.broadcast %broadcast_in_dim3A_137 : i32 to vector<16xi32>
      %add3A_139 = arith.constant 128 : i32
      %add3A_140 = vector.broadcast %add3A_139 : i32 to vector<16xi32>
      %add3A_141 = arith.addi %add3A_140, %add3A_100 : vector<16xi32>
      %gather3A_142 = tpu.vector_load_idx %arg8[%add3A_141, %broadcast_in_dim3A_138] : memref<512x32xf32, #tpu.memory_space<vmem>>[vector<16xi32>, vector<16xi32>], vector<16xf32>,
      %gather3A_143 = tpu.vector_load_idx %arg7[%add3A_100, %broadcast_in_dim3A_138] : memref<128x128xf32, #tpu.memory_space<vmem>>[vector<16xi32>, vector<16xi32>], vector<16xf32>,
      %mul3A_144 = arith.mulf %gather3A_142, %gather3A_143 : vector<16xf32>
      %add3A_145 = arith.addf %add3A_134, %mul3A_144 : vector<16xf32>
      %mul3A_146 = arith.mulf %gather3A_142, %gather3A_142 : vector<16xf32>
      %add3A_147 = arith.addf %add3A_136, %mul3A_146 : vector<16xf32>
      %broadcast_in_dim3A_148 = arith.constant 4 : i32
      %broadcast_in_dim3A_149 = vector.broadcast %broadcast_in_dim3A_148 : i32 to vector<16xi32>
      %add3A_150 = arith.constant 128 : i32
      %add3A_151 = vector.broadcast %add3A_150 : i32 to vector<16xi32>
      %add3A_152 = arith.addi %add3A_151, %add3A_100 : vector<16xi32>
      %gather3A_153 = tpu.vector_load_idx %arg8[%add3A_152, %broadcast_in_dim3A_149] : memref<512x32xf32, #tpu.memory_space<vmem>>[vector<16xi32>, vector<16xi32>], vector<16xf32>,
      %gather3A_154 = tpu.vector_load_idx %arg7[%add3A_100, %broadcast_in_dim3A_149] : memref<128x128xf32, #tpu.memory_space<vmem>>[vector<16xi32>, vector<16xi32>], vector<16xf32>,
      %mul3A_155 = arith.mulf %gather3A_153, %gather3A_154 : vector<16xf32>
      %add3A_156 = arith.addf %add3A_145, %mul3A_155 : vector<16xf32>
      %mul3A_157 = arith.mulf %gather3A_153, %gather3A_153 : vector<16xf32>
      %add3A_158 = arith.addf %add3A_147, %mul3A_157 : vector<16xf32>
      %broadcast_in_dim3A_159 = arith.constant 5 : i32
      %broadcast_in_dim3A_160 = vector.broadcast %broadcast_in_dim3A_159 : i32 to vector<16xi32>
      %add3A_161 = arith.constant 128 : i32
      %add3A_162 = vector.broadcast %add3A_161 : i32 to vector<16xi32>
      %add3A_163 = arith.addi %add3A_162, %add3A_100 : vector<16xi32>
      %gather3A_164 = tpu.vector_load_idx %arg8[%add3A_163, %broadcast_in_dim3A_160] : memref<512x32xf32, #tpu.memory_space<vmem>>[vector<16xi32>, vector<16xi32>], vector<16xf32>,
      %gather3A_165 = tpu.vector_load_idx %arg7[%add3A_100, %broadcast_in_dim3A_160] : memref<128x128xf32, #tpu.memory_space<vmem>>[vector<16xi32>, vector<16xi32>], vector<16xf32>,
      %mul3A_166 = arith.mulf %gather3A_164, %gather3A_165 : vector<16xf32>
      %add3A_167 = arith.addf %add3A_156, %mul3A_166 : vector<16xf32>
      %mul3A_168 = arith.mulf %gather3A_164, %gather3A_164 : vector<16xf32>
      %add3A_169 = arith.addf %add3A_158, %mul3A_168 : vector<16xf32>
      %broadcast_in_dim3A_170 = arith.constant 6 : i32
      %broadcast_in_dim3A_171 = vector.broadcast %broadcast_in_dim3A_170 : i32 to vector<16xi32>
      %add3A_172 = arith.constant 128 : i32
      %add3A_173 = vector.broadcast %add3A_172 : i32 to vector<16xi32>
      %add3A_174 = arith.addi %add3A_173, %add3A_100 : vector<16xi32>
      %gather3A_175 = tpu.vector_load_idx %arg8[%add3A_174, %broadcast_in_dim3A_171] : memref<512x32xf32, #tpu.memory_space<vmem>>[vector<16xi32>, vector<16xi32>], vector<16xf32>,
      %gather3A_176 = tpu.vector_load_idx %arg7[%add3A_100, %broadcast_in_dim3A_171] : memref<128x128xf32, #tpu.memory_space<vmem>>[vector<16xi32>, vector<16xi32>], vector<16xf32>,
      %mul3A_177 = arith.mulf %gather3A_175, %gather3A_176 : vector<16xf32>
      %add3A_178 = arith.addf %add3A_167, %mul3A_177 : vector<16xf32>
      %mul3A_179 = arith.mulf %gather3A_175, %gather3A_175 : vector<16xf32>
      %add3A_180 = arith.addf %add3A_169, %mul3A_179 : vector<16xf32>
      %broadcast_in_dim3A_181 = arith.constant 7 : i32
      %broadcast_in_dim3A_182 = vector.broadcast %broadcast_in_dim3A_181 : i32 to vector<16xi32>
      %add3A_183 = arith.constant 128 : i32
      %add3A_184 = vector.broadcast %add3A_183 : i32 to vector<16xi32>
      %add3A_185 = arith.addi %add3A_184, %add3A_100 : vector<16xi32>
      %gather3A_186 = tpu.vector_load_idx %arg8[%add3A_185, %broadcast_in_dim3A_182] : memref<512x32xf32, #tpu.memory_space<vmem>>[vector<16xi32>, vector<16xi32>], vector<16xf32>,
      %gather3A_187 = tpu.vector_load_idx %arg7[%add3A_100, %broadcast_in_dim3A_182] : memref<128x128xf32, #tpu.memory_space<vmem>>[vector<16xi32>, vector<16xi32>], vector<16xf32>,
      %mul3A_188 = arith.mulf %gather3A_186, %gather3A_187 : vector<16xf32>
      %add3A_189 = arith.addf %add3A_178, %mul3A_188 : vector<16xf32>
      %mul3A_190 = arith.mulf %gather3A_186, %gather3A_186 : vector<16xf32>
      %add3A_191 = arith.addf %add3A_180, %mul3A_190 : vector<16xf32>
      %broadcast_in_dim3A_192 = arith.constant 8 : i32
      %broadcast_in_dim3A_193 = vector.broadcast %broadcast_in_dim3A_192 : i32 to vector<16xi32>
      %add3A_194 = arith.constant 128 : i32
      %add3A_195 = vector.broadcast %add3A_194 : i32 to vector<16xi32>
      %add3A_196 = arith.addi %add3A_195, %add3A_100 : vector<16xi32>
      %gather3A_197 = tpu.vector_load_idx %arg8[%add3A_196, %broadcast_in_dim3A_193] : memref<512x32xf32, #tpu.memory_space<vmem>>[vector<16xi32>, vector<16xi32>], vector<16xf32>,
      %gather3A_198 = tpu.vector_load_idx %arg7[%add3A_100, %broadcast_in_dim3A_193] : memref<128x128xf32, #tpu.memory_space<vmem>>[vector<16xi32>, vector<16xi32>], vector<16xf32>,
      %mul3A_199 = arith.mulf %gather3A_197, %gather3A_198 : vector<16xf32>
      %add3A_200 = arith.addf %add3A_189, %mul3A_199 : vector<16xf32>
      %mul3A_201 = arith.mulf %gather3A_197, %gather3A_197 : vector<16xf32>
      %add3A_202 = arith.addf %add3A_191, %mul3A_201 : vector<16xf32>
      %broadcast_in_dim3A_203 = arith.constant 9 : i32
      %broadcast_in_dim3A_204 = vector.broadcast %broadcast_in_dim3A_203 : i32 to vector<16xi32>
      %add3A_205 = arith.constant 128 : i32
      %add3A_206 = vector.broadcast %add3A_205 : i32 to vector<16xi32>
      %add3A_207 = arith.addi %add3A_206, %add3A_100 : vector<16xi32>
      %gather3A_208 = tpu.vector_load_idx %arg8[%add3A_207, %broadcast_in_dim3A_204] : memref<512x32xf32, #tpu.memory_space<vmem>>[vector<16xi32>, vector<16xi32>], vector<16xf32>,
      %gather3A_209 = tpu.vector_load_idx %arg7[%add3A_100, %broadcast_in_dim3A_204] : memref<128x128xf32, #tpu.memory_space<vmem>>[vector<16xi32>, vector<16xi32>], vector<16xf32>,
      %mul3A_210 = arith.mulf %gather3A_208, %gather3A_209 : vector<16xf32>
      %add3A_211 = arith.addf %add3A_200, %mul3A_210 : vector<16xf32>
      %mul3A_212 = arith.mulf %gather3A_208, %gather3A_208 : vector<16xf32>
      %add3A_213 = arith.addf %add3A_202, %mul3A_212 : vector<16xf32>
      %broadcast_in_dim3A_214 = arith.constant 10 : i32
      %broadcast_in_dim3A_215 = vector.broadcast %broadcast_in_dim3A_214 : i32 to vector<16xi32>
      %add3A_216 = arith.constant 128 : i32
      %add3A_217 = vector.broadcast %add3A_216 : i32 to vector<16xi32>
      %add3A_218 = arith.addi %add3A_217, %add3A_100 : vector<16xi32>
      %gather3A_219 = tpu.vector_load_idx %arg8[%add3A_218, %broadcast_in_dim3A_215] : memref<512x32xf32, #tpu.memory_space<vmem>>[vector<16xi32>, vector<16xi32>], vector<16xf32>,
      %gather3A_220 = tpu.vector_load_idx %arg7[%add3A_100, %broadcast_in_dim3A_215] : memref<128x128xf32, #tpu.memory_space<vmem>>[vector<16xi32>, vector<16xi32>], vector<16xf32>,
      %mul3A_221 = arith.mulf %gather3A_219, %gather3A_220 : vector<16xf32>
      %add3A_222 = arith.addf %add3A_211, %mul3A_221 : vector<16xf32>
      %mul3A_223 = arith.mulf %gather3A_219, %gather3A_219 : vector<16xf32>
      %add3A_224 = arith.addf %add3A_213, %mul3A_223 : vector<16xf32>
      %broadcast_in_dim3A_225 = arith.constant 11 : i32
      %broadcast_in_dim3A_226 = vector.broadcast %broadcast_in_dim3A_225 : i32 to vector<16xi32>
      %add3A_227 = arith.constant 128 : i32
      %add3A_228 = vector.broadcast %add3A_227 : i32 to vector<16xi32>
      %add3A_229 = arith.addi %add3A_228, %add3A_100 : vector<16xi32>
      %gather3A_230 = tpu.vector_load_idx %arg8[%add3A_229, %broadcast_in_dim3A_226] : memref<512x32xf32, #tpu.memory_space<vmem>>[vector<16xi32>, vector<16xi32>], vector<16xf32>,
      %gather3A_231 = tpu.vector_load_idx %arg7[%add3A_100, %broadcast_in_dim3A_226] : memref<128x128xf32, #tpu.memory_space<vmem>>[vector<16xi32>, vector<16xi32>], vector<16xf32>,
      %mul3A_232 = arith.mulf %gather3A_230, %gather3A_231 : vector<16xf32>
      %add3A_233 = arith.addf %add3A_222, %mul3A_232 : vector<16xf32>
      %mul3A_234 = arith.mulf %gather3A_230, %gather3A_230 : vector<16xf32>
      %add3A_235 = arith.addf %add3A_224, %mul3A_234 : vector<16xf32>
      %broadcast_in_dim3A_236 = arith.constant 12 : i32
      %broadcast_in_dim3A_237 = vector.broadcast %broadcast_in_dim3A_236 : i32 to vector<16xi32>
      %add3A_238 = arith.constant 128 : i32
      %add3A_239 = vector.broadcast %add3A_238 : i32 to vector<16xi32>
      %add3A_240 = arith.addi %add3A_239, %add3A_100 : vector<16xi32>
      %gather3A_241 = tpu.vector_load_idx %arg8[%add3A_240, %broadcast_in_dim3A_237] : memref<512x32xf32, #tpu.memory_space<vmem>>[vector<16xi32>, vector<16xi32>], vector<16xf32>,
      %gather3A_242 = tpu.vector_load_idx %arg7[%add3A_100, %broadcast_in_dim3A_237] : memref<128x128xf32, #tpu.memory_space<vmem>>[vector<16xi32>, vector<16xi32>], vector<16xf32>,
      %mul3A_243 = arith.mulf %gather3A_241, %gather3A_242 : vector<16xf32>
      %add3A_244 = arith.addf %add3A_233, %mul3A_243 : vector<16xf32>
      %mul3A_245 = arith.mulf %gather3A_241, %gather3A_241 : vector<16xf32>
      %add3A_246 = arith.addf %add3A_235, %mul3A_245 : vector<16xf32>
      %broadcast_in_dim3A_247 = arith.constant 13 : i32
      %broadcast_in_dim3A_248 = vector.broadcast %broadcast_in_dim3A_247 : i32 to vector<16xi32>
      %add3A_249 = arith.constant 128 : i32
      %add3A_250 = vector.broadcast %add3A_249 : i32 to vector<16xi32>
      %add3A_251 = arith.addi %add3A_250, %add3A_100 : vector<16xi32>
      %gather3A_252 = tpu.vector_load_idx %arg8[%add3A_251, %broadcast_in_dim3A_248] : memref<512x32xf32, #tpu.memory_space<vmem>>[vector<16xi32>, vector<16xi32>], vector<16xf32>,
      %gather3A_253 = tpu.vector_load_idx %arg7[%add3A_100, %broadcast_in_dim3A_248] : memref<128x128xf32, #tpu.memory_space<vmem>>[vector<16xi32>, vector<16xi32>], vector<16xf32>,
      %mul3A_254 = arith.mulf %gather3A_252, %gather3A_253 : vector<16xf32>
      %add3A_255 = arith.addf %add3A_244, %mul3A_254 : vector<16xf32>
      %mul3A_256 = arith.mulf %gather3A_252, %gather3A_252 : vector<16xf32>
      %add3A_257 = arith.addf %add3A_246, %mul3A_256 : vector<16xf32>
      %broadcast_in_dim3A_258 = arith.constant 14 : i32
      %broadcast_in_dim3A_259 = vector.broadcast %broadcast_in_dim3A_258 : i32 to vector<16xi32>
      %add3A_260 = arith.constant 128 : i32
      %add3A_261 = vector.broadcast %add3A_260 : i32 to vector<16xi32>
      %add3A_262 = arith.addi %add3A_261, %add3A_100 : vector<16xi32>
      %gather3A_263 = tpu.vector_load_idx %arg8[%add3A_262, %broadcast_in_dim3A_259] : memref<512x32xf32, #tpu.memory_space<vmem>>[vector<16xi32>, vector<16xi32>], vector<16xf32>,
      %gather3A_264 = tpu.vector_load_idx %arg7[%add3A_100, %broadcast_in_dim3A_259] : memref<128x128xf32, #tpu.memory_space<vmem>>[vector<16xi32>, vector<16xi32>], vector<16xf32>,
      %mul3A_265 = arith.mulf %gather3A_263, %gather3A_264 : vector<16xf32>
      %add3A_266 = arith.addf %add3A_255, %mul3A_265 : vector<16xf32>
      %mul3A_267 = arith.mulf %gather3A_263, %gather3A_263 : vector<16xf32>
      %add3A_268 = arith.addf %add3A_257, %mul3A_267 : vector<16xf32>
      %broadcast_in_dim3A_269 = arith.constant 15 : i32
      %broadcast_in_dim3A_270 = vector.broadcast %broadcast_in_dim3A_269 : i32 to vector<16xi32>
      %add3A_271 = arith.constant 128 : i32
      %add3A_272 = vector.broadcast %add3A_271 : i32 to vector<16xi32>
      %add3A_273 = arith.addi %add3A_272, %add3A_100 : vector<16xi32>
      %gather3A_274 = tpu.vector_load_idx %arg8[%add3A_273, %broadcast_in_dim3A_270] : memref<512x32xf32, #tpu.memory_space<vmem>>[vector<16xi32>, vector<16xi32>], vector<16xf32>,
      %gather3A_275 = tpu.vector_load_idx %arg7[%add3A_100, %broadcast_in_dim3A_270] : memref<128x128xf32, #tpu.memory_space<vmem>>[vector<16xi32>, vector<16xi32>], vector<16xf32>,
      %mul3A_276 = arith.mulf %gather3A_274, %gather3A_275 : vector<16xf32>
      %add3A_277 = arith.addf %add3A_266, %mul3A_276 : vector<16xf32>
      %mul3A_278 = arith.mulf %gather3A_274, %gather3A_274 : vector<16xf32>
      %add3A_279 = arith.addf %add3A_268, %mul3A_278 : vector<16xf32>
      %broadcast_in_dim3A_280 = arith.constant 16 : i32
      %broadcast_in_dim3A_281 = vector.broadcast %broadcast_in_dim3A_280 : i32 to vector<16xi32>
      %add3A_282 = arith.constant 128 : i32
      %add3A_283 = vector.broadcast %add3A_282 : i32 to vector<16xi32>
      %add3A_284 = arith.addi %add3A_283, %add3A_100 : vector<16xi32>
      %gather3A_285 = tpu.vector_load_idx %arg8[%add3A_284, %broadcast_in_dim3A_281] : memref<512x32xf32, #tpu.memory_space<vmem>>[vector<16xi32>, vector<16xi32>], vector<16xf32>,
      %gather3A_286 = tpu.vector_load_idx %arg7[%add3A_100, %broadcast_in_dim3A_281] : memref<128x128xf32, #tpu.memory_space<vmem>>[vector<16xi32>, vector<16xi32>], vector<16xf32>,
      %mul3A_287 = arith.mulf %gather3A_285, %gather3A_286 : vector<16xf32>
      %add3A_288 = arith.addf %add3A_277, %mul3A_287 : vector<16xf32>
      %mul3A_289 = arith.mulf %gather3A_285, %gather3A_285 : vector<16xf32>
      %add3A_290 = arith.addf %add3A_279, %mul3A_289 : vector<16xf32>
      %broadcast_in_dim3A_291 = arith.constant 17 : i32
      %broadcast_in_dim3A_292 = vector.broadcast %broadcast_in_dim3A_291 : i32 to vector<16xi32>
      %add3A_293 = arith.constant 128 : i32
      %add3A_294 = vector.broadcast %add3A_293 : i32 to vector<16xi32>
      %add3A_295 = arith.addi %add3A_294, %add3A_100 : vector<16xi32>
      %gather3A_296 = tpu.vector_load_idx %arg8[%add3A_295, %broadcast_in_dim3A_292] : memref<512x32xf32, #tpu.memory_space<vmem>>[vector<16xi32>, vector<16xi32>], vector<16xf32>,
      %gather3A_297 = tpu.vector_load_idx %arg7[%add3A_100, %broadcast_in_dim3A_292] : memref<128x128xf32, #tpu.memory_space<vmem>>[vector<16xi32>, vector<16xi32>], vector<16xf32>,
      %mul3A_298 = arith.mulf %gather3A_296, %gather3A_297 : vector<16xf32>
      %add3A_299 = arith.addf %add3A_288, %mul3A_298 : vector<16xf32>
      %mul3A_300 = arith.mulf %gather3A_296, %gather3A_296 : vector<16xf32>
      %add3A_301 = arith.addf %add3A_290, %mul3A_300 : vector<16xf32>
      %broadcast_in_dim3A_302 = arith.constant 18 : i32
      %broadcast_in_dim3A_303 = vector.broadcast %broadcast_in_dim3A_302 : i32 to vector<16xi32>
      %add3A_304 = arith.constant 128 : i32
      %add3A_305 = vector.broadcast %add3A_304 : i32 to vector<16xi32>
      %add3A_306 = arith.addi %add3A_305, %add3A_100 : vector<16xi32>
      %gather3A_307 = tpu.vector_load_idx %arg8[%add3A_306, %broadcast_in_dim3A_303] : memref<512x32xf32, #tpu.memory_space<vmem>>[vector<16xi32>, vector<16xi32>], vector<16xf32>,
      %gather3A_308 = tpu.vector_load_idx %arg7[%add3A_100, %broadcast_in_dim3A_303] : memref<128x128xf32, #tpu.memory_space<vmem>>[vector<16xi32>, vector<16xi32>], vector<16xf32>,
      %mul3A_309 = arith.mulf %gather3A_307, %gather3A_308 : vector<16xf32>
      %add3A_310 = arith.addf %add3A_299, %mul3A_309 : vector<16xf32>
      %mul3A_311 = arith.mulf %gather3A_307, %gather3A_307 : vector<16xf32>
      %add3A_312 = arith.addf %add3A_301, %mul3A_311 : vector<16xf32>
      %broadcast_in_dim3A_313 = arith.constant 19 : i32
      %broadcast_in_dim3A_314 = vector.broadcast %broadcast_in_dim3A_313 : i32 to vector<16xi32>
      %add3A_315 = arith.constant 128 : i32
      %add3A_316 = vector.broadcast %add3A_315 : i32 to vector<16xi32>
      %add3A_317 = arith.addi %add3A_316, %add3A_100 : vector<16xi32>
      %gather3A_318 = tpu.vector_load_idx %arg8[%add3A_317, %broadcast_in_dim3A_314] : memref<512x32xf32, #tpu.memory_space<vmem>>[vector<16xi32>, vector<16xi32>], vector<16xf32>,
      %gather3A_319 = tpu.vector_load_idx %arg7[%add3A_100, %broadcast_in_dim3A_314] : memref<128x128xf32, #tpu.memory_space<vmem>>[vector<16xi32>, vector<16xi32>], vector<16xf32>,
      %mul3A_320 = arith.mulf %gather3A_318, %gather3A_319 : vector<16xf32>
      %add3A_321 = arith.addf %add3A_310, %mul3A_320 : vector<16xf32>
      %mul3A_322 = arith.mulf %gather3A_318, %gather3A_318 : vector<16xf32>
      %add3A_323 = arith.addf %add3A_312, %mul3A_322 : vector<16xf32>
      %broadcast_in_dim3A_324 = arith.constant 20 : i32
      %broadcast_in_dim3A_325 = vector.broadcast %broadcast_in_dim3A_324 : i32 to vector<16xi32>
      %add3A_326 = arith.constant 128 : i32
      %add3A_327 = vector.broadcast %add3A_326 : i32 to vector<16xi32>
      %add3A_328 = arith.addi %add3A_327, %add3A_100 : vector<16xi32>
      %gather3A_329 = tpu.vector_load_idx %arg8[%add3A_328, %broadcast_in_dim3A_325] : memref<512x32xf32, #tpu.memory_space<vmem>>[vector<16xi32>, vector<16xi32>], vector<16xf32>,
      %gather3A_330 = tpu.vector_load_idx %arg7[%add3A_100, %broadcast_in_dim3A_325] : memref<128x128xf32, #tpu.memory_space<vmem>>[vector<16xi32>, vector<16xi32>], vector<16xf32>,
      %mul3A_331 = arith.mulf %gather3A_329, %gather3A_330 : vector<16xf32>
      %add3A_332 = arith.addf %add3A_321, %mul3A_331 : vector<16xf32>
      %mul3A_333 = arith.mulf %gather3A_329, %gather3A_329 : vector<16xf32>
      %add3A_334 = arith.addf %add3A_323, %mul3A_333 : vector<16xf32>
      %broadcast_in_dim3A_335 = arith.constant 21 : i32
      %broadcast_in_dim3A_336 = vector.broadcast %broadcast_in_dim3A_335 : i32 to vector<16xi32>
      %add3A_337 = arith.constant 128 : i32
      %add3A_338 = vector.broadcast %add3A_337 : i32 to vector<16xi32>
      %add3A_339 = arith.addi %add3A_338, %add3A_100 : vector<16xi32>
      %gather3A_340 = tpu.vector_load_idx %arg8[%add3A_339, %broadcast_in_dim3A_336] : memref<512x32xf32, #tpu.memory_space<vmem>>[vector<16xi32>, vector<16xi32>], vector<16xf32>,
      %gather3A_341 = tpu.vector_load_idx %arg7[%add3A_100, %broadcast_in_dim3A_336] : memref<128x128xf32, #tpu.memory_space<vmem>>[vector<16xi32>, vector<16xi32>], vector<16xf32>,
      %mul3A_342 = arith.mulf %gather3A_340, %gather3A_341 : vector<16xf32>
      %add3A_343 = arith.addf %add3A_332, %mul3A_342 : vector<16xf32>
      %mul3A_344 = arith.mulf %gather3A_340, %gather3A_340 : vector<16xf32>
      %add3A_345 = arith.addf %add3A_334, %mul3A_344 : vector<16xf32>
      %broadcast_in_dim3A_346 = arith.constant 22 : i32
      %broadcast_in_dim3A_347 = vector.broadcast %broadcast_in_dim3A_346 : i32 to vector<16xi32>
      %add3A_348 = arith.constant 128 : i32
      %add3A_349 = vector.broadcast %add3A_348 : i32 to vector<16xi32>
      %add3A_350 = arith.addi %add3A_349, %add3A_100 : vector<16xi32>
      %gather3A_351 = tpu.vector_load_idx %arg8[%add3A_350, %broadcast_in_dim3A_347] : memref<512x32xf32, #tpu.memory_space<vmem>>[vector<16xi32>, vector<16xi32>], vector<16xf32>,
      %gather3A_352 = tpu.vector_load_idx %arg7[%add3A_100, %broadcast_in_dim3A_347] : memref<128x128xf32, #tpu.memory_space<vmem>>[vector<16xi32>, vector<16xi32>], vector<16xf32>,
      %mul3A_353 = arith.mulf %gather3A_351, %gather3A_352 : vector<16xf32>
      %add3A_354 = arith.addf %add3A_343, %mul3A_353 : vector<16xf32>
      %mul3A_355 = arith.mulf %gather3A_351, %gather3A_351 : vector<16xf32>
      %add3A_356 = arith.addf %add3A_345, %mul3A_355 : vector<16xf32>
      %broadcast_in_dim3A_357 = arith.constant 23 : i32
      %broadcast_in_dim3A_358 = vector.broadcast %broadcast_in_dim3A_357 : i32 to vector<16xi32>
      %add3A_359 = arith.constant 128 : i32
      %add3A_360 = vector.broadcast %add3A_359 : i32 to vector<16xi32>
      %add3A_361 = arith.addi %add3A_360, %add3A_100 : vector<16xi32>
      %gather3A_362 = tpu.vector_load_idx %arg8[%add3A_361, %broadcast_in_dim3A_358] : memref<512x32xf32, #tpu.memory_space<vmem>>[vector<16xi32>, vector<16xi32>], vector<16xf32>,
      %gather3A_363 = tpu.vector_load_idx %arg7[%add3A_100, %broadcast_in_dim3A_358] : memref<128x128xf32, #tpu.memory_space<vmem>>[vector<16xi32>, vector<16xi32>], vector<16xf32>,
      %mul3A_364 = arith.mulf %gather3A_362, %gather3A_363 : vector<16xf32>
      %add3A_365 = arith.addf %add3A_354, %mul3A_364 : vector<16xf32>
      %mul3A_366 = arith.mulf %gather3A_362, %gather3A_362 : vector<16xf32>
      %add3A_367 = arith.addf %add3A_356, %mul3A_366 : vector<16xf32>
      %broadcast_in_dim3A_368 = arith.constant 24 : i32
      %broadcast_in_dim3A_369 = vector.broadcast %broadcast_in_dim3A_368 : i32 to vector<16xi32>
      %add3A_370 = arith.constant 128 : i32
      %add3A_371 = vector.broadcast %add3A_370 : i32 to vector<16xi32>
      %add3A_372 = arith.addi %add3A_371, %add3A_100 : vector<16xi32>
      %gather3A_373 = tpu.vector_load_idx %arg8[%add3A_372, %broadcast_in_dim3A_369] : memref<512x32xf32, #tpu.memory_space<vmem>>[vector<16xi32>, vector<16xi32>], vector<16xf32>,
      %gather3A_374 = tpu.vector_load_idx %arg7[%add3A_100, %broadcast_in_dim3A_369] : memref<128x128xf32, #tpu.memory_space<vmem>>[vector<16xi32>, vector<16xi32>], vector<16xf32>,
      %mul3A_375 = arith.mulf %gather3A_373, %gather3A_374 : vector<16xf32>
      %add3A_376 = arith.addf %add3A_365, %mul3A_375 : vector<16xf32>
      %mul3A_377 = arith.mulf %gather3A_373, %gather3A_373 : vector<16xf32>
      %add3A_378 = arith.addf %add3A_367, %mul3A_377 : vector<16xf32>
      %broadcast_in_dim3A_379 = arith.constant 25 : i32
      %broadcast_in_dim3A_380 = vector.broadcast %broadcast_in_dim3A_379 : i32 to vector<16xi32>
      %add3A_381 = arith.constant 128 : i32
      %add3A_382 = vector.broadcast %add3A_381 : i32 to vector<16xi32>
      %add3A_383 = arith.addi %add3A_382, %add3A_100 : vector<16xi32>
      %gather3A_384 = tpu.vector_load_idx %arg8[%add3A_383, %broadcast_in_dim3A_380] : memref<512x32xf32, #tpu.memory_space<vmem>>[vector<16xi32>, vector<16xi32>], vector<16xf32>,
      %gather3A_385 = tpu.vector_load_idx %arg7[%add3A_100, %broadcast_in_dim3A_380] : memref<128x128xf32, #tpu.memory_space<vmem>>[vector<16xi32>, vector<16xi32>], vector<16xf32>,
      %mul3A_386 = arith.mulf %gather3A_384, %gather3A_385 : vector<16xf32>
      %add3A_387 = arith.addf %add3A_376, %mul3A_386 : vector<16xf32>
      %mul3A_388 = arith.mulf %gather3A_384, %gather3A_384 : vector<16xf32>
      %add3A_389 = arith.addf %add3A_378, %mul3A_388 : vector<16xf32>
      %broadcast_in_dim3A_390 = arith.constant 26 : i32
      %broadcast_in_dim3A_391 = vector.broadcast %broadcast_in_dim3A_390 : i32 to vector<16xi32>
      %add3A_392 = arith.constant 128 : i32
      %add3A_393 = vector.broadcast %add3A_392 : i32 to vector<16xi32>
      %add3A_394 = arith.addi %add3A_393, %add3A_100 : vector<16xi32>
      %gather3A_395 = tpu.vector_load_idx %arg8[%add3A_394, %broadcast_in_dim3A_391] : memref<512x32xf32, #tpu.memory_space<vmem>>[vector<16xi32>, vector<16xi32>], vector<16xf32>,
      %gather3A_396 = tpu.vector_load_idx %arg7[%add3A_100, %broadcast_in_dim3A_391] : memref<128x128xf32, #tpu.memory_space<vmem>>[vector<16xi32>, vector<16xi32>], vector<16xf32>,
      %mul3A_397 = arith.mulf %gather3A_395, %gather3A_396 : vector<16xf32>
      %add3A_398 = arith.addf %add3A_387, %mul3A_397 : vector<16xf32>
      %mul3A_399 = arith.mulf %gather3A_395, %gather3A_395 : vector<16xf32>
      %add3A_400 = arith.addf %add3A_389, %mul3A_399 : vector<16xf32>
      %broadcast_in_dim3A_401 = arith.constant 27 : i32
      %broadcast_in_dim3A_402 = vector.broadcast %broadcast_in_dim3A_401 : i32 to vector<16xi32>
      %add3A_403 = arith.constant 128 : i32
      %add3A_404 = vector.broadcast %add3A_403 : i32 to vector<16xi32>
      %add3A_405 = arith.addi %add3A_404, %add3A_100 : vector<16xi32>
      %gather3A_406 = tpu.vector_load_idx %arg8[%add3A_405, %broadcast_in_dim3A_402] : memref<512x32xf32, #tpu.memory_space<vmem>>[vector<16xi32>, vector<16xi32>], vector<16xf32>,
      %gather3A_407 = tpu.vector_load_idx %arg7[%add3A_100, %broadcast_in_dim3A_402] : memref<128x128xf32, #tpu.memory_space<vmem>>[vector<16xi32>, vector<16xi32>], vector<16xf32>,
      %mul3A_408 = arith.mulf %gather3A_406, %gather3A_407 : vector<16xf32>
      %add3A_409 = arith.addf %add3A_398, %mul3A_408 : vector<16xf32>
      %mul3A_410 = arith.mulf %gather3A_406, %gather3A_406 : vector<16xf32>
      %add3A_411 = arith.addf %add3A_400, %mul3A_410 : vector<16xf32>
      %broadcast_in_dim3A_412 = arith.constant 28 : i32
      %broadcast_in_dim3A_413 = vector.broadcast %broadcast_in_dim3A_412 : i32 to vector<16xi32>
      %add3A_414 = arith.constant 128 : i32
      %add3A_415 = vector.broadcast %add3A_414 : i32 to vector<16xi32>
      %add3A_416 = arith.addi %add3A_415, %add3A_100 : vector<16xi32>
      %gather3A_417 = tpu.vector_load_idx %arg8[%add3A_416, %broadcast_in_dim3A_413] : memref<512x32xf32, #tpu.memory_space<vmem>>[vector<16xi32>, vector<16xi32>], vector<16xf32>,
      %gather3A_418 = tpu.vector_load_idx %arg7[%add3A_100, %broadcast_in_dim3A_413] : memref<128x128xf32, #tpu.memory_space<vmem>>[vector<16xi32>, vector<16xi32>], vector<16xf32>,
      %mul3A_419 = arith.mulf %gather3A_417, %gather3A_418 : vector<16xf32>
      %add3A_420 = arith.addf %add3A_409, %mul3A_419 : vector<16xf32>
      %mul3A_421 = arith.mulf %gather3A_417, %gather3A_417 : vector<16xf32>
      %add3A_422 = arith.addf %add3A_411, %mul3A_421 : vector<16xf32>
      %broadcast_in_dim3A_423 = arith.constant 29 : i32
      %broadcast_in_dim3A_424 = vector.broadcast %broadcast_in_dim3A_423 : i32 to vector<16xi32>
      %add3A_425 = arith.constant 128 : i32
      %add3A_426 = vector.broadcast %add3A_425 : i32 to vector<16xi32>
      %add3A_427 = arith.addi %add3A_426, %add3A_100 : vector<16xi32>
      %gather3A_428 = tpu.vector_load_idx %arg8[%add3A_427, %broadcast_in_dim3A_424] : memref<512x32xf32, #tpu.memory_space<vmem>>[vector<16xi32>, vector<16xi32>], vector<16xf32>,
      %gather3A_429 = tpu.vector_load_idx %arg7[%add3A_100, %broadcast_in_dim3A_424] : memref<128x128xf32, #tpu.memory_space<vmem>>[vector<16xi32>, vector<16xi32>], vector<16xf32>,
      %mul3A_430 = arith.mulf %gather3A_428, %gather3A_429 : vector<16xf32>
      %add3A_431 = arith.addf %add3A_420, %mul3A_430 : vector<16xf32>
      %mul3A_432 = arith.mulf %gather3A_428, %gather3A_428 : vector<16xf32>
      %add3A_433 = arith.addf %add3A_422, %mul3A_432 : vector<16xf32>
      %broadcast_in_dim3A_434 = arith.constant 30 : i32
      %broadcast_in_dim3A_435 = vector.broadcast %broadcast_in_dim3A_434 : i32 to vector<16xi32>
      %add3A_436 = arith.constant 128 : i32
      %add3A_437 = vector.broadcast %add3A_436 : i32 to vector<16xi32>
      %add3A_438 = arith.addi %add3A_437, %add3A_100 : vector<16xi32>
      %gather3A_439 = tpu.vector_load_idx %arg8[%add3A_438, %broadcast_in_dim3A_435] : memref<512x32xf32, #tpu.memory_space<vmem>>[vector<16xi32>, vector<16xi32>], vector<16xf32>,
      %gather3A_440 = tpu.vector_load_idx %arg7[%add3A_100, %broadcast_in_dim3A_435] : memref<128x128xf32, #tpu.memory_space<vmem>>[vector<16xi32>, vector<16xi32>], vector<16xf32>,
      %mul3A_441 = arith.mulf %gather3A_439, %gather3A_440 : vector<16xf32>
      %add3A_442 = arith.addf %add3A_431, %mul3A_441 : vector<16xf32>
      %mul3A_443 = arith.mulf %gather3A_439, %gather3A_439 : vector<16xf32>
      %add3A_444 = arith.addf %add3A_433, %mul3A_443 : vector<16xf32>
      %broadcast_in_dim3A_445 = arith.constant 31 : i32
      %broadcast_in_dim3A_446 = vector.broadcast %broadcast_in_dim3A_445 : i32 to vector<16xi32>
      %add3A_447 = arith.constant 128 : i32
      %add3A_448 = vector.broadcast %add3A_447 : i32 to vector<16xi32>
      %add3A_449 = arith.addi %add3A_448, %add3A_100 : vector<16xi32>
      %gather3A_450 = tpu.vector_load_idx %arg8[%add3A_449, %broadcast_in_dim3A_446] : memref<512x32xf32, #tpu.memory_space<vmem>>[vector<16xi32>, vector<16xi32>], vector<16xf32>,
      %gather3A_451 = tpu.vector_load_idx %arg7[%add3A_100, %broadcast_in_dim3A_446] : memref<128x128xf32, #tpu.memory_space<vmem>>[vector<16xi32>, vector<16xi32>], vector<16xf32>,
      %mul3A_452 = arith.mulf %gather3A_450, %gather3A_451 : vector<16xf32>
      %add3A_453 = arith.addf %add3A_442, %mul3A_452 : vector<16xf32>
      %mul3A_454 = arith.mulf %gather3A_450, %gather3A_450 : vector<16xf32>
      %add3A_455 = arith.addf %add3A_444, %mul3A_454 : vector<16xf32>
      %max3A = arith.constant 1.000000e-35 : f32
      %max3A_456 = vector.broadcast %max3A : f32 to vector<16xf32>
      %max3A_457 = arith.maximumf %add3A_455, %max3A_456 : vector<16xf32>
      %bitcast3A = vector.bitcast %max3A_457 : vector<16xf32> to vector<16xi32>
      %shift_right_arithmetic3A = arith.constant 1 : i32
      %shift_right_arithmetic3A_458 = vector.broadcast %shift_right_arithmetic3A : i32 to vector<16xi32>
      %shift_right_arithmetic3A_459 = arith.shrsi %bitcast3A, %shift_right_arithmetic3A_458 : vector<16xi32>
      %sub3A = arith.constant 1597463007 : i32
      %sub3A_460 = vector.broadcast %sub3A : i32 to vector<16xi32>
      %sub3A_461 = arith.subi %sub3A_460, %shift_right_arithmetic3A_459 : vector<16xi32>
      %bitcast3A_462 = vector.bitcast %sub3A_461 : vector<16xi32> to vector<16xf32>
      %mul3A_463 = arith.constant 5.000000e-01 : f32
      %mul3A_464 = vector.broadcast %mul3A_463 : f32 to vector<16xf32>
      %mul3A_465 = arith.mulf %mul3A_464, %max3A_457 : vector<16xf32>
      %mul3A_466 = arith.mulf %mul3A_465, %bitcast3A_462 : vector<16xf32>
      %mul3A_467 = arith.mulf %mul3A_466, %bitcast3A_462 : vector<16xf32>
      %sub3A_468 = arith.constant 1.500000e+00 : f32
      %sub3A_469 = vector.broadcast %sub3A_468 : f32 to vector<16xf32>
      %sub3A_470 = arith.subf %sub3A_469, %mul3A_467 : vector<16xf32>
      %mul3A_471 = arith.mulf %bitcast3A_462, %sub3A_470 : vector<16xf32>
      %mul3A_472 = arith.constant 5.000000e-01 : f32
      %mul3A_473 = vector.broadcast %mul3A_472 : f32 to vector<16xf32>
      %mul3A_474 = arith.mulf %mul3A_473, %max3A_457 : vector<16xf32>
      %mul3A_475 = arith.mulf %mul3A_474, %mul3A_471 : vector<16xf32>
      %mul3A_476 = arith.mulf %mul3A_475, %mul3A_471 : vector<16xf32>
      %sub3A_477 = arith.constant 1.500000e+00 : f32
      %sub3A_478 = vector.broadcast %sub3A_477 : f32 to vector<16xf32>
      %sub3A_479 = arith.subf %sub3A_478, %mul3A_476 : vector<16xf32>
      %mul3A_480 = arith.mulf %mul3A_471, %sub3A_479 : vector<16xf32>
      %mul3A_481 = arith.constant 5.000000e-01 : f32
      %mul3A_482 = vector.broadcast %mul3A_481 : f32 to vector<16xf32>
      %mul3A_483 = arith.mulf %mul3A_482, %max3A_457 : vector<16xf32>
      %mul3A_484 = arith.mulf %mul3A_483, %mul3A_480 : vector<16xf32>
      %mul3A_485 = arith.mulf %mul3A_484, %mul3A_480 : vector<16xf32>
      %sub3A_486 = arith.constant 1.500000e+00 : f32
      %sub3A_487 = vector.broadcast %sub3A_486 : f32 to vector<16xf32>
      %sub3A_488 = arith.subf %sub3A_487, %mul3A_485 : vector<16xf32>
      %mul3A_489 = arith.mulf %mul3A_480, %sub3A_488 : vector<16xf32>
      %mul3A_490 = arith.mulf %add3A_453, %mul3A_489 : vector<16xf32>
      %add3A_491 = arith.addf %scan3A_96, %mul3A_490 : vector<16xf32>
      scf.yield %add3A_491 : vector<16xf32>
    }
    %scan3A_51 = arith.constant 8 : i32
    %dma_start3A_52 = arith.constant 2 : i32
    %dma_start3A_53 = arith.constant 0 : i32
    %dma_start3A_54 = tpu.memref_slice %arg6[%dma_start3A_52, %dma_start3A_53] : memref<4x128xi32, #tpu.memory_space<vmem>> -> memref<1x128xi32, #tpu.memory_space<vmem>>
    %dma_start3A_55 = tpu.memref_squeeze %dma_start3A_54 : memref<1x128xi32, #tpu.memory_space<vmem>> -> memref<128xi32, #tpu.memory_space<vmem>>
    %dma_start3A_56 = arith.constant 0 : i32
    %dma_start3A_57 = arith.constant 0 : i32
    %dma_start3A_58 = tpu.memref_slice %arg2[%dma_start3A_56, %dma_start3A_57] : memref<8192x128xf32, #tpu.memory_space<hbm>> -> memref<8192x128xf32, #tpu.memory_space<hbm>>
    tpu.enqueue_indirect_dma source(%dma_start3A_58 : memref<8192x128xf32, #tpu.memory_space<hbm>>) target(%arg7 : memref<128x128xf32, #tpu.memory_space<vmem>>) offsets(%dma_start3A_55 : memref<128xi32, #tpu.memory_space<vmem>>) semaphore(%arg10 : memref<!tpu.dma_semaphore, #tpu.memory_space<semaphore_mem>>)
    %dma_wait3A_59 = arith.constant 2 : i32
    %dma_wait3A_60 = arith.constant 0 : i32
    %dma_wait3A_61 = tpu.memref_slice %arg6[%dma_wait3A_59, %dma_wait3A_60] : memref<4x128xi32, #tpu.memory_space<vmem>> -> memref<1x128xi32, #tpu.memory_space<vmem>>
    %dma_wait3A_62 = tpu.memref_squeeze %dma_wait3A_61 : memref<1x128xi32, #tpu.memory_space<vmem>> -> memref<128xi32, #tpu.memory_space<vmem>>
    %dma_wait3A_63 = arith.constant 0 : i32
    %dma_wait3A_64 = arith.constant 0 : i32
    %dma_wait3A_65 = tpu.memref_slice %arg2[%dma_wait3A_63, %dma_wait3A_64] : memref<8192x128xf32, #tpu.memory_space<hbm>> -> memref<8192x128xf32, #tpu.memory_space<hbm>>
    tpu.wait_indirect_dma semaphore(%arg10 : memref<!tpu.dma_semaphore, #tpu.memory_space<semaphore_mem>>) src(%dma_wait3A_65 : memref<8192x128xf32, #tpu.memory_space<hbm>>) dst(%arg7 : memref<128x128xf32, #tpu.memory_space<vmem>>)
    %scan3A_66 = arith.constant 0 : i32
    %scan3A_67 = arith.constant 8 : i32
    %scan3A_68 = arith.addi %scan3A_66, %scan3A_67 : i32
    %scan3A_69 = arith.constant 1 : i32
    %scan3A_70 = scf.for %scan3A_95 = %scan3A_66 to %scan3A_68 step %scan3A_69 iter_args(%scan3A_96 = %scan3A_50) -> (vector<16xf32>)  : i32 {
      %mul3A_97 = arith.constant 16 : i32
      %mul3A_98 = arith.muli %scan3A_95, %mul3A_97 : i32
      %add3A_99 = vector.broadcast %mul3A_98 : i32 to vector<16xi32>
      %add3A_100 = arith.addi %add3A_99, %iota3A : vector<16xi32>
      %broadcast_in_dim3A_101 = arith.constant 0.000000e+00 : f32
      %broadcast_in_dim3A_102 = vector.broadcast %broadcast_in_dim3A_101 : f32 to vector<16xf32>
      %broadcast_in_dim3A_103 = arith.constant 0.000000e+00 : f32
      %broadcast_in_dim3A_104 = vector.broadcast %broadcast_in_dim3A_103 : f32 to vector<16xf32>
      %broadcast_in_dim3A_105 = arith.constant 0 : i32
      %broadcast_in_dim3A_106 = vector.broadcast %broadcast_in_dim3A_105 : i32 to vector<16xi32>
      %add3A_107 = arith.constant 256 : i32
      %add3A_108 = vector.broadcast %add3A_107 : i32 to vector<16xi32>
      %add3A_109 = arith.addi %add3A_108, %add3A_100 : vector<16xi32>
      %gather3A = tpu.vector_load_idx %arg8[%add3A_109, %broadcast_in_dim3A_106] : memref<512x32xf32, #tpu.memory_space<vmem>>[vector<16xi32>, vector<16xi32>], vector<16xf32>,
      %gather3A_110 = tpu.vector_load_idx %arg7[%add3A_100, %broadcast_in_dim3A_106] : memref<128x128xf32, #tpu.memory_space<vmem>>[vector<16xi32>, vector<16xi32>], vector<16xf32>,
      %mul3A_111 = arith.mulf %gather3A, %gather3A_110 : vector<16xf32>
      %add3A_112 = arith.addf %broadcast_in_dim3A_102, %mul3A_111 : vector<16xf32>
      %mul3A_113 = arith.mulf %gather3A, %gather3A : vector<16xf32>
      %add3A_114 = arith.addf %broadcast_in_dim3A_104, %mul3A_113 : vector<16xf32>
      %broadcast_in_dim3A_115 = arith.constant 1 : i32
      %broadcast_in_dim3A_116 = vector.broadcast %broadcast_in_dim3A_115 : i32 to vector<16xi32>
      %add3A_117 = arith.constant 256 : i32
      %add3A_118 = vector.broadcast %add3A_117 : i32 to vector<16xi32>
      %add3A_119 = arith.addi %add3A_118, %add3A_100 : vector<16xi32>
      %gather3A_120 = tpu.vector_load_idx %arg8[%add3A_119, %broadcast_in_dim3A_116] : memref<512x32xf32, #tpu.memory_space<vmem>>[vector<16xi32>, vector<16xi32>], vector<16xf32>,
      %gather3A_121 = tpu.vector_load_idx %arg7[%add3A_100, %broadcast_in_dim3A_116] : memref<128x128xf32, #tpu.memory_space<vmem>>[vector<16xi32>, vector<16xi32>], vector<16xf32>,
      %mul3A_122 = arith.mulf %gather3A_120, %gather3A_121 : vector<16xf32>
      %add3A_123 = arith.addf %add3A_112, %mul3A_122 : vector<16xf32>
      %mul3A_124 = arith.mulf %gather3A_120, %gather3A_120 : vector<16xf32>
      %add3A_125 = arith.addf %add3A_114, %mul3A_124 : vector<16xf32>
      %broadcast_in_dim3A_126 = arith.constant 2 : i32
      %broadcast_in_dim3A_127 = vector.broadcast %broadcast_in_dim3A_126 : i32 to vector<16xi32>
      %add3A_128 = arith.constant 256 : i32
      %add3A_129 = vector.broadcast %add3A_128 : i32 to vector<16xi32>
      %add3A_130 = arith.addi %add3A_129, %add3A_100 : vector<16xi32>
      %gather3A_131 = tpu.vector_load_idx %arg8[%add3A_130, %broadcast_in_dim3A_127] : memref<512x32xf32, #tpu.memory_space<vmem>>[vector<16xi32>, vector<16xi32>], vector<16xf32>,
      %gather3A_132 = tpu.vector_load_idx %arg7[%add3A_100, %broadcast_in_dim3A_127] : memref<128x128xf32, #tpu.memory_space<vmem>>[vector<16xi32>, vector<16xi32>], vector<16xf32>,
      %mul3A_133 = arith.mulf %gather3A_131, %gather3A_132 : vector<16xf32>
      %add3A_134 = arith.addf %add3A_123, %mul3A_133 : vector<16xf32>
      %mul3A_135 = arith.mulf %gather3A_131, %gather3A_131 : vector<16xf32>
      %add3A_136 = arith.addf %add3A_125, %mul3A_135 : vector<16xf32>
      %broadcast_in_dim3A_137 = arith.constant 3 : i32
      %broadcast_in_dim3A_138 = vector.broadcast %broadcast_in_dim3A_137 : i32 to vector<16xi32>
      %add3A_139 = arith.constant 256 : i32
      %add3A_140 = vector.broadcast %add3A_139 : i32 to vector<16xi32>
      %add3A_141 = arith.addi %add3A_140, %add3A_100 : vector<16xi32>
      %gather3A_142 = tpu.vector_load_idx %arg8[%add3A_141, %broadcast_in_dim3A_138] : memref<512x32xf32, #tpu.memory_space<vmem>>[vector<16xi32>, vector<16xi32>], vector<16xf32>,
      %gather3A_143 = tpu.vector_load_idx %arg7[%add3A_100, %broadcast_in_dim3A_138] : memref<128x128xf32, #tpu.memory_space<vmem>>[vector<16xi32>, vector<16xi32>], vector<16xf32>,
      %mul3A_144 = arith.mulf %gather3A_142, %gather3A_143 : vector<16xf32>
      %add3A_145 = arith.addf %add3A_134, %mul3A_144 : vector<16xf32>
      %mul3A_146 = arith.mulf %gather3A_142, %gather3A_142 : vector<16xf32>
      %add3A_147 = arith.addf %add3A_136, %mul3A_146 : vector<16xf32>
      %broadcast_in_dim3A_148 = arith.constant 4 : i32
      %broadcast_in_dim3A_149 = vector.broadcast %broadcast_in_dim3A_148 : i32 to vector<16xi32>
      %add3A_150 = arith.constant 256 : i32
      %add3A_151 = vector.broadcast %add3A_150 : i32 to vector<16xi32>
      %add3A_152 = arith.addi %add3A_151, %add3A_100 : vector<16xi32>
      %gather3A_153 = tpu.vector_load_idx %arg8[%add3A_152, %broadcast_in_dim3A_149] : memref<512x32xf32, #tpu.memory_space<vmem>>[vector<16xi32>, vector<16xi32>], vector<16xf32>,
      %gather3A_154 = tpu.vector_load_idx %arg7[%add3A_100, %broadcast_in_dim3A_149] : memref<128x128xf32, #tpu.memory_space<vmem>>[vector<16xi32>, vector<16xi32>], vector<16xf32>,
      %mul3A_155 = arith.mulf %gather3A_153, %gather3A_154 : vector<16xf32>
      %add3A_156 = arith.addf %add3A_145, %mul3A_155 : vector<16xf32>
      %mul3A_157 = arith.mulf %gather3A_153, %gather3A_153 : vector<16xf32>
      %add3A_158 = arith.addf %add3A_147, %mul3A_157 : vector<16xf32>
      %broadcast_in_dim3A_159 = arith.constant 5 : i32
      %broadcast_in_dim3A_160 = vector.broadcast %broadcast_in_dim3A_159 : i32 to vector<16xi32>
      %add3A_161 = arith.constant 256 : i32
      %add3A_162 = vector.broadcast %add3A_161 : i32 to vector<16xi32>
      %add3A_163 = arith.addi %add3A_162, %add3A_100 : vector<16xi32>
      %gather3A_164 = tpu.vector_load_idx %arg8[%add3A_163, %broadcast_in_dim3A_160] : memref<512x32xf32, #tpu.memory_space<vmem>>[vector<16xi32>, vector<16xi32>], vector<16xf32>,
      %gather3A_165 = tpu.vector_load_idx %arg7[%add3A_100, %broadcast_in_dim3A_160] : memref<128x128xf32, #tpu.memory_space<vmem>>[vector<16xi32>, vector<16xi32>], vector<16xf32>,
      %mul3A_166 = arith.mulf %gather3A_164, %gather3A_165 : vector<16xf32>
      %add3A_167 = arith.addf %add3A_156, %mul3A_166 : vector<16xf32>
      %mul3A_168 = arith.mulf %gather3A_164, %gather3A_164 : vector<16xf32>
      %add3A_169 = arith.addf %add3A_158, %mul3A_168 : vector<16xf32>
      %broadcast_in_dim3A_170 = arith.constant 6 : i32
      %broadcast_in_dim3A_171 = vector.broadcast %broadcast_in_dim3A_170 : i32 to vector<16xi32>
      %add3A_172 = arith.constant 256 : i32
      %add3A_173 = vector.broadcast %add3A_172 : i32 to vector<16xi32>
      %add3A_174 = arith.addi %add3A_173, %add3A_100 : vector<16xi32>
      %gather3A_175 = tpu.vector_load_idx %arg8[%add3A_174, %broadcast_in_dim3A_171] : memref<512x32xf32, #tpu.memory_space<vmem>>[vector<16xi32>, vector<16xi32>], vector<16xf32>,
      %gather3A_176 = tpu.vector_load_idx %arg7[%add3A_100, %broadcast_in_dim3A_171] : memref<128x128xf32, #tpu.memory_space<vmem>>[vector<16xi32>, vector<16xi32>], vector<16xf32>,
      %mul3A_177 = arith.mulf %gather3A_175, %gather3A_176 : vector<16xf32>
      %add3A_178 = arith.addf %add3A_167, %mul3A_177 : vector<16xf32>
      %mul3A_179 = arith.mulf %gather3A_175, %gather3A_175 : vector<16xf32>
      %add3A_180 = arith.addf %add3A_169, %mul3A_179 : vector<16xf32>
      %broadcast_in_dim3A_181 = arith.constant 7 : i32
      %broadcast_in_dim3A_182 = vector.broadcast %broadcast_in_dim3A_181 : i32 to vector<16xi32>
      %add3A_183 = arith.constant 256 : i32
      %add3A_184 = vector.broadcast %add3A_183 : i32 to vector<16xi32>
      %add3A_185 = arith.addi %add3A_184, %add3A_100 : vector<16xi32>
      %gather3A_186 = tpu.vector_load_idx %arg8[%add3A_185, %broadcast_in_dim3A_182] : memref<512x32xf32, #tpu.memory_space<vmem>>[vector<16xi32>, vector<16xi32>], vector<16xf32>,
      %gather3A_187 = tpu.vector_load_idx %arg7[%add3A_100, %broadcast_in_dim3A_182] : memref<128x128xf32, #tpu.memory_space<vmem>>[vector<16xi32>, vector<16xi32>], vector<16xf32>,
      %mul3A_188 = arith.mulf %gather3A_186, %gather3A_187 : vector<16xf32>
      %add3A_189 = arith.addf %add3A_178, %mul3A_188 : vector<16xf32>
      %mul3A_190 = arith.mulf %gather3A_186, %gather3A_186 : vector<16xf32>
      %add3A_191 = arith.addf %add3A_180, %mul3A_190 : vector<16xf32>
      %broadcast_in_dim3A_192 = arith.constant 8 : i32
      %broadcast_in_dim3A_193 = vector.broadcast %broadcast_in_dim3A_192 : i32 to vector<16xi32>
      %add3A_194 = arith.constant 256 : i32
      %add3A_195 = vector.broadcast %add3A_194 : i32 to vector<16xi32>
      %add3A_196 = arith.addi %add3A_195, %add3A_100 : vector<16xi32>
      %gather3A_197 = tpu.vector_load_idx %arg8[%add3A_196, %broadcast_in_dim3A_193] : memref<512x32xf32, #tpu.memory_space<vmem>>[vector<16xi32>, vector<16xi32>], vector<16xf32>,
      %gather3A_198 = tpu.vector_load_idx %arg7[%add3A_100, %broadcast_in_dim3A_193] : memref<128x128xf32, #tpu.memory_space<vmem>>[vector<16xi32>, vector<16xi32>], vector<16xf32>,
      %mul3A_199 = arith.mulf %gather3A_197, %gather3A_198 : vector<16xf32>
      %add3A_200 = arith.addf %add3A_189, %mul3A_199 : vector<16xf32>
      %mul3A_201 = arith.mulf %gather3A_197, %gather3A_197 : vector<16xf32>
      %add3A_202 = arith.addf %add3A_191, %mul3A_201 : vector<16xf32>
      %broadcast_in_dim3A_203 = arith.constant 9 : i32
      %broadcast_in_dim3A_204 = vector.broadcast %broadcast_in_dim3A_203 : i32 to vector<16xi32>
      %add3A_205 = arith.constant 256 : i32
      %add3A_206 = vector.broadcast %add3A_205 : i32 to vector<16xi32>
      %add3A_207 = arith.addi %add3A_206, %add3A_100 : vector<16xi32>
      %gather3A_208 = tpu.vector_load_idx %arg8[%add3A_207, %broadcast_in_dim3A_204] : memref<512x32xf32, #tpu.memory_space<vmem>>[vector<16xi32>, vector<16xi32>], vector<16xf32>,
      %gather3A_209 = tpu.vector_load_idx %arg7[%add3A_100, %broadcast_in_dim3A_204] : memref<128x128xf32, #tpu.memory_space<vmem>>[vector<16xi32>, vector<16xi32>], vector<16xf32>,
      %mul3A_210 = arith.mulf %gather3A_208, %gather3A_209 : vector<16xf32>
      %add3A_211 = arith.addf %add3A_200, %mul3A_210 : vector<16xf32>
      %mul3A_212 = arith.mulf %gather3A_208, %gather3A_208 : vector<16xf32>
      %add3A_213 = arith.addf %add3A_202, %mul3A_212 : vector<16xf32>
      %broadcast_in_dim3A_214 = arith.constant 10 : i32
      %broadcast_in_dim3A_215 = vector.broadcast %broadcast_in_dim3A_214 : i32 to vector<16xi32>
      %add3A_216 = arith.constant 256 : i32
      %add3A_217 = vector.broadcast %add3A_216 : i32 to vector<16xi32>
      %add3A_218 = arith.addi %add3A_217, %add3A_100 : vector<16xi32>
      %gather3A_219 = tpu.vector_load_idx %arg8[%add3A_218, %broadcast_in_dim3A_215] : memref<512x32xf32, #tpu.memory_space<vmem>>[vector<16xi32>, vector<16xi32>], vector<16xf32>,
      %gather3A_220 = tpu.vector_load_idx %arg7[%add3A_100, %broadcast_in_dim3A_215] : memref<128x128xf32, #tpu.memory_space<vmem>>[vector<16xi32>, vector<16xi32>], vector<16xf32>,
      %mul3A_221 = arith.mulf %gather3A_219, %gather3A_220 : vector<16xf32>
      %add3A_222 = arith.addf %add3A_211, %mul3A_221 : vector<16xf32>
      %mul3A_223 = arith.mulf %gather3A_219, %gather3A_219 : vector<16xf32>
      %add3A_224 = arith.addf %add3A_213, %mul3A_223 : vector<16xf32>
      %broadcast_in_dim3A_225 = arith.constant 11 : i32
      %broadcast_in_dim3A_226 = vector.broadcast %broadcast_in_dim3A_225 : i32 to vector<16xi32>
      %add3A_227 = arith.constant 256 : i32
      %add3A_228 = vector.broadcast %add3A_227 : i32 to vector<16xi32>
      %add3A_229 = arith.addi %add3A_228, %add3A_100 : vector<16xi32>
      %gather3A_230 = tpu.vector_load_idx %arg8[%add3A_229, %broadcast_in_dim3A_226] : memref<512x32xf32, #tpu.memory_space<vmem>>[vector<16xi32>, vector<16xi32>], vector<16xf32>,
      %gather3A_231 = tpu.vector_load_idx %arg7[%add3A_100, %broadcast_in_dim3A_226] : memref<128x128xf32, #tpu.memory_space<vmem>>[vector<16xi32>, vector<16xi32>], vector<16xf32>,
      %mul3A_232 = arith.mulf %gather3A_230, %gather3A_231 : vector<16xf32>
      %add3A_233 = arith.addf %add3A_222, %mul3A_232 : vector<16xf32>
      %mul3A_234 = arith.mulf %gather3A_230, %gather3A_230 : vector<16xf32>
      %add3A_235 = arith.addf %add3A_224, %mul3A_234 : vector<16xf32>
      %broadcast_in_dim3A_236 = arith.constant 12 : i32
      %broadcast_in_dim3A_237 = vector.broadcast %broadcast_in_dim3A_236 : i32 to vector<16xi32>
      %add3A_238 = arith.constant 256 : i32
      %add3A_239 = vector.broadcast %add3A_238 : i32 to vector<16xi32>
      %add3A_240 = arith.addi %add3A_239, %add3A_100 : vector<16xi32>
      %gather3A_241 = tpu.vector_load_idx %arg8[%add3A_240, %broadcast_in_dim3A_237] : memref<512x32xf32, #tpu.memory_space<vmem>>[vector<16xi32>, vector<16xi32>], vector<16xf32>,
      %gather3A_242 = tpu.vector_load_idx %arg7[%add3A_100, %broadcast_in_dim3A_237] : memref<128x128xf32, #tpu.memory_space<vmem>>[vector<16xi32>, vector<16xi32>], vector<16xf32>,
      %mul3A_243 = arith.mulf %gather3A_241, %gather3A_242 : vector<16xf32>
      %add3A_244 = arith.addf %add3A_233, %mul3A_243 : vector<16xf32>
      %mul3A_245 = arith.mulf %gather3A_241, %gather3A_241 : vector<16xf32>
      %add3A_246 = arith.addf %add3A_235, %mul3A_245 : vector<16xf32>
      %broadcast_in_dim3A_247 = arith.constant 13 : i32
      %broadcast_in_dim3A_248 = vector.broadcast %broadcast_in_dim3A_247 : i32 to vector<16xi32>
      %add3A_249 = arith.constant 256 : i32
      %add3A_250 = vector.broadcast %add3A_249 : i32 to vector<16xi32>
      %add3A_251 = arith.addi %add3A_250, %add3A_100 : vector<16xi32>
      %gather3A_252 = tpu.vector_load_idx %arg8[%add3A_251, %broadcast_in_dim3A_248] : memref<512x32xf32, #tpu.memory_space<vmem>>[vector<16xi32>, vector<16xi32>], vector<16xf32>,
      %gather3A_253 = tpu.vector_load_idx %arg7[%add3A_100, %broadcast_in_dim3A_248] : memref<128x128xf32, #tpu.memory_space<vmem>>[vector<16xi32>, vector<16xi32>], vector<16xf32>,
      %mul3A_254 = arith.mulf %gather3A_252, %gather3A_253 : vector<16xf32>
      %add3A_255 = arith.addf %add3A_244, %mul3A_254 : vector<16xf32>
      %mul3A_256 = arith.mulf %gather3A_252, %gather3A_252 : vector<16xf32>
      %add3A_257 = arith.addf %add3A_246, %mul3A_256 : vector<16xf32>
      %broadcast_in_dim3A_258 = arith.constant 14 : i32
      %broadcast_in_dim3A_259 = vector.broadcast %broadcast_in_dim3A_258 : i32 to vector<16xi32>
      %add3A_260 = arith.constant 256 : i32
      %add3A_261 = vector.broadcast %add3A_260 : i32 to vector<16xi32>
      %add3A_262 = arith.addi %add3A_261, %add3A_100 : vector<16xi32>
      %gather3A_263 = tpu.vector_load_idx %arg8[%add3A_262, %broadcast_in_dim3A_259] : memref<512x32xf32, #tpu.memory_space<vmem>>[vector<16xi32>, vector<16xi32>], vector<16xf32>,
      %gather3A_264 = tpu.vector_load_idx %arg7[%add3A_100, %broadcast_in_dim3A_259] : memref<128x128xf32, #tpu.memory_space<vmem>>[vector<16xi32>, vector<16xi32>], vector<16xf32>,
      %mul3A_265 = arith.mulf %gather3A_263, %gather3A_264 : vector<16xf32>
      %add3A_266 = arith.addf %add3A_255, %mul3A_265 : vector<16xf32>
      %mul3A_267 = arith.mulf %gather3A_263, %gather3A_263 : vector<16xf32>
      %add3A_268 = arith.addf %add3A_257, %mul3A_267 : vector<16xf32>
      %broadcast_in_dim3A_269 = arith.constant 15 : i32
      %broadcast_in_dim3A_270 = vector.broadcast %broadcast_in_dim3A_269 : i32 to vector<16xi32>
      %add3A_271 = arith.constant 256 : i32
      %add3A_272 = vector.broadcast %add3A_271 : i32 to vector<16xi32>
      %add3A_273 = arith.addi %add3A_272, %add3A_100 : vector<16xi32>
      %gather3A_274 = tpu.vector_load_idx %arg8[%add3A_273, %broadcast_in_dim3A_270] : memref<512x32xf32, #tpu.memory_space<vmem>>[vector<16xi32>, vector<16xi32>], vector<16xf32>,
      %gather3A_275 = tpu.vector_load_idx %arg7[%add3A_100, %broadcast_in_dim3A_270] : memref<128x128xf32, #tpu.memory_space<vmem>>[vector<16xi32>, vector<16xi32>], vector<16xf32>,
      %mul3A_276 = arith.mulf %gather3A_274, %gather3A_275 : vector<16xf32>
      %add3A_277 = arith.addf %add3A_266, %mul3A_276 : vector<16xf32>
      %mul3A_278 = arith.mulf %gather3A_274, %gather3A_274 : vector<16xf32>
      %add3A_279 = arith.addf %add3A_268, %mul3A_278 : vector<16xf32>
      %broadcast_in_dim3A_280 = arith.constant 16 : i32
      %broadcast_in_dim3A_281 = vector.broadcast %broadcast_in_dim3A_280 : i32 to vector<16xi32>
      %add3A_282 = arith.constant 256 : i32
      %add3A_283 = vector.broadcast %add3A_282 : i32 to vector<16xi32>
      %add3A_284 = arith.addi %add3A_283, %add3A_100 : vector<16xi32>
      %gather3A_285 = tpu.vector_load_idx %arg8[%add3A_284, %broadcast_in_dim3A_281] : memref<512x32xf32, #tpu.memory_space<vmem>>[vector<16xi32>, vector<16xi32>], vector<16xf32>,
      %gather3A_286 = tpu.vector_load_idx %arg7[%add3A_100, %broadcast_in_dim3A_281] : memref<128x128xf32, #tpu.memory_space<vmem>>[vector<16xi32>, vector<16xi32>], vector<16xf32>,
      %mul3A_287 = arith.mulf %gather3A_285, %gather3A_286 : vector<16xf32>
      %add3A_288 = arith.addf %add3A_277, %mul3A_287 : vector<16xf32>
      %mul3A_289 = arith.mulf %gather3A_285, %gather3A_285 : vector<16xf32>
      %add3A_290 = arith.addf %add3A_279, %mul3A_289 : vector<16xf32>
      %broadcast_in_dim3A_291 = arith.constant 17 : i32
      %broadcast_in_dim3A_292 = vector.broadcast %broadcast_in_dim3A_291 : i32 to vector<16xi32>
      %add3A_293 = arith.constant 256 : i32
      %add3A_294 = vector.broadcast %add3A_293 : i32 to vector<16xi32>
      %add3A_295 = arith.addi %add3A_294, %add3A_100 : vector<16xi32>
      %gather3A_296 = tpu.vector_load_idx %arg8[%add3A_295, %broadcast_in_dim3A_292] : memref<512x32xf32, #tpu.memory_space<vmem>>[vector<16xi32>, vector<16xi32>], vector<16xf32>,
      %gather3A_297 = tpu.vector_load_idx %arg7[%add3A_100, %broadcast_in_dim3A_292] : memref<128x128xf32, #tpu.memory_space<vmem>>[vector<16xi32>, vector<16xi32>], vector<16xf32>,
      %mul3A_298 = arith.mulf %gather3A_296, %gather3A_297 : vector<16xf32>
      %add3A_299 = arith.addf %add3A_288, %mul3A_298 : vector<16xf32>
      %mul3A_300 = arith.mulf %gather3A_296, %gather3A_296 : vector<16xf32>
      %add3A_301 = arith.addf %add3A_290, %mul3A_300 : vector<16xf32>
      %broadcast_in_dim3A_302 = arith.constant 18 : i32
      %broadcast_in_dim3A_303 = vector.broadcast %broadcast_in_dim3A_302 : i32 to vector<16xi32>
      %add3A_304 = arith.constant 256 : i32
      %add3A_305 = vector.broadcast %add3A_304 : i32 to vector<16xi32>
      %add3A_306 = arith.addi %add3A_305, %add3A_100 : vector<16xi32>
      %gather3A_307 = tpu.vector_load_idx %arg8[%add3A_306, %broadcast_in_dim3A_303] : memref<512x32xf32, #tpu.memory_space<vmem>>[vector<16xi32>, vector<16xi32>], vector<16xf32>,
      %gather3A_308 = tpu.vector_load_idx %arg7[%add3A_100, %broadcast_in_dim3A_303] : memref<128x128xf32, #tpu.memory_space<vmem>>[vector<16xi32>, vector<16xi32>], vector<16xf32>,
      %mul3A_309 = arith.mulf %gather3A_307, %gather3A_308 : vector<16xf32>
      %add3A_310 = arith.addf %add3A_299, %mul3A_309 : vector<16xf32>
      %mul3A_311 = arith.mulf %gather3A_307, %gather3A_307 : vector<16xf32>
      %add3A_312 = arith.addf %add3A_301, %mul3A_311 : vector<16xf32>
      %broadcast_in_dim3A_313 = arith.constant 19 : i32
      %broadcast_in_dim3A_314 = vector.broadcast %broadcast_in_dim3A_313 : i32 to vector<16xi32>
      %add3A_315 = arith.constant 256 : i32
      %add3A_316 = vector.broadcast %add3A_315 : i32 to vector<16xi32>
      %add3A_317 = arith.addi %add3A_316, %add3A_100 : vector<16xi32>
      %gather3A_318 = tpu.vector_load_idx %arg8[%add3A_317, %broadcast_in_dim3A_314] : memref<512x32xf32, #tpu.memory_space<vmem>>[vector<16xi32>, vector<16xi32>], vector<16xf32>,
      %gather3A_319 = tpu.vector_load_idx %arg7[%add3A_100, %broadcast_in_dim3A_314] : memref<128x128xf32, #tpu.memory_space<vmem>>[vector<16xi32>, vector<16xi32>], vector<16xf32>,
      %mul3A_320 = arith.mulf %gather3A_318, %gather3A_319 : vector<16xf32>
      %add3A_321 = arith.addf %add3A_310, %mul3A_320 : vector<16xf32>
      %mul3A_322 = arith.mulf %gather3A_318, %gather3A_318 : vector<16xf32>
      %add3A_323 = arith.addf %add3A_312, %mul3A_322 : vector<16xf32>
      %broadcast_in_dim3A_324 = arith.constant 20 : i32
      %broadcast_in_dim3A_325 = vector.broadcast %broadcast_in_dim3A_324 : i32 to vector<16xi32>
      %add3A_326 = arith.constant 256 : i32
      %add3A_327 = vector.broadcast %add3A_326 : i32 to vector<16xi32>
      %add3A_328 = arith.addi %add3A_327, %add3A_100 : vector<16xi32>
      %gather3A_329 = tpu.vector_load_idx %arg8[%add3A_328, %broadcast_in_dim3A_325] : memref<512x32xf32, #tpu.memory_space<vmem>>[vector<16xi32>, vector<16xi32>], vector<16xf32>,
      %gather3A_330 = tpu.vector_load_idx %arg7[%add3A_100, %broadcast_in_dim3A_325] : memref<128x128xf32, #tpu.memory_space<vmem>>[vector<16xi32>, vector<16xi32>], vector<16xf32>,
      %mul3A_331 = arith.mulf %gather3A_329, %gather3A_330 : vector<16xf32>
      %add3A_332 = arith.addf %add3A_321, %mul3A_331 : vector<16xf32>
      %mul3A_333 = arith.mulf %gather3A_329, %gather3A_329 : vector<16xf32>
      %add3A_334 = arith.addf %add3A_323, %mul3A_333 : vector<16xf32>
      %broadcast_in_dim3A_335 = arith.constant 21 : i32
      %broadcast_in_dim3A_336 = vector.broadcast %broadcast_in_dim3A_335 : i32 to vector<16xi32>
      %add3A_337 = arith.constant 256 : i32
      %add3A_338 = vector.broadcast %add3A_337 : i32 to vector<16xi32>
      %add3A_339 = arith.addi %add3A_338, %add3A_100 : vector<16xi32>
      %gather3A_340 = tpu.vector_load_idx %arg8[%add3A_339, %broadcast_in_dim3A_336] : memref<512x32xf32, #tpu.memory_space<vmem>>[vector<16xi32>, vector<16xi32>], vector<16xf32>,
      %gather3A_341 = tpu.vector_load_idx %arg7[%add3A_100, %broadcast_in_dim3A_336] : memref<128x128xf32, #tpu.memory_space<vmem>>[vector<16xi32>, vector<16xi32>], vector<16xf32>,
      %mul3A_342 = arith.mulf %gather3A_340, %gather3A_341 : vector<16xf32>
      %add3A_343 = arith.addf %add3A_332, %mul3A_342 : vector<16xf32>
      %mul3A_344 = arith.mulf %gather3A_340, %gather3A_340 : vector<16xf32>
      %add3A_345 = arith.addf %add3A_334, %mul3A_344 : vector<16xf32>
      %broadcast_in_dim3A_346 = arith.constant 22 : i32
      %broadcast_in_dim3A_347 = vector.broadcast %broadcast_in_dim3A_346 : i32 to vector<16xi32>
      %add3A_348 = arith.constant 256 : i32
      %add3A_349 = vector.broadcast %add3A_348 : i32 to vector<16xi32>
      %add3A_350 = arith.addi %add3A_349, %add3A_100 : vector<16xi32>
      %gather3A_351 = tpu.vector_load_idx %arg8[%add3A_350, %broadcast_in_dim3A_347] : memref<512x32xf32, #tpu.memory_space<vmem>>[vector<16xi32>, vector<16xi32>], vector<16xf32>,
      %gather3A_352 = tpu.vector_load_idx %arg7[%add3A_100, %broadcast_in_dim3A_347] : memref<128x128xf32, #tpu.memory_space<vmem>>[vector<16xi32>, vector<16xi32>], vector<16xf32>,
      %mul3A_353 = arith.mulf %gather3A_351, %gather3A_352 : vector<16xf32>
      %add3A_354 = arith.addf %add3A_343, %mul3A_353 : vector<16xf32>
      %mul3A_355 = arith.mulf %gather3A_351, %gather3A_351 : vector<16xf32>
      %add3A_356 = arith.addf %add3A_345, %mul3A_355 : vector<16xf32>
      %broadcast_in_dim3A_357 = arith.constant 23 : i32
      %broadcast_in_dim3A_358 = vector.broadcast %broadcast_in_dim3A_357 : i32 to vector<16xi32>
      %add3A_359 = arith.constant 256 : i32
      %add3A_360 = vector.broadcast %add3A_359 : i32 to vector<16xi32>
      %add3A_361 = arith.addi %add3A_360, %add3A_100 : vector<16xi32>
      %gather3A_362 = tpu.vector_load_idx %arg8[%add3A_361, %broadcast_in_dim3A_358] : memref<512x32xf32, #tpu.memory_space<vmem>>[vector<16xi32>, vector<16xi32>], vector<16xf32>,
      %gather3A_363 = tpu.vector_load_idx %arg7[%add3A_100, %broadcast_in_dim3A_358] : memref<128x128xf32, #tpu.memory_space<vmem>>[vector<16xi32>, vector<16xi32>], vector<16xf32>,
      %mul3A_364 = arith.mulf %gather3A_362, %gather3A_363 : vector<16xf32>
      %add3A_365 = arith.addf %add3A_354, %mul3A_364 : vector<16xf32>
      %mul3A_366 = arith.mulf %gather3A_362, %gather3A_362 : vector<16xf32>
      %add3A_367 = arith.addf %add3A_356, %mul3A_366 : vector<16xf32>
      %broadcast_in_dim3A_368 = arith.constant 24 : i32
      %broadcast_in_dim3A_369 = vector.broadcast %broadcast_in_dim3A_368 : i32 to vector<16xi32>
      %add3A_370 = arith.constant 256 : i32
      %add3A_371 = vector.broadcast %add3A_370 : i32 to vector<16xi32>
      %add3A_372 = arith.addi %add3A_371, %add3A_100 : vector<16xi32>
      %gather3A_373 = tpu.vector_load_idx %arg8[%add3A_372, %broadcast_in_dim3A_369] : memref<512x32xf32, #tpu.memory_space<vmem>>[vector<16xi32>, vector<16xi32>], vector<16xf32>,
      %gather3A_374 = tpu.vector_load_idx %arg7[%add3A_100, %broadcast_in_dim3A_369] : memref<128x128xf32, #tpu.memory_space<vmem>>[vector<16xi32>, vector<16xi32>], vector<16xf32>,
      %mul3A_375 = arith.mulf %gather3A_373, %gather3A_374 : vector<16xf32>
      %add3A_376 = arith.addf %add3A_365, %mul3A_375 : vector<16xf32>
      %mul3A_377 = arith.mulf %gather3A_373, %gather3A_373 : vector<16xf32>
      %add3A_378 = arith.addf %add3A_367, %mul3A_377 : vector<16xf32>
      %broadcast_in_dim3A_379 = arith.constant 25 : i32
      %broadcast_in_dim3A_380 = vector.broadcast %broadcast_in_dim3A_379 : i32 to vector<16xi32>
      %add3A_381 = arith.constant 256 : i32
      %add3A_382 = vector.broadcast %add3A_381 : i32 to vector<16xi32>
      %add3A_383 = arith.addi %add3A_382, %add3A_100 : vector<16xi32>
      %gather3A_384 = tpu.vector_load_idx %arg8[%add3A_383, %broadcast_in_dim3A_380] : memref<512x32xf32, #tpu.memory_space<vmem>>[vector<16xi32>, vector<16xi32>], vector<16xf32>,
      %gather3A_385 = tpu.vector_load_idx %arg7[%add3A_100, %broadcast_in_dim3A_380] : memref<128x128xf32, #tpu.memory_space<vmem>>[vector<16xi32>, vector<16xi32>], vector<16xf32>,
      %mul3A_386 = arith.mulf %gather3A_384, %gather3A_385 : vector<16xf32>
      %add3A_387 = arith.addf %add3A_376, %mul3A_386 : vector<16xf32>
      %mul3A_388 = arith.mulf %gather3A_384, %gather3A_384 : vector<16xf32>
      %add3A_389 = arith.addf %add3A_378, %mul3A_388 : vector<16xf32>
      %broadcast_in_dim3A_390 = arith.constant 26 : i32
      %broadcast_in_dim3A_391 = vector.broadcast %broadcast_in_dim3A_390 : i32 to vector<16xi32>
      %add3A_392 = arith.constant 256 : i32
      %add3A_393 = vector.broadcast %add3A_392 : i32 to vector<16xi32>
      %add3A_394 = arith.addi %add3A_393, %add3A_100 : vector<16xi32>
      %gather3A_395 = tpu.vector_load_idx %arg8[%add3A_394, %broadcast_in_dim3A_391] : memref<512x32xf32, #tpu.memory_space<vmem>>[vector<16xi32>, vector<16xi32>], vector<16xf32>,
      %gather3A_396 = tpu.vector_load_idx %arg7[%add3A_100, %broadcast_in_dim3A_391] : memref<128x128xf32, #tpu.memory_space<vmem>>[vector<16xi32>, vector<16xi32>], vector<16xf32>,
      %mul3A_397 = arith.mulf %gather3A_395, %gather3A_396 : vector<16xf32>
      %add3A_398 = arith.addf %add3A_387, %mul3A_397 : vector<16xf32>
      %mul3A_399 = arith.mulf %gather3A_395, %gather3A_395 : vector<16xf32>
      %add3A_400 = arith.addf %add3A_389, %mul3A_399 : vector<16xf32>
      %broadcast_in_dim3A_401 = arith.constant 27 : i32
      %broadcast_in_dim3A_402 = vector.broadcast %broadcast_in_dim3A_401 : i32 to vector<16xi32>
      %add3A_403 = arith.constant 256 : i32
      %add3A_404 = vector.broadcast %add3A_403 : i32 to vector<16xi32>
      %add3A_405 = arith.addi %add3A_404, %add3A_100 : vector<16xi32>
      %gather3A_406 = tpu.vector_load_idx %arg8[%add3A_405, %broadcast_in_dim3A_402] : memref<512x32xf32, #tpu.memory_space<vmem>>[vector<16xi32>, vector<16xi32>], vector<16xf32>,
      %gather3A_407 = tpu.vector_load_idx %arg7[%add3A_100, %broadcast_in_dim3A_402] : memref<128x128xf32, #tpu.memory_space<vmem>>[vector<16xi32>, vector<16xi32>], vector<16xf32>,
      %mul3A_408 = arith.mulf %gather3A_406, %gather3A_407 : vector<16xf32>
      %add3A_409 = arith.addf %add3A_398, %mul3A_408 : vector<16xf32>
      %mul3A_410 = arith.mulf %gather3A_406, %gather3A_406 : vector<16xf32>
      %add3A_411 = arith.addf %add3A_400, %mul3A_410 : vector<16xf32>
      %broadcast_in_dim3A_412 = arith.constant 28 : i32
      %broadcast_in_dim3A_413 = vector.broadcast %broadcast_in_dim3A_412 : i32 to vector<16xi32>
      %add3A_414 = arith.constant 256 : i32
      %add3A_415 = vector.broadcast %add3A_414 : i32 to vector<16xi32>
      %add3A_416 = arith.addi %add3A_415, %add3A_100 : vector<16xi32>
      %gather3A_417 = tpu.vector_load_idx %arg8[%add3A_416, %broadcast_in_dim3A_413] : memref<512x32xf32, #tpu.memory_space<vmem>>[vector<16xi32>, vector<16xi32>], vector<16xf32>,
      %gather3A_418 = tpu.vector_load_idx %arg7[%add3A_100, %broadcast_in_dim3A_413] : memref<128x128xf32, #tpu.memory_space<vmem>>[vector<16xi32>, vector<16xi32>], vector<16xf32>,
      %mul3A_419 = arith.mulf %gather3A_417, %gather3A_418 : vector<16xf32>
      %add3A_420 = arith.addf %add3A_409, %mul3A_419 : vector<16xf32>
      %mul3A_421 = arith.mulf %gather3A_417, %gather3A_417 : vector<16xf32>
      %add3A_422 = arith.addf %add3A_411, %mul3A_421 : vector<16xf32>
      %broadcast_in_dim3A_423 = arith.constant 29 : i32
      %broadcast_in_dim3A_424 = vector.broadcast %broadcast_in_dim3A_423 : i32 to vector<16xi32>
      %add3A_425 = arith.constant 256 : i32
      %add3A_426 = vector.broadcast %add3A_425 : i32 to vector<16xi32>
      %add3A_427 = arith.addi %add3A_426, %add3A_100 : vector<16xi32>
      %gather3A_428 = tpu.vector_load_idx %arg8[%add3A_427, %broadcast_in_dim3A_424] : memref<512x32xf32, #tpu.memory_space<vmem>>[vector<16xi32>, vector<16xi32>], vector<16xf32>,
      %gather3A_429 = tpu.vector_load_idx %arg7[%add3A_100, %broadcast_in_dim3A_424] : memref<128x128xf32, #tpu.memory_space<vmem>>[vector<16xi32>, vector<16xi32>], vector<16xf32>,
      %mul3A_430 = arith.mulf %gather3A_428, %gather3A_429 : vector<16xf32>
      %add3A_431 = arith.addf %add3A_420, %mul3A_430 : vector<16xf32>
      %mul3A_432 = arith.mulf %gather3A_428, %gather3A_428 : vector<16xf32>
      %add3A_433 = arith.addf %add3A_422, %mul3A_432 : vector<16xf32>
      %broadcast_in_dim3A_434 = arith.constant 30 : i32
      %broadcast_in_dim3A_435 = vector.broadcast %broadcast_in_dim3A_434 : i32 to vector<16xi32>
      %add3A_436 = arith.constant 256 : i32
      %add3A_437 = vector.broadcast %add3A_436 : i32 to vector<16xi32>
      %add3A_438 = arith.addi %add3A_437, %add3A_100 : vector<16xi32>
      %gather3A_439 = tpu.vector_load_idx %arg8[%add3A_438, %broadcast_in_dim3A_435] : memref<512x32xf32, #tpu.memory_space<vmem>>[vector<16xi32>, vector<16xi32>], vector<16xf32>,
      %gather3A_440 = tpu.vector_load_idx %arg7[%add3A_100, %broadcast_in_dim3A_435] : memref<128x128xf32, #tpu.memory_space<vmem>>[vector<16xi32>, vector<16xi32>], vector<16xf32>,
      %mul3A_441 = arith.mulf %gather3A_439, %gather3A_440 : vector<16xf32>
      %add3A_442 = arith.addf %add3A_431, %mul3A_441 : vector<16xf32>
      %mul3A_443 = arith.mulf %gather3A_439, %gather3A_439 : vector<16xf32>
      %add3A_444 = arith.addf %add3A_433, %mul3A_443 : vector<16xf32>
      %broadcast_in_dim3A_445 = arith.constant 31 : i32
      %broadcast_in_dim3A_446 = vector.broadcast %broadcast_in_dim3A_445 : i32 to vector<16xi32>
      %add3A_447 = arith.constant 256 : i32
      %add3A_448 = vector.broadcast %add3A_447 : i32 to vector<16xi32>
      %add3A_449 = arith.addi %add3A_448, %add3A_100 : vector<16xi32>
      %gather3A_450 = tpu.vector_load_idx %arg8[%add3A_449, %broadcast_in_dim3A_446] : memref<512x32xf32, #tpu.memory_space<vmem>>[vector<16xi32>, vector<16xi32>], vector<16xf32>,
      %gather3A_451 = tpu.vector_load_idx %arg7[%add3A_100, %broadcast_in_dim3A_446] : memref<128x128xf32, #tpu.memory_space<vmem>>[vector<16xi32>, vector<16xi32>], vector<16xf32>,
      %mul3A_452 = arith.mulf %gather3A_450, %gather3A_451 : vector<16xf32>
      %add3A_453 = arith.addf %add3A_442, %mul3A_452 : vector<16xf32>
      %mul3A_454 = arith.mulf %gather3A_450, %gather3A_450 : vector<16xf32>
      %add3A_455 = arith.addf %add3A_444, %mul3A_454 : vector<16xf32>
      %max3A = arith.constant 1.000000e-35 : f32
      %max3A_456 = vector.broadcast %max3A : f32 to vector<16xf32>
      %max3A_457 = arith.maximumf %add3A_455, %max3A_456 : vector<16xf32>
      %bitcast3A = vector.bitcast %max3A_457 : vector<16xf32> to vector<16xi32>
      %shift_right_arithmetic3A = arith.constant 1 : i32
      %shift_right_arithmetic3A_458 = vector.broadcast %shift_right_arithmetic3A : i32 to vector<16xi32>
      %shift_right_arithmetic3A_459 = arith.shrsi %bitcast3A, %shift_right_arithmetic3A_458 : vector<16xi32>
      %sub3A = arith.constant 1597463007 : i32
      %sub3A_460 = vector.broadcast %sub3A : i32 to vector<16xi32>
      %sub3A_461 = arith.subi %sub3A_460, %shift_right_arithmetic3A_459 : vector<16xi32>
      %bitcast3A_462 = vector.bitcast %sub3A_461 : vector<16xi32> to vector<16xf32>
      %mul3A_463 = arith.constant 5.000000e-01 : f32
      %mul3A_464 = vector.broadcast %mul3A_463 : f32 to vector<16xf32>
      %mul3A_465 = arith.mulf %mul3A_464, %max3A_457 : vector<16xf32>
      %mul3A_466 = arith.mulf %mul3A_465, %bitcast3A_462 : vector<16xf32>
      %mul3A_467 = arith.mulf %mul3A_466, %bitcast3A_462 : vector<16xf32>
      %sub3A_468 = arith.constant 1.500000e+00 : f32
      %sub3A_469 = vector.broadcast %sub3A_468 : f32 to vector<16xf32>
      %sub3A_470 = arith.subf %sub3A_469, %mul3A_467 : vector<16xf32>
      %mul3A_471 = arith.mulf %bitcast3A_462, %sub3A_470 : vector<16xf32>
      %mul3A_472 = arith.constant 5.000000e-01 : f32
      %mul3A_473 = vector.broadcast %mul3A_472 : f32 to vector<16xf32>
      %mul3A_474 = arith.mulf %mul3A_473, %max3A_457 : vector<16xf32>
      %mul3A_475 = arith.mulf %mul3A_474, %mul3A_471 : vector<16xf32>
      %mul3A_476 = arith.mulf %mul3A_475, %mul3A_471 : vector<16xf32>
      %sub3A_477 = arith.constant 1.500000e+00 : f32
      %sub3A_478 = vector.broadcast %sub3A_477 : f32 to vector<16xf32>
      %sub3A_479 = arith.subf %sub3A_478, %mul3A_476 : vector<16xf32>
      %mul3A_480 = arith.mulf %mul3A_471, %sub3A_479 : vector<16xf32>
      %mul3A_481 = arith.constant 5.000000e-01 : f32
      %mul3A_482 = vector.broadcast %mul3A_481 : f32 to vector<16xf32>
      %mul3A_483 = arith.mulf %mul3A_482, %max3A_457 : vector<16xf32>
      %mul3A_484 = arith.mulf %mul3A_483, %mul3A_480 : vector<16xf32>
      %mul3A_485 = arith.mulf %mul3A_484, %mul3A_480 : vector<16xf32>
      %sub3A_486 = arith.constant 1.500000e+00 : f32
      %sub3A_487 = vector.broadcast %sub3A_486 : f32 to vector<16xf32>
      %sub3A_488 = arith.subf %sub3A_487, %mul3A_485 : vector<16xf32>
      %mul3A_489 = arith.mulf %mul3A_480, %sub3A_488 : vector<16xf32>
      %mul3A_490 = arith.mulf %add3A_453, %mul3A_489 : vector<16xf32>
      %add3A_491 = arith.addf %scan3A_96, %mul3A_490 : vector<16xf32>
      scf.yield %add3A_491 : vector<16xf32>
    }
    %scan3A_71 = arith.constant 8 : i32
    %dma_start3A_72 = arith.constant 3 : i32
    %dma_start3A_73 = arith.constant 0 : i32
    %dma_start3A_74 = tpu.memref_slice %arg6[%dma_start3A_72, %dma_start3A_73] : memref<4x128xi32, #tpu.memory_space<vmem>> -> memref<1x128xi32, #tpu.memory_space<vmem>>
    %dma_start3A_75 = tpu.memref_squeeze %dma_start3A_74 : memref<1x128xi32, #tpu.memory_space<vmem>> -> memref<128xi32, #tpu.memory_space<vmem>>
    %dma_start3A_76 = arith.constant 0 : i32
    %dma_start3A_77 = arith.constant 0 : i32
    %dma_start3A_78 = tpu.memref_slice %arg2[%dma_start3A_76, %dma_start3A_77] : memref<8192x128xf32, #tpu.memory_space<hbm>> -> memref<8192x128xf32, #tpu.memory_space<hbm>>
    tpu.enqueue_indirect_dma source(%dma_start3A_78 : memref<8192x128xf32, #tpu.memory_space<hbm>>) target(%arg7 : memref<128x128xf32, #tpu.memory_space<vmem>>) offsets(%dma_start3A_75 : memref<128xi32, #tpu.memory_space<vmem>>) semaphore(%arg10 : memref<!tpu.dma_semaphore, #tpu.memory_space<semaphore_mem>>)
    %dma_wait3A_79 = arith.constant 3 : i32
    %dma_wait3A_80 = arith.constant 0 : i32
    %dma_wait3A_81 = tpu.memref_slice %arg6[%dma_wait3A_79, %dma_wait3A_80] : memref<4x128xi32, #tpu.memory_space<vmem>> -> memref<1x128xi32, #tpu.memory_space<vmem>>
    %dma_wait3A_82 = tpu.memref_squeeze %dma_wait3A_81 : memref<1x128xi32, #tpu.memory_space<vmem>> -> memref<128xi32, #tpu.memory_space<vmem>>
    %dma_wait3A_83 = arith.constant 0 : i32
    %dma_wait3A_84 = arith.constant 0 : i32
    %dma_wait3A_85 = tpu.memref_slice %arg2[%dma_wait3A_83, %dma_wait3A_84] : memref<8192x128xf32, #tpu.memory_space<hbm>> -> memref<8192x128xf32, #tpu.memory_space<hbm>>
    tpu.wait_indirect_dma semaphore(%arg10 : memref<!tpu.dma_semaphore, #tpu.memory_space<semaphore_mem>>) src(%dma_wait3A_85 : memref<8192x128xf32, #tpu.memory_space<hbm>>) dst(%arg7 : memref<128x128xf32, #tpu.memory_space<vmem>>)
    %scan3A_86 = arith.constant 0 : i32
    %scan3A_87 = arith.constant 8 : i32
    %scan3A_88 = arith.addi %scan3A_86, %scan3A_87 : i32
    %scan3A_89 = arith.constant 1 : i32
    %scan3A_90 = scf.for %scan3A_95 = %scan3A_86 to %scan3A_88 step %scan3A_89 iter_args(%scan3A_96 = %scan3A_70) -> (vector<16xf32>)  : i32 {
      %mul3A_97 = arith.constant 16 : i32
      %mul3A_98 = arith.muli %scan3A_95, %mul3A_97 : i32
      %add3A_99 = vector.broadcast %mul3A_98 : i32 to vector<16xi32>
      %add3A_100 = arith.addi %add3A_99, %iota3A : vector<16xi32>
      %broadcast_in_dim3A_101 = arith.constant 0.000000e+00 : f32
      %broadcast_in_dim3A_102 = vector.broadcast %broadcast_in_dim3A_101 : f32 to vector<16xf32>
      %broadcast_in_dim3A_103 = arith.constant 0.000000e+00 : f32
      %broadcast_in_dim3A_104 = vector.broadcast %broadcast_in_dim3A_103 : f32 to vector<16xf32>
      %broadcast_in_dim3A_105 = arith.constant 0 : i32
      %broadcast_in_dim3A_106 = vector.broadcast %broadcast_in_dim3A_105 : i32 to vector<16xi32>
      %add3A_107 = arith.constant 384 : i32
      %add3A_108 = vector.broadcast %add3A_107 : i32 to vector<16xi32>
      %add3A_109 = arith.addi %add3A_108, %add3A_100 : vector<16xi32>
      %gather3A = tpu.vector_load_idx %arg8[%add3A_109, %broadcast_in_dim3A_106] : memref<512x32xf32, #tpu.memory_space<vmem>>[vector<16xi32>, vector<16xi32>], vector<16xf32>,
      %gather3A_110 = tpu.vector_load_idx %arg7[%add3A_100, %broadcast_in_dim3A_106] : memref<128x128xf32, #tpu.memory_space<vmem>>[vector<16xi32>, vector<16xi32>], vector<16xf32>,
      %mul3A_111 = arith.mulf %gather3A, %gather3A_110 : vector<16xf32>
      %add3A_112 = arith.addf %broadcast_in_dim3A_102, %mul3A_111 : vector<16xf32>
      %mul3A_113 = arith.mulf %gather3A, %gather3A : vector<16xf32>
      %add3A_114 = arith.addf %broadcast_in_dim3A_104, %mul3A_113 : vector<16xf32>
      %broadcast_in_dim3A_115 = arith.constant 1 : i32
      %broadcast_in_dim3A_116 = vector.broadcast %broadcast_in_dim3A_115 : i32 to vector<16xi32>
      %add3A_117 = arith.constant 384 : i32
      %add3A_118 = vector.broadcast %add3A_117 : i32 to vector<16xi32>
      %add3A_119 = arith.addi %add3A_118, %add3A_100 : vector<16xi32>
      %gather3A_120 = tpu.vector_load_idx %arg8[%add3A_119, %broadcast_in_dim3A_116] : memref<512x32xf32, #tpu.memory_space<vmem>>[vector<16xi32>, vector<16xi32>], vector<16xf32>,
      %gather3A_121 = tpu.vector_load_idx %arg7[%add3A_100, %broadcast_in_dim3A_116] : memref<128x128xf32, #tpu.memory_space<vmem>>[vector<16xi32>, vector<16xi32>], vector<16xf32>,
      %mul3A_122 = arith.mulf %gather3A_120, %gather3A_121 : vector<16xf32>
      %add3A_123 = arith.addf %add3A_112, %mul3A_122 : vector<16xf32>
      %mul3A_124 = arith.mulf %gather3A_120, %gather3A_120 : vector<16xf32>
      %add3A_125 = arith.addf %add3A_114, %mul3A_124 : vector<16xf32>
      %broadcast_in_dim3A_126 = arith.constant 2 : i32
      %broadcast_in_dim3A_127 = vector.broadcast %broadcast_in_dim3A_126 : i32 to vector<16xi32>
      %add3A_128 = arith.constant 384 : i32
      %add3A_129 = vector.broadcast %add3A_128 : i32 to vector<16xi32>
      %add3A_130 = arith.addi %add3A_129, %add3A_100 : vector<16xi32>
      %gather3A_131 = tpu.vector_load_idx %arg8[%add3A_130, %broadcast_in_dim3A_127] : memref<512x32xf32, #tpu.memory_space<vmem>>[vector<16xi32>, vector<16xi32>], vector<16xf32>,
      %gather3A_132 = tpu.vector_load_idx %arg7[%add3A_100, %broadcast_in_dim3A_127] : memref<128x128xf32, #tpu.memory_space<vmem>>[vector<16xi32>, vector<16xi32>], vector<16xf32>,
      %mul3A_133 = arith.mulf %gather3A_131, %gather3A_132 : vector<16xf32>
      %add3A_134 = arith.addf %add3A_123, %mul3A_133 : vector<16xf32>
      %mul3A_135 = arith.mulf %gather3A_131, %gather3A_131 : vector<16xf32>
      %add3A_136 = arith.addf %add3A_125, %mul3A_135 : vector<16xf32>
      %broadcast_in_dim3A_137 = arith.constant 3 : i32
      %broadcast_in_dim3A_138 = vector.broadcast %broadcast_in_dim3A_137 : i32 to vector<16xi32>
      %add3A_139 = arith.constant 384 : i32
      %add3A_140 = vector.broadcast %add3A_139 : i32 to vector<16xi32>
      %add3A_141 = arith.addi %add3A_140, %add3A_100 : vector<16xi32>
      %gather3A_142 = tpu.vector_load_idx %arg8[%add3A_141, %broadcast_in_dim3A_138] : memref<512x32xf32, #tpu.memory_space<vmem>>[vector<16xi32>, vector<16xi32>], vector<16xf32>,
      %gather3A_143 = tpu.vector_load_idx %arg7[%add3A_100, %broadcast_in_dim3A_138] : memref<128x128xf32, #tpu.memory_space<vmem>>[vector<16xi32>, vector<16xi32>], vector<16xf32>,
      %mul3A_144 = arith.mulf %gather3A_142, %gather3A_143 : vector<16xf32>
      %add3A_145 = arith.addf %add3A_134, %mul3A_144 : vector<16xf32>
      %mul3A_146 = arith.mulf %gather3A_142, %gather3A_142 : vector<16xf32>
      %add3A_147 = arith.addf %add3A_136, %mul3A_146 : vector<16xf32>
      %broadcast_in_dim3A_148 = arith.constant 4 : i32
      %broadcast_in_dim3A_149 = vector.broadcast %broadcast_in_dim3A_148 : i32 to vector<16xi32>
      %add3A_150 = arith.constant 384 : i32
      %add3A_151 = vector.broadcast %add3A_150 : i32 to vector<16xi32>
      %add3A_152 = arith.addi %add3A_151, %add3A_100 : vector<16xi32>
      %gather3A_153 = tpu.vector_load_idx %arg8[%add3A_152, %broadcast_in_dim3A_149] : memref<512x32xf32, #tpu.memory_space<vmem>>[vector<16xi32>, vector<16xi32>], vector<16xf32>,
      %gather3A_154 = tpu.vector_load_idx %arg7[%add3A_100, %broadcast_in_dim3A_149] : memref<128x128xf32, #tpu.memory_space<vmem>>[vector<16xi32>, vector<16xi32>], vector<16xf32>,
      %mul3A_155 = arith.mulf %gather3A_153, %gather3A_154 : vector<16xf32>
      %add3A_156 = arith.addf %add3A_145, %mul3A_155 : vector<16xf32>
      %mul3A_157 = arith.mulf %gather3A_153, %gather3A_153 : vector<16xf32>
      %add3A_158 = arith.addf %add3A_147, %mul3A_157 : vector<16xf32>
      %broadcast_in_dim3A_159 = arith.constant 5 : i32
      %broadcast_in_dim3A_160 = vector.broadcast %broadcast_in_dim3A_159 : i32 to vector<16xi32>
      %add3A_161 = arith.constant 384 : i32
      %add3A_162 = vector.broadcast %add3A_161 : i32 to vector<16xi32>
      %add3A_163 = arith.addi %add3A_162, %add3A_100 : vector<16xi32>
      %gather3A_164 = tpu.vector_load_idx %arg8[%add3A_163, %broadcast_in_dim3A_160] : memref<512x32xf32, #tpu.memory_space<vmem>>[vector<16xi32>, vector<16xi32>], vector<16xf32>,
      %gather3A_165 = tpu.vector_load_idx %arg7[%add3A_100, %broadcast_in_dim3A_160] : memref<128x128xf32, #tpu.memory_space<vmem>>[vector<16xi32>, vector<16xi32>], vector<16xf32>,
      %mul3A_166 = arith.mulf %gather3A_164, %gather3A_165 : vector<16xf32>
      %add3A_167 = arith.addf %add3A_156, %mul3A_166 : vector<16xf32>
      %mul3A_168 = arith.mulf %gather3A_164, %gather3A_164 : vector<16xf32>
      %add3A_169 = arith.addf %add3A_158, %mul3A_168 : vector<16xf32>
      %broadcast_in_dim3A_170 = arith.constant 6 : i32
      %broadcast_in_dim3A_171 = vector.broadcast %broadcast_in_dim3A_170 : i32 to vector<16xi32>
      %add3A_172 = arith.constant 384 : i32
      %add3A_173 = vector.broadcast %add3A_172 : i32 to vector<16xi32>
      %add3A_174 = arith.addi %add3A_173, %add3A_100 : vector<16xi32>
      %gather3A_175 = tpu.vector_load_idx %arg8[%add3A_174, %broadcast_in_dim3A_171] : memref<512x32xf32, #tpu.memory_space<vmem>>[vector<16xi32>, vector<16xi32>], vector<16xf32>,
      %gather3A_176 = tpu.vector_load_idx %arg7[%add3A_100, %broadcast_in_dim3A_171] : memref<128x128xf32, #tpu.memory_space<vmem>>[vector<16xi32>, vector<16xi32>], vector<16xf32>,
      %mul3A_177 = arith.mulf %gather3A_175, %gather3A_176 : vector<16xf32>
      %add3A_178 = arith.addf %add3A_167, %mul3A_177 : vector<16xf32>
      %mul3A_179 = arith.mulf %gather3A_175, %gather3A_175 : vector<16xf32>
      %add3A_180 = arith.addf %add3A_169, %mul3A_179 : vector<16xf32>
      %broadcast_in_dim3A_181 = arith.constant 7 : i32
      %broadcast_in_dim3A_182 = vector.broadcast %broadcast_in_dim3A_181 : i32 to vector<16xi32>
      %add3A_183 = arith.constant 384 : i32
      %add3A_184 = vector.broadcast %add3A_183 : i32 to vector<16xi32>
      %add3A_185 = arith.addi %add3A_184, %add3A_100 : vector<16xi32>
      %gather3A_186 = tpu.vector_load_idx %arg8[%add3A_185, %broadcast_in_dim3A_182] : memref<512x32xf32, #tpu.memory_space<vmem>>[vector<16xi32>, vector<16xi32>], vector<16xf32>,
      %gather3A_187 = tpu.vector_load_idx %arg7[%add3A_100, %broadcast_in_dim3A_182] : memref<128x128xf32, #tpu.memory_space<vmem>>[vector<16xi32>, vector<16xi32>], vector<16xf32>,
      %mul3A_188 = arith.mulf %gather3A_186, %gather3A_187 : vector<16xf32>
      %add3A_189 = arith.addf %add3A_178, %mul3A_188 : vector<16xf32>
      %mul3A_190 = arith.mulf %gather3A_186, %gather3A_186 : vector<16xf32>
      %add3A_191 = arith.addf %add3A_180, %mul3A_190 : vector<16xf32>
      %broadcast_in_dim3A_192 = arith.constant 8 : i32
      %broadcast_in_dim3A_193 = vector.broadcast %broadcast_in_dim3A_192 : i32 to vector<16xi32>
      %add3A_194 = arith.constant 384 : i32
      %add3A_195 = vector.broadcast %add3A_194 : i32 to vector<16xi32>
      %add3A_196 = arith.addi %add3A_195, %add3A_100 : vector<16xi32>
      %gather3A_197 = tpu.vector_load_idx %arg8[%add3A_196, %broadcast_in_dim3A_193] : memref<512x32xf32, #tpu.memory_space<vmem>>[vector<16xi32>, vector<16xi32>], vector<16xf32>,
      %gather3A_198 = tpu.vector_load_idx %arg7[%add3A_100, %broadcast_in_dim3A_193] : memref<128x128xf32, #tpu.memory_space<vmem>>[vector<16xi32>, vector<16xi32>], vector<16xf32>,
      %mul3A_199 = arith.mulf %gather3A_197, %gather3A_198 : vector<16xf32>
      %add3A_200 = arith.addf %add3A_189, %mul3A_199 : vector<16xf32>
      %mul3A_201 = arith.mulf %gather3A_197, %gather3A_197 : vector<16xf32>
      %add3A_202 = arith.addf %add3A_191, %mul3A_201 : vector<16xf32>
      %broadcast_in_dim3A_203 = arith.constant 9 : i32
      %broadcast_in_dim3A_204 = vector.broadcast %broadcast_in_dim3A_203 : i32 to vector<16xi32>
      %add3A_205 = arith.constant 384 : i32
      %add3A_206 = vector.broadcast %add3A_205 : i32 to vector<16xi32>
      %add3A_207 = arith.addi %add3A_206, %add3A_100 : vector<16xi32>
      %gather3A_208 = tpu.vector_load_idx %arg8[%add3A_207, %broadcast_in_dim3A_204] : memref<512x32xf32, #tpu.memory_space<vmem>>[vector<16xi32>, vector<16xi32>], vector<16xf32>,
      %gather3A_209 = tpu.vector_load_idx %arg7[%add3A_100, %broadcast_in_dim3A_204] : memref<128x128xf32, #tpu.memory_space<vmem>>[vector<16xi32>, vector<16xi32>], vector<16xf32>,
      %mul3A_210 = arith.mulf %gather3A_208, %gather3A_209 : vector<16xf32>
      %add3A_211 = arith.addf %add3A_200, %mul3A_210 : vector<16xf32>
      %mul3A_212 = arith.mulf %gather3A_208, %gather3A_208 : vector<16xf32>
      %add3A_213 = arith.addf %add3A_202, %mul3A_212 : vector<16xf32>
      %broadcast_in_dim3A_214 = arith.constant 10 : i32
      %broadcast_in_dim3A_215 = vector.broadcast %broadcast_in_dim3A_214 : i32 to vector<16xi32>
      %add3A_216 = arith.constant 384 : i32
      %add3A_217 = vector.broadcast %add3A_216 : i32 to vector<16xi32>
      %add3A_218 = arith.addi %add3A_217, %add3A_100 : vector<16xi32>
      %gather3A_219 = tpu.vector_load_idx %arg8[%add3A_218, %broadcast_in_dim3A_215] : memref<512x32xf32, #tpu.memory_space<vmem>>[vector<16xi32>, vector<16xi32>], vector<16xf32>,
      %gather3A_220 = tpu.vector_load_idx %arg7[%add3A_100, %broadcast_in_dim3A_215] : memref<128x128xf32, #tpu.memory_space<vmem>>[vector<16xi32>, vector<16xi32>], vector<16xf32>,
      %mul3A_221 = arith.mulf %gather3A_219, %gather3A_220 : vector<16xf32>
      %add3A_222 = arith.addf %add3A_211, %mul3A_221 : vector<16xf32>
      %mul3A_223 = arith.mulf %gather3A_219, %gather3A_219 : vector<16xf32>
      %add3A_224 = arith.addf %add3A_213, %mul3A_223 : vector<16xf32>
      %broadcast_in_dim3A_225 = arith.constant 11 : i32
      %broadcast_in_dim3A_226 = vector.broadcast %broadcast_in_dim3A_225 : i32 to vector<16xi32>
      %add3A_227 = arith.constant 384 : i32
      %add3A_228 = vector.broadcast %add3A_227 : i32 to vector<16xi32>
      %add3A_229 = arith.addi %add3A_228, %add3A_100 : vector<16xi32>
      %gather3A_230 = tpu.vector_load_idx %arg8[%add3A_229, %broadcast_in_dim3A_226] : memref<512x32xf32, #tpu.memory_space<vmem>>[vector<16xi32>, vector<16xi32>], vector<16xf32>,
      %gather3A_231 = tpu.vector_load_idx %arg7[%add3A_100, %broadcast_in_dim3A_226] : memref<128x128xf32, #tpu.memory_space<vmem>>[vector<16xi32>, vector<16xi32>], vector<16xf32>,
      %mul3A_232 = arith.mulf %gather3A_230, %gather3A_231 : vector<16xf32>
      %add3A_233 = arith.addf %add3A_222, %mul3A_232 : vector<16xf32>
      %mul3A_234 = arith.mulf %gather3A_230, %gather3A_230 : vector<16xf32>
      %add3A_235 = arith.addf %add3A_224, %mul3A_234 : vector<16xf32>
      %broadcast_in_dim3A_236 = arith.constant 12 : i32
      %broadcast_in_dim3A_237 = vector.broadcast %broadcast_in_dim3A_236 : i32 to vector<16xi32>
      %add3A_238 = arith.constant 384 : i32
      %add3A_239 = vector.broadcast %add3A_238 : i32 to vector<16xi32>
      %add3A_240 = arith.addi %add3A_239, %add3A_100 : vector<16xi32>
      %gather3A_241 = tpu.vector_load_idx %arg8[%add3A_240, %broadcast_in_dim3A_237] : memref<512x32xf32, #tpu.memory_space<vmem>>[vector<16xi32>, vector<16xi32>], vector<16xf32>,
      %gather3A_242 = tpu.vector_load_idx %arg7[%add3A_100, %broadcast_in_dim3A_237] : memref<128x128xf32, #tpu.memory_space<vmem>>[vector<16xi32>, vector<16xi32>], vector<16xf32>,
      %mul3A_243 = arith.mulf %gather3A_241, %gather3A_242 : vector<16xf32>
      %add3A_244 = arith.addf %add3A_233, %mul3A_243 : vector<16xf32>
      %mul3A_245 = arith.mulf %gather3A_241, %gather3A_241 : vector<16xf32>
      %add3A_246 = arith.addf %add3A_235, %mul3A_245 : vector<16xf32>
      %broadcast_in_dim3A_247 = arith.constant 13 : i32
      %broadcast_in_dim3A_248 = vector.broadcast %broadcast_in_dim3A_247 : i32 to vector<16xi32>
      %add3A_249 = arith.constant 384 : i32
      %add3A_250 = vector.broadcast %add3A_249 : i32 to vector<16xi32>
      %add3A_251 = arith.addi %add3A_250, %add3A_100 : vector<16xi32>
      %gather3A_252 = tpu.vector_load_idx %arg8[%add3A_251, %broadcast_in_dim3A_248] : memref<512x32xf32, #tpu.memory_space<vmem>>[vector<16xi32>, vector<16xi32>], vector<16xf32>,
      %gather3A_253 = tpu.vector_load_idx %arg7[%add3A_100, %broadcast_in_dim3A_248] : memref<128x128xf32, #tpu.memory_space<vmem>>[vector<16xi32>, vector<16xi32>], vector<16xf32>,
      %mul3A_254 = arith.mulf %gather3A_252, %gather3A_253 : vector<16xf32>
      %add3A_255 = arith.addf %add3A_244, %mul3A_254 : vector<16xf32>
      %mul3A_256 = arith.mulf %gather3A_252, %gather3A_252 : vector<16xf32>
      %add3A_257 = arith.addf %add3A_246, %mul3A_256 : vector<16xf32>
      %broadcast_in_dim3A_258 = arith.constant 14 : i32
      %broadcast_in_dim3A_259 = vector.broadcast %broadcast_in_dim3A_258 : i32 to vector<16xi32>
      %add3A_260 = arith.constant 384 : i32
      %add3A_261 = vector.broadcast %add3A_260 : i32 to vector<16xi32>
      %add3A_262 = arith.addi %add3A_261, %add3A_100 : vector<16xi32>
      %gather3A_263 = tpu.vector_load_idx %arg8[%add3A_262, %broadcast_in_dim3A_259] : memref<512x32xf32, #tpu.memory_space<vmem>>[vector<16xi32>, vector<16xi32>], vector<16xf32>,
      %gather3A_264 = tpu.vector_load_idx %arg7[%add3A_100, %broadcast_in_dim3A_259] : memref<128x128xf32, #tpu.memory_space<vmem>>[vector<16xi32>, vector<16xi32>], vector<16xf32>,
      %mul3A_265 = arith.mulf %gather3A_263, %gather3A_264 : vector<16xf32>
      %add3A_266 = arith.addf %add3A_255, %mul3A_265 : vector<16xf32>
      %mul3A_267 = arith.mulf %gather3A_263, %gather3A_263 : vector<16xf32>
      %add3A_268 = arith.addf %add3A_257, %mul3A_267 : vector<16xf32>
      %broadcast_in_dim3A_269 = arith.constant 15 : i32
      %broadcast_in_dim3A_270 = vector.broadcast %broadcast_in_dim3A_269 : i32 to vector<16xi32>
      %add3A_271 = arith.constant 384 : i32
      %add3A_272 = vector.broadcast %add3A_271 : i32 to vector<16xi32>
      %add3A_273 = arith.addi %add3A_272, %add3A_100 : vector<16xi32>
      %gather3A_274 = tpu.vector_load_idx %arg8[%add3A_273, %broadcast_in_dim3A_270] : memref<512x32xf32, #tpu.memory_space<vmem>>[vector<16xi32>, vector<16xi32>], vector<16xf32>,
      %gather3A_275 = tpu.vector_load_idx %arg7[%add3A_100, %broadcast_in_dim3A_270] : memref<128x128xf32, #tpu.memory_space<vmem>>[vector<16xi32>, vector<16xi32>], vector<16xf32>,
      %mul3A_276 = arith.mulf %gather3A_274, %gather3A_275 : vector<16xf32>
      %add3A_277 = arith.addf %add3A_266, %mul3A_276 : vector<16xf32>
      %mul3A_278 = arith.mulf %gather3A_274, %gather3A_274 : vector<16xf32>
      %add3A_279 = arith.addf %add3A_268, %mul3A_278 : vector<16xf32>
      %broadcast_in_dim3A_280 = arith.constant 16 : i32
      %broadcast_in_dim3A_281 = vector.broadcast %broadcast_in_dim3A_280 : i32 to vector<16xi32>
      %add3A_282 = arith.constant 384 : i32
      %add3A_283 = vector.broadcast %add3A_282 : i32 to vector<16xi32>
      %add3A_284 = arith.addi %add3A_283, %add3A_100 : vector<16xi32>
      %gather3A_285 = tpu.vector_load_idx %arg8[%add3A_284, %broadcast_in_dim3A_281] : memref<512x32xf32, #tpu.memory_space<vmem>>[vector<16xi32>, vector<16xi32>], vector<16xf32>,
      %gather3A_286 = tpu.vector_load_idx %arg7[%add3A_100, %broadcast_in_dim3A_281] : memref<128x128xf32, #tpu.memory_space<vmem>>[vector<16xi32>, vector<16xi32>], vector<16xf32>,
      %mul3A_287 = arith.mulf %gather3A_285, %gather3A_286 : vector<16xf32>
      %add3A_288 = arith.addf %add3A_277, %mul3A_287 : vector<16xf32>
      %mul3A_289 = arith.mulf %gather3A_285, %gather3A_285 : vector<16xf32>
      %add3A_290 = arith.addf %add3A_279, %mul3A_289 : vector<16xf32>
      %broadcast_in_dim3A_291 = arith.constant 17 : i32
      %broadcast_in_dim3A_292 = vector.broadcast %broadcast_in_dim3A_291 : i32 to vector<16xi32>
      %add3A_293 = arith.constant 384 : i32
      %add3A_294 = vector.broadcast %add3A_293 : i32 to vector<16xi32>
      %add3A_295 = arith.addi %add3A_294, %add3A_100 : vector<16xi32>
      %gather3A_296 = tpu.vector_load_idx %arg8[%add3A_295, %broadcast_in_dim3A_292] : memref<512x32xf32, #tpu.memory_space<vmem>>[vector<16xi32>, vector<16xi32>], vector<16xf32>,
      %gather3A_297 = tpu.vector_load_idx %arg7[%add3A_100, %broadcast_in_dim3A_292] : memref<128x128xf32, #tpu.memory_space<vmem>>[vector<16xi32>, vector<16xi32>], vector<16xf32>,
      %mul3A_298 = arith.mulf %gather3A_296, %gather3A_297 : vector<16xf32>
      %add3A_299 = arith.addf %add3A_288, %mul3A_298 : vector<16xf32>
      %mul3A_300 = arith.mulf %gather3A_296, %gather3A_296 : vector<16xf32>
      %add3A_301 = arith.addf %add3A_290, %mul3A_300 : vector<16xf32>
      %broadcast_in_dim3A_302 = arith.constant 18 : i32
      %broadcast_in_dim3A_303 = vector.broadcast %broadcast_in_dim3A_302 : i32 to vector<16xi32>
      %add3A_304 = arith.constant 384 : i32
      %add3A_305 = vector.broadcast %add3A_304 : i32 to vector<16xi32>
      %add3A_306 = arith.addi %add3A_305, %add3A_100 : vector<16xi32>
      %gather3A_307 = tpu.vector_load_idx %arg8[%add3A_306, %broadcast_in_dim3A_303] : memref<512x32xf32, #tpu.memory_space<vmem>>[vector<16xi32>, vector<16xi32>], vector<16xf32>,
      %gather3A_308 = tpu.vector_load_idx %arg7[%add3A_100, %broadcast_in_dim3A_303] : memref<128x128xf32, #tpu.memory_space<vmem>>[vector<16xi32>, vector<16xi32>], vector<16xf32>,
      %mul3A_309 = arith.mulf %gather3A_307, %gather3A_308 : vector<16xf32>
      %add3A_310 = arith.addf %add3A_299, %mul3A_309 : vector<16xf32>
      %mul3A_311 = arith.mulf %gather3A_307, %gather3A_307 : vector<16xf32>
      %add3A_312 = arith.addf %add3A_301, %mul3A_311 : vector<16xf32>
      %broadcast_in_dim3A_313 = arith.constant 19 : i32
      %broadcast_in_dim3A_314 = vector.broadcast %broadcast_in_dim3A_313 : i32 to vector<16xi32>
      %add3A_315 = arith.constant 384 : i32
      %add3A_316 = vector.broadcast %add3A_315 : i32 to vector<16xi32>
      %add3A_317 = arith.addi %add3A_316, %add3A_100 : vector<16xi32>
      %gather3A_318 = tpu.vector_load_idx %arg8[%add3A_317, %broadcast_in_dim3A_314] : memref<512x32xf32, #tpu.memory_space<vmem>>[vector<16xi32>, vector<16xi32>], vector<16xf32>,
      %gather3A_319 = tpu.vector_load_idx %arg7[%add3A_100, %broadcast_in_dim3A_314] : memref<128x128xf32, #tpu.memory_space<vmem>>[vector<16xi32>, vector<16xi32>], vector<16xf32>,
      %mul3A_320 = arith.mulf %gather3A_318, %gather3A_319 : vector<16xf32>
      %add3A_321 = arith.addf %add3A_310, %mul3A_320 : vector<16xf32>
      %mul3A_322 = arith.mulf %gather3A_318, %gather3A_318 : vector<16xf32>
      %add3A_323 = arith.addf %add3A_312, %mul3A_322 : vector<16xf32>
      %broadcast_in_dim3A_324 = arith.constant 20 : i32
      %broadcast_in_dim3A_325 = vector.broadcast %broadcast_in_dim3A_324 : i32 to vector<16xi32>
      %add3A_326 = arith.constant 384 : i32
      %add3A_327 = vector.broadcast %add3A_326 : i32 to vector<16xi32>
      %add3A_328 = arith.addi %add3A_327, %add3A_100 : vector<16xi32>
      %gather3A_329 = tpu.vector_load_idx %arg8[%add3A_328, %broadcast_in_dim3A_325] : memref<512x32xf32, #tpu.memory_space<vmem>>[vector<16xi32>, vector<16xi32>], vector<16xf32>,
      %gather3A_330 = tpu.vector_load_idx %arg7[%add3A_100, %broadcast_in_dim3A_325] : memref<128x128xf32, #tpu.memory_space<vmem>>[vector<16xi32>, vector<16xi32>], vector<16xf32>,
      %mul3A_331 = arith.mulf %gather3A_329, %gather3A_330 : vector<16xf32>
      %add3A_332 = arith.addf %add3A_321, %mul3A_331 : vector<16xf32>
      %mul3A_333 = arith.mulf %gather3A_329, %gather3A_329 : vector<16xf32>
      %add3A_334 = arith.addf %add3A_323, %mul3A_333 : vector<16xf32>
      %broadcast_in_dim3A_335 = arith.constant 21 : i32
      %broadcast_in_dim3A_336 = vector.broadcast %broadcast_in_dim3A_335 : i32 to vector<16xi32>
      %add3A_337 = arith.constant 384 : i32
      %add3A_338 = vector.broadcast %add3A_337 : i32 to vector<16xi32>
      %add3A_339 = arith.addi %add3A_338, %add3A_100 : vector<16xi32>
      %gather3A_340 = tpu.vector_load_idx %arg8[%add3A_339, %broadcast_in_dim3A_336] : memref<512x32xf32, #tpu.memory_space<vmem>>[vector<16xi32>, vector<16xi32>], vector<16xf32>,
      %gather3A_341 = tpu.vector_load_idx %arg7[%add3A_100, %broadcast_in_dim3A_336] : memref<128x128xf32, #tpu.memory_space<vmem>>[vector<16xi32>, vector<16xi32>], vector<16xf32>,
      %mul3A_342 = arith.mulf %gather3A_340, %gather3A_341 : vector<16xf32>
      %add3A_343 = arith.addf %add3A_332, %mul3A_342 : vector<16xf32>
      %mul3A_344 = arith.mulf %gather3A_340, %gather3A_340 : vector<16xf32>
      %add3A_345 = arith.addf %add3A_334, %mul3A_344 : vector<16xf32>
      %broadcast_in_dim3A_346 = arith.constant 22 : i32
      %broadcast_in_dim3A_347 = vector.broadcast %broadcast_in_dim3A_346 : i32 to vector<16xi32>
      %add3A_348 = arith.constant 384 : i32
      %add3A_349 = vector.broadcast %add3A_348 : i32 to vector<16xi32>
      %add3A_350 = arith.addi %add3A_349, %add3A_100 : vector<16xi32>
      %gather3A_351 = tpu.vector_load_idx %arg8[%add3A_350, %broadcast_in_dim3A_347] : memref<512x32xf32, #tpu.memory_space<vmem>>[vector<16xi32>, vector<16xi32>], vector<16xf32>,
      %gather3A_352 = tpu.vector_load_idx %arg7[%add3A_100, %broadcast_in_dim3A_347] : memref<128x128xf32, #tpu.memory_space<vmem>>[vector<16xi32>, vector<16xi32>], vector<16xf32>,
      %mul3A_353 = arith.mulf %gather3A_351, %gather3A_352 : vector<16xf32>
      %add3A_354 = arith.addf %add3A_343, %mul3A_353 : vector<16xf32>
      %mul3A_355 = arith.mulf %gather3A_351, %gather3A_351 : vector<16xf32>
      %add3A_356 = arith.addf %add3A_345, %mul3A_355 : vector<16xf32>
      %broadcast_in_dim3A_357 = arith.constant 23 : i32
      %broadcast_in_dim3A_358 = vector.broadcast %broadcast_in_dim3A_357 : i32 to vector<16xi32>
      %add3A_359 = arith.constant 384 : i32
      %add3A_360 = vector.broadcast %add3A_359 : i32 to vector<16xi32>
      %add3A_361 = arith.addi %add3A_360, %add3A_100 : vector<16xi32>
      %gather3A_362 = tpu.vector_load_idx %arg8[%add3A_361, %broadcast_in_dim3A_358] : memref<512x32xf32, #tpu.memory_space<vmem>>[vector<16xi32>, vector<16xi32>], vector<16xf32>,
      %gather3A_363 = tpu.vector_load_idx %arg7[%add3A_100, %broadcast_in_dim3A_358] : memref<128x128xf32, #tpu.memory_space<vmem>>[vector<16xi32>, vector<16xi32>], vector<16xf32>,
      %mul3A_364 = arith.mulf %gather3A_362, %gather3A_363 : vector<16xf32>
      %add3A_365 = arith.addf %add3A_354, %mul3A_364 : vector<16xf32>
      %mul3A_366 = arith.mulf %gather3A_362, %gather3A_362 : vector<16xf32>
      %add3A_367 = arith.addf %add3A_356, %mul3A_366 : vector<16xf32>
      %broadcast_in_dim3A_368 = arith.constant 24 : i32
      %broadcast_in_dim3A_369 = vector.broadcast %broadcast_in_dim3A_368 : i32 to vector<16xi32>
      %add3A_370 = arith.constant 384 : i32
      %add3A_371 = vector.broadcast %add3A_370 : i32 to vector<16xi32>
      %add3A_372 = arith.addi %add3A_371, %add3A_100 : vector<16xi32>
      %gather3A_373 = tpu.vector_load_idx %arg8[%add3A_372, %broadcast_in_dim3A_369] : memref<512x32xf32, #tpu.memory_space<vmem>>[vector<16xi32>, vector<16xi32>], vector<16xf32>,
      %gather3A_374 = tpu.vector_load_idx %arg7[%add3A_100, %broadcast_in_dim3A_369] : memref<128x128xf32, #tpu.memory_space<vmem>>[vector<16xi32>, vector<16xi32>], vector<16xf32>,
      %mul3A_375 = arith.mulf %gather3A_373, %gather3A_374 : vector<16xf32>
      %add3A_376 = arith.addf %add3A_365, %mul3A_375 : vector<16xf32>
      %mul3A_377 = arith.mulf %gather3A_373, %gather3A_373 : vector<16xf32>
      %add3A_378 = arith.addf %add3A_367, %mul3A_377 : vector<16xf32>
      %broadcast_in_dim3A_379 = arith.constant 25 : i32
      %broadcast_in_dim3A_380 = vector.broadcast %broadcast_in_dim3A_379 : i32 to vector<16xi32>
      %add3A_381 = arith.constant 384 : i32
      %add3A_382 = vector.broadcast %add3A_381 : i32 to vector<16xi32>
      %add3A_383 = arith.addi %add3A_382, %add3A_100 : vector<16xi32>
      %gather3A_384 = tpu.vector_load_idx %arg8[%add3A_383, %broadcast_in_dim3A_380] : memref<512x32xf32, #tpu.memory_space<vmem>>[vector<16xi32>, vector<16xi32>], vector<16xf32>,
      %gather3A_385 = tpu.vector_load_idx %arg7[%add3A_100, %broadcast_in_dim3A_380] : memref<128x128xf32, #tpu.memory_space<vmem>>[vector<16xi32>, vector<16xi32>], vector<16xf32>,
      %mul3A_386 = arith.mulf %gather3A_384, %gather3A_385 : vector<16xf32>
      %add3A_387 = arith.addf %add3A_376, %mul3A_386 : vector<16xf32>
      %mul3A_388 = arith.mulf %gather3A_384, %gather3A_384 : vector<16xf32>
      %add3A_389 = arith.addf %add3A_378, %mul3A_388 : vector<16xf32>
      %broadcast_in_dim3A_390 = arith.constant 26 : i32
      %broadcast_in_dim3A_391 = vector.broadcast %broadcast_in_dim3A_390 : i32 to vector<16xi32>
      %add3A_392 = arith.constant 384 : i32
      %add3A_393 = vector.broadcast %add3A_392 : i32 to vector<16xi32>
      %add3A_394 = arith.addi %add3A_393, %add3A_100 : vector<16xi32>
      %gather3A_395 = tpu.vector_load_idx %arg8[%add3A_394, %broadcast_in_dim3A_391] : memref<512x32xf32, #tpu.memory_space<vmem>>[vector<16xi32>, vector<16xi32>], vector<16xf32>,
      %gather3A_396 = tpu.vector_load_idx %arg7[%add3A_100, %broadcast_in_dim3A_391] : memref<128x128xf32, #tpu.memory_space<vmem>>[vector<16xi32>, vector<16xi32>], vector<16xf32>,
      %mul3A_397 = arith.mulf %gather3A_395, %gather3A_396 : vector<16xf32>
      %add3A_398 = arith.addf %add3A_387, %mul3A_397 : vector<16xf32>
      %mul3A_399 = arith.mulf %gather3A_395, %gather3A_395 : vector<16xf32>
      %add3A_400 = arith.addf %add3A_389, %mul3A_399 : vector<16xf32>
      %broadcast_in_dim3A_401 = arith.constant 27 : i32
      %broadcast_in_dim3A_402 = vector.broadcast %broadcast_in_dim3A_401 : i32 to vector<16xi32>
      %add3A_403 = arith.constant 384 : i32
      %add3A_404 = vector.broadcast %add3A_403 : i32 to vector<16xi32>
      %add3A_405 = arith.addi %add3A_404, %add3A_100 : vector<16xi32>
      %gather3A_406 = tpu.vector_load_idx %arg8[%add3A_405, %broadcast_in_dim3A_402] : memref<512x32xf32, #tpu.memory_space<vmem>>[vector<16xi32>, vector<16xi32>], vector<16xf32>,
      %gather3A_407 = tpu.vector_load_idx %arg7[%add3A_100, %broadcast_in_dim3A_402] : memref<128x128xf32, #tpu.memory_space<vmem>>[vector<16xi32>, vector<16xi32>], vector<16xf32>,
      %mul3A_408 = arith.mulf %gather3A_406, %gather3A_407 : vector<16xf32>
      %add3A_409 = arith.addf %add3A_398, %mul3A_408 : vector<16xf32>
      %mul3A_410 = arith.mulf %gather3A_406, %gather3A_406 : vector<16xf32>
      %add3A_411 = arith.addf %add3A_400, %mul3A_410 : vector<16xf32>
      %broadcast_in_dim3A_412 = arith.constant 28 : i32
      %broadcast_in_dim3A_413 = vector.broadcast %broadcast_in_dim3A_412 : i32 to vector<16xi32>
      %add3A_414 = arith.constant 384 : i32
      %add3A_415 = vector.broadcast %add3A_414 : i32 to vector<16xi32>
      %add3A_416 = arith.addi %add3A_415, %add3A_100 : vector<16xi32>
      %gather3A_417 = tpu.vector_load_idx %arg8[%add3A_416, %broadcast_in_dim3A_413] : memref<512x32xf32, #tpu.memory_space<vmem>>[vector<16xi32>, vector<16xi32>], vector<16xf32>,
      %gather3A_418 = tpu.vector_load_idx %arg7[%add3A_100, %broadcast_in_dim3A_413] : memref<128x128xf32, #tpu.memory_space<vmem>>[vector<16xi32>, vector<16xi32>], vector<16xf32>,
      %mul3A_419 = arith.mulf %gather3A_417, %gather3A_418 : vector<16xf32>
      %add3A_420 = arith.addf %add3A_409, %mul3A_419 : vector<16xf32>
      %mul3A_421 = arith.mulf %gather3A_417, %gather3A_417 : vector<16xf32>
      %add3A_422 = arith.addf %add3A_411, %mul3A_421 : vector<16xf32>
      %broadcast_in_dim3A_423 = arith.constant 29 : i32
      %broadcast_in_dim3A_424 = vector.broadcast %broadcast_in_dim3A_423 : i32 to vector<16xi32>
      %add3A_425 = arith.constant 384 : i32
      %add3A_426 = vector.broadcast %add3A_425 : i32 to vector<16xi32>
      %add3A_427 = arith.addi %add3A_426, %add3A_100 : vector<16xi32>
      %gather3A_428 = tpu.vector_load_idx %arg8[%add3A_427, %broadcast_in_dim3A_424] : memref<512x32xf32, #tpu.memory_space<vmem>>[vector<16xi32>, vector<16xi32>], vector<16xf32>,
      %gather3A_429 = tpu.vector_load_idx %arg7[%add3A_100, %broadcast_in_dim3A_424] : memref<128x128xf32, #tpu.memory_space<vmem>>[vector<16xi32>, vector<16xi32>], vector<16xf32>,
      %mul3A_430 = arith.mulf %gather3A_428, %gather3A_429 : vector<16xf32>
      %add3A_431 = arith.addf %add3A_420, %mul3A_430 : vector<16xf32>
      %mul3A_432 = arith.mulf %gather3A_428, %gather3A_428 : vector<16xf32>
      %add3A_433 = arith.addf %add3A_422, %mul3A_432 : vector<16xf32>
      %broadcast_in_dim3A_434 = arith.constant 30 : i32
      %broadcast_in_dim3A_435 = vector.broadcast %broadcast_in_dim3A_434 : i32 to vector<16xi32>
      %add3A_436 = arith.constant 384 : i32
      %add3A_437 = vector.broadcast %add3A_436 : i32 to vector<16xi32>
      %add3A_438 = arith.addi %add3A_437, %add3A_100 : vector<16xi32>
      %gather3A_439 = tpu.vector_load_idx %arg8[%add3A_438, %broadcast_in_dim3A_435] : memref<512x32xf32, #tpu.memory_space<vmem>>[vector<16xi32>, vector<16xi32>], vector<16xf32>,
      %gather3A_440 = tpu.vector_load_idx %arg7[%add3A_100, %broadcast_in_dim3A_435] : memref<128x128xf32, #tpu.memory_space<vmem>>[vector<16xi32>, vector<16xi32>], vector<16xf32>,
      %mul3A_441 = arith.mulf %gather3A_439, %gather3A_440 : vector<16xf32>
      %add3A_442 = arith.addf %add3A_431, %mul3A_441 : vector<16xf32>
      %mul3A_443 = arith.mulf %gather3A_439, %gather3A_439 : vector<16xf32>
      %add3A_444 = arith.addf %add3A_433, %mul3A_443 : vector<16xf32>
      %broadcast_in_dim3A_445 = arith.constant 31 : i32
      %broadcast_in_dim3A_446 = vector.broadcast %broadcast_in_dim3A_445 : i32 to vector<16xi32>
      %add3A_447 = arith.constant 384 : i32
      %add3A_448 = vector.broadcast %add3A_447 : i32 to vector<16xi32>
      %add3A_449 = arith.addi %add3A_448, %add3A_100 : vector<16xi32>
      %gather3A_450 = tpu.vector_load_idx %arg8[%add3A_449, %broadcast_in_dim3A_446] : memref<512x32xf32, #tpu.memory_space<vmem>>[vector<16xi32>, vector<16xi32>], vector<16xf32>,
      %gather3A_451 = tpu.vector_load_idx %arg7[%add3A_100, %broadcast_in_dim3A_446] : memref<128x128xf32, #tpu.memory_space<vmem>>[vector<16xi32>, vector<16xi32>], vector<16xf32>,
      %mul3A_452 = arith.mulf %gather3A_450, %gather3A_451 : vector<16xf32>
      %add3A_453 = arith.addf %add3A_442, %mul3A_452 : vector<16xf32>
      %mul3A_454 = arith.mulf %gather3A_450, %gather3A_450 : vector<16xf32>
      %add3A_455 = arith.addf %add3A_444, %mul3A_454 : vector<16xf32>
      %max3A = arith.constant 1.000000e-35 : f32
      %max3A_456 = vector.broadcast %max3A : f32 to vector<16xf32>
      %max3A_457 = arith.maximumf %add3A_455, %max3A_456 : vector<16xf32>
      %bitcast3A = vector.bitcast %max3A_457 : vector<16xf32> to vector<16xi32>
      %shift_right_arithmetic3A = arith.constant 1 : i32
      %shift_right_arithmetic3A_458 = vector.broadcast %shift_right_arithmetic3A : i32 to vector<16xi32>
      %shift_right_arithmetic3A_459 = arith.shrsi %bitcast3A, %shift_right_arithmetic3A_458 : vector<16xi32>
      %sub3A = arith.constant 1597463007 : i32
      %sub3A_460 = vector.broadcast %sub3A : i32 to vector<16xi32>
      %sub3A_461 = arith.subi %sub3A_460, %shift_right_arithmetic3A_459 : vector<16xi32>
      %bitcast3A_462 = vector.bitcast %sub3A_461 : vector<16xi32> to vector<16xf32>
      %mul3A_463 = arith.constant 5.000000e-01 : f32
      %mul3A_464 = vector.broadcast %mul3A_463 : f32 to vector<16xf32>
      %mul3A_465 = arith.mulf %mul3A_464, %max3A_457 : vector<16xf32>
      %mul3A_466 = arith.mulf %mul3A_465, %bitcast3A_462 : vector<16xf32>
      %mul3A_467 = arith.mulf %mul3A_466, %bitcast3A_462 : vector<16xf32>
      %sub3A_468 = arith.constant 1.500000e+00 : f32
      %sub3A_469 = vector.broadcast %sub3A_468 : f32 to vector<16xf32>
      %sub3A_470 = arith.subf %sub3A_469, %mul3A_467 : vector<16xf32>
      %mul3A_471 = arith.mulf %bitcast3A_462, %sub3A_470 : vector<16xf32>
      %mul3A_472 = arith.constant 5.000000e-01 : f32
      %mul3A_473 = vector.broadcast %mul3A_472 : f32 to vector<16xf32>
      %mul3A_474 = arith.mulf %mul3A_473, %max3A_457 : vector<16xf32>
      %mul3A_475 = arith.mulf %mul3A_474, %mul3A_471 : vector<16xf32>
      %mul3A_476 = arith.mulf %mul3A_475, %mul3A_471 : vector<16xf32>
      %sub3A_477 = arith.constant 1.500000e+00 : f32
      %sub3A_478 = vector.broadcast %sub3A_477 : f32 to vector<16xf32>
      %sub3A_479 = arith.subf %sub3A_478, %mul3A_476 : vector<16xf32>
      %mul3A_480 = arith.mulf %mul3A_471, %sub3A_479 : vector<16xf32>
      %mul3A_481 = arith.constant 5.000000e-01 : f32
      %mul3A_482 = vector.broadcast %mul3A_481 : f32 to vector<16xf32>
      %mul3A_483 = arith.mulf %mul3A_482, %max3A_457 : vector<16xf32>
      %mul3A_484 = arith.mulf %mul3A_483, %mul3A_480 : vector<16xf32>
      %mul3A_485 = arith.mulf %mul3A_484, %mul3A_480 : vector<16xf32>
      %sub3A_486 = arith.constant 1.500000e+00 : f32
      %sub3A_487 = vector.broadcast %sub3A_486 : f32 to vector<16xf32>
      %sub3A_488 = arith.subf %sub3A_487, %mul3A_485 : vector<16xf32>
      %mul3A_489 = arith.mulf %mul3A_480, %sub3A_488 : vector<16xf32>
      %mul3A_490 = arith.mulf %add3A_453, %mul3A_489 : vector<16xf32>
      %add3A_491 = arith.addf %scan3A_96, %mul3A_490 : vector<16xf32>
      scf.yield %add3A_491 : vector<16xf32>
    }
    %scan3A_91 = arith.constant 8 : i32
    %swap3A = arith.constant 0 : index
    %swap3A_92 = tpu.vector_load %arg9[%swap3A] {strides = array<i32>} : memref<16xf32, #tpu.memory_space<vmem>>, vector<16xf32>,
    tpu.vector_store %arg9[%swap3A], %scan3A_90 {strides = array<i32>} : memref<16xf32, #tpu.memory_space<vmem>>, vector<16xf32>,
    %mul3A_93 = arith.constant 16 : i32
    %mul3A_94 = arith.muli %add3A, %mul3A_93 : i32
    "tpu.region"() ({
      %run_scoped3A_95 = tpu.sem_alloc : memref<!tpu.dma_semaphore, #tpu.memory_space<semaphore_mem>>
      %dma_start3A_96 = tpu.memref_slice %arg5[%mul3A_94] : memref<512xf32, #tpu.memory_space<hbm>> -> memref<16xf32, #tpu.memory_space<hbm>>
      %dma_start3A_97 = tpu.memref_slice %arg5[%mul3A_94] : memref<512xf32, #tpu.memory_space<hbm>> -> memref<16xf32, #tpu.memory_space<hbm>>
      tpu.enqueue_dma source(%arg9 : memref<16xf32, #tpu.memory_space<vmem>>) target(%dma_start3A_97 : memref<16xf32, #tpu.memory_space<hbm>>) target_semaphore(%run_scoped3A_95 : memref<!tpu.dma_semaphore, #tpu.memory_space<semaphore_mem>>)
      %dma_wait3A_98 = tpu.memref_slice %arg5[%mul3A_94] : memref<512xf32, #tpu.memory_space<hbm>> -> memref<16xf32, #tpu.memory_space<hbm>>
      %dma_wait3A_99 = tpu.memref_slice %arg5[%mul3A_94] : memref<512xf32, #tpu.memory_space<hbm>> -> memref<16xf32, #tpu.memory_space<hbm>>
      tpu.wait_dma2 semaphore(%run_scoped3A_95 : memref<!tpu.dma_semaphore, #tpu.memory_space<semaphore_mem>>) src(%arg9 : memref<16xf32, #tpu.memory_space<vmem>>) dst(%dma_wait3A_99 : memref<16xf32, #tpu.memory_space<hbm>>)
      tpu.yield
    }) : () -> ()
    return
  }
}

module attributes {stable_mosaic.version = 14 : i64} {
  func.func @_loss_body(%arg0: i32, %arg1: memref<2048x32xf32, #tpu.memory_space<vmem>>, %arg2: memref<8192x32xbf16, #tpu.memory_space<vmem>>, %arg3: memref<1x1xf32, #tpu.memory_space<smem>>, %arg4: memref<1xf32, #tpu.memory_space<smem>>) attributes {dimension_semantics = [#tpu.dimension_semantics<arbitrary>], iteration_bounds = array<i64: 8>, scalar_prefetch = 0 : i64, scratch_operands = 1 : i64, tpu.core_type = #tpu.core_type<tc>, window_params = [{transform_indices = @transform_0, window_bounds = array<i64: 2048, 32>}, {pipeline_mode = #tpu.pipeline_mode<synchronous>, transform_indices = @transform_1, window_bounds = array<i64: 8192, 32>}, {transform_indices = @transform_2, window_bounds = array<i64: 1, 1>}]} {
    %get3A = arith.constant 0 : index
    %get3A_0 = arith.constant 0 : index
    %get3A_1 = vector.load %arg1[%get3A, %get3A_0] : memref<2048x32xf32, #tpu.memory_space<vmem>>, vector<2048x32xf32>
    %mul3A = arith.mulf %get3A_1, %get3A_1 : vector<2048x32xf32>
    %reduce_sum3A = arith.constant dense<0.000000e+00> : vector<2048xf32>
    %reduce_sum3A_2 = vector.multi_reduction <add>, %mul3A, %reduce_sum3A [1] : vector<2048x32xf32> to vector<2048xf32>
    %broadcast_in_dim3A = vector.shape_cast %reduce_sum3A_2 : vector<2048xf32> to vector<2048x1xf32>
    %sqrt3A = math.sqrt %broadcast_in_dim3A : vector<2048x1xf32>
    %max3A = arith.constant 9.99999996E-13 : f32
    %max3A_3 = vector.broadcast %max3A : f32 to vector<2048x1xf32>
    %max3A_4 = arith.maximumf %sqrt3A, %max3A_3 : vector<2048x1xf32>
    %div3A = arith.constant 14.2857141 : f32
    %div3A_5 = vector.broadcast %div3A : f32 to vector<2048x1xf32>
    %div3A_6 = arith.divf %div3A_5, %max3A_4 : vector<2048x1xf32>
    %mul3A_7 = vector.broadcast %div3A_6 : vector<2048x1xf32> to vector<2048x32xf32>
    %mul3A_8 = arith.mulf %get3A_1, %mul3A_7 : vector<2048x32xf32>
    %convert_element_type3A = arith.truncf %mul3A_8 : vector<2048x32xf32> to vector<2048x32xbf16>
    %get3A_9 = arith.constant 0 : index
    %get3A_10 = arith.constant 0 : index
    %get3A_11 = vector.load %arg2[%get3A_9, %get3A_10] : memref<8192x32xbf16, #tpu.memory_space<vmem>>, vector<8192x32xbf16>
    %dot_general3A = arith.constant dense<0.000000e+00> : vector<2048x8192xf32>
    %dot_general3A_12 = tpu.matmul %convert_element_type3A, %get3A_11, %dot_general3A {dimension_numbers = #tpu.dot_dimension_numbers<[1], [1], [0], [0], [0, 0, 1, 0], [], []>, transpose_lhs_hint = false} : vector<2048x32xbf16>, vector<8192x32xbf16>, vector<2048x8192xf32> -> vector<2048x8192xf32>
    %exp3A = math.exp %dot_general3A_12 : vector<2048x8192xf32>
    %reduce_sum3A_13 = arith.constant dense<0.000000e+00> : vector<2048xf32>
    %reduce_sum3A_14 = vector.multi_reduction <add>, %exp3A, %reduce_sum3A_13 [1] : vector<2048x8192xf32> to vector<2048xf32>
    %add3A = arith.constant 9.99999996E-13 : f32
    %add3A_15 = vector.broadcast %add3A : f32 to vector<2048xf32>
    %add3A_16 = arith.addf %reduce_sum3A_14, %add3A_15 : vector<2048xf32>
    %log3A = math.log %add3A_16 : vector<2048xf32>
    %reduce_sum3A_17 = vector.shape_cast %log3A : vector<2048xf32> to vector<1x2048xf32>
    %reduce_sum3A_18 = arith.constant dense<0.000000e+00> : vector<1xf32>
    %reduce_sum3A_19 = vector.multi_reduction <add>, %reduce_sum3A_17, %reduce_sum3A_18 [1] : vector<1x2048xf32> to vector<1xf32>
    %reduce_sum3A_20 = vector.shape_cast %reduce_sum3A_19 : vector<1xf32> to vector<1x1xf32>
    %reduce_sum3A_21 = vector.extract %reduce_sum3A_20[0, 0] : f32 from vector<1x1xf32>
    %eq3A = arith.constant 0 : i32
    %eq3A_22 = arith.cmpi eq, %arg0, %eq3A : i32
    %convert_element_type3A_23 = arith.extui %eq3A_22 : i1 to i32
    %cond3A = arith.constant 0 : i32
    %cond3A_24 = arith.cmpi ne, %convert_element_type3A_23, %cond3A : i32
    scf.if %cond3A_24 {
      %swap3A_34 = arith.constant 0.000000e+00 : f32
      %swap3A_35 = arith.constant 0 : index
      %swap3A_36 = memref.load %arg4[%swap3A_35] : memref<1xf32, #tpu.memory_space<smem>>
      memref.store %swap3A_34, %arg4[%swap3A_35] : memref<1xf32, #tpu.memory_space<smem>>
    } else {
    }
    %get3A_25 = arith.constant 0 : index
    %get3A_26 = memref.load %arg4[%get3A_25] : memref<1xf32, #tpu.memory_space<smem>>
    %add3A_27 = arith.addf %get3A_26, %reduce_sum3A_21 : f32
    %swap3A = arith.constant 0 : index
    %swap3A_28 = memref.load %arg4[%swap3A] : memref<1xf32, #tpu.memory_space<smem>>
    memref.store %add3A_27, %arg4[%swap3A] : memref<1xf32, #tpu.memory_space<smem>>
    %eq3A_29 = arith.constant 7 : i32
    %eq3A_30 = arith.cmpi eq, %arg0, %eq3A_29 : i32
    %convert_element_type3A_31 = arith.extui %eq3A_30 : i1 to i32
    %cond3A_32 = arith.constant 0 : i32
    %cond3A_33 = arith.cmpi ne, %convert_element_type3A_31, %cond3A_32 : i32
    scf.if %cond3A_33 {
      %get3A_34 = arith.constant 0 : index
      %get3A_35 = memref.load %arg4[%get3A_34] : memref<1xf32, #tpu.memory_space<smem>>
      %swap3A_36 = arith.constant 0 : index
      %swap3A_37 = arith.constant 0 : index
      %swap3A_38 = memref.load %arg3[%swap3A_36, %swap3A_37] : memref<1x1xf32, #tpu.memory_space<smem>>
      memref.store %get3A_35, %arg3[%swap3A_36, %swap3A_37] : memref<1x1xf32, #tpu.memory_space<smem>>
    } else {
    }
    return
  }
  func.func @transform_0(%arg0: i32) -> (i32, i32) {
    %c0_i32 = arith.constant 0 : i32
    %c0_i32_0 = arith.constant 0 : i32
    return %arg0, %c0_i32 : i32, i32
  }
  func.func @transform_1(%arg0: i32) -> (i32, i32) {
    %c0_i32 = arith.constant 0 : i32
    %c0_i32_0 = arith.constant 0 : i32
    %c0_i32_1 = arith.constant 0 : i32
    return %c0_i32, %c0_i32_0 : i32, i32
  }
  func.func @transform_2(%arg0: i32) -> (i32, i32) {
    %c0_i32 = arith.constant 0 : i32
    %c0_i32_0 = arith.constant 0 : i32
    %c0_i32_1 = arith.constant 0 : i32
    return %c0_i32, %c0_i32_0 : i32, i32
  }
}

module attributes {stable_mosaic.version = 14 : i64} {
  func.func @_combine_body(%arg0: memref<1x1xf32, #tpu.memory_space<smem>>, %arg1: memref<512xf32, #tpu.memory_space<vmem>>, %arg2: memref<1x1xf32, #tpu.memory_space<smem>>) attributes {dimension_semantics = [], scalar_prefetch = 0 : i64, scratch_operands = 0 : i64, tpu.core_type = #tpu.core_type<tc>} {
    %get3A = arith.constant 0 : index
    %get3A_0 = vector.load %arg1[%get3A] : memref<512xf32, #tpu.memory_space<vmem>>, vector<512xf32>
    %reduce_sum3A = vector.shape_cast %get3A_0 : vector<512xf32> to vector<1x512xf32>
    %reduce_sum3A_1 = arith.constant dense<0.000000e+00> : vector<1xf32>
    %reduce_sum3A_2 = vector.multi_reduction <add>, %reduce_sum3A, %reduce_sum3A_1 [1] : vector<1x512xf32> to vector<1xf32>
    %reduce_sum3A_3 = vector.shape_cast %reduce_sum3A_2 : vector<1xf32> to vector<1x1xf32>
    %reduce_sum3A_4 = vector.extract %reduce_sum3A_3[0, 0] : f32 from vector<1x1xf32>
    %mul3A = arith.constant 14.2857141 : f32
    %mul3A_5 = arith.mulf %reduce_sum3A_4, %mul3A : f32
    %get3A_6 = arith.constant 0 : index
    %get3A_7 = arith.constant 0 : index
    %get3A_8 = memref.load %arg0[%get3A_6, %get3A_7] : memref<1x1xf32, #tpu.memory_space<smem>>
    %sub3A = arith.subf %get3A_8, %mul3A_5 : f32
    %mul3A_9 = arith.constant 6.10351563E-5 : f32
    %mul3A_10 = arith.mulf %sub3A, %mul3A_9 : f32
    %swap3A = arith.constant 0 : index
    %swap3A_11 = arith.constant 0 : index
    %swap3A_12 = memref.load %arg2[%swap3A, %swap3A_11] : memref<1x1xf32, #tpu.memory_space<smem>>
    memref.store %mul3A_10, %arg2[%swap3A, %swap3A_11] : memref<1x1xf32, #tpu.memory_space<smem>>
    return
  }
}

</mosaic_0001>

<sc_bundles>
// kernel: kernel.5.cloned.1.call-start
scs
__scs_entry_jumppad:
0x0: {  	(pc) =	sbr.rel $0x88, $3  }
0x1: {  	(tag) =	ssettag $0x0;
	lr =	simm.s32 $0x1  }
0x2: {  	[smem:$0x3F9E] =	sst lr;
	_ =	strace $0xD0000000  }
0x3: {  	_ = 	snop  }
0x4: {  	_ = 	snop  }
0x5: {  	_ = 	snop  }
0x6: {  	_ = 	snop  }
0x7: {  	_ = 	snop  }
__scs_overlays_trampoline_lowered:
0x8: {  	[smem:$0x3FAD] =	sst s0  }
0x9: {  	[smem:$0x3FAE] =	sst s1  }
0xa: {  	[smem:$0x3FAF] =	sst s2  }
0xb: {  	[smem:$0x3FB0] =	sst s3  }
0xc: {  	[smem:$0x3FB1] =	sst s4  }
0xd: {  	[smem:$0x3FB2] =	sst s5  }
0xe: {  	[smem:$0x3FB3] =	sst s6  }
0xf: {  	[smem:$0x3FB4] =	sst s7  }
0x10: {  	[smem:$0x3FB5] =	sst s8  }
0x11: {  	[smem:$0x3FB6] =	sst s9;
	s0 =	simm.s32 @!p0 $0x0  }
0x12: {  	s1 =	sld [smem:$0x3F9C];
	s0 =	simm.s32 @p0 $0x1  }
0x13: {  	[smem:$0x3FB7] =	sst s0;
	s0 =	simm.s32 @!p1 $0x0  }
0x14: {  	s2 =	sld [smem:$0x3F9B];
	s0 =	simm.s32 @p1 $0x1  }
0x15: {  	[smem:$0x3FB8] =	sst s0;
	s0 =	simm.s32 @!p2 $0x0  }
0x16: {  	s3 =	sld [smem:$0x3FDB];
	s0 =	simm.s32 @p2 $0x1  }
0x17: {  	s4 =	simm.s32 $0x1BF5;
	[smem:$0x3FBA] =	sst s0  }
0x18: {  	s0 =	sld [smem:$0x3F9D];
	_ =	swait.ge [sflag:s4], $0x0  }
0x19: {  	s7 =	sld [smem:$0x3F9E]  }
0x1a: {  	s8 =	sadd.s32 $0xFFFFE003, lr  }
0x1b: {  	s9 =	sadd.s32 $0xFFFFFEF7, lr;
	s5 =	simm.s32 $0xFFFFFFFF;
	p2 =	slt.u32 s8, $0xFFFFF086  }
0x1c: {  	p1 =	slt.u32 s9, $0xF7A;
	s5 =	simm.s32 @!p2 $0x0  }
0x1d: {  	s5 =	simm.s32 @p1 $0x1;
	p0 =	seq.s32 s7, s2  }
0x1e: {  	s7 =	smul.u32 @!p0 $0xF7A, s2;
	p2 =	seq.s32 @!p0 s5, $0x0  }
0x1f: {  	s9 =	smul.u32 $0xF7A, s1;
	s8 =	simm.s32 @!p0 $0x1BF5;
	p2 =	por !p2, p0  }
0x20: {  	[sflag:s8] =	ssyncset.s32 @!p0 $0xFFFFF086;
	s6 =	sadd.s32 @!p0 s3, s7;
	s7 =	simm.s32 @!p0 $0x108  }
0x21: {  	s3 =	sadd.s32 s3, s9;
	s6 =	sadd.s32 @!p0 $0x88, s6;
	s7 =	simm.s32 @p2 $0x1082  }
0x22: {  	[simem:s7], [sflag:s8] =	dma.local @!p0 [hbm:s6], $0xF7A  }
0x23: {  	s9 =	sor.u32 $0xD0000000, s2;
	s6 =	simm.s32 $0x108;
	_ =	swait.ge @!p0 [sflag:s8], $0x0  }
0x24: {  	s3 =	sadd.s32 $0x88, s3;
	s6 =	simm.s32 @!p1 $0x1082;
	[sflag:s4] =	ssyncset.s32 $0xFFFFF086  }
0x25: {  	[simem:s6], [sflag:s4] =	dma.local [hbm:s3], $0xF7A  }
0x26: {  	[smem:$0x3F9E] =	sst s1;
	(tag) =	ssettag s2;
	_ =	strace s9  }
0x27: {  	s1 =	sld [smem:$0x3FAE]  }
0x28: {  	s2 =	sld [smem:$0x3FAF]  }
0x29: {  	s4 =	sld [smem:$0x3FB1]  }
0x2a: {  	p0 =	seq.s32 s5, $0x0;
	s5 =	sld [smem:$0x3FB2]  }
0x2b: {  	s6 =	sld [smem:$0x3FB3]  }
0x2c: {  	s7 =	sld [smem:$0x3FB4]  }
0x2d: {  	s3 =	simm.s32 $0x108;
	s8 =	sld [smem:$0x3FB5]  }
0x2e: {  	s3 =	simm.s32 @!p0 $0x1082;
	s9 =	sld [smem:$0x3FB6]  }
0x2f: {  	lr =	sadd.s32 s0, s3;
	s0 =	sld [smem:$0x3FAD]  }
0x30: {  	s3 =	sld [smem:$0x3FB0]  }
0x31: {  	[smem:$0x3FB9] =	sst s10  }
0x32: {  	s10 =	sld [smem:$0x3FB7];
	_ =	sdelay $0x3  }
0x33: {  	p0 =	seq.s32 s10, $0x1;
	s10 =	sld [smem:$0x3FB9];
	_ =	sdelay $0x3  }
0x34: {  	[smem:$0x3FB9] =	sst s10  }
0x35: {  	s10 =	sld [smem:$0x3FB8];
	_ =	sdelay $0x3  }
0x36: {  	p1 =	seq.s32 s10, $0x1;
	s10 =	sld [smem:$0x3FB9];
	_ =	sdelay $0x3  }
0x37: {  	[smem:$0x3FB9] =	sst s10  }
0x38: {  	s10 =	sld [smem:$0x3FBA]  }
0x39: {  	_ = 	snop;
	(pc) =	sbr.ind lr, $3  }
0x3a: {  	_ = 	snop  }
0x3b: {  	_ = 	snop  }
0x3c: {  	p2 =	seq.s32 s10, $0x1;
	s10 =	sld [smem:$0x3FB9]  }
0x3d: {  	_ =	shalt  }
0x3e: {  	_ =	shalt  }
0x3f: {  	_ =	shalt  }
0x40: {  	_ =	shalt  }
0x41: {  	_ =	shalt  }
0x42: {  	_ =	shalt  }
0x43: {  	_ =	shalt  }
0x44: {  	_ =	shalt  }
0x45: {  	_ =	shalt  }
0x46: {  	_ =	shalt  }
0x47: {  	_ =	shalt  }
0x48: {  	_ =	shalt  }
0x49: {  	_ =	shalt  }
0x4a: {  	_ =	shalt  }
0x4b: {  	_ =	shalt  }
0x4c: {  	_ =	shalt  }
0x4d: {  	_ =	shalt  }
0x4e: {  	_ =	shalt  }
0x4f: {  	_ =	shalt  }
0x50: {  	_ =	shalt  }
0x51: {  	_ =	shalt  }
0x52: {  	_ =	shalt  }
0x53: {  	_ =	shalt  }
0x54: {  	_ =	shalt  }
0x55: {  	_ =	shalt  }
0x56: {  	_ =	shalt  }
0x57: {  	_ =	shalt  }
0x58: {  	_ =	shalt  }
0x59: {  	_ =	shalt  }
0x5a: {  	_ =	shalt  }
0x5b: {  	_ =	shalt  }
0x5c: {  	_ =	shalt  }
0x5d: {  	_ =	shalt  }
0x5e: {  	_ =	shalt  }
0x5f: {  	_ =	shalt  }
0x60: {  	_ =	shalt  }
0x61: {  	_ =	shalt  }
0x62: {  	_ =	shalt  }
0x63: {  	_ =	shalt  }
0x64: {  	_ =	shalt  }
0x65: {  	_ =	shalt  }
0x66: {  	_ =	shalt  }
0x67: {  	_ =	shalt  }
0x68: {  	_ =	shalt  }
0x69: {  	_ =	shalt  }
0x6a: {  	_ =	shalt  }
0x6b: {  	_ =	shalt  }
0x6c: {  	_ =	shalt  }
0x6d: {  	_ =	shalt  }
0x6e: {  	_ =	shalt  }
0x6f: {  	_ =	shalt  }
0x70: {  	_ =	shalt  }
0x71: {  	_ =	shalt  }
0x72: {  	_ =	shalt  }
0x73: {  	_ =	shalt  }
0x74: {  	_ =	shalt  }
0x75: {  	_ =	shalt  }
0x76: {  	_ =	shalt  }
0x77: {  	_ =	shalt  }
0x78: {  	_ =	shalt  }
0x79: {  	_ =	shalt  }
0x7a: {  	_ =	shalt  }
0x7b: {  	_ =	shalt  }
0x7c: {  	_ =	shalt  }
0x7d: {  	_ =	shalt  }
0x7e: {  	_ =	shalt  }
0x7f: {  	_ =	shalt  }
0x80: {  	_ =	shalt  }
0x81: {  	_ =	shalt  }
0x82: {  	_ =	shalt  }
0x83: {  	_ =	shalt  }
0x84: {  	_ =	shalt  }
0x85: {  	_ =	shalt  }
0x86: {  	_ =	shalt  }
0x87: {  	_ =	shalt  }
.Lfunc_end0:
.L_simem_size_0:
called_computation_lowered:
.L_overlay_start_0:
0x88: {  	s2 =	sld [smem:$0x3FD9]  }
0x89: {  	s3 =	sld [smem:$0x3FFE];
	_ =	sdelay $0x1  }
0x8a: {  	s1 =	srdreg.scid  }
0x8b: {  	s0 =	sand.u32 $0x1, s1  }
0x8c: {  	s17 =	sshll.u32 s0, $0xA;
	s2 =	sadd.s32 s3, s2  }
0x8d: {  	s2 =	sadd.s32 s2, s17  }
0x8e: {  	[smem:$0x3FC5] =	sst s2  }
0x8f: {  	_ = 	snop  }
0x90: {  	s2 =	sld [smem:$0x3FC8];
	(tm) =	ssettm $0x1  }
0x91: {  	s18 =	sld [smem:$0x3FFB];
	_ =	sdelay $0x3  }
0x92: {  	_ =	strace s18  }
0x93: {  	s3 =	sld [smem:$0x3FFC];
	_ =	sdelay $0x3  }
0x94: {  	_ =	strace s3  }
0x95: {  	s3 =	sld [smem:$0x3FFD];
	_ =	sdelay $0x3  }
0x96: {  	_ =	strace s3  }
0x97: {  	_ =	strace $0x8FFFFFFF  }
0x98: {  	s19 =	sld [smem:$0x3FDB];
	_ =	sdelay $0x1  }
0x99: {  	s4 =	simm.s32 $_scs_section_size  }
0x9a: {  	s5 =	simm.s32 $_size__tile_overlayer_lowered;
	s6 =	simm.s32 $_tile_overlayer_lowered  }
0x9b: {  	s22 =	simm.s32 $0x1BFF;
	s21 =	sshll.u32 s6, $0x1;
	s3 =	sadd.s32 s4, s19  }
0x9c: {  	s7 =	simm.s32 $0x0;
	s20 =	sshll.u32 s5, $0x1;
	s5 =	sadd.s32 s21, s3  }
0x9d: {  	[timem:s7], [sflag:s22] =	dma.local [hbm:s5], s20  }
0x9e: {  	_ =	swait.ge [sflag:s22], s20  }
0x9f: {  	s4 =	ssub.s32 $0x0, s20;
	[sflag:s22] =	ssyncset.done $0x0  }
0xa0: {  	[sflag:s22] =	ssyncadd.s32 s4;
	_ =	sdelay $0x1  }
0xa1: {  	s23 =	simm.s32 $0x1B8B  }
0xa2: {  	_ =	swait.ge [sflag:s23], $0x1  }
0xa3: {  	[sflag:s23] =	ssyncset.done $0x0  }
0xa4: {  	s25 =	simm.s32 $0x1B8E;
	s24 =	sld [smem:$0x3FFE];
	[sflag:s23] =	ssyncadd.s32 $0xFFFFFFFF  }
0xa5: {  	s26 =	simm.s32 $execute0_lowered;
	[smem:$0x3FD2] =	sst s25  }
0xa6: {  	s5 =	sshll.u32 s26, $0x1;
	_ =	strace $0x80000046;
	[dreg:$0x1] =	wrdreg $0xFFFFFFFF  }
0xa7: {  	s28 =	simm.s32 $_size_execute0_lowered;
	s3 =	sadd.s32 s3, s5;
	[dreg:$0x0] =	wrdreg $0x0  }
0xa8: {  	s5 =	sshll.u32 s28, $0x1;
	[dreg:$0x2] =	wrdreg s3  }
0xa9: {  	[dreg:$0x3] =	wrdreg s5  }
0xaa: {  	[dreg:$0x4] =	wrdreg $0xC0  }
0xab: {  	_ =	task [dreg:s7], $0x5FFFF  }
0xac: {  	[dreg:$0x1] =	wrdreg $0xFFFFFFFF  }
0xad: {  	[dreg:$0x0] =	wrdreg $0x60  }
0xae: {  	[dreg:$0x2] =	wrdreg s24  }
0xaf: {  	[dreg:$0x3] =	wrdreg s2  }
0xb0: {  	[dreg:$0x4] =	wrdreg $0x9  }
0xb1: {  	_ =	task.clear_ibuf [dreg:s7], $0x5FFFF;
	_ =	strace $0x90000046  }
0xb2: {  	s29 =	simm.s32 $0x9;
	_ =	strace $0x80000048  }
0xb3: {  	_ =	swait.ge [sflag:s29], $0x1  }
0xb4: {  	[sflag:s29] =	ssyncadd.s32 $0xFFFFFFFF  }
0xb5: {  	_ =	strace $0x90000048  }
0xb6: {  	_ =	sfence  }
0xb7: {  	s30 =	sld [smem:$0x0];
	_ =	sdelay $0x2  }
0xb8: {  	s31 =	sshll.u32 s1, $0xD;
	s1 =	sshrl.u32 s1, $0x2  }
0xb9: {  	s3 =	sand.u32 $0x4000, s31;
	s1 =	sadd.s32 s1, s30  }
0xba: {  	s0 =	sor.u32 s3, s0;
	s1 =	sshll.u32 s1, $0x11  }
0xbb: {  	s0 =	sor.u32 s1, s0  }
0xbc: {  	s0 =	sadd.s32 $0x8F2B, s0  }
0xbd: {  	[sflag:s0] =	ssyncadd.remote.s32 $0x1  }
0xbe: {  	_ =	sfence.sel $0xFFFF  }
0xbf: {  	[dreg:$0x0] =	wrdreg $0xFFFFFFFF;
	(pc) =	sbr.abs _section_cstart, $3  }
0xc0: {  	[dreg:$0x1] =	wrdreg $0xFFFFFFFF  }
0xc1: {  	_ =	task.clear_ibuf [dreg:s7], $0x2FFFF;
	_ =	strace $0x9FFFFFFF  }
0xc2: {  	(tm) =	ssettm $0x7FFFFFFF  }
0xc3: {  	_ =	shalt  }
tec
execute0_lowered:
.L_overlay_start_1:
0x0: {  	(tag) =	ssettag $0x1  }
0x1: {  	s4 =	rddreg [dreg:$0x0]  }
0x2: {  	s5 =	rddreg [dreg:$0x1]  }
0x3: {  	s0 =	rddreg [dreg:$0x2]  }
0x4: {  	s3 =	srdreg.scid;
	s1 =	stileid.u32;
	s2 =	simm.s32 $0x0  }
0x5: {  	s11 =	simm.s32 $0x4200;
	s12 =	simm.s32 $0x2;
	s13 =	simm.s32 $0x80  }
0x6: {  	s14 =	simm.s32 $0x100;
	s15 =	simm.s32 $0x180;
	s16 =	simm.s32 $0x200  }
0x7: {  	s17 =	simm.s32 $0x1;
	s18 =	simm.s32 $0x14200;
	s19 =	simm.s32 $0x0  }
0x8: {  	s6 =	sand.u32 $0x1, s3;
	s31 =	sshll.u32 s1, $0x1;
	[smem:$0x7FF] =	sst s2  }
0x9: {  	s3 =	sadd.s32 $0x40A00, s4;
	s7 =	sor.u32 s6, s31;
	_ =	strace $0x80000047  }
0xa: {  	s6 =	ssub.s32 $0x2, s6;
	s8 =	sshll.u32 s7, $0xD;
	s9 =	sshll.u32 s7, $0x1  }
0xb: {  	v0 =	vlaneseq.u32;
	s10 =	sshrl.u32 s6, $0x1;
	s7 =	sshll.u32 s7, $0x6;
	s8 =	sadd.s32 s8, s4  }
0xc: {  	v47 =	vmul.u32 $0x80, v0;
	s9 =	sadd.s32 s9, s4;
	s10 =	ssub.s32 s6, s10;
	s4 =	sadd.s32 s5, s7  }
0xd: {  	s5 =	sadd.s32 $0xA00, s8;
	s6 =	sadd.s32 $0x10, s4;
	s7 =	sadd.s32 $0x20, s4  }
0xe: {  	[tilespmem:$0x1FFF0] =	vst v47;
	s8 =	sadd.s32 $0x30, s4;
	s9 =	sadd.s32 $0x60A00, s9;
	s10 =	smax.u32 s10, $0x1  }
.LBB2_1:
0xf: {  	[tilespmem:s11], [sflag:$0x2] =	stream.linear.gather [hbm4b:s5+s2], $0x10000, $0x38;
	[tilespmem:$0x14280] =	vst v63  }
0x10: {  	_ =	swait.ge [sflag:s12], $0x10000  }
0x11: {  	[sflag:s12] =	ssyncset.done $0x0  }
0x12: {  	[sflag:s12] =	ssyncadd.s32 $0xFFFF0000  }
0x13: {  	[tilespmem:s2], [sflag:$0x2] =	stream.linear.gather [hbm4b:s4+s2], $0x80, $0x38;
	[tilespmem:$0x14280] =	vst v63  }
0x14: {  	_ =	swait.ge [sflag:s12], $0x80  }
0x15: {  	[sflag:s12] =	ssyncset.done $0x0  }
0x16: {  	[sflag:s12] =	ssyncadd.s32 $0xFFFFFF80  }
0x17: {  	[tilespmem:s13], [sflag:$0x2] =	stream.linear.gather [hbm4b:s6+s2], $0x80, $0x38;
	[tilespmem:$0x14280] =	vst v63  }
0x18: {  	_ =	swait.ge [sflag:s12], $0x80  }
0x19: {  	[sflag:s12] =	ssyncset.done $0x0  }
0x1a: {  	[sflag:s12] =	ssyncadd.s32 $0xFFFFFF80  }
0x1b: {  	[tilespmem:s14], [sflag:$0x2] =	stream.linear.gather [hbm4b:s7+s2], $0x80, $0x38;
	[tilespmem:$0x14280] =	vst v63  }
0x1c: {  	_ =	swait.ge [sflag:s12], $0x80  }
0x1d: {  	[sflag:s12] =	ssyncset.done $0x0  }
0x1e: {  	[sflag:s12] =	ssyncadd.s32 $0xFFFFFF80  }
0x1f: {  	[tilespmem:s15], [sflag:$0x2] =	stream.linear.gather [hbm4b:s8+s2], $0x80, $0x38;
	[tilespmem:$0x14280] =	vst v63  }
0x20: {  	v0 =	vmov s2;
	_ =	swait.ge [sflag:s12], $0x80  }
0x21: {  	v0 =	vshll.u32 v0, $0x7;
	[sflag:s12] =	ssyncset.done $0x0  }
0x22: {  	v4 =	vor.u32 v47, v0;
	[sflag:s12] =	ssyncadd.s32 $0xFFFFFF80  }
0x23: {  	v0 =	vor.u32 $0x1, v4;
	[tilespmem:s16], [sflag:$0x1] =	stream.indirect.gather [hbm4b:s3+s13], $0x80, s2, s13, $0xb8;
	[tilespmem:$0x14280] =	vst v63  }
0x24: {  	_ =	swait.ge [sflag:s17], $0x4000  }
0x25: {  	v1 =	vor.u32 $0x2, v4;
	[sflag:s17] =	ssyncset.done $0x0  }
0x26: {  	[sflag:s17] =	ssyncadd.s32 $0xFFFFC000  }
0x27: {  	v5 =	vor.u32 $0x3, v4;
	v3 =	vld.idx.msk [tilespmem:v4+s11+$0x0], $0xffff  }
0x28: {  	v6 =	vld.idx.msk [tilespmem:v0+s11+$0x0], $0xffff  }
0x29: {  	v7 =	vor.u32 $0x4, v4  }
0x2a: {  	v8 =	vld.idx.msk [tilespmem:v1+s11+$0x0], $0xffff  }
0x2b: {  	v9 =	vor.u32 $0x5, v4  }
0x2c: {  	v10 =	vld.idx.msk [tilespmem:v5+s11+$0x0], $0xffff  }
0x2d: {  	v11 =	vor.u32 $0x6, v4;
	v2 =	vmul.f32 v3, v3;
	v12 =	vmul.f32 v6, v6  }
0x2e: {  	v21 =	vld.idx.msk [tilespmem:v7+s11+$0x0], $0xffff  }
0x2f: {  	v27 =	vor.u32 $0x7, v4;
	v2 =	vadd.f32 v12, v2;
	v12 =	vmul.f32 v8, v8  }
0x30: {  	v29 =	vld.idx.msk [tilespmem:v9+s11+$0x0], $0xffff  }
0x31: {  	v30 =	vor.u32 $0x8, v4;
	v2 =	vadd.f32 v12, v2;
	v12 =	vmul.f32 v10, v10  }
0x32: {  	v31 =	vld.idx.msk [tilespmem:v11+s11+$0x0], $0xffff  }
0x33: {  	v32 =	vor.u32 $0x9, v4;
	v2 =	vadd.f32 v12, v2;
	v12 =	vmul.f32 v21, v21  }
0x34: {  	v36 =	vld.idx.msk [tilespmem:v27+s11+$0x0], $0xffff  }
0x35: {  	v38 =	vor.u32 $0xA, v4;
	v2 =	vadd.f32 v12, v2;
	v12 =	vmul.f32 v29, v29  }
0x36: {  	v39 =	vld.idx.msk [tilespmem:v30+s11+$0x0], $0xffff  }
0x37: {  	v40 =	vor.u32 $0xB, v4;
	v2 =	vadd.f32 v12, v2;
	v12 =	vmul.f32 v31, v31  }
0x38: {  	v42 =	vor.u32 $0xC, v4;
	v41 =	vld.idx.msk [tilespmem:v32+s11+$0x0], $0xffff  }
0x39: {  	s20 =	simm.s32 $0x10;
	v44 =	vor.u32 $0xD, v4;
	v14 =	vmul.f32 v36, v36;
	v12 =	vadd.f32 v12, v2  }
0x3a: {  	v13 =	vmov s20;
	v46 =	vor.u32 $0xE, v4;
	v43 =	vld.idx.msk [tilespmem:v38+s11+$0x0], $0xffff  }
0x3b: {  	v2 =	vshll.u32 v13, $0x7;
	v13 =	vmul.f32 v39, v39;
	v12 =	vadd.f32 v14, v12  }
0x3c: {  	v45 =	vld.idx.msk [tilespmem:v40+s11+$0x0], $0xffff  }
0x3d: {  	v48 =	vor.u32 $0xF, v4;
	v63 =	vld.idx.msk [tilespmem:v42+s11+$0x0], $0xffff;
	v12 =	vadd.f32 v13, v12;
	v13 =	vmul.f32 v41, v41  }
0x3e: {  	v20 =	vld.idx.msk [tilespmem:v44+s11+$0x0], $0xffff  }
0x3f: {  	v22 =	vor.u32 $0x10, v4;
	v19 =	vld.idx.msk [tilespmem:v46+s11+$0x0], $0xffff;
	v12 =	vadd.f32 v13, v12;
	v13 =	vmul.f32 v43, v43  }
0x40: {  	v0 =	vld.idx.msk [tilespmem:v0+s16+$0x0], $0xffff  }
0x41: {  	v24 =	vor.u32 $0x12, v4;
	v14 =	vld.idx.msk [tilespmem:v4+s16+$0x0], $0xffff;
	v12 =	vadd.f32 v13, v12;
	v13 =	vmul.f32 v45, v45  }
0x42: {  	v34 =	vor.u32 $0x14, v4;
	v18 =	vld.idx.msk [tilespmem:v48+s11+$0x0], $0xffff  }
0x43: {  	v23 =	vor.u32 $0x11, v4;
	v1 =	vld.idx.msk [tilespmem:v1+s16+$0x0], $0xffff;
	v12 =	vadd.f32 v13, v12;
	v13 =	vmul.f32 v63, v63  }
0x44: {  	v16 =	vld.idx.msk [tilespmem:v22+s11+$0x0], $0xffff  }
0x45: {  	v5 =	vld.idx.msk [tilespmem:v5+s16+$0x0], $0xffff;
	v2 =	vor.u32 v47, v2;
	v12 =	vadd.f32 v13, v12;
	v13 =	vmul.f32 v20, v20  }
0x46: {  	v15 =	vld.idx.msk [tilespmem:v24+s11+$0x0], $0xffff;
	v3 =	vmul.f32 v14, v3  }
0x47: {  	v25 =	vor.u32 $0x13, v4;
	v17 =	vld.idx.msk [tilespmem:v34+s11+$0x0], $0xffff;
	v14 =	vmul.f32 v19, v19;
	v12 =	vadd.f32 v13, v12  }
0x48: {  	v0 =	vmul.f32 v0, v6;
	v3 =	vadd.f32 $0.0e+00, v3;
	v13 =	vld.idx.msk [tilespmem:v23+s11+$0x0], $0xffff  }
0x49: {  	v35 =	vor.u32 $0x18, v4;
	v6 =	vld.idx.msk [tilespmem:v7+s16+$0x0], $0xffff;
	v7 =	vadd.f32 v14, v12;
	v12 =	vmul.f32 v18, v18  }
0x4a: {  	v1 =	vmul.f32 v1, v8;
	v50 =	vld.idx.msk [tilespmem:v2+s11+$0x0], $0xffff;
	v0 =	vadd.f32 v0, v3  }
0x4b: {  	v26 =	vor.u32 $0x15, v4;
	v8 =	vmul.f32 v16, v16;
	v3 =	vld.idx.msk [tilespmem:v9+s16+$0x0], $0xffff;
	v7 =	vadd.f32 v12, v7  }
0x4c: {  	v0 =	vadd.f32 v1, v0;
	v1 =	vmul.f32 v5, v10;
	v14 =	vld.idx.msk [tilespmem:v25+s11+$0x0], $0xffff  }
0x4d: {  	v28 =	vor.u32 $0x16, v4;
	v5 =	vld.idx.msk [tilespmem:v11+s16+$0x0], $0xffff;
	v7 =	vadd.f32 v8, v7;
	v8 =	vmul.f32 v13, v13  }
0x4e: {  	v9 =	vld.idx.msk [tilespmem:v35+s11+$0x0], $0xffff;
	v0 =	vadd.f32 v1, v0;
	v1 =	vmul.f32 v6, v21  }
0x4f: {  	v33 =	vor.u32 $0x17, v4;
	v6 =	vld.idx.msk [tilespmem:v27+s16+$0x0], $0xffff;
	v7 =	vadd.f32 v8, v7;
	v8 =	vmul.f32 v15, v15  }
0x50: {  	v0 =	vadd.f32 v1, v0;
	v1 =	vmul.f32 v3, v29;
	v12 =	vld.idx.msk [tilespmem:v26+s11+$0x0], $0xffff  }
0x51: {  	v3 =	vld.idx.msk [tilespmem:v30+s16+$0x0], $0xffff;
	v7 =	vadd.f32 v8, v7;
	v8 =	vmul.f32 v14, v14  }
0x52: {  	v11 =	vld.idx.msk [tilespmem:v28+s11+$0x0], $0xffff;
	v0 =	vadd.f32 v1, v0;
	v1 =	vmul.f32 v5, v31  }
0x53: {  	v37 =	vor.u32 $0x19, v4;
	v5 =	vld.idx.msk [tilespmem:v32+s16+$0x0], $0xffff;
	v7 =	vadd.f32 v8, v7;
	v8 =	vmul.f32 v17, v17  }
0x54: {  	v10 =	vld.idx.msk [tilespmem:v33+s11+$0x0], $0xffff;
	v0 =	vadd.f32 v1, v0;
	v1 =	vmul.f32 v6, v36  }
0x55: {  	v6 =	vld.idx.msk [tilespmem:v38+s16+$0x0], $0xffff;
	v38 =	vor.u32 $0x1A, v4;
	v7 =	vadd.f32 v8, v7;
	v8 =	vmul.f32 v12, v12  }
0x56: {  	v27 =	vld.idx.msk [tilespmem:v42+s16+$0x0], $0xffff;
	v30 =	vor.u32 $0x1D, v4;
	v0 =	vadd.f32 v1, v0;
	v1 =	vmul.f32 v3, v39  }
0x57: {  	v21 =	vmul.f32 v11, v11;
	v3 =	vld.idx.msk [tilespmem:v40+s16+$0x0], $0xffff;
	v7 =	vadd.f32 v8, v7  }
0x58: {  	v36 =	vor.u32 $0x1B, v4;
	v0 =	vadd.f32 v1, v0;
	v1 =	vmul.f32 v5, v41;
	v8 =	vld.idx.msk [tilespmem:v37+s11+$0x0], $0xffff  }
0x59: {  	v42 =	vld.idx.msk [tilespmem:v46+s16+$0x0], $0xffff;
	v5 =	vadd.f32 v21, v7;
	v21 =	vmul.f32 v10, v10  }
0x5a: {  	v32 =	vor.u32 $0x1C, v4;
	v0 =	vadd.f32 v1, v0;
	v1 =	vmul.f32 v6, v43;
	v7 =	vld.idx.msk [tilespmem:v38+s11+$0x0], $0xffff  }
0x5b: {  	v39 =	vld.idx.msk [tilespmem:v30+s11+$0x0], $0xffff;
	v5 =	vadd.f32 v21, v5;
	v21 =	vmul.f32 v9, v9  }
0x5c: {  	v43 =	vld.idx.msk [tilespmem:v44+s16+$0x0], $0xffff;
	v0 =	vadd.f32 v1, v0;
	v1 =	vmul.f32 v3, v45;
	v3 =	vimm.f32 $0.0e+00  }
0x5d: {  	v6 =	vld.idx.msk [tilespmem:v36+s11+$0x0], $0xffff;
	[tilespmem:$0x1FFE0] =	vst v3;
	v3 =	vadd.f32 v21, v5;
	v21 =	vmul.f32 v8, v8  }
0x5e: {  	v49 =	vmovc v50;
	v31 =	vor.u32 $0x1E, v4;
	v45 =	vmul.f32 v27, v63;
	v44 =	vadd.f32 v1, v0;
	v0 =	vld.idx.msk [tilespmem:v48+s16+$0x0], $0xffff  }
0x5f: {  	s20 =	simm.s32 $0x20;
	v29 =	vmovc v50;
	v27 =	vor.u32 $0x1F, v4;
	v5 =	vld.idx.msk [tilespmem:v32+s11+$0x0], $0xffff;
	v4 =	vmul.f32 v7, v7;
	v3 =	vadd.f32 v21, v3  }
.LBB2_2:
0x60: {  	_ = 	snop  }
0x61: {  	v20 =	vmul.f32 v43, v20;
	v1 =	vadd.f32 v45, v44  }
0x62: {  	v22 =	vld.idx.msk [tilespmem:v22+s16+$0x0], $0xffff  }
0x63: {  	v1 =	vadd.f32 v20, v1;
	v19 =	vmul.f32 v42, v19;
	_ =	sdelay $0x1  }
0x64: {  	v0 =	vmul.f32 v0, v18;
	v1 =	vadd.f32 v19, v1  }
0x65: {  	v46 =	vld.idx.msk [tilespmem:v31+s11+$0x0], $0xffff;
	v3 =	vadd.f32 v4, v3;
	v4 =	vmul.f32 v6, v6  }
0x66: {  	v0 =	vadd.f32 v0, v1;
	v1 =	vmul.f32 v22, v16;
	v22 =	vld [tilespmem:$0x1FFF0]  }
0x67: {  	v53 =	vor.u32 $0x1, v2;
	v20 =	vld.idx.msk [tilespmem:v23+s16+$0x0], $0xffff;
	v3 =	vadd.f32 v4, v3;
	v4 =	vmul.f32 v5, v5  }
0x68: {  	v47 =	vld.idx.msk [tilespmem:v27+s11+$0x0], $0xffff;
	v54 =	vor.u32 $0x2, v2;
	v21 =	vor.u32 $0x4, v2  }
0x69: {  	v23 =	vmov s20;
	v18 =	vld.idx.msk [tilespmem:v24+s16+$0x0], $0xffff;
	v3 =	vadd.f32 v4, v3;
	v4 =	vmul.f32 v39, v39  }
0x6a: {  	v19 =	vshll.u32 v23, $0x7;
	v23 =	vld.idx.msk [tilespmem:v34+s16+$0x0], $0xffff;
	v34 =	vor.u32 $0x3, v2  }
0x6b: {  	v16 =	vld.idx.msk [tilespmem:v25+s16+$0x0], $0xffff;
	v3 =	vadd.f32 v4, v3;
	v25 =	vor.u32 v22, v19;
	v19 =	vmul.f32 v46, v46  }
0x6c: {  	v42 =	vld.idx.msk [tilespmem:v53+s11+$0x0], $0xffff;
	v0 =	vadd.f32 v1, v0;
	v1 =	vmul.f32 v20, v13  }
0x6d: {  	v48 =	vor.u32 $0x5, v2;
	v41 =	vld.idx.msk [tilespmem:v54+s11+$0x0], $0xffff;
	v13 =	vmul.f32 v47, v47;
	v3 =	vadd.f32 v19, v3  }
0x6e: {  	v40 =	vor.u32 $0x7, v2;
	v45 =	vld.idx.msk [tilespmem:v21+s11+$0x0], $0xffff;
	v0 =	vadd.f32 v1, v0;
	v1 =	vmul.f32 v18, v15  }
0x6f: {  	v52 =	vor.u32 $0x9, v2;
	v44 =	vor.u32 $0x6, v2;
	v15 =	vld.idx.msk [tilespmem:v26+s16+$0x0], $0xffff;
	v3 =	vadd.f32 v13, v3  }
0x70: {  	v24 =	vmovc v39;
	v39 =	vor.u32 $0x8, v2;
	v43 =	vld.idx.msk [tilespmem:v34+s11+$0x0], $0xffff;
	v0 =	vadd.f32 v1, v0;
	v1 =	vmul.f32 v16, v14  }
0x71: {  	v14 =	vld.idx.msk [tilespmem:v28+s16+$0x0], $0xffff;
	v16 =	vmul.f32 v42, v42;
	v13 =	vmul.f32 v29, v49;
	v3 =	vmax.f32 v3, $1.000000020e-35  }
0x72: {  	v50 =	vld.idx.msk [tilespmem:v48+s11+$0x0], $0xffff;
	v17 =	vmul.f32 v23, v17;
	v0 =	vadd.f32 v1, v0;
	v18 =	vshra.s32 v3, $0x1  }
0x73: {  	v1 =	vld.idx.msk [tilespmem:v33+s16+$0x0], $0xffff;
	v19 =	vmul.f32 $5.000000000e-01, v3;
	v3 =	vadd.f32 v16, v13;
	v13 =	vmul.f32 v41, v41  }
0x74: {  	v55 =	vld.idx.msk [tilespmem:v40+s11+$0x0], $0xffff;
	v12 =	vmul.f32 v15, v12;
	v0 =	vadd.f32 v17, v0;
	v16 =	vsub.s32 $0x5F3759DF, v18  }
0x75: {  	v15 =	vld.idx.msk [tilespmem:v35+s16+$0x0], $0xffff;
	v17 =	vmul.f32 v16, v19;
	v3 =	vadd.f32 v13, v3;
	v13 =	vmul.f32 v43, v43  }
0x76: {  	v56 =	vor.u32 $0xA, v2;
	v51 =	vld.idx.msk [tilespmem:v44+s11+$0x0], $0xffff;
	v11 =	vmul.f32 v14, v11;
	v0 =	vadd.f32 v12, v0  }
0x77: {  	v12 =	vld.idx.msk [tilespmem:v37+s16+$0x0], $0xffff;
	v14 =	vmul.f32 v16, v17;
	v3 =	vadd.f32 v13, v3;
	v13 =	vmul.f32 v45, v45  }
0x78: {  	v58 =	vor.u32 $0xB, v2;
	v59 =	vld.idx.msk [tilespmem:v52+s11+$0x0], $0xffff;
	v1 =	vmul.f32 v1, v10;
	v0 =	vadd.f32 v11, v0  }
0x79: {  	v10 =	vld.idx.msk [tilespmem:v38+s16+$0x0], $0xffff;
	v11 =	vsub.f32 $1.500000000e+00, v14;
	v3 =	vadd.f32 v13, v3;
	v13 =	vmul.f32 v50, v50  }
0x7a: {  	v57 =	vld.idx.msk [tilespmem:v39+s11+$0x0], $0xffff;
	v0 =	vadd.f32 v1, v0;
	v1 =	vmul.f32 v15, v9  }
0x7b: {  	v9 =	vld.idx.msk [tilespmem:v36+s16+$0x0], $0xffff;
	v11 =	vmul.f32 v16, v11;
	v3 =	vadd.f32 v13, v3;
	v13 =	vmul.f32 v51, v51  }
0x7c: {  	v60 =	vor.u32 $0xC, v2;
	v61 =	vld.idx.msk [tilespmem:v56+s11+$0x0], $0xffff;
	v0 =	vadd.f32 v1, v0;
	v1 =	vmul.f32 v12, v8  }
0x7d: {  	v8 =	vld.idx.msk [tilespmem:v32+s16+$0x0], $0xffff;
	v12 =	vmul.f32 v11, v19;
	v3 =	vadd.f32 v13, v3;
	v13 =	vmul.f32 v55, v55  }
0x7e: {  	v62 =	vor.u32 $0xD, v2;
	v63 =	vld.idx.msk [tilespmem:v58+s11+$0x0], $0xffff;
	v7 =	vmul.f32 v10, v7;
	v1 =	vadd.f32 v1, v0  }
0x7f: {  	v10 =	vld.idx.msk [tilespmem:v30+s16+$0x0], $0xffff;
	v12 =	vmul.f32 v12, v11;
	v3 =	vadd.f32 v13, v3;
	v13 =	vmul.f32 v57, v57  }
0x80: {  	v4 =	vld.idx.msk [tilespmem:v2+s16+$0x0], $0xffff;
	v14 =	vmul.f32 v59, v59;
	v6 =	vmul.f32 v9, v6;
	v7 =	vadd.f32 v7, v1  }
0x81: {  	v0 =	vor.u32 $0xE, v2;
	v9 =	vld.idx.msk [tilespmem:v31+s16+$0x0], $0xffff;
	v12 =	vsub.f32 $1.500000000e+00, v12;
	v13 =	vadd.f32 v13, v3  }
0x82: {  	v1 =	vld.idx.msk [tilespmem:v60+s11+$0x0], $0xffff;
	v5 =	vmul.f32 v8, v5;
	v6 =	vadd.f32 v6, v7  }
0x83: {  	v7 =	vld.idx.msk [tilespmem:v27+s16+$0x0], $0xffff;
	v8 =	vmul.f32 v12, v11;
	v11 =	vadd.f32 v14, v13;
	v12 =	vmul.f32 v61, v61  }
0x84: {  	v20 =	vld.idx.msk [tilespmem:v62+s11+$0x0], $0xffff;
	v22 =	vor.u32 $0x10, v2;
	v5 =	vadd.f32 v5, v6;
	v6 =	vmul.f32 v10, v24  }
0x85: {  	v29 =	vld.idx.msk [tilespmem:v25+s11+$0x0], $0xffff;
	v10 =	vmul.f32 v8, v19;
	v11 =	vadd.f32 v12, v11;
	v12 =	vmul.f32 v63, v63  }
0x86: {  	v3 =	vor.u32 $0xF, v2;
	v5 =	vadd.f32 v6, v5;
	v6 =	vmul.f32 v9, v46;
	v19 =	vld.idx.msk [tilespmem:v0+s11+$0x0], $0xffff  }
0x87: {  	v30 =	vld.idx.msk [tilespmem:v52+s16+$0x0], $0xffff;
	v9 =	vmul.f32 v10, v8;
	v10 =	vadd.f32 v12, v11;
	v11 =	vmul.f32 v1, v1  }
0x88: {  	v5 =	vadd.f32 v6, v5;
	v6 =	vmul.f32 v7, v47;
	v12 =	vld.idx.msk [tilespmem:v54+s16+$0x0], $0xffff  }
0x89: {  	v16 =	vld.idx.msk [tilespmem:v22+s11+$0x0], $0xffff;
	v7 =	vsub.f32 $1.500000000e+00, v9;
	v9 =	vadd.f32 v11, v10;
	v10 =	vmul.f32 v20, v20  }
0x8a: {  	v23 =	vor.u32 $0x11, v2;
	v14 =	vld.idx.msk [tilespmem:v53+s16+$0x0], $0xffff;
	v5 =	vadd.f32 v6, v5  }
0x8b: {  	v18 =	vld.idx.msk [tilespmem:v3+s11+$0x0], $0xffff;
	v6 =	vmul.f32 v7, v8;
	v7 =	vadd.f32 v10, v9;
	v8 =	vmul.f32 v19, v19  }
0x8c: {  	v4 =	vmul.f32 v4, v49;
	v60 =	vld.idx.msk [tilespmem:v60+s16+$0x0], $0xffff;
	v24 =	vor.u32 $0x12, v2  }
0x8d: {  	v5 =	vmul.f32 v6, v5;
	v6 =	vadd.f32 v8, v7;
	v8 =	vmul.f32 v12, v41;
	v12 =	vld [tilespmem:$0x1FFE0]  }
0x8e: {  	[tilespmem:$0x1FFD0] =	vst v25;
	v25 =	vor.u32 $0x13, v2;
	v11 =	vld.idx.msk [tilespmem:v34+s16+$0x0], $0xffff  }
0x8f: {  	v4 =	vadd.f32 $0.0e+00, v4;
	v13 =	vld.idx.msk [tilespmem:v23+s11+$0x0], $0xffff;
	v9 =	vmul.f32 v14, v42  }
0x90: {  	v34 =	vor.u32 $0x14, v2;
	v10 =	vld.idx.msk [tilespmem:v21+s16+$0x0], $0xffff;
	v7 =	vmul.f32 v18, v18  }
0x91: {  	v26 =	vor.u32 $0x15, v2;
	v15 =	vld.idx.msk [tilespmem:v24+s11+$0x0], $0xffff;
	v4 =	vadd.f32 v9, v4  }
0x92: {  	v9 =	vld.idx.msk [tilespmem:v48+s16+$0x0], $0xffff;
	v12 =	vadd.f32 v5, v12;
	v5 =	vadd.f32 v7, v6;
	v6 =	vmul.f32 v16, v16  }
0x93: {  	v14 =	vld.idx.msk [tilespmem:v25+s11+$0x0], $0xffff;
	v4 =	vadd.f32 v8, v4;
	v7 =	vmul.f32 v11, v43  }
0x94: {  	v28 =	vor.u32 $0x16, v2;
	v8 =	vld.idx.msk [tilespmem:v44+s16+$0x0], $0xffff;
	v5 =	vadd.f32 v6, v5;
	v6 =	vmul.f32 v13, v13  }
0x95: {  	v17 =	vld.idx.msk [tilespmem:v34+s11+$0x0], $0xffff;
	v4 =	vadd.f32 v7, v4;
	v7 =	vmul.f32 v10, v45  }
0x96: {  	v33 =	vor.u32 $0x17, v2;
	v21 =	vld.idx.msk [tilespmem:v40+s16+$0x0], $0xffff;
	v5 =	vadd.f32 v6, v5;
	v6 =	vmul.f32 v15, v15  }
0x97: {  	[tilespmem:$0x1FFE0] =	vst v12;
	v12 =	vld.idx.msk [tilespmem:v26+s11+$0x0], $0xffff;
	v4 =	vadd.f32 v7, v4;
	v7 =	vmul.f32 v9, v50  }
0x98: {  	v35 =	vor.u32 $0x18, v2;
	v27 =	vld.idx.msk [tilespmem:v39+s16+$0x0], $0xffff;
	v5 =	vadd.f32 v6, v5;
	v6 =	vmul.f32 v14, v14  }
0x99: {  	v37 =	vor.u32 $0x19, v2;
	v11 =	vld.idx.msk [tilespmem:v28+s11+$0x0], $0xffff;
	v4 =	vadd.f32 v7, v4;
	v7 =	vmul.f32 v8, v51  }
0x9a: {  	v42 =	vld.idx.msk [tilespmem:v0+s16+$0x0], $0xffff;
	v5 =	vadd.f32 v6, v5;
	v6 =	vmul.f32 v17, v17  }
0x9b: {  	v10 =	vld.idx.msk [tilespmem:v33+s11+$0x0], $0xffff;
	v4 =	vadd.f32 v7, v4;
	v7 =	vmul.f32 v21, v55  }
0x9c: {  	v38 =	vor.u32 $0x1A, v2;
	v21 =	vld.idx.msk [tilespmem:v56+s16+$0x0], $0xffff;
	v5 =	vadd.f32 v6, v5;
	v6 =	vmul.f32 v12, v12  }
0x9d: {  	v9 =	vld.idx.msk [tilespmem:v35+s11+$0x0], $0xffff;
	v4 =	vadd.f32 v7, v4;
	v7 =	vmul.f32 v27, v57  }
0x9e: {  	v36 =	vor.u32 $0x1B, v2;
	v8 =	vld.idx.msk [tilespmem:v37+s11+$0x0], $0xffff;
	v5 =	vadd.f32 v6, v5;
	v6 =	vmul.f32 v11, v11  }
0x9f: {  	v32 =	vor.u32 $0x1C, v2;
	v30 =	vmul.f32 v30, v59;
	v27 =	vld.idx.msk [tilespmem:v58+s16+$0x0], $0xffff;
	v4 =	vadd.f32 v7, v4  }
0xa0: {  	v45 =	vmul.f32 v60, v1;
	v1 =	vld [tilespmem:$0x1FFD0];
	v5 =	vadd.f32 v6, v5;
	v6 =	vmul.f32 v10, v10  }
0xa1: {  	p0 =	sne.s32 s20, $0x70;
	v7 =	vld.idx.msk [tilespmem:v38+s11+$0x0], $0xffff;
	v21 =	vmul.f32 v21, v61;
	v4 =	vadd.f32 v30, v4;
	v30 =	vor.u32 $0x1D, v2  }
.Ltmp0:
0xa2: {  	v43 =	vld.idx.msk [tilespmem:v62+s16+$0x0], $0xffff;
	v62 =	vmul.f32 v9, v9;
	v5 =	vadd.f32 v6, v5;
	(pc) =	sbr.rel @p0 .LBB2_2-.Ltmp0, $4  }
0xa3: {  	v0 =	vld.idx.msk [tilespmem:v3+s16+$0x0], $0xffff;
	v4 =	vadd.f32 v21, v4  }
0xa4: {  	v6 =	vld.idx.msk [tilespmem:v36+s11+$0x0], $0xffff;
	v21 =	vmul.f32 v27, v63;
	v63 =	vmul.f32 v8, v8;
	v40 =	vadd.f32 v62, v5  }
0xa5: {  	v49 =	vmovc v29;
	v31 =	vor.u32 $0x1E, v2;
	v27 =	vor.u32 $0x1F, v2;
	v2 =	vmov v1;
	v5 =	vld.idx.msk [tilespmem:v32+s11+$0x0], $0xffff  }
0xa6: {  	s20 =	sadd.s32 $0x10, s20;
	v44 =	vadd.f32 v21, v4;
	v4 =	vmul.f32 v7, v7;
	v39 =	vld.idx.msk [tilespmem:v30+s11+$0x0], $0xffff;
	v3 =	vadd.f32 v63, v40  }
0xa7: {  	_ =	sdelay $0x3  }
0xa8: {  	v46 =	vld.idx.msk [tilespmem:v22+s16+$0x0], $0xffff  }
0xa9: {  	v1 =	vld.idx.msk [tilespmem:v31+s11+$0x0], $0xffff  }
0xaa: {  	v48 =	vld.idx.msk [tilespmem:v23+s16+$0x0], $0xffff  }
0xab: {  	v22 =	vld.idx.msk [tilespmem:v27+s11+$0x0], $0xffff  }
0xac: {  	v50 =	vld.idx.msk [tilespmem:v24+s16+$0x0], $0xffff  }
0xad: {  	v51 =	vld.idx.msk [tilespmem:v34+s16+$0x0], $0xffff  }
0xae: {  	v53 =	vld.idx.msk [tilespmem:v25+s16+$0x0], $0xffff  }
0xaf: {  	v55 =	vld.idx.msk [tilespmem:v2+s16+$0x0], $0xffff  }
0xb0: {  	v59 =	vld.idx.msk [tilespmem:v26+s16+$0x0], $0xffff  }
0xb1: {  	v47 =	vor.u32 $0x1, v2;
	v61 =	vld.idx.msk [tilespmem:v28+s16+$0x0], $0xffff  }
0xb2: {  	v63 =	vld.idx.msk [tilespmem:v33+s16+$0x0], $0xffff  }
0xb3: {  	v21 =	vor.u32 $0x2, v2;
	v35 =	vld.idx.msk [tilespmem:v35+s16+$0x0], $0xffff  }
0xb4: {  	v52 =	vor.u32 $0x3, v2;
	v28 =	vld.idx.msk [tilespmem:v37+s16+$0x0], $0xffff  }
0xb5: {  	v56 =	vor.u32 $0x4, v2;
	v24 =	vmul.f32 v29, v49;
	v29 =	vld.idx.msk [tilespmem:v38+s16+$0x0], $0xffff  }
0xb6: {  	v58 =	vor.u32 $0x5, v2;
	v54 =	vld.idx.msk [tilespmem:v47+s11+$0x0], $0xffff  }
0xb7: {  	v60 =	vor.u32 $0x6, v2;
	v0 =	vmul.f32 v0, v18;
	v18 =	vld.idx.msk [tilespmem:v30+s16+$0x0], $0xffff  }
0xb8: {  	v62 =	vor.u32 $0x7, v2;
	v57 =	vld.idx.msk [tilespmem:v21+s11+$0x0], $0xffff  }
0xb9: {  	v34 =	vld.idx.msk [tilespmem:v52+s11+$0x0], $0xffff  }
0xba: {  	v41 =	vld.idx.msk [tilespmem:v56+s11+$0x0], $0xffff  }
0xbb: {  	v40 =	vld.idx.msk [tilespmem:v58+s11+$0x0], $0xffff;
	v25 =	vmul.f32 v54, v54  }
0xbc: {  	v3 =	vadd.f32 v4, v3;
	v4 =	vmul.f32 v6, v6;
	v33 =	vld.idx.msk [tilespmem:v60+s11+$0x0], $0xffff  }
0xbd: {  	v23 =	vor.u32 $0x8, v2;
	[tilespmem:$0x1FF90] =	vst v28;
	v37 =	vld.idx.msk [tilespmem:v62+s11+$0x0], $0xffff;
	v24 =	vadd.f32 v25, v24;
	v25 =	vmul.f32 v57, v57  }
0xbe: {  	v28 =	vadd.f32 v45, v44;
	[tilespmem:$0x1FFA0] =	vst v29;
	v29 =	vmul.f32 v43, v20;
	v20 =	vld.idx.msk [tilespmem:v36+s16+$0x0], $0xffff  }
0xbf: {  	v30 =	vmul.f32 v46, v16;
	v16 =	vld.idx.msk [tilespmem:v31+s16+$0x0], $0xffff;
	v45 =	vmul.f32 v34, v34;
	v25 =	vadd.f32 v25, v24  }
0xc0: {  	v26 =	vor.u32 $0x9, v2;
	v3 =	vadd.f32 v4, v3;
	v44 =	vor.u32 $0xA, v2;
	v47 =	vld.idx.msk [tilespmem:v47+s16+$0x0], $0xffff  }
0xc1: {  	v60 =	vld.idx.msk [tilespmem:v60+s16+$0x0], $0xffff;
	v28 =	vadd.f32 v29, v28;
	v29 =	vadd.f32 v45, v25;
	v45 =	vmul.f32 v42, v19  }
0xc2: {  	v43 =	vor.u32 $0xB, v2;
	v31 =	vmul.f32 v39, v39;
	v36 =	vmul.f32 v41, v41;
	v24 =	vld.idx.msk [tilespmem:v23+s11+$0x0], $0xffff  }
0xc3: {  	v46 =	vor.u32 $0xF, v2;
	v15 =	vmul.f32 v50, v15;
	v23 =	vld.idx.msk [tilespmem:v23+s16+$0x0], $0xffff;
	v38 =	vadd.f32 v45, v28  }
0xc4: {  	v19 =	vld.idx.msk [tilespmem:v32+s16+$0x0], $0xffff;
	v32 =	vmul.f32 v40, v40;
	v4 =	vadd.f32 v36, v29;
	v29 =	vmul.f32 v5, v5  }
0xc5: {  	v14 =	vmul.f32 v53, v14;
	v25 =	vld.idx.msk [tilespmem:v26+s11+$0x0], $0xffff;
	v42 =	vor.u32 $0xC, v2;
	v0 =	vadd.f32 v0, v38  }
0xc6: {  	v26 =	vld.idx.msk [tilespmem:v26+s16+$0x0], $0xffff;
	v3 =	vadd.f32 v29, v3;
	v4 =	vadd.f32 v32, v4;
	v29 =	vmul.f32 v33, v33  }
0xc7: {  	v17 =	vmul.f32 v51, v17;
	v36 =	vld.idx.msk [tilespmem:v44+s11+$0x0], $0xffff;
	v0 =	vadd.f32 v30, v0;
	v30 =	vmul.f32 v48, v13  }
0xc8: {  	v45 =	vor.u32 $0xD, v2;
	v28 =	vld.idx.msk [tilespmem:v43+s11+$0x0], $0xffff;
	v32 =	vmul.f32 v37, v37;
	v4 =	vadd.f32 v29, v4  }
0xc9: {  	v51 =	vor.u32 $0x12, v2;
	v44 =	vld.idx.msk [tilespmem:v44+s16+$0x0], $0xffff;
	v38 =	vor.u32 $0xE, v2;
	v0 =	vadd.f32 v30, v0  }
0xca: {  	v29 =	vld.idx.msk [tilespmem:v42+s11+$0x0], $0xffff;
	v3 =	vadd.f32 v31, v3;
	v31 =	vmul.f32 v24, v24;
	v4 =	vadd.f32 v32, v4  }
0xcb: {  	v53 =	vor.u32 $0x13, v2;
	v12 =	vmul.f32 v59, v12;
	v13 =	vld.idx.msk [tilespmem:v27+s16+$0x0], $0xffff;
	v0 =	vadd.f32 v15, v0  }
0xcc: {  	v42 =	vld.idx.msk [tilespmem:v42+s16+$0x0], $0xffff;
	v32 =	vmul.f32 v1, v1;
	v4 =	vadd.f32 v31, v4;
	v31 =	vmul.f32 v25, v25  }
0xcd: {  	v59 =	vor.u32 $0x14, v2;
	v11 =	vmul.f32 v61, v11;
	v27 =	vld.idx.msk [tilespmem:v45+s11+$0x0], $0xffff;
	v0 =	vadd.f32 v14, v0  }
0xce: {  	v45 =	vld.idx.msk [tilespmem:v45+s16+$0x0], $0xffff;
	v50 =	vadd.f32 v32, v3;
	v3 =	vadd.f32 v31, v4;
	v4 =	vmul.f32 v36, v36  }
0xcf: {  	v55 =	vmul.f32 v55, v49;
	v48 =	vor.u32 $0x10, v2;
	v30 =	vld.idx.msk [tilespmem:v38+s11+$0x0], $0xffff;
	v0 =	vadd.f32 v17, v0  }
0xd0: {  	v9 =	vmul.f32 v35, v9;
	v15 =	vld.idx.msk [tilespmem:v21+s16+$0x0], $0xffff;
	v3 =	vadd.f32 v4, v3;
	v4 =	vmul.f32 v28, v28  }
0xd1: {  	v47 =	vmul.f32 v47, v54;
	v21 =	vor.u32 $0x11, v2;
	v14 =	vld.idx.msk [tilespmem:v52+s16+$0x0], $0xffff;
	v0 =	vadd.f32 v12, v0  }
0xd2: {  	v52 =	vld.idx.msk [tilespmem:v56+s16+$0x0], $0xffff;
	v56 =	vmul.f32 v29, v29;
	v17 =	vmul.f32 v22, v22;
	v4 =	vadd.f32 v4, v3  }
0xd3: {  	v23 =	vmul.f32 v23, v24;
	v31 =	vld.idx.msk [tilespmem:v46+s11+$0x0], $0xffff;
	v0 =	vadd.f32 v11, v0;
	v11 =	vmul.f32 v63, v10  }
0xd4: {  	v32 =	vld.idx.msk [tilespmem:v48+s11+$0x0], $0xffff;
	v61 =	vmul.f32 v27, v27;
	v17 =	vadd.f32 v17, v50;
	v50 =	vadd.f32 v56, v4  }
0xd5: {  	v25 =	vmul.f32 v26, v25;
	v46 =	vld.idx.msk [tilespmem:v46+s16+$0x0], $0xffff;
	v63 =	vadd.f32 v11, v0;
	v0 =	vadd.f32 $0.0e+00, v55  }
0xd6: {  	v54 =	vor.u32 $0x18, v2;
	[tilespmem:$0x1FFC0] =	vst v13;
	v49 =	vmul.f32 v30, v30;
	v3 =	vld.idx.msk [tilespmem:v21+s11+$0x0], $0xffff;
	v50 =	vadd.f32 v61, v50  }
0xd7: {  	v13 =	vmovc v22;
	v15 =	vmul.f32 v15, v57;
	v12 =	vld.idx.msk [tilespmem:v58+s16+$0x0], $0xffff;
	v58 =	vor.u32 $0x15, v2;
	v22 =	vadd.f32 v47, v0  }
0xd8: {  	v14 =	vmul.f32 v14, v34;
	v4 =	vld.idx.msk [tilespmem:v51+s11+$0x0], $0xffff;
	v50 =	vadd.f32 v49, v50;
	v49 =	vmul.f32 v31, v31  }
0xd9: {  	v41 =	vmul.f32 v52, v41;
	v10 =	vld.idx.msk [tilespmem:v53+s11+$0x0], $0xffff;
	v57 =	vadd.f32 v9, v63;
	v9 =	vadd.f32 v15, v22  }
0xda: {  	v56 =	vor.u32 $0x17, v2;
	v55 =	vld.idx.msk [tilespmem:v62+s16+$0x0], $0xffff;
	v62 =	vmul.f32 v32, v32;
	v35 =	vadd.f32 v49, v50  }
0xdb: {  	v17 =	vmax.f32 v17, $1.000000020e-35;
	v61 =	vor.u32 $0x16, v2;
	v63 =	vld [tilespmem:$0x1FF90];
	v14 =	vadd.f32 v14, v9  }
0xdc: {  	v11 =	vld.idx.msk [tilespmem:v59+s11+$0x0], $0xffff;
	v12 =	vmul.f32 v12, v40;
	v22 =	vmul.f32 v3, v3;
	v15 =	vadd.f32 v62, v35  }
0xdd: {  	v40 =	vld.idx.msk [tilespmem:v43+s16+$0x0], $0xffff;
	v43 =	vshra.s32 v17, $0x1;
	v47 =	vor.u32 $0x19, v2;
	v14 =	vadd.f32 v41, v14  }
0xde: {  	[tilespmem:$0x1FFB0] =	vst v16;
	v0 =	vld.idx.msk [tilespmem:v58+s11+$0x0], $0xffff;
	v50 =	vor.u32 $0x1A, v2;
	v15 =	vadd.f32 v22, v15;
	v22 =	vmul.f32 v4, v4  }
0xdf: {  	v16 =	vmovc v1;
	v49 =	vmul.f32 v60, v33;
	v60 =	vmul.f32 $5.000000000e-01, v17;
	v33 =	vld.idx.msk [tilespmem:v38+s16+$0x0], $0xffff;
	v14 =	vadd.f32 v12, v14  }
0xe0: {  	v1 =	vld.idx.msk [tilespmem:v61+s11+$0x0], $0xffff;
	v35 =	vmul.f32 v63, v8;
	v15 =	vadd.f32 v22, v15;
	v22 =	vmul.f32 v10, v10  }
0xe1: {  	v9 =	vld.idx.msk [tilespmem:v56+s11+$0x0], $0xffff;
	v63 =	vmul.f32 v55, v37;
	v41 =	vor.u32 $0x1B, v2;
	v17 =	vadd.f32 v49, v14  }
0xe2: {  	v52 =	vor.u32 $0x1C, v2;
	v8 =	vld.idx.msk [tilespmem:v54+s11+$0x0], $0xffff;
	v15 =	vadd.f32 v22, v15;
	v22 =	vmul.f32 v11, v11  }
0xe3: {  	v34 =	vor.u32 $0x1E, v2;
	v35 =	vadd.f32 v35, v57;
	v57 =	vld.idx.msk [tilespmem:v51+s16+$0x0], $0xffff;
	v17 =	vadd.f32 v63, v17  }
0xe4: {  	v43 =	vsub.s32 $0x5F3759DF, v43;
	v37 =	vmul.f32 v0, v0;
	v12 =	vld.idx.msk [tilespmem:v47+s11+$0x0], $0xffff;
	v22 =	vadd.f32 v22, v15  }
0xe5: {  	v62 =	vor.u32 $0x1F, v2;
	v14 =	vld.idx.msk [tilespmem:v50+s11+$0x0], $0xffff;
	v49 =	vmul.f32 v43, v60;
	v23 =	vadd.f32 v23, v17  }
0xe6: {  	v55 =	vor.u32 $0x1D, v2;
	v24 =	vmul.f32 v1, v1;
	v15 =	vld.idx.msk [tilespmem:v41+s11+$0x0], $0xffff;
	v22 =	vadd.f32 v37, v22  }
0xe7: {  	v63 =	vld.idx.msk [tilespmem:v59+s16+$0x0], $0xffff;
	v2 =	vadd.f32 v25, v23;
	v23 =	vmul.f32 v43, v49;
	v25 =	vmul.f32 v44, v36  }
0xe8: {  	v26 =	vmul.f32 v9, v9;
	v22 =	vadd.f32 v24, v22;
	v44 =	vld.idx.msk [tilespmem:v48+s16+$0x0], $0xffff  }
0xe9: {  	v28 =	vmul.f32 v40, v28;
	v48 =	vld [tilespmem:$0x1FFA0];
	v2 =	vadd.f32 v25, v2;
	v23 =	vsub.f32 $1.500000000e+00, v23  }
0xea: {  	v18 =	vmul.f32 v18, v39;
	v17 =	vld.idx.msk [tilespmem:v52+s11+$0x0], $0xffff;
	v22 =	vadd.f32 v26, v22;
	v26 =	vmul.f32 v8, v8  }
0xeb: {  	v29 =	vmul.f32 v42, v29;
	v37 =	vld.idx.msk [tilespmem:v55+s16+$0x0], $0xffff;
	v23 =	vmul.f32 v43, v23;
	v28 =	vadd.f32 v28, v2  }
0xec: {  	v6 =	vmul.f32 v20, v6;
	v5 =	vmul.f32 v19, v5;
	v24 =	vld.idx.msk [tilespmem:v55+s11+$0x0], $0xffff;
	v22 =	vadd.f32 v26, v22  }
0xed: {  	v49 =	vld.idx.msk [tilespmem:v21+s16+$0x0], $0xffff;
	v26 =	vmul.f32 v12, v12;
	v28 =	vadd.f32 v29, v28;
	v29 =	vmul.f32 v23, v60  }
0xee: {  	v27 =	vmul.f32 v45, v27;
	v36 =	vld.idx.msk [tilespmem:v52+s16+$0x0], $0xffff;
	v7 =	vmul.f32 v48, v7  }
0xef: {  	v25 =	vld.idx.msk [tilespmem:v34+s11+$0x0], $0xffff;
	v22 =	vadd.f32 v26, v22;
	v26 =	vmul.f32 v14, v14;
	v29 =	vmul.f32 v29, v23  }
0xf0: {  	v2 =	vld.idx.msk [tilespmem:v62+s11+$0x0], $0xffff;
	v7 =	vadd.f32 v7, v35;
	v27 =	vadd.f32 v27, v28;
	v28 =	vmul.f32 v33, v30  }
0xf1: {  	v20 =	vadd.f32 v26, v22;
	v22 =	vmul.f32 v15, v15;
	v26 =	vld.idx.msk [tilespmem:v53+s16+$0x0], $0xffff;
	v29 =	vsub.f32 $1.500000000e+00, v29  }
0xf2: {  	v30 =	vld.idx.msk [tilespmem:v58+s16+$0x0], $0xffff;
	v6 =	vadd.f32 v6, v7;
	v27 =	vadd.f32 v28, v27;
	v28 =	vmul.f32 v46, v31  }
0xf3: {  	v7 =	vadd.f32 v22, v20;
	v20 =	vmul.f32 v17, v17;
	v23 =	vmul.f32 v29, v23;
	v29 =	vld.idx.msk [tilespmem:v47+s16+$0x0], $0xffff  }
0xf4: {  	v5 =	vadd.f32 v5, v6;
	v27 =	vadd.f32 v28, v27;
	v28 =	vmul.f32 v44, v32;
	v47 =	vld [tilespmem:$0x1FFF0]  }
0xf5: {  	v19 =	vmul.f32 v24, v24;
	v22 =	vld.idx.msk [tilespmem:v61+s16+$0x0], $0xffff;
	v7 =	vadd.f32 v20, v7  }
0xf6: {  	v3 =	vmul.f32 v49, v3;
	v5 =	vadd.f32 v18, v5;
	v18 =	vld [tilespmem:$0x1FFB0];
	v21 =	vadd.f32 v28, v27  }
0xf7: {  	s20 =	simm.s32 $0x0;
	v4 =	vmul.f32 v57, v4;
	v31 =	vld.idx.msk [tilespmem:v56+s16+$0x0], $0xffff;
	v6 =	vadd.f32 v19, v7;
	v7 =	vmul.f32 v25, v25  }
0xf8: {  	v20 =	vld.idx.msk [tilespmem:v54+s16+$0x0], $0xffff;
	v10 =	vmul.f32 v26, v10;
	v21 =	vadd.f32 v3, v21;
	v3 =	vmov s20  }
0xf9: {  	v26 =	vld.idx.msk [tilespmem:v62+s16+$0x0], $0xffff;
	v6 =	vadd.f32 v7, v6;
	v39 =	vshll.u32 v3, $0x7;
	v3 =	vor.u32 $0x4000, v47  }
0xfa: {  	v19 =	vld.idx.msk [tilespmem:v50+s16+$0x0], $0xffff;
	v7 =	vmul.f32 v2, v2;
	v21 =	vadd.f32 v4, v21;
	v4 =	vor.u32 v3, v39  }
0xfb: {  	v27 =	vld.idx.msk [tilespmem:v41+s16+$0x0], $0xffff;
	v16 =	vmul.f32 v18, v16;
	v18 =	vor.u32 $0x1, v4  }
0xfc: {  	v11 =	vmul.f32 v63, v11;
	v6 =	vadd.f32 v7, v6;
	v7 =	vld.idx.msk [tilespmem:v34+s16+$0x0], $0xffff;
	[tilespmem:s16], [sflag:$0x1] =	stream.indirect.gather [hbm4b:s3+s13], $0x80, s13, s13, $0xb8;
	v10 =	vadd.f32 v10, v21  }
0xfd: {  	_ =	swait.ge [sflag:s17], $0x4000  }
0xfe: {  	v0 =	vmul.f32 v30, v0;
	[sflag:s17] =	ssyncset.done $0x0;
	v10 =	vadd.f32 v11, v10  }
0xff: {  	[sflag:s17] =	ssyncadd.s32 $0xFFFFC000  }
0x100: {  	v0 =	vadd.f32 v0, v10;
	v10 =	vld.idx.msk [tilespmem:v18+s11+$0x0], $0xffff  }
0x101: {  	v28 =	vmul.f32 v23, v60;
	v18 =	vld [tilespmem:$0x1FFC0]  }
0x102: {  	v40 =	vor.u32 $0x2, v4;
	v6 =	vmax.f32 v6, $1.000000020e-35  }
0x103: {  	v21 =	vmul.f32 v28, v23;
	v28 =	vshra.s32 v6, $0x1;
	v6 =	vmul.f32 $5.000000000e-01, v6  }
0x104: {  	v11 =	vsub.s32 $0x5F3759DF, v28;
	v28 =	vor.u32 $0x3, v4  }
0x105: {  	v1 =	vmul.f32 v22, v1;
	v5 =	vadd.f32 v16, v5;
	v16 =	vld.idx.msk [tilespmem:v4+s11+$0x0], $0xffff;
	v30 =	vmul.f32 v11, v6  }
0x106: {  	v13 =	vmul.f32 v18, v13;
	v18 =	vsub.f32 $1.500000000e+00, v21;
	v21 =	vor.u32 $0x4, v4  }
0x107: {  	v22 =	vmul.f32 v11, v30;
	v0 =	vadd.f32 v1, v0;
	v1 =	vmul.f32 v31, v9;
	v9 =	vld.idx.msk [tilespmem:v40+s11+$0x0], $0xffff  }
0x108: {  	v5 =	vadd.f32 v13, v5;
	v13 =	vmul.f32 v18, v23;
	v18 =	vor.u32 $0x5, v4  }
0x109: {  	v22 =	vsub.f32 $1.500000000e+00, v22;
	v0 =	vadd.f32 v1, v0;
	v1 =	vmul.f32 v20, v8;
	v8 =	vld.idx.msk [tilespmem:v28+s11+$0x0], $0xffff  }
0x10a: {  	v20 =	vor.u32 $0x6, v4;
	v28 =	vmul.f32 v10, v10;
	v23 =	vmul.f32 v16, v16  }
0x10b: {  	v11 =	vmul.f32 v11, v22;
	v0 =	vadd.f32 v1, v0;
	v1 =	vmul.f32 v29, v12;
	v12 =	vld.idx.msk [tilespmem:v21+s11+$0x0], $0xffff  }
0x10c: {  	v22 =	vadd.f32 v28, v23;
	v23 =	vmul.f32 v9, v9;
	v21 =	vor.u32 $0x7, v4  }
0x10d: {  	v0 =	vadd.f32 v1, v0;
	v1 =	vmul.f32 v19, v14;
	v28 =	vmul.f32 v11, v6;
	v14 =	vld.idx.msk [tilespmem:v18+s11+$0x0], $0xffff  }
0x10e: {  	v19 =	vadd.f32 v23, v22;
	v22 =	vmul.f32 v8, v8;
	v18 =	vor.u32 $0x8, v4  }
0x10f: {  	v0 =	vadd.f32 v1, v0;
	v1 =	vmul.f32 v27, v15;
	v15 =	vld.idx.msk [tilespmem:v20+s11+$0x0], $0xffff;
	v23 =	vmul.f32 v28, v11  }
0x110: {  	v19 =	vadd.f32 v22, v19;
	v22 =	vor.u32 $0x9, v4;
	v20 =	vmul.f32 v12, v12  }
0x111: {  	v0 =	vadd.f32 v1, v0;
	v1 =	vmul.f32 v36, v17;
	v23 =	vsub.f32 $1.500000000e+00, v23;
	v21 =	vld.idx.msk [tilespmem:v21+s11+$0x0], $0xffff  }
0x112: {  	v19 =	vadd.f32 v20, v19;
	v20 =	vmul.f32 v14, v14  }
0x113: {  	v0 =	vadd.f32 v1, v0;
	v1 =	vmul.f32 v37, v24;
	v11 =	vmul.f32 v23, v11;
	v23 =	vld.idx.msk [tilespmem:v18+s11+$0x0], $0xffff  }
0x114: {  	v18 =	vadd.f32 v20, v19;
	v19 =	vmul.f32 v15, v15  }
0x115: {  	v17 =	vor.u32 $0xA, v4;
	v0 =	vadd.f32 v1, v0;
	v1 =	vmul.f32 v7, v25;
	v7 =	vld.idx.msk [tilespmem:v22+s11+$0x0], $0xffff  }
0x116: {  	v6 =	vmul.f32 v11, v6;
	v18 =	vadd.f32 v19, v18;
	v19 =	vmul.f32 v21, v21  }
0x117: {  	v13 =	vmul.f32 v13, v5;
	v0 =	vadd.f32 v1, v0;
	v20 =	vor.u32 $0xB, v4  }
0x118: {  	v5 =	vmul.f32 v6, v11;
	v6 =	vmul.f32 v23, v23;
	v1 =	vadd.f32 v19, v18;
	_ =	sdelay $0x1  }
0x119: {  	v22 =	vor.u32 $0xC, v4;
	v1 =	vadd.f32 v6, v1;
	v6 =	vmul.f32 v7, v7  }
0x11a: {  	v24 =	vld.idx.msk [tilespmem:v17+s11+$0x0], $0xffff  }
0x11b: {  	v17 =	vor.u32 $0xD, v4;
	v1 =	vadd.f32 v6, v1;
	v6 =	vld [tilespmem:$0x1FFE0]  }
0x11c: {  	v2 =	vmul.f32 v26, v2;
	v18 =	vsub.f32 $1.500000000e+00, v5;
	v5 =	vor.u32 v47, v39;
	v25 =	vld.idx.msk [tilespmem:v20+s11+$0x0], $0xffff  }
0x11d: {  	v19 =	vor.u32 $0xE, v4  }
0x11e: {  	v0 =	vadd.f32 v2, v0;
	v26 =	vld.idx.msk [tilespmem:v22+s11+$0x0], $0xffff;
	v2 =	vmul.f32 v18, v11;
	v11 =	vor.u32 $0x1, v5  }
0x11f: {  	v20 =	vor.u32 $0xF, v4;
	v18 =	vmul.f32 v24, v24  }
0x120: {  	v0 =	vmul.f32 v2, v0;
	v2 =	vor.u32 $0x2, v5;
	v13 =	vadd.f32 v13, v6;
	v6 =	vld.idx.msk [tilespmem:v17+s11+$0x0], $0xffff  }
0x121: {  	v27 =	vor.u32 $0x10, v4;
	v18 =	vadd.f32 v18, v1;
	v22 =	vmul.f32 v25, v25;
	v17 =	vld.idx.msk [tilespmem:v5+s16+$0x0], $0xffff  }
0x122: {  	v49 =	vor.u32 $0x18, v4;
	v28 =	vld.idx.msk [tilespmem:v19+s11+$0x0], $0xffff;
	v1 =	vadd.f32 v0, v13;
	v13 =	vor.u32 $0x3, v5  }
0x123: {  	v19 =	vor.u32 $0x11, v4;
	v29 =	vmul.f32 v26, v26;
	v11 =	vld.idx.msk [tilespmem:v11+s16+$0x0], $0xffff;
	v18 =	vadd.f32 v22, v18  }
0x124: {  	s31 =	simm.s32 $0x10;
	v30 =	vor.u32 $0x4, v5;
	v42 =	vor.u32 $0x5, v5;
	v22 =	vld.idx.msk [tilespmem:v20+s11+$0x0], $0xffff;
	v20 =	vor.u32 $0x12, v4  }
0x125: {  	v41 =	vld.idx.msk [tilespmem:v2+s16+$0x0], $0xffff;
	v18 =	vadd.f32 v29, v18;
	v0 =	vmov s31;
	v29 =	vmul.f32 v6, v6  }
0x126: {  	v34 =	vor.u32 $0x7, v5;
	v31 =	vshll.u32 v0, $0x7;
	v0 =	vld.idx.msk [tilespmem:v27+s11+$0x0], $0xffff;
	v16 =	vmul.f32 v17, v16  }
0x127: {  	v17 =	vor.u32 $0x13, v4;
	v13 =	vld.idx.msk [tilespmem:v13+s16+$0x0], $0xffff;
	v18 =	vadd.f32 v29, v18;
	v29 =	vmul.f32 v28, v28  }
0x128: {  	v19 =	vld.idx.msk [tilespmem:v19+s11+$0x0], $0xffff;
	v27 =	vor.u32 $0x6, v5;
	v10 =	vmul.f32 v11, v10;
	v16 =	vadd.f32 $0.0e+00, v16  }
0x129: {  	v30 =	vld.idx.msk [tilespmem:v30+s16+$0x0], $0xffff;
	v11 =	vor.u32 $0x14, v4;
	v43 =	vmul.f32 v22, v22;
	v29 =	vadd.f32 v29, v18  }
0x12a: {  	v45 =	vor.u32 $0x8, v5;
	v9 =	vmul.f32 v41, v9;
	v18 =	vld.idx.msk [tilespmem:v20+s11+$0x0], $0xffff;
	v10 =	vadd.f32 v10, v16  }
0x12b: {  	v44 =	vld.idx.msk [tilespmem:v42+s16+$0x0], $0xffff;
	v16 =	vor.u32 $0x15, v4;
	v20 =	vadd.f32 v43, v29;
	v29 =	vmul.f32 v0, v0  }
0x12c: {  	v50 =	vor.u32 $0xB, v5;
	v17 =	vld.idx.msk [tilespmem:v17+s11+$0x0], $0xffff;
	v9 =	vadd.f32 v9, v10;
	v8 =	vmul.f32 v13, v8  }
0x12d: {  	v46 =	vmul.f32 v19, v19;
	v10 =	vor.u32 $0x16, v4;
	v13 =	vld.idx.msk [tilespmem:v27+s16+$0x0], $0xffff;
	v29 =	vadd.f32 v29, v20  }
0x12e: {  	v27 =	vor.u32 $0x9, v5;
	v20 =	vld.idx.msk [tilespmem:v11+s11+$0x0], $0xffff;
	v8 =	vadd.f32 v8, v9;
	v9 =	vmul.f32 v30, v12  }
0x12f: {  	v11 =	vor.u32 $0x17, v4;
	v12 =	vld.idx.msk [tilespmem:v34+s16+$0x0], $0xffff;
	v48 =	vmul.f32 v18, v18;
	v29 =	vadd.f32 v46, v29  }
0x130: {  	v30 =	vor.u32 $0xA, v5;
	v16 =	vld.idx.msk [tilespmem:v16+s11+$0x0], $0xffff;
	v8 =	vadd.f32 v9, v8;
	v9 =	vmul.f32 v44, v14  }
0x131: {  	v52 =	vor.u32 $0xC, v5;
	v33 =	vld.idx.msk [tilespmem:v45+s16+$0x0], $0xffff;
	v51 =	vmul.f32 v17, v17;
	v29 =	vadd.f32 v48, v29  }
0x132: {  	v54 =	vor.u32 $0xE, v5;
	v14 =	vld.idx.msk [tilespmem:v10+s11+$0x0], $0xffff;
	v8 =	vadd.f32 v9, v8;
	v9 =	vmul.f32 v13, v15  }
0x133: {  	v10 =	vor.u32 $0x19, v4;
	v27 =	vld.idx.msk [tilespmem:v27+s16+$0x0], $0xffff;
	v13 =	vadd.f32 v51, v29;
	v29 =	vmul.f32 v20, v20  }
0x134: {  	v56 =	vor.u32 $0xF, v5;
	v15 =	vld.idx.msk [tilespmem:v11+s11+$0x0], $0xffff;
	v8 =	vadd.f32 v9, v8;
	v9 =	vmul.f32 v12, v21  }
0x135: {  	v12 =	vor.u32 $0x1A, v4;
	v21 =	vld.idx.msk [tilespmem:v30+s16+$0x0], $0xffff;
	v11 =	vadd.f32 v29, v13;
	v29 =	vmul.f32 v16, v16  }
0x136: {  	v30 =	vor.u32 $0xD, v5;
	v13 =	vld.idx.msk [tilespmem:v49+s11+$0x0], $0xffff;
	v8 =	vadd.f32 v9, v8;
	v9 =	vmul.f32 v33, v23  }
0x137: {  	v53 =	vld.idx.msk [tilespmem:v50+s16+$0x0], $0xffff;
	v55 =	vmul.f32 v14, v14;
	v23 =	vor.u32 $0x1B, v4;
	v29 =	vadd.f32 v29, v11  }
0x138: {  	v58 =	vor.u32 $0x11, v5;
	v7 =	vmul.f32 v27, v7;
	v11 =	vld.idx.msk [tilespmem:v10+s11+$0x0], $0xffff;
	v8 =	vadd.f32 v9, v8  }
0x139: {  	v27 =	vld.idx.msk [tilespmem:v52+s16+$0x0], $0xffff;
	v9 =	vor.u32 $0x1C, v4;
	v10 =	vadd.f32 v55, v29;
	v29 =	vmul.f32 v15, v15  }
0x13a: {  	v61 =	vor.u32 $0x12, v5;
	v12 =	vld.idx.msk [tilespmem:v12+s11+$0x0], $0xffff;
	v7 =	vadd.f32 v7, v8;
	v8 =	vmul.f32 v21, v24  }
0x13b: {  	v21 =	vor.u32 $0x1D, v4;
	v24 =	vld.idx.msk [tilespmem:v30+s16+$0x0], $0xffff;
	v57 =	vmul.f32 v13, v13;
	v29 =	vadd.f32 v29, v10  }
0x13c: {  	v30 =	vor.u32 $0x10, v5;
	v10 =	vld.idx.msk [tilespmem:v23+s11+$0x0], $0xffff;
	v7 =	vadd.f32 v8, v7;
	v8 =	vmul.f32 v53, v25  }
0x13d: {  	v23 =	vor.u32 $0x1E, v4;
	v25 =	vld.idx.msk [tilespmem:v54+s16+$0x0], $0xffff;
	v59 =	vmul.f32 v11, v11;
	v29 =	vadd.f32 v57, v29  }
0x13e: {  	v63 =	vor.u32 $0x13, v5;
	v26 =	vmul.f32 v27, v26;
	v9 =	vld.idx.msk [tilespmem:v9+s11+$0x0], $0xffff;
	v7 =	vadd.f32 v8, v7  }
0x13f: {  	v60 =	vld.idx.msk [tilespmem:v56+s16+$0x0], $0xffff;
	v27 =	vor.u32 $0x1F, v4;
	v62 =	vmul.f32 v12, v12;
	v29 =	vadd.f32 v59, v29  }
0x140: {  	v2 =	vor.u32 v47, v31;
	v8 =	vld.idx.msk [tilespmem:v21+s11+$0x0], $0xffff;
	v21 =	vmul.f32 v24, v6;
	v7 =	vadd.f32 v26, v7  }
0x141: {  	v4 =	vor.u32 v3, v31;
	v30 =	vld.idx.msk [tilespmem:v30+s16+$0x0], $0xffff;
	v24 =	vadd.f32 v62, v29;
	v29 =	vmul.f32 v10, v10  }
0x142: {  	v6 =	vld.idx.msk [tilespmem:v23+s11+$0x0], $0xffff;
	v26 =	vor.u32 $0x14, v5;
	v28 =	vmul.f32 v25, v28;
	v23 =	vadd.f32 v21, v7  }
0x143: {  	v25 =	vld.idx.msk [tilespmem:v58+s16+$0x0], $0xffff;
	v31 =	vmul.f32 v9, v9;
	v21 =	vor.u32 $0x1F, v5;
	v29 =	vadd.f32 v29, v24  }
0x144: {  	v7 =	vld.idx.msk [tilespmem:v27+s11+$0x0], $0xffff;
	v27 =	vor.u32 $0x15, v5;
	v23 =	vadd.f32 v28, v23;
	v28 =	vmul.f32 v60, v22  }
0x145: {  	v24 =	vld.idx.msk [tilespmem:v61+s16+$0x0], $0xffff;
	v22 =	vor.u32 $0x1E, v5;
	v29 =	vadd.f32 v31, v29;
	v31 =	vmul.f32 v8, v8  }
0x146: {  	s20 =	simm.s32 $0x20;
	v30 =	vmul.f32 v30, v0;
	v0 =	vld.idx.msk [tilespmem:v63+s16+$0x0], $0xffff;
	v28 =	vadd.f32 v28, v23;
	v23 =	vor.u32 $0x1D, v5  }
.LBB2_4:
0x147: {  	p0 =	sne.s32 s20, $0x70;
	v26 =	vld.idx.msk [tilespmem:v26+s16+$0x0], $0xffff;
	v32 =	vor.u32 $0x16, v5;
	v29 =	vadd.f32 v31, v29;
	v31 =	vmul.f32 v6, v6  }
0x148: {  	v33 =	vor.u32 $0x1, v4;
	v19 =	vmul.f32 v25, v19;
	v28 =	vadd.f32 v30, v28  }
0x149: {  	v25 =	vor.u32 $0x17, v5;
	v30 =	vmul.f32 v7, v7;
	v29 =	vadd.f32 v31, v29  }
0x14a: {  	v31 =	vor.u32 $0x2, v4;
	v24 =	vmul.f32 v24, v18;
	v19 =	vadd.f32 v19, v28;
	v27 =	vld.idx.msk [tilespmem:v27+s16+$0x0], $0xffff  }
0x14b: {  	v34 =	vor.u32 $0x19, v5;
	v28 =	vor.u32 $0x18, v5;
	v18 =	vld.idx.msk [tilespmem:v4+s11+$0x0], $0xffff;
	v29 =	vadd.f32 v30, v29  }
0x14c: {  	v30 =	vor.u32 $0x3, v4;
	v0 =	vmul.f32 v0, v17;
	v19 =	vadd.f32 v24, v19;
	v24 =	vld.idx.msk [tilespmem:v32+s16+$0x0], $0xffff  }
0x14d: {  	v32 =	vor.u32 $0x4, v4;
	v26 =	vmul.f32 v26, v20;
	v17 =	vld.idx.msk [tilespmem:v33+s11+$0x0], $0xffff;
	v20 =	vmax.f32 v29, $1.000000020e-35  }
0x14e: {  	v0 =	vadd.f32 v0, v19;
	v19 =	vld.idx.msk [tilespmem:v25+s16+$0x0], $0xffff;
	v25 =	vshra.s32 v20, $0x1;
	v29 =	vmul.f32 $5.000000000e-01, v20  }
0x14f: {  	v33 =	vor.u32 $0x1A, v5;
	v20 =	vld.idx.msk [tilespmem:v31+s11+$0x0], $0xffff;
	v31 =	vor.u32 $0x5, v4;
	v25 =	vsub.s32 $0x5F3759DF, v25  }
0x150: {  	v0 =	vadd.f32 v26, v0;
	v26 =	vmul.f32 v27, v16;
	v27 =	vld.idx.msk [tilespmem:v28+s16+$0x0], $0xffff;
	v28 =	vmul.f32 v25, v29  }
0x151: {  	v35 =	vor.u32 $0x1B, v5;
	v36 =	vor.u32 $0x1C, v5;
	v5 =	vmovc v2;
	v16 =	vld.idx.msk [tilespmem:v30+s11+$0x0], $0xffff;
	v30 =	vor.u32 $0x6, v4  }
0x152: {  	v2 =	vmul.f32 v24, v14;
	v0 =	vadd.f32 v26, v0;
	v24 =	vld.idx.msk [tilespmem:v34+s16+$0x0], $0xffff;
	v26 =	vmul.f32 v25, v28  }
0x153: {  	v28 =	vmul.f32 v18, v18;
	v34 =	vmul.f32 v17, v17;
	v14 =	vld.idx.msk [tilespmem:v32+s11+$0x0], $0xffff;
	v32 =	vor.u32 $0x7, v4  }
0x154: {  	v0 =	vadd.f32 v2, v0;
	v2 =	vmul.f32 v19, v15;
	v19 =	vld.idx.msk [tilespmem:v33+s16+$0x0], $0xffff;
	v26 =	vsub.f32 $1.500000000e+00, v26  }
0x155: {  	v28 =	vadd.f32 v34, v28;
	v33 =	vmul.f32 v20, v20;
	v15 =	vld.idx.msk [tilespmem:v31+s11+$0x0], $0xffff;
	v31 =	vor.u32 $0x8, v4  }
0x156: {  	v0 =	vadd.f32 v2, v0;
	v2 =	vmul.f32 v27, v13;
	v27 =	vld.idx.msk [tilespmem:v35+s16+$0x0], $0xffff;
	v25 =	vmul.f32 v25, v26  }
0x157: {  	v26 =	vadd.f32 v33, v28;
	v28 =	vmul.f32 v16, v16;
	v13 =	vld.idx.msk [tilespmem:v30+s11+$0x0], $0xffff;
	v30 =	vor.u32 $0xA, v4  }
0x158: {  	v0 =	vadd.f32 v2, v0;
	v2 =	vmul.f32 v24, v11;
	v24 =	vld.idx.msk [tilespmem:v36+s16+$0x0], $0xffff;
	v33 =	vmul.f32 v25, v29  }
0x159: {  	v26 =	vadd.f32 v28, v26;
	v28 =	vmul.f32 v14, v14;
	v11 =	vld.idx.msk [tilespmem:v32+s11+$0x0], $0xffff;
	v32 =	vor.u32 $0x9, v4  }
0x15a: {  	v0 =	vadd.f32 v2, v0;
	v2 =	vmul.f32 v19, v12;
	v19 =	vld.idx.msk [tilespmem:v23+s16+$0x0], $0xffff;
	v23 =	vmul.f32 v33, v25  }
0x15b: {  	v33 =	vor.u32 $0x1, v5;
	v26 =	vadd.f32 v28, v26;
	v28 =	vmul.f32 v15, v15;
	v12 =	vld.idx.msk [tilespmem:v31+s11+$0x0], $0xffff  }
0x15c: {  	v0 =	vadd.f32 v2, v0;
	v2 =	vmul.f32 v27, v10;
	v22 =	vld.idx.msk [tilespmem:v22+s16+$0x0], $0xffff;
	v23 =	vsub.f32 $1.500000000e+00, v23  }
0x15d: {  	v26 =	vadd.f32 v28, v26;
	v27 =	vmul.f32 v13, v13;
	v28 =	vor.u32 $0xB, v4;
	v21 =	vld.idx.msk [tilespmem:v21+s16+$0x0], $0xffff  }
0x15e: {  	v10 =	vld.idx.msk [tilespmem:v32+s11+$0x0], $0xffff;
	v0 =	vadd.f32 v2, v0;
	v2 =	vmul.f32 v24, v9;
	v23 =	vmul.f32 v23, v25  }
0x15f: {  	v24 =	vadd.f32 v27, v26;
	v25 =	vmul.f32 v11, v11;
	v26 =	vor.u32 $0xC, v4;
	v9 =	vld.idx.msk [tilespmem:v30+s11+$0x0], $0xffff  }
0x160: {  	v0 =	vadd.f32 v2, v0;
	v2 =	vmul.f32 v19, v8;
	v19 =	vmul.f32 v23, v29  }
0x161: {  	v27 =	vor.u32 $0xD, v4;
	v24 =	vadd.f32 v25, v24;
	v25 =	vmul.f32 v12, v12  }
0x162: {  	v8 =	vld.idx.msk [tilespmem:v28+s11+$0x0], $0xffff;
	v0 =	vadd.f32 v2, v0;
	v2 =	vmul.f32 v22, v6;
	v6 =	vmul.f32 v19, v23  }
0x163: {  	v19 =	vadd.f32 v25, v24;
	v22 =	vor.u32 $0xE, v4;
	v7 =	vmul.f32 v21, v7  }
0x164: {  	v24 =	vmul.f32 v10, v10;
	v21 =	vld.idx.msk [tilespmem:v26+s11+$0x0], $0xffff;
	v0 =	vadd.f32 v2, v0;
	v2 =	vsub.f32 $1.500000000e+00, v6  }
0x165: {  	v25 =	vor.u32 $0x2, v5;
	v28 =	vor.u32 $0xF, v4;
	v26 =	vmul.f32 v9, v9  }
0x166: {  	v19 =	vadd.f32 v24, v19;
	v6 =	vld.idx.msk [tilespmem:v27+s11+$0x0], $0xffff;
	v0 =	vadd.f32 v7, v0;
	v2 =	vmul.f32 v2, v23  }
0x167: {  	v27 =	vor.u32 $0x3, v5;
	v23 =	vor.u32 $0x10, v4;
	v24 =	vld.idx.msk [tilespmem:v5+s16+$0x0], $0xffff  }
0x168: {  	v19 =	vadd.f32 v26, v19;
	v26 =	vmul.f32 v8, v8;
	v7 =	vld.idx.msk [tilespmem:v22+s11+$0x0], $0xffff;
	v0 =	vmul.f32 v2, v0  }
0x169: {  	v31 =	vor.u32 $0x11, v4;
	v30 =	vor.u32 $0x4, v5;
	v2 =	vmov s20;
	v29 =	vld.idx.msk [tilespmem:v33+s16+$0x0], $0xffff  }
0x16a: {  	v19 =	vadd.f32 v26, v19;
	v26 =	vmul.f32 v21, v21;
	v22 =	vld.idx.msk [tilespmem:v28+s11+$0x0], $0xffff;
	v1 =	vadd.f32 v0, v1  }
0x16b: {  	v0 =	vshll.u32 v2, $0x7;
	v28 =	vor.u32 $0x12, v4;
	v25 =	vld.idx.msk [tilespmem:v25+s16+$0x0], $0xffff  }
0x16c: {  	v32 =	vor.u32 $0x5, v5;
	v19 =	vadd.f32 v26, v19;
	v26 =	vmul.f32 v6, v6;
	v23 =	vld.idx.msk [tilespmem:v23+s11+$0x0], $0xffff  }
0x16d: {  	v2 =	vor.u32 v47, v0;
	v18 =	vmul.f32 v24, v18;
	v24 =	vld.idx.msk [tilespmem:v27+s16+$0x0], $0xffff;
	v27 =	vor.u32 $0x13, v4  }
0x16e: {  	v33 =	vor.u32 $0x6, v5;
	v26 =	vadd.f32 v26, v19;
	v34 =	vmul.f32 v7, v7;
	v19 =	vld.idx.msk [tilespmem:v31+s11+$0x0], $0xffff  }
0x16f: {  	v31 =	vadd.f32 $0.0e+00, v18;
	v17 =	vmul.f32 v29, v17;
	v29 =	vld.idx.msk [tilespmem:v30+s16+$0x0], $0xffff;
	v30 =	vor.u32 $0x14, v4  }
0x170: {  	v35 =	vor.u32 $0x7, v5;
	v26 =	vadd.f32 v34, v26;
	v34 =	vmul.f32 v22, v22;
	v18 =	vld.idx.msk [tilespmem:v28+s11+$0x0], $0xffff  }
0x171: {  	v28 =	vadd.f32 v17, v31;
	v20 =	vmul.f32 v25, v20;
	v31 =	vor.u32 $0x15, v4;
	v25 =	vld.idx.msk [tilespmem:v32+s16+$0x0], $0xffff  }
0x172: {  	v32 =	vor.u32 $0x8, v5;
	v26 =	vadd.f32 v34, v26;
	v34 =	vmul.f32 v23, v23;
	v17 =	vld.idx.msk [tilespmem:v27+s11+$0x0], $0xffff  }
0x173: {  	v27 =	vadd.f32 v20, v28;
	v16 =	vmul.f32 v24, v16;
	v28 =	vor.u32 $0x16, v4;
	v24 =	vld.idx.msk [tilespmem:v33+s16+$0x0], $0xffff  }
0x174: {  	v33 =	vor.u32 $0x9, v5;
	v26 =	vadd.f32 v34, v26;
	v34 =	vmul.f32 v19, v19;
	v20 =	vld.idx.msk [tilespmem:v30+s11+$0x0], $0xffff  }
0x175: {  	v27 =	vadd.f32 v16, v27;
	v14 =	vmul.f32 v29, v14;
	v30 =	vor.u32 $0x17, v4;
	v29 =	vld.idx.msk [tilespmem:v35+s16+$0x0], $0xffff  }
0x176: {  	v35 =	vor.u32 $0xA, v5;
	v26 =	vadd.f32 v34, v26;
	v34 =	vmul.f32 v18, v18;
	v16 =	vld.idx.msk [tilespmem:v31+s11+$0x0], $0xffff  }
0x177: {  	v27 =	vadd.f32 v14, v27;
	v15 =	vmul.f32 v25, v15;
	v31 =	vor.u32 $0x18, v4;
	v25 =	vld.idx.msk [tilespmem:v32+s16+$0x0], $0xffff  }
0x178: {  	v32 =	vor.u32 $0xB, v5;
	v26 =	vadd.f32 v34, v26;
	v34 =	vmul.f32 v17, v17;
	v14 =	vld.idx.msk [tilespmem:v28+s11+$0x0], $0xffff  }
0x179: {  	v27 =	vadd.f32 v15, v27;
	v13 =	vmul.f32 v24, v13;
	v28 =	vor.u32 $0x19, v4;
	v24 =	vld.idx.msk [tilespmem:v33+s16+$0x0], $0xffff  }
0x17a: {  	v33 =	vor.u32 $0xC, v5;
	v26 =	vadd.f32 v34, v26;
	v34 =	vmul.f32 v20, v20;
	v15 =	vld.idx.msk [tilespmem:v30+s11+$0x0], $0xffff  }
0x17b: {  	v27 =	vadd.f32 v13, v27;
	v11 =	vmul.f32 v29, v11;
	v30 =	vor.u32 $0x1A, v4;
	v29 =	vld.idx.msk [tilespmem:v35+s16+$0x0], $0xffff  }
0x17c: {  	v35 =	vor.u32 $0xD, v5;
	v26 =	vadd.f32 v34, v26;
	v34 =	vmul.f32 v16, v16;
	v13 =	vld.idx.msk [tilespmem:v31+s11+$0x0], $0xffff  }
0x17d: {  	v27 =	vadd.f32 v11, v27;
	v12 =	vmul.f32 v25, v12;
	v31 =	vor.u32 $0x1B, v4;
	v25 =	vld.idx.msk [tilespmem:v32+s16+$0x0], $0xffff  }
0x17e: {  	v32 =	vor.u32 $0xE, v5;
	v26 =	vadd.f32 v34, v26;
	v34 =	vmul.f32 v14, v14;
	v11 =	vld.idx.msk [tilespmem:v28+s11+$0x0], $0xffff  }
0x17f: {  	v27 =	vadd.f32 v12, v27;
	v10 =	vmul.f32 v24, v10;
	v28 =	vor.u32 $0x1C, v4;
	v24 =	vld.idx.msk [tilespmem:v33+s16+$0x0], $0xffff  }
0x180: {  	v33 =	vor.u32 $0xF, v5;
	v26 =	vadd.f32 v34, v26;
	v34 =	vmul.f32 v15, v15;
	v12 =	vld.idx.msk [tilespmem:v30+s11+$0x0], $0xffff  }
0x181: {  	v27 =	vadd.f32 v10, v27;
	v9 =	vmul.f32 v29, v9;
	v30 =	vor.u32 $0x1D, v4;
	v29 =	vld.idx.msk [tilespmem:v35+s16+$0x0], $0xffff  }
0x182: {  	v35 =	vor.u32 $0x10, v5;
	v26 =	vadd.f32 v34, v26;
	v34 =	vmul.f32 v13, v13;
	v10 =	vld.idx.msk [tilespmem:v31+s11+$0x0], $0xffff  }
0x183: {  	v27 =	vadd.f32 v9, v27;
	v8 =	vmul.f32 v25, v8;
	v31 =	vor.u32 $0x1E, v4;
	v25 =	vld.idx.msk [tilespmem:v32+s16+$0x0], $0xffff  }
0x184: {  	v32 =	vor.u32 $0x11, v5;
	v26 =	vadd.f32 v34, v26;
	v34 =	vmul.f32 v11, v11;
	v9 =	vld.idx.msk [tilespmem:v28+s11+$0x0], $0xffff  }
0x185: {  	v27 =	vadd.f32 v8, v27;
	v21 =	vmul.f32 v24, v21;
	v28 =	vor.u32 $0x1F, v4;
	v24 =	vld.idx.msk [tilespmem:v33+s16+$0x0], $0xffff  }
0x186: {  	v33 =	vor.u32 $0x12, v5;
	v26 =	vadd.f32 v34, v26;
	v34 =	vmul.f32 v12, v12;
	v8 =	vld.idx.msk [tilespmem:v30+s11+$0x0], $0xffff  }
0x187: {  	v4 =	vor.u32 v3, v0;
	v0 =	vadd.f32 v21, v27;
	v21 =	vmul.f32 v29, v6;
	v30 =	vld.idx.msk [tilespmem:v35+s16+$0x0], $0xffff  }
0x188: {  	v35 =	vor.u32 $0x13, v5;
	v27 =	vadd.f32 v34, v26;
	v29 =	vmul.f32 v10, v10;
	v6 =	vld.idx.msk [tilespmem:v31+s11+$0x0], $0xffff  }
.Ltmp1:
0x189: {  	v26 =	vor.u32 $0x14, v5;
	v0 =	vadd.f32 v21, v0;
	v31 =	vmul.f32 v25, v7;
	v25 =	vld.idx.msk [tilespmem:v32+s16+$0x0], $0xffff;
	(pc) =	sbr.rel @p0 .LBB2_4-.Ltmp1, $4  }
0x18a: {  	v21 =	vor.u32 $0x1F, v5;
	v29 =	vadd.f32 v29, v27;
	v32 =	vmul.f32 v9, v9;
	v7 =	vld.idx.msk [tilespmem:v28+s11+$0x0], $0xffff  }
0x18b: {  	v0 =	vadd.f32 v31, v0;
	v28 =	vmul.f32 v24, v22;
	v22 =	vor.u32 $0x1E, v5;
	v24 =	vld.idx.msk [tilespmem:v33+s16+$0x0], $0xffff  }
0x18c: {  	v27 =	vor.u32 $0x15, v5;
	v29 =	vadd.f32 v32, v29;
	v31 =	vmul.f32 v8, v8  }
0x18d: {  	s20 =	sadd.s32 $0x10, s20;
	v28 =	vadd.f32 v28, v0;
	v30 =	vmul.f32 v30, v23;
	v23 =	vor.u32 $0x1D, v5;
	v0 =	vld.idx.msk [tilespmem:v35+s16+$0x0], $0xffff  }
0x18e: {  	_ =	sdelay $0x1  }
0x18f: {  	v3 =	vor.u32 $0x16, v5  }
0x190: {  	v32 =	vor.u32 $0x1, v4  }
0x191: {  	v26 =	vld.idx.msk [tilespmem:v26+s16+$0x0], $0xffff;
	v33 =	vor.u32 $0x17, v5  }
0x192: {  	v34 =	vor.u32 $0x2, v4;
	v27 =	vld.idx.msk [tilespmem:v27+s16+$0x0], $0xffff  }
0x193: {  	v35 =	vld.idx.msk [tilespmem:v4+s11+$0x0], $0xffff;
	v36 =	vor.u32 $0x18, v5  }
0x194: {  	v37 =	vor.u32 $0x3, v4;
	v38 =	vld.idx.msk [tilespmem:v3+s16+$0x0], $0xffff  }
0x195: {  	v39 =	vor.u32 $0x4, v4;
	v32 =	vld.idx.msk [tilespmem:v32+s11+$0x0], $0xffff  }
0x196: {  	v29 =	vadd.f32 v31, v29;
	v31 =	vmul.f32 v6, v6;
	v3 =	vor.u32 $0x19, v5;
	v33 =	vld.idx.msk [tilespmem:v33+s16+$0x0], $0xffff  }
0x197: {  	v19 =	vmul.f32 v25, v19;
	v40 =	vor.u32 $0x6, v4;
	v51 =	vor.u32 $0x4, v2;
	v25 =	vld.idx.msk [tilespmem:v34+s11+$0x0], $0xffff  }
0x198: {  	v53 =	vor.u32 $0x5, v2;
	v28 =	vadd.f32 v30, v28;
	v30 =	vor.u32 $0x1A, v5;
	v60 =	vld.idx.msk [tilespmem:v36+s16+$0x0], $0xffff  }
0x199: {  	v61 =	vmul.f32 v7, v7;
	v29 =	vadd.f32 v31, v29;
	v31 =	vor.u32 $0x5, v4;
	v37 =	vld.idx.msk [tilespmem:v37+s11+$0x0], $0xffff  }
0x19a: {  	v18 =	vmul.f32 v24, v18;
	v19 =	vadd.f32 v19, v28;
	v28 =	vor.u32 $0x1B, v5;
	v62 =	vld.idx.msk [tilespmem:v39+s11+$0x0], $0xffff  }
0x19b: {  	v24 =	vadd.f32 v61, v29;
	v41 =	vld.idx.msk [tilespmem:v3+s16+$0x0], $0xffff;
	v3 =	vmul.f32 v35, v35;
	v42 =	vmul.f32 v32, v32  }
0x19c: {  	v29 =	vor.u32 $0x7, v4;
	v0 =	vmul.f32 v0, v17;
	v19 =	vadd.f32 v18, v19;
	v40 =	vld.idx.msk [tilespmem:v40+s11+$0x0], $0xffff  }
0x19d: {  	v5 =	vor.u32 $0x1C, v5;
	v63 =	vld.idx.msk [tilespmem:v30+s16+$0x0], $0xffff;
	v30 =	vmul.f32 v25, v25;
	v3 =	vadd.f32 v42, v3  }
0x19e: {  	v54 =	vor.u32 $0x6, v2;
	v20 =	vmul.f32 v26, v20;
	v48 =	vld.idx.msk [tilespmem:v31+s11+$0x0], $0xffff;
	v0 =	vadd.f32 v0, v19  }
0x19f: {  	v31 =	vor.u32 $0x8, v4;
	v18 =	vld.idx.msk [tilespmem:v28+s16+$0x0], $0xffff;
	v28 =	vmul.f32 v37, v37;
	v3 =	vadd.f32 v30, v3  }
0x1a0: {  	v27 =	vmul.f32 v27, v16;
	v16 =	vld.idx.msk [tilespmem:v22+s16+$0x0], $0xffff;
	v24 =	vmax.f32 v24, $1.000000020e-35;
	v0 =	vadd.f32 v20, v0  }
0x1a1: {  	v20 =	vld.idx.msk [tilespmem:v29+s11+$0x0], $0xffff;
	v30 =	vor.u32 $0x9, v4;
	v26 =	vadd.f32 v28, v3;
	v28 =	vmul.f32 v62, v62  }
0x1a2: {  	v19 =	vshra.s32 v24, $0x1;
	v17 =	vld.idx.msk [tilespmem:v5+s16+$0x0], $0xffff;
	v5 =	vmul.f32 $5.000000000e-01, v24;
	v24 =	vor.u32 $0xA, v4  }
0x1a3: {  	v57 =	vor.u32 $0x7, v2;
	v3 =	vld.idx.msk [tilespmem:v23+s16+$0x0], $0xffff;
	v23 =	vadd.f32 v28, v26;
	v26 =	vmul.f32 v48, v48  }
0x1a4: {  	v19 =	vsub.s32 $0x5F3759DF, v19;
	v29 =	vor.u32 $0xB, v4;
	v0 =	vadd.f32 v27, v0;
	v43 =	vld.idx.msk [tilespmem:v31+s11+$0x0], $0xffff  }
0x1a5: {  	v27 =	vmul.f32 v38, v14;
	v14 =	vld.idx.msk [tilespmem:v21+s16+$0x0], $0xffff;
	v22 =	vadd.f32 v26, v23;
	v23 =	vmul.f32 v40, v40  }
0x1a6: {  	v56 =	vor.u32 $0x14, v4;
	v28 =	vmul.f32 v19, v5;
	v38 =	vld.idx.msk [tilespmem:v30+s11+$0x0], $0xffff;
	v26 =	vor.u32 $0xC, v4  }
0x1a7: {  	v24 =	vld.idx.msk [tilespmem:v24+s11+$0x0], $0xffff;
	v30 =	vor.u32 $0xD, v4;
	v21 =	vadd.f32 v23, v22;
	v22 =	vmul.f32 v20, v20  }
0x1a8: {  	v55 =	vld.idx.msk [tilespmem:v51+s16+$0x0], $0xffff;
	v15 =	vmul.f32 v33, v15;
	v0 =	vadd.f32 v27, v0;
	v28 =	vmul.f32 v19, v28  }
0x1a9: {  	v61 =	vld.idx.msk [tilespmem:v57+s16+$0x0], $0xffff;
	v23 =	vor.u32 $0xE, v4;
	v21 =	vadd.f32 v22, v21;
	v22 =	vmul.f32 v43, v43  }
0x1aa: {  	v27 =	vor.u32 $0x1, v2;
	v33 =	vld.idx.msk [tilespmem:v29+s11+$0x0], $0xffff;
	v0 =	vadd.f32 v15, v0;
	v15 =	vor.u32 $0xF, v4  }
0x1ab: {  	v28 =	vsub.f32 $1.500000000e+00, v28;
	v44 =	vld.idx.msk [tilespmem:v26+s11+$0x0], $0xffff;
	v21 =	vadd.f32 v22, v21;
	v22 =	vmul.f32 v38, v38  }
0x1ac: {  	v29 =	vor.u32 $0x2, v2;
	v49 =	vmul.f32 v24, v24;
	v26 =	vld.idx.msk [tilespmem:v30+s11+$0x0], $0xffff;
	v30 =	vmul.f32 v60, v13  }
0x1ad: {  	v13 =	vmul.f32 v19, v28;
	v19 =	vld.idx.msk [tilespmem:v2+s16+$0x0], $0xffff;
	v28 =	vor.u32 $0x10, v4;
	v21 =	vadd.f32 v22, v21  }
0x1ae: {  	v11 =	vmul.f32 v41, v11;
	v31 =	vld.idx.msk [tilespmem:v23+s11+$0x0], $0xffff;
	v0 =	vadd.f32 v30, v0;
	v22 =	vor.u32 $0x3, v2  }
0x1af: {  	v50 =	vmul.f32 v33, v33;
	v23 =	vld.idx.msk [tilespmem:v27+s16+$0x0], $0xffff;
	v27 =	vor.u32 $0x11, v4;
	v21 =	vadd.f32 v49, v21  }
0x1b0: {  	v30 =	vld.idx.msk [tilespmem:v15+s11+$0x0], $0xffff;
	v15 =	vor.u32 $0x12, v4;
	v0 =	vadd.f32 v11, v0;
	v11 =	vmul.f32 v63, v12  }
0x1b1: {  	v58 =	vor.u32 $0x8, v2;
	v12 =	vld.idx.msk [tilespmem:v29+s16+$0x0], $0xffff;
	v52 =	vmul.f32 v44, v44;
	v21 =	vadd.f32 v50, v21  }
0x1b2: {  	v29 =	vld.idx.msk [tilespmem:v28+s11+$0x0], $0xffff;
	v45 =	vadd.f32 v11, v0;
	v0 =	vmul.f32 v19, v35;
	v19 =	vor.u32 $0x13, v4  }
0x1b3: {  	v46 =	vor.u32 $0xA, v2;
	v11 =	vld.idx.msk [tilespmem:v22+s16+$0x0], $0xffff;
	v22 =	vmul.f32 v26, v26;
	v21 =	vadd.f32 v52, v21  }
0x1b4: {  	v51 =	vor.u32 $0x19, v4;
	v57 =	vor.u32 $0xD, v2;
	v60 =	vor.u32 $0x9, v2;
	v28 =	vld.idx.msk [tilespmem:v27+s11+$0x0], $0xffff  }
0x1b5: {  	v6 =	vmul.f32 v16, v6;
	v27 =	vld.idx.msk [tilespmem:v15+s11+$0x0], $0xffff;
	v21 =	vadd.f32 v22, v21;
	v22 =	vmul.f32 v31, v31  }
0x1b6: {  	v18 =	vmul.f32 v18, v10;
	v23 =	vmul.f32 v23, v32;
	v15 =	vld.idx.msk [tilespmem:v53+s16+$0x0], $0xffff;
	v0 =	vadd.f32 $0.0e+00, v0  }
0x1b7: {  	v12 =	vmul.f32 v12, v25;
	v25 =	vor.u32 $0x15, v4;
	v21 =	vadd.f32 v22, v21;
	v22 =	vld.idx.msk [tilespmem:v19+s11+$0x0], $0xffff  }
0x1b8: {  	v20 =	vmul.f32 v61, v20;
	v61 =	vor.u32 $0xE, v2;
	v0 =	vadd.f32 v23, v0;
	v19 =	vld.idx.msk [tilespmem:v54+s16+$0x0], $0xffff  }
0x1b9: {  	v50 =	vor.u32 $0xB, v2;
	v23 =	vmul.f32 v30, v30;
	v11 =	vmul.f32 v11, v37;
	v37 =	vld.idx.msk [tilespmem:v60+s16+$0x0], $0xffff  }
0x1ba: {  	v32 =	vmul.f32 v55, v62;
	v0 =	vadd.f32 v12, v0;
	v12 =	vor.u32 $0x16, v4;
	v54 =	vld.idx.msk [tilespmem:v46+s16+$0x0], $0xffff  }
0x1bb: {  	v62 =	vor.u32 $0x17, v4;
	v53 =	vor.u32 $0xC, v2;
	v21 =	vadd.f32 v23, v21;
	v23 =	vld.idx.msk [tilespmem:v56+s11+$0x0], $0xffff  }
0x1bc: {  	v55 =	vor.u32 $0x1A, v4;
	v59 =	vmul.f32 v29, v29;
	v11 =	vadd.f32 v11, v0;
	v0 =	vld.idx.msk [tilespmem:v25+s11+$0x0], $0xffff  }
0x1bd: {  	v63 =	vmul.f32 v28, v28;
	v15 =	vmul.f32 v15, v48;
	v48 =	vor.u32 $0x18, v4;
	v25 =	vld.idx.msk [tilespmem:v58+s16+$0x0], $0xffff  }
0x1be: {  	v49 =	vmul.f32 v27, v27;
	v58 =	vld.idx.msk [tilespmem:v50+s16+$0x0], $0xffff;
	v21 =	vadd.f32 v59, v21;
	v11 =	vadd.f32 v32, v11  }
0x1bf: {  	v50 =	vor.u32 $0x1D, v4;
	v12 =	vld.idx.msk [tilespmem:v12+s11+$0x0], $0xffff;
	v59 =	vor.u32 $0x1B, v4;
	v19 =	vmul.f32 v19, v40  }
0x1c0: {  	v52 =	vmul.f32 v22, v22;
	v21 =	vadd.f32 v63, v21;
	v11 =	vadd.f32 v15, v11;
	v15 =	vld.idx.msk [tilespmem:v62+s11+$0x0], $0xffff  }
0x1c1: {  	v24 =	vmul.f32 v54, v24;
	v54 =	vor.u32 $0x1E, v4;
	v62 =	vld.idx.msk [tilespmem:v53+s16+$0x0], $0xffff;
	v63 =	vor.u32 $0x1C, v4  }
0x1c2: {  	v53 =	vld.idx.msk [tilespmem:v61+s16+$0x0], $0xffff;
	v4 =	vor.u32 $0x1F, v4;
	v21 =	vadd.f32 v49, v21;
	v11 =	vadd.f32 v19, v11  }
0x1c3: {  	v9 =	vmul.f32 v17, v9;
	v56 =	vmul.f32 v23, v23;
	v19 =	vld.idx.msk [tilespmem:v48+s11+$0x0], $0xffff;
	v48 =	vor.u32 $0xF, v2  }
0x1c4: {  	v25 =	vmul.f32 v25, v43;
	v49 =	vld.idx.msk [tilespmem:v57+s16+$0x0], $0xffff;
	v21 =	vadd.f32 v52, v21;
	v11 =	vadd.f32 v20, v11  }
0x1c5: {  	v8 =	vmul.f32 v3, v8;
	v60 =	vmul.f32 v0, v0  }
0x1c6: {  	v20 =	vld.idx.msk [tilespmem:v51+s11+$0x0], $0xffff;
	v21 =	vadd.f32 v56, v21;
	v11 =	vadd.f32 v25, v11;
	v25 =	vmul.f32 v37, v38  }
0x1c7: {  	v32 =	vmul.f32 v58, v33;
	v46 =	vmul.f32 v12, v12;
	v52 =	vor.u32 $0x10, v2;
	v10 =	vld.idx.msk [tilespmem:v4+s11+$0x0], $0xffff  }
0x1c8: {  	v51 =	vmul.f32 v15, v15;
	v57 =	vld.idx.msk [tilespmem:v48+s16+$0x0], $0xffff;
	v34 =	vadd.f32 v60, v21;
	v25 =	vadd.f32 v25, v11  }
0x1c9: {  	v31 =	vmul.f32 v53, v31;
	v53 =	vor.u32 $0x18, v2;
	v35 =	vmul.f32 v49, v26;
	v26 =	vld.idx.msk [tilespmem:v54+s11+$0x0], $0xffff  }
0x1ca: {  	s20 =	simm.s32 $0x0;
	v56 =	vor.u32 $0x11, v2;
	v21 =	vld.idx.msk [tilespmem:v55+s11+$0x0], $0xffff;
	v34 =	vadd.f32 v46, v34;
	v25 =	vadd.f32 v24, v25  }
0x1cb: {  	v3 =	vmov s20;
	v4 =	vor.u32 $0x16, v2;
	v37 =	vmul.f32 v62, v44;
	v11 =	vld.idx.msk [tilespmem:v59+s11+$0x0], $0xffff  }
0x1cc: {  	v55 =	vmul.f32 v19, v19;
	v60 =	vld.idx.msk [tilespmem:v52+s16+$0x0], $0xffff;
	v34 =	vadd.f32 v51, v34;
	v32 =	vadd.f32 v32, v25  }
0x1cd: {  	v18 =	vadd.f32 v18, v45;
	v54 =	vor.u32 $0x19, v2;
	v59 =	vor.u32 $0x12, v2;
	v24 =	vld.idx.msk [tilespmem:v63+s11+$0x0], $0xffff  }
0x1ce: {  	v58 =	vmul.f32 v20, v20;
	v38 =	vld.idx.msk [tilespmem:v53+s16+$0x0], $0xffff;
	v34 =	vadd.f32 v55, v34;
	v32 =	vadd.f32 v37, v32  }
0x1cf: {  	v9 =	vadd.f32 v9, v18;
	v61 =	vor.u32 $0x13, v2;
	v63 =	vor.u32 $0x14, v2;
	v46 =	vld.idx.msk [tilespmem:v56+s16+$0x0], $0xffff  }
0x1d0: {  	v25 =	vld.idx.msk [tilespmem:v50+s11+$0x0], $0xffff;
	v62 =	vmul.f32 v21, v21;
	v34 =	vadd.f32 v58, v34;
	v32 =	vadd.f32 v35, v32  }
0x1d1: {  	v56 =	vor.u32 $0x1A, v2;
	v51 =	vor.u32 $0x17, v2;
	v30 =	vmul.f32 v57, v30;
	v57 =	vld.idx.msk [tilespmem:v4+s16+$0x0], $0xffff  }
0x1d2: {  	v40 =	vld.idx.msk [tilespmem:v54+s16+$0x0], $0xffff;
	v49 =	vmul.f32 v11, v11;
	v34 =	vadd.f32 v62, v34;
	v31 =	vadd.f32 v31, v32  }
0x1d3: {  	v48 =	vor.u32 $0x15, v2;
	v4 =	vor.u32 $0x1B, v2;
	v50 =	vld.idx.msk [tilespmem:v59+s16+$0x0], $0xffff;
	v29 =	vmul.f32 v60, v29  }
0x1d4: {  	v37 =	vld.idx.msk [tilespmem:v61+s16+$0x0], $0xffff;
	v55 =	vmul.f32 v24, v24;
	v34 =	vadd.f32 v49, v34;
	v30 =	vadd.f32 v30, v31  }
0x1d5: {  	v52 =	vmul.f32 v13, v5;
	v59 =	vor.u32 $0x1C, v2;
	v39 =	vld.idx.msk [tilespmem:v63+s16+$0x0], $0xffff;
	v60 =	vmul.f32 v25, v25  }
0x1d6: {  	v35 =	vld.idx.msk [tilespmem:v56+s16+$0x0], $0xffff;
	v17 =	vadd.f32 v55, v34;
	v29 =	vadd.f32 v29, v30;
	v30 =	vor.u32 $0x1D, v2  }
0x1d7: {  	v42 =	vmul.f32 v52, v13;
	v61 =	vor.u32 $0x1E, v2;
	v28 =	vmul.f32 v46, v28;
	v58 =	vld.idx.msk [tilespmem:v51+s16+$0x0], $0xffff  }
0x1d8: {  	v62 =	vmul.f32 v26, v26;
	v31 =	vld.idx.msk [tilespmem:v48+s16+$0x0], $0xffff;
	v2 =	vor.u32 $0x1F, v2;
	v17 =	vadd.f32 v60, v17  }
0x1d9: {  	v18 =	vmul.f32 v10, v10;
	v27 =	vmul.f32 v50, v27;
	v28 =	vadd.f32 v28, v29;
	v29 =	vld.idx.msk [tilespmem:v4+s16+$0x0], $0xffff  }
0x1da: {  	v42 =	vsub.f32 $1.500000000e+00, v42;
	v63 =	vshll.u32 v3, $0x7;
	v4 =	vadd.f32 v62, v17;
	v17 =	vld.idx.msk [tilespmem:v59+s16+$0x0], $0xffff  }
0x1db: {  	v3 =	vor.u32 $0x8000, v47;
	v22 =	vmul.f32 v37, v22;
	v27 =	vadd.f32 v27, v28;
	v28 =	vld.idx.msk [tilespmem:v30+s16+$0x0], $0xffff  }
0x1dc: {  	v13 =	vmul.f32 v42, v13;
	v30 =	vld.idx.msk [tilespmem:v61+s16+$0x0], $0xffff;
	v18 =	vadd.f32 v18, v4;
	v4 =	vor.u32 v3, v63  }
0x1dd: {  	v7 =	vmul.f32 v14, v7;
	v2 =	vld.idx.msk [tilespmem:v2+s16+$0x0], $0xffff;
	[tilespmem:s16], [sflag:$0x1] =	stream.indirect.gather [hbm4b:s3+s13], $0x80, s14, s13, $0xb8;
	v22 =	vadd.f32 v22, v27;
	v27 =	vor.u32 $0x1, v4  }
0x1de: {  	v8 =	vadd.f32 v8, v9;
	v5 =	vmul.f32 v13, v5;
	v23 =	vmul.f32 v39, v23;
	_ =	swait.ge [sflag:s17], $0x4000  }
0x1df: {  	v0 =	vmul.f32 v31, v0;
	[sflag:s17] =	ssyncset.done $0x0;
	v9 =	vmax.f32 v18, $1.000000020e-35;
	v18 =	vor.u32 $0x2, v4  }
0x1e0: {  	v16 =	vadd.f32 v23, v22;
	[sflag:s17] =	ssyncadd.s32 $0xFFFFC000;
	v22 =	vshra.s32 v9, $0x1;
	v9 =	vmul.f32 $5.000000000e-01, v9  }
0x1e1: {  	v5 =	vmul.f32 v5, v13;
	v14 =	vsub.s32 $0x5F3759DF, v22;
	v22 =	vor.u32 $0x3, v4;
	v23 =	vld.idx.msk [tilespmem:v4+s11+$0x0], $0xffff  }
0x1e2: {  	v12 =	vmul.f32 v57, v12;
	v0 =	vadd.f32 v0, v16;
	v16 =	vmul.f32 v14, v9;
	v27 =	vld.idx.msk [tilespmem:v27+s11+$0x0], $0xffff  }
0x1e3: {  	v6 =	vadd.f32 v6, v8;
	v5 =	vsub.f32 $1.500000000e+00, v5;
	v8 =	vor.u32 $0x4, v4  }
0x1e4: {  	v0 =	vadd.f32 v12, v0;
	v12 =	vmul.f32 v58, v15;
	v16 =	vmul.f32 v14, v16;
	v15 =	vld.idx.msk [tilespmem:v18+s11+$0x0], $0xffff  }
0x1e5: {  	v6 =	vadd.f32 v7, v6;
	v5 =	vmul.f32 v5, v13;
	v7 =	vor.u32 $0x5, v4  }
0x1e6: {  	v0 =	vadd.f32 v12, v0;
	v12 =	vmul.f32 v38, v19;
	v13 =	vsub.f32 $1.500000000e+00, v16;
	v16 =	vld.idx.msk [tilespmem:v22+s11+$0x0], $0xffff  }
0x1e7: {  	v18 =	vor.u32 $0x6, v4;
	v19 =	vmul.f32 v23, v23;
	v22 =	vmul.f32 v27, v27  }
0x1e8: {  	v8 =	vld.idx.msk [tilespmem:v8+s11+$0x0], $0xffff;
	v0 =	vadd.f32 v12, v0;
	v12 =	vmul.f32 v40, v20;
	v13 =	vmul.f32 v14, v13  }
0x1e9: {  	v14 =	vor.u32 $0x7, v4;
	v20 =	vmul.f32 v15, v15;
	v19 =	vadd.f32 v22, v19  }
0x1ea: {  	v7 =	vld.idx.msk [tilespmem:v7+s11+$0x0], $0xffff;
	v0 =	vadd.f32 v12, v0;
	v12 =	vmul.f32 v35, v21;
	v22 =	vmul.f32 v13, v9  }
0x1eb: {  	v21 =	vor.u32 $0x8, v4;
	v19 =	vadd.f32 v20, v19;
	v20 =	vmul.f32 v16, v16  }
0x1ec: {  	v6 =	vmul.f32 v5, v6;
	v0 =	vadd.f32 v12, v0;
	v12 =	vld.idx.msk [tilespmem:v18+s11+$0x0], $0xffff;
	v5 =	vmul.f32 v22, v13  }
0x1ed: {  	v18 =	vadd.f32 v20, v19;
	v19 =	vmul.f32 v8, v8;
	v20 =	vor.u32 $0x9, v4  }
0x1ee: {  	v11 =	vmul.f32 v29, v11;
	v17 =	vmul.f32 v17, v24;
	v24 =	vld.idx.msk [tilespmem:v14+s11+$0x0], $0xffff;
	v5 =	vsub.f32 $1.500000000e+00, v5  }
0x1ef: {  	v14 =	vor.u32 $0xA, v4;
	v18 =	vadd.f32 v19, v18;
	v19 =	vmul.f32 v7, v7  }
0x1f0: {  	v2 =	vmul.f32 v2, v10;
	v0 =	vadd.f32 v11, v0;
	v21 =	vld.idx.msk [tilespmem:v21+s11+$0x0], $0xffff;
	v11 =	vmul.f32 v5, v13  }
0x1f1: {  	v13 =	vadd.f32 v19, v18;
	v18 =	vmul.f32 v12, v12;
	v19 =	vor.u32 $0xB, v4  }
0x1f2: {  	v0 =	vadd.f32 v17, v0;
	v5 =	vmul.f32 v28, v25;
	v9 =	vmul.f32 v11, v9;
	v25 =	vld.idx.msk [tilespmem:v20+s11+$0x0], $0xffff  }
0x1f3: {  	v20 =	vor.u32 $0xC, v4;
	v13 =	vadd.f32 v18, v13;
	v18 =	vmul.f32 v24, v24  }
0x1f4: {  	v17 =	vmul.f32 v30, v26;
	v0 =	vadd.f32 v5, v0;
	v5 =	vmul.f32 v9, v11;
	v9 =	vld.idx.msk [tilespmem:v14+s11+$0x0], $0xffff  }
0x1f5: {  	v14 =	vor.u32 $0xD, v4;
	v10 =	vadd.f32 v18, v13;
	v13 =	vmul.f32 v21, v21  }
0x1f6: {  	v0 =	vadd.f32 v17, v0;
	v17 =	vsub.f32 $1.500000000e+00, v5;
	v5 =	vor.u32 v47, v63;
	v26 =	vld.idx.msk [tilespmem:v19+s11+$0x0], $0xffff  }
0x1f7: {  	v10 =	vadd.f32 v13, v10;
	v13 =	vor.u32 $0xE, v4;
	v18 =	vmul.f32 v25, v25  }
0x1f8: {  	v0 =	vadd.f32 v2, v0;
	v2 =	vmul.f32 v17, v11;
	v11 =	vor.u32 $0x1, v5;
	v28 =	vld.idx.msk [tilespmem:v20+s11+$0x0], $0xffff  }
0x1f9: {  	v19 =	vor.u32 $0xF, v4;
	v17 =	vmul.f32 v9, v9;
	v10 =	vadd.f32 v18, v10  }
0x1fa: {  	v1 =	vadd.f32 v6, v1;
	v6 =	vld.idx.msk [tilespmem:v14+s11+$0x0], $0xffff;
	v0 =	vmul.f32 v2, v0;
	v2 =	vor.u32 $0x2, v5  }
0x1fb: {  	v18 =	vor.u32 $0x10, v4;
	v14 =	vld.idx.msk [tilespmem:v5+s16+$0x0], $0xffff;
	v10 =	vadd.f32 v17, v10;
	v17 =	vmul.f32 v26, v26  }
0x1fc: {  	v37 =	vor.u32 $0x12, v4;
	v30 =	vor.u32 $0x4, v5;
	v20 =	vor.u32 $0x3, v5;
	v29 =	vld.idx.msk [tilespmem:v13+s11+$0x0], $0xffff  }
0x1fd: {  	v11 =	vld.idx.msk [tilespmem:v11+s16+$0x0], $0xffff;
	v13 =	vor.u32 $0x11, v4;
	v10 =	vadd.f32 v17, v10;
	v17 =	vmul.f32 v28, v28  }
0x1fe: {  	s31 =	simm.s32 $0x10;
	v39 =	vor.u32 $0x5, v5;
	v40 =	vor.u32 $0x6, v5;
	v1 =	vadd.f32 v0, v1;
	v22 =	vld.idx.msk [tilespmem:v19+s11+$0x0], $0xffff  }
0x1ff: {  	v0 =	vmov s31;
	v38 =	vld.idx.msk [tilespmem:v2+s16+$0x0], $0xffff;
	v10 =	vadd.f32 v17, v10;
	v17 =	vmul.f32 v6, v6  }
0x200: {  	v42 =	vor.u32 $0x8, v5;
	v31 =	vshll.u32 v0, $0x7;
	v0 =	vld.idx.msk [tilespmem:v18+s11+$0x0], $0xffff;
	v14 =	vmul.f32 v14, v23  }
0x201: {  	v20 =	vld.idx.msk [tilespmem:v20+s16+$0x0], $0xffff;
	v23 =	vor.u32 $0x13, v4;
	v10 =	vadd.f32 v17, v10;
	v17 =	vmul.f32 v29, v29  }
0x202: {  	v44 =	vor.u32 $0x9, v5;
	v19 =	vld.idx.msk [tilespmem:v13+s11+$0x0], $0xffff;
	v13 =	vadd.f32 $0.0e+00, v14;
	v11 =	vmul.f32 v11, v27  }
0x203: {  	v14 =	vor.u32 $0x14, v4;
	v27 =	vld.idx.msk [tilespmem:v30+s16+$0x0], $0xffff;
	v10 =	vadd.f32 v17, v10;
	v17 =	vmul.f32 v22, v22  }
0x204: {  	v18 =	vld.idx.msk [tilespmem:v37+s11+$0x0], $0xffff;
	v30 =	vor.u32 $0x7, v5;
	v11 =	vadd.f32 v11, v13;
	v13 =	vmul.f32 v38, v15  }
0x205: {  	v41 =	vld.idx.msk [tilespmem:v39+s16+$0x0], $0xffff;
	v15 =	vor.u32 $0x15, v4;
	v43 =	vmul.f32 v0, v0;
	v10 =	vadd.f32 v17, v10  }
0x206: {  	v46 =	vor.u32 $0xB, v5;
	v17 =	vld.idx.msk [tilespmem:v23+s11+$0x0], $0xffff;
	v11 =	vadd.f32 v13, v11;
	v13 =	vmul.f32 v20, v16  }
0x207: {  	v35 =	vld.idx.msk [tilespmem:v40+s16+$0x0], $0xffff;
	v23 =	vor.u32 $0x16, v4;
	v16 =	vmul.f32 v19, v19;
	v10 =	vadd.f32 v43, v10  }
0x208: {  	v48 =	vor.u32 $0xC, v5;
	v20 =	vld.idx.msk [tilespmem:v14+s11+$0x0], $0xffff;
	v8 =	vmul.f32 v27, v8;
	v11 =	vadd.f32 v13, v11  }
0x209: {  	v27 =	vld.idx.msk [tilespmem:v30+s16+$0x0], $0xffff;
	v14 =	vmul.f32 v18, v18;
	v13 =	vor.u32 $0x17, v4;
	v10 =	vadd.f32 v16, v10  }
0x20a: {  	v7 =	vmul.f32 v41, v7;
	v30 =	vor.u32 $0xA, v5;
	v16 =	vld.idx.msk [tilespmem:v15+s11+$0x0], $0xffff;
	v8 =	vadd.f32 v8, v11  }
0x20b: {  	v45 =	vld.idx.msk [tilespmem:v42+s16+$0x0], $0xffff;
	v11 =	vor.u32 $0x18, v4;
	v15 =	vmul.f32 v17, v17;
	v10 =	vadd.f32 v14, v10  }
0x20c: {  	v52 =	vor.u32 $0xE, v5;
	v14 =	vld.idx.msk [tilespmem:v23+s11+$0x0], $0xffff;
	v7 =	vadd.f32 v7, v8;
	v8 =	vmul.f32 v35, v12  }
0x20d: {  	v12 =	vor.u32 $0x19, v4;
	v23 =	vld.idx.msk [tilespmem:v44+s16+$0x0], $0xffff;
	v49 =	vmul.f32 v20, v20;
	v10 =	vadd.f32 v15, v10  }
0x20e: {  	v54 =	vor.u32 $0xF, v5;
	v15 =	vld.idx.msk [tilespmem:v13+s11+$0x0], $0xffff;
	v7 =	vadd.f32 v8, v7;
	v8 =	vmul.f32 v27, v24  }
0x20f: {  	v24 =	vor.u32 $0x1A, v4;
	v27 =	vld.idx.msk [tilespmem:v30+s16+$0x0], $0xffff;
	v50 =	vmul.f32 v16, v16;
	v10 =	vadd.f32 v49, v10  }
0x210: {  	v30 =	vor.u32 $0xD, v5;
	v13 =	vld.idx.msk [tilespmem:v11+s11+$0x0], $0xffff;
	v7 =	vadd.f32 v8, v7;
	v8 =	vmul.f32 v45, v21  }
0x211: {  	v51 =	vld.idx.msk [tilespmem:v46+s16+$0x0], $0xffff;
	v21 =	vor.u32 $0x1B, v4;
	v53 =	vmul.f32 v14, v14;
	v10 =	vadd.f32 v50, v10  }
0x212: {  	v57 =	vor.u32 $0x11, v5;
	v11 =	vld.idx.msk [tilespmem:v12+s11+$0x0], $0xffff;
	v7 =	vadd.f32 v8, v7;
	v8 =	vmul.f32 v23, v25  }
0x213: {  	v23 =	vor.u32 $0x1C, v4;
	v25 =	vld.idx.msk [tilespmem:v48+s16+$0x0], $0xffff;
	v55 =	vmul.f32 v15, v15;
	v10 =	vadd.f32 v53, v10  }
0x214: {  	v60 =	vor.u32 $0x12, v5;
	v12 =	vld.idx.msk [tilespmem:v24+s11+$0x0], $0xffff;
	v7 =	vadd.f32 v8, v7;
	v8 =	vmul.f32 v27, v9  }
0x215: {  	v24 =	vor.u32 $0x1D, v4;
	v27 =	vld.idx.msk [tilespmem:v30+s16+$0x0], $0xffff;
	v56 =	vmul.f32 v13, v13;
	v9 =	vadd.f32 v55, v10  }
0x216: {  	v30 =	vor.u32 $0x10, v5;
	v10 =	vld.idx.msk [tilespmem:v21+s11+$0x0], $0xffff;
	v7 =	vadd.f32 v8, v7;
	v8 =	vmul.f32 v51, v26  }
0x217: {  	v21 =	vor.u32 $0x1E, v4;
	v26 =	vld.idx.msk [tilespmem:v52+s16+$0x0], $0xffff;
	v59 =	vmul.f32 v11, v11;
	v58 =	vadd.f32 v56, v9  }
0x218: {  	v62 =	vor.u32 $0x13, v5;
	v9 =	vld.idx.msk [tilespmem:v23+s11+$0x0], $0xffff;
	v7 =	vadd.f32 v8, v7;
	v23 =	vmul.f32 v25, v28  }
0x219: {  	v34 =	vld.idx.msk [tilespmem:v54+s16+$0x0], $0xffff;
	v28 =	vor.u32 $0x1F, v4;
	v61 =	vmul.f32 v12, v12;
	v25 =	vadd.f32 v59, v58  }
0x21a: {  	v2 =	vor.u32 v47, v31;
	v8 =	vld.idx.msk [tilespmem:v24+s11+$0x0], $0xffff;
	v7 =	vadd.f32 v23, v7;
	v23 =	vmul.f32 v27, v6  }
0x21b: {  	v4 =	vor.u32 v3, v31;
	v30 =	vld.idx.msk [tilespmem:v30+s16+$0x0], $0xffff;
	v27 =	vmul.f32 v10, v10;
	v24 =	vadd.f32 v61, v25  }
0x21c: {  	v6 =	vld.idx.msk [tilespmem:v21+s11+$0x0], $0xffff;
	v29 =	vmul.f32 v26, v29;
	v26 =	vor.u32 $0x14, v5;
	v23 =	vadd.f32 v23, v7  }
0x21d: {  	v21 =	vor.u32 $0x1F, v5;
	v25 =	vld.idx.msk [tilespmem:v57+s16+$0x0], $0xffff;
	v63 =	vmul.f32 v9, v9;
	v31 =	vadd.f32 v27, v24  }
0x21e: {  	v7 =	vld.idx.msk [tilespmem:v28+s11+$0x0], $0xffff;
	v28 =	vmul.f32 v34, v22;
	v22 =	vor.u32 $0x1E, v5;
	v23 =	vadd.f32 v29, v23  }
0x21f: {  	v24 =	vld.idx.msk [tilespmem:v60+s16+$0x0], $0xffff;
	v27 =	vor.u32 $0x15, v5;
	v29 =	vadd.f32 v63, v31;
	v31 =	vmul.f32 v8, v8  }
0x220: {  	s20 =	simm.s32 $0x20;
	v30 =	vmul.f32 v30, v0;
	v0 =	vld.idx.msk [tilespmem:v62+s16+$0x0], $0xffff;
	v28 =	vadd.f32 v28, v23;
	v23 =	vor.u32 $0x1D, v5  }
.LBB2_6:
0x221: {  	p0 =	sne.s32 s20, $0x70;
	v26 =	vld.idx.msk [tilespmem:v26+s16+$0x0], $0xffff;
	v32 =	vor.u32 $0x16, v5;
	v29 =	vadd.f32 v31, v29;
	v31 =	vmul.f32 v6, v6  }
0x222: {  	v33 =	vor.u32 $0x1, v4;
	v19 =	vmul.f32 v25, v19;
	v28 =	vadd.f32 v30, v28  }
0x223: {  	v25 =	vor.u32 $0x17, v5;
	v30 =	vmul.f32 v7, v7;
	v29 =	vadd.f32 v31, v29  }
0x224: {  	v31 =	vor.u32 $0x2, v4;
	v24 =	vmul.f32 v24, v18;
	v19 =	vadd.f32 v19, v28;
	v27 =	vld.idx.msk [tilespmem:v27+s16+$0x0], $0xffff  }
0x225: {  	v34 =	vor.u32 $0x19, v5;
	v28 =	vor.u32 $0x18, v5;
	v18 =	vld.idx.msk [tilespmem:v4+s11+$0x0], $0xffff;
	v29 =	vadd.f32 v30, v29  }
0x226: {  	v30 =	vor.u32 $0x3, v4;
	v0 =	vmul.f32 v0, v17;
	v19 =	vadd.f32 v24, v19;
	v24 =	vld.idx.msk [tilespmem:v32+s16+$0x0], $0xffff  }
0x227: {  	v32 =	vor.u32 $0x4, v4;
	v26 =	vmul.f32 v26, v20;
	v17 =	vld.idx.msk [tilespmem:v33+s11+$0x0], $0xffff;
	v20 =	vmax.f32 v29, $1.000000020e-35  }
0x228: {  	v0 =	vadd.f32 v0, v19;
	v19 =	vld.idx.msk [tilespmem:v25+s16+$0x0], $0xffff;
	v25 =	vshra.s32 v20, $0x1;
	v29 =	vmul.f32 $5.000000000e-01, v20  }
0x229: {  	v33 =	vor.u32 $0x1A, v5;
	v20 =	vld.idx.msk [tilespmem:v31+s11+$0x0], $0xffff;
	v31 =	vor.u32 $0x5, v4;
	v25 =	vsub.s32 $0x5F3759DF, v25  }
0x22a: {  	v0 =	vadd.f32 v26, v0;
	v26 =	vmul.f32 v27, v16;
	v27 =	vld.idx.msk [tilespmem:v28+s16+$0x0], $0xffff;
	v28 =	vmul.f32 v25, v29  }
0x22b: {  	v35 =	vor.u32 $0x1B, v5;
	v36 =	vor.u32 $0x1C, v5;
	v5 =	vmovc v2;
	v16 =	vld.idx.msk [tilespmem:v30+s11+$0x0], $0xffff;
	v30 =	vor.u32 $0x6, v4  }
0x22c: {  	v2 =	vmul.f32 v24, v14;
	v0 =	vadd.f32 v26, v0;
	v24 =	vld.idx.msk [tilespmem:v34+s16+$0x0], $0xffff;
	v26 =	vmul.f32 v25, v28  }
0x22d: {  	v28 =	vmul.f32 v18, v18;
	v34 =	vmul.f32 v17, v17;
	v14 =	vld.idx.msk [tilespmem:v32+s11+$0x0], $0xffff;
	v32 =	vor.u32 $0x7, v4  }
0x22e: {  	v0 =	vadd.f32 v2, v0;
	v2 =	vmul.f32 v19, v15;
	v19 =	vld.idx.msk [tilespmem:v33+s16+$0x0], $0xffff;
	v26 =	vsub.f32 $1.500000000e+00, v26  }
0x22f: {  	v28 =	vadd.f32 v34, v28;
	v33 =	vmul.f32 v20, v20;
	v15 =	vld.idx.msk [tilespmem:v31+s11+$0x0], $0xffff;
	v31 =	vor.u32 $0x8, v4  }
0x230: {  	v0 =	vadd.f32 v2, v0;
	v2 =	vmul.f32 v27, v13;
	v27 =	vld.idx.msk [tilespmem:v35+s16+$0x0], $0xffff;
	v25 =	vmul.f32 v25, v26  }
0x231: {  	v26 =	vadd.f32 v33, v28;
	v28 =	vmul.f32 v16, v16;
	v13 =	vld.idx.msk [tilespmem:v30+s11+$0x0], $0xffff;
	v30 =	vor.u32 $0xA, v4  }
0x232: {  	v0 =	vadd.f32 v2, v0;
	v2 =	vmul.f32 v24, v11;
	v24 =	vld.idx.msk [tilespmem:v36+s16+$0x0], $0xffff;
	v33 =	vmul.f32 v25, v29  }
0x233: {  	v26 =	vadd.f32 v28, v26;
	v28 =	vmul.f32 v14, v14;
	v11 =	vld.idx.msk [tilespmem:v32+s11+$0x0], $0xffff;
	v32 =	vor.u32 $0x9, v4  }
0x234: {  	v0 =	vadd.f32 v2, v0;
	v2 =	vmul.f32 v19, v12;
	v19 =	vld.idx.msk [tilespmem:v23+s16+$0x0], $0xffff;
	v23 =	vmul.f32 v33, v25  }
0x235: {  	v33 =	vor.u32 $0x1, v5;
	v26 =	vadd.f32 v28, v26;
	v28 =	vmul.f32 v15, v15;
	v12 =	vld.idx.msk [tilespmem:v31+s11+$0x0], $0xffff  }
0x236: {  	v0 =	vadd.f32 v2, v0;
	v2 =	vmul.f32 v27, v10;
	v22 =	vld.idx.msk [tilespmem:v22+s16+$0x0], $0xffff;
	v23 =	vsub.f32 $1.500000000e+00, v23  }
0x237: {  	v26 =	vadd.f32 v28, v26;
	v27 =	vmul.f32 v13, v13;
	v28 =	vor.u32 $0xB, v4;
	v21 =	vld.idx.msk [tilespmem:v21+s16+$0x0], $0xffff  }
0x238: {  	v10 =	vld.idx.msk [tilespmem:v32+s11+$0x0], $0xffff;
	v0 =	vadd.f32 v2, v0;
	v2 =	vmul.f32 v24, v9;
	v23 =	vmul.f32 v23, v25  }
0x239: {  	v24 =	vadd.f32 v27, v26;
	v25 =	vmul.f32 v11, v11;
	v26 =	vor.u32 $0xC, v4;
	v9 =	vld.idx.msk [tilespmem:v30+s11+$0x0], $0xffff  }
0x23a: {  	v0 =	vadd.f32 v2, v0;
	v2 =	vmul.f32 v19, v8;
	v19 =	vmul.f32 v23, v29  }
0x23b: {  	v27 =	vor.u32 $0xD, v4;
	v24 =	vadd.f32 v25, v24;
	v25 =	vmul.f32 v12, v12  }
0x23c: {  	v8 =	vld.idx.msk [tilespmem:v28+s11+$0x0], $0xffff;
	v0 =	vadd.f32 v2, v0;
	v2 =	vmul.f32 v22, v6;
	v6 =	vmul.f32 v19, v23  }
0x23d: {  	v19 =	vadd.f32 v25, v24;
	v22 =	vor.u32 $0xE, v4;
	v7 =	vmul.f32 v21, v7  }
0x23e: {  	v24 =	vmul.f32 v10, v10;
	v21 =	vld.idx.msk [tilespmem:v26+s11+$0x0], $0xffff;
	v0 =	vadd.f32 v2, v0;
	v2 =	vsub.f32 $1.500000000e+00, v6  }
0x23f: {  	v25 =	vor.u32 $0x2, v5;
	v28 =	vor.u32 $0xF, v4;
	v26 =	vmul.f32 v9, v9  }
0x240: {  	v19 =	vadd.f32 v24, v19;
	v6 =	vld.idx.msk [tilespmem:v27+s11+$0x0], $0xffff;
	v0 =	vadd.f32 v7, v0;
	v2 =	vmul.f32 v2, v23  }
0x241: {  	v27 =	vor.u32 $0x3, v5;
	v23 =	vor.u32 $0x10, v4;
	v24 =	vld.idx.msk [tilespmem:v5+s16+$0x0], $0xffff  }
0x242: {  	v19 =	vadd.f32 v26, v19;
	v26 =	vmul.f32 v8, v8;
	v7 =	vld.idx.msk [tilespmem:v22+s11+$0x0], $0xffff;
	v0 =	vmul.f32 v2, v0  }
0x243: {  	v31 =	vor.u32 $0x11, v4;
	v30 =	vor.u32 $0x4, v5;
	v2 =	vmov s20;
	v29 =	vld.idx.msk [tilespmem:v33+s16+$0x0], $0xffff  }
0x244: {  	v19 =	vadd.f32 v26, v19;
	v26 =	vmul.f32 v21, v21;
	v22 =	vld.idx.msk [tilespmem:v28+s11+$0x0], $0xffff;
	v1 =	vadd.f32 v0, v1  }
0x245: {  	v0 =	vshll.u32 v2, $0x7;
	v28 =	vor.u32 $0x12, v4;
	v25 =	vld.idx.msk [tilespmem:v25+s16+$0x0], $0xffff  }
0x246: {  	v32 =	vor.u32 $0x5, v5;
	v19 =	vadd.f32 v26, v19;
	v26 =	vmul.f32 v6, v6;
	v23 =	vld.idx.msk [tilespmem:v23+s11+$0x0], $0xffff  }
0x247: {  	v2 =	vor.u32 v47, v0;
	v18 =	vmul.f32 v24, v18;
	v24 =	vld.idx.msk [tilespmem:v27+s16+$0x0], $0xffff;
	v27 =	vor.u32 $0x13, v4  }
0x248: {  	v33 =	vor.u32 $0x6, v5;
	v26 =	vadd.f32 v26, v19;
	v34 =	vmul.f32 v7, v7;
	v19 =	vld.idx.msk [tilespmem:v31+s11+$0x0], $0xffff  }
0x249: {  	v31 =	vadd.f32 $0.0e+00, v18;
	v17 =	vmul.f32 v29, v17;
	v29 =	vld.idx.msk [tilespmem:v30+s16+$0x0], $0xffff;
	v30 =	vor.u32 $0x14, v4  }
0x24a: {  	v35 =	vor.u32 $0x7, v5;
	v26 =	vadd.f32 v34, v26;
	v34 =	vmul.f32 v22, v22;
	v18 =	vld.idx.msk [tilespmem:v28+s11+$0x0], $0xffff  }
0x24b: {  	v28 =	vadd.f32 v17, v31;
	v20 =	vmul.f32 v25, v20;
	v31 =	vor.u32 $0x15, v4;
	v25 =	vld.idx.msk [tilespmem:v32+s16+$0x0], $0xffff  }
0x24c: {  	v32 =	vor.u32 $0x8, v5;
	v26 =	vadd.f32 v34, v26;
	v34 =	vmul.f32 v23, v23;
	v17 =	vld.idx.msk [tilespmem:v27+s11+$0x0], $0xffff  }
0x24d: {  	v27 =	vadd.f32 v20, v28;
	v16 =	vmul.f32 v24, v16;
	v28 =	vor.u32 $0x16, v4;
	v24 =	vld.idx.msk [tilespmem:v33+s16+$0x0], $0xffff  }
0x24e: {  	v33 =	vor.u32 $0x9, v5;
	v26 =	vadd.f32 v34, v26;
	v34 =	vmul.f32 v19, v19;
	v20 =	vld.idx.msk [tilespmem:v30+s11+$0x0], $0xffff  }
0x24f: {  	v27 =	vadd.f32 v16, v27;
	v14 =	vmul.f32 v29, v14;
	v30 =	vor.u32 $0x17, v4;
	v29 =	vld.idx.msk [tilespmem:v35+s16+$0x0], $0xffff  }
0x250: {  	v35 =	vor.u32 $0xA, v5;
	v26 =	vadd.f32 v34, v26;
	v34 =	vmul.f32 v18, v18;
	v16 =	vld.idx.msk [tilespmem:v31+s11+$0x0], $0xffff  }
0x251: {  	v27 =	vadd.f32 v14, v27;
	v15 =	vmul.f32 v25, v15;
	v31 =	vor.u32 $0x18, v4;
	v25 =	vld.idx.msk [tilespmem:v32+s16+$0x0], $0xffff  }
0x252: {  	v32 =	vor.u32 $0xB, v5;
	v26 =	vadd.f32 v34, v26;
	v34 =	vmul.f32 v17, v17;
	v14 =	vld.idx.msk [tilespmem:v28+s11+$0x0], $0xffff  }
0x253: {  	v27 =	vadd.f32 v15, v27;
	v13 =	vmul.f32 v24, v13;
	v28 =	vor.u32 $0x19, v4;
	v24 =	vld.idx.msk [tilespmem:v33+s16+$0x0], $0xffff  }
0x254: {  	v33 =	vor.u32 $0xC, v5;
	v26 =	vadd.f32 v34, v26;
	v34 =	vmul.f32 v20, v20;
	v15 =	vld.idx.msk [tilespmem:v30+s11+$0x0], $0xffff  }
0x255: {  	v27 =	vadd.f32 v13, v27;
	v11 =	vmul.f32 v29, v11;
	v30 =	vor.u32 $0x1A, v4;
	v29 =	vld.idx.msk [tilespmem:v35+s16+$0x0], $0xffff  }
0x256: {  	v35 =	vor.u32 $0xD, v5;
	v26 =	vadd.f32 v34, v26;
	v34 =	vmul.f32 v16, v16;
	v13 =	vld.idx.msk [tilespmem:v31+s11+$0x0], $0xffff  }
0x257: {  	v27 =	vadd.f32 v11, v27;
	v12 =	vmul.f32 v25, v12;
	v31 =	vor.u32 $0x1B, v4;
	v25 =	vld.idx.msk [tilespmem:v32+s16+$0x0], $0xffff  }
0x258: {  	v32 =	vor.u32 $0xE, v5;
	v26 =	vadd.f32 v34, v26;
	v34 =	vmul.f32 v14, v14;
	v11 =	vld.idx.msk [tilespmem:v28+s11+$0x0], $0xffff  }
0x259: {  	v27 =	vadd.f32 v12, v27;
	v10 =	vmul.f32 v24, v10;
	v28 =	vor.u32 $0x1C, v4;
	v24 =	vld.idx.msk [tilespmem:v33+s16+$0x0], $0xffff  }
0x25a: {  	v33 =	vor.u32 $0xF, v5;
	v26 =	vadd.f32 v34, v26;
	v34 =	vmul.f32 v15, v15;
	v12 =	vld.idx.msk [tilespmem:v30+s11+$0x0], $0xffff  }
0x25b: {  	v27 =	vadd.f32 v10, v27;
	v9 =	vmul.f32 v29, v9;
	v30 =	vor.u32 $0x1D, v4;
	v29 =	vld.idx.msk [tilespmem:v35+s16+$0x0], $0xffff  }
0x25c: {  	v35 =	vor.u32 $0x10, v5;
	v26 =	vadd.f32 v34, v26;
	v34 =	vmul.f32 v13, v13;
	v10 =	vld.idx.msk [tilespmem:v31+s11+$0x0], $0xffff  }
0x25d: {  	v27 =	vadd.f32 v9, v27;
	v8 =	vmul.f32 v25, v8;
	v31 =	vor.u32 $0x1E, v4;
	v25 =	vld.idx.msk [tilespmem:v32+s16+$0x0], $0xffff  }
0x25e: {  	v32 =	vor.u32 $0x11, v5;
	v26 =	vadd.f32 v34, v26;
	v34 =	vmul.f32 v11, v11;
	v9 =	vld.idx.msk [tilespmem:v28+s11+$0x0], $0xffff  }
0x25f: {  	v27 =	vadd.f32 v8, v27;
	v21 =	vmul.f32 v24, v21;
	v28 =	vor.u32 $0x1F, v4;
	v24 =	vld.idx.msk [tilespmem:v33+s16+$0x0], $0xffff  }
0x260: {  	v33 =	vor.u32 $0x12, v5;
	v26 =	vadd.f32 v34, v26;
	v34 =	vmul.f32 v12, v12;
	v8 =	vld.idx.msk [tilespmem:v30+s11+$0x0], $0xffff  }
0x261: {  	v4 =	vor.u32 v3, v0;
	v0 =	vadd.f32 v21, v27;
	v21 =	vmul.f32 v29, v6;
	v30 =	vld.idx.msk [tilespmem:v35+s16+$0x0], $0xffff  }
0x262: {  	v35 =	vor.u32 $0x13, v5;
	v27 =	vadd.f32 v34, v26;
	v29 =	vmul.f32 v10, v10;
	v6 =	vld.idx.msk [tilespmem:v31+s11+$0x0], $0xffff  }
.Ltmp2:
0x263: {  	v26 =	vor.u32 $0x14, v5;
	v0 =	vadd.f32 v21, v0;
	v31 =	vmul.f32 v25, v7;
	v25 =	vld.idx.msk [tilespmem:v32+s16+$0x0], $0xffff;
	(pc) =	sbr.rel @p0 .LBB2_6-.Ltmp2, $4  }
0x264: {  	v21 =	vor.u32 $0x1F, v5;
	v29 =	vadd.f32 v29, v27;
	v32 =	vmul.f32 v9, v9;
	v7 =	vld.idx.msk [tilespmem:v28+s11+$0x0], $0xffff  }
0x265: {  	v0 =	vadd.f32 v31, v0;
	v28 =	vmul.f32 v24, v22;
	v22 =	vor.u32 $0x1E, v5;
	v24 =	vld.idx.msk [tilespmem:v33+s16+$0x0], $0xffff  }
0x266: {  	v27 =	vor.u32 $0x15, v5;
	v29 =	vadd.f32 v32, v29;
	v31 =	vmul.f32 v8, v8  }
0x267: {  	s20 =	sadd.s32 $0x10, s20;
	v28 =	vadd.f32 v28, v0;
	v30 =	vmul.f32 v30, v23;
	v23 =	vor.u32 $0x1D, v5;
	v0 =	vld.idx.msk [tilespmem:v35+s16+$0x0], $0xffff  }
0x268: {  	_ =	sdelay $0x1  }
0x269: {  	v3 =	vor.u32 $0x16, v5  }
0x26a: {  	v32 =	vor.u32 $0x1, v4  }
0x26b: {  	v26 =	vld.idx.msk [tilespmem:v26+s16+$0x0], $0xffff;
	v33 =	vor.u32 $0x17, v5  }
0x26c: {  	v34 =	vor.u32 $0x2, v4;
	v27 =	vld.idx.msk [tilespmem:v27+s16+$0x0], $0xffff  }
0x26d: {  	v35 =	vld.idx.msk [tilespmem:v4+s11+$0x0], $0xffff;
	v36 =	vor.u32 $0x18, v5  }
0x26e: {  	v37 =	vor.u32 $0x3, v4;
	v38 =	vld.idx.msk [tilespmem:v3+s16+$0x0], $0xffff  }
0x26f: {  	v29 =	vadd.f32 v31, v29;
	v31 =	vmul.f32 v6, v6;
	v39 =	vor.u32 $0x4, v4;
	v32 =	vld.idx.msk [tilespmem:v32+s11+$0x0], $0xffff  }
0x270: {  	v19 =	vmul.f32 v25, v19;
	v40 =	vor.u32 $0x6, v4;
	v55 =	vor.u32 $0x10, v4;
	v33 =	vld.idx.msk [tilespmem:v33+s16+$0x0], $0xffff  }
0x271: {  	v56 =	vor.u32 $0x4, v2;
	v57 =	vor.u32 $0x5, v2;
	v3 =	vor.u32 $0x19, v5;
	v25 =	vld.idx.msk [tilespmem:v34+s11+$0x0], $0xffff  }
0x272: {  	v58 =	vor.u32 $0x6, v2;
	v28 =	vadd.f32 v30, v28;
	v30 =	vor.u32 $0x1A, v5;
	v50 =	vld.idx.msk [tilespmem:v36+s16+$0x0], $0xffff  }
0x273: {  	v51 =	vmul.f32 v7, v7;
	v29 =	vadd.f32 v31, v29;
	v31 =	vor.u32 $0x5, v4;
	v37 =	vld.idx.msk [tilespmem:v37+s11+$0x0], $0xffff  }
0x274: {  	v18 =	vmul.f32 v24, v18;
	v19 =	vadd.f32 v19, v28;
	v28 =	vor.u32 $0x1B, v5;
	v52 =	vld.idx.msk [tilespmem:v39+s11+$0x0], $0xffff  }
0x275: {  	v24 =	vadd.f32 v51, v29;
	v29 =	vor.u32 $0x7, v4;
	v0 =	vmul.f32 v0, v17;
	v40 =	vld.idx.msk [tilespmem:v40+s11+$0x0], $0xffff  }
0x276: {  	v5 =	vor.u32 $0x1C, v5;
	v41 =	vld.idx.msk [tilespmem:v3+s16+$0x0], $0xffff;
	v3 =	vmul.f32 v35, v35;
	v42 =	vmul.f32 v32, v32  }
0x277: {  	v18 =	vadd.f32 v18, v19;
	v20 =	vmul.f32 v26, v20;
	v27 =	vmul.f32 v27, v16;
	v16 =	vld.idx.msk [tilespmem:v22+s16+$0x0], $0xffff  }
0x278: {  	v53 =	vld.idx.msk [tilespmem:v30+s16+$0x0], $0xffff;
	v17 =	vmax.f32 v24, $1.000000020e-35;
	v30 =	vmul.f32 v25, v25;
	v3 =	vadd.f32 v42, v3  }
0x279: {  	v24 =	vld.idx.msk [tilespmem:v31+s11+$0x0], $0xffff;
	v31 =	vor.u32 $0x8, v4;
	v0 =	vadd.f32 v0, v18;
	v26 =	vshra.s32 v17, $0x1  }
0x27a: {  	v19 =	vld.idx.msk [tilespmem:v28+s16+$0x0], $0xffff;
	v54 =	vsub.s32 $0x5F3759DF, v26;
	v28 =	vmul.f32 v37, v37;
	v3 =	vadd.f32 v30, v3  }
0x27b: {  	v26 =	vor.u32 $0xA, v4;
	v0 =	vadd.f32 v20, v0;
	v20 =	vld.idx.msk [tilespmem:v29+s11+$0x0], $0xffff;
	v29 =	vor.u32 $0xB, v4  }
0x27c: {  	v18 =	vld.idx.msk [tilespmem:v5+s16+$0x0], $0xffff;
	v30 =	vor.u32 $0x9, v4;
	v5 =	vadd.f32 v28, v3;
	v28 =	vmul.f32 v52, v52  }
0x27d: {  	v59 =	vld.idx.msk [tilespmem:v56+s16+$0x0], $0xffff;
	v14 =	vmul.f32 v38, v14;
	v0 =	vadd.f32 v27, v0;
	v27 =	vor.u32 $0xD, v4  }
0x27e: {  	v3 =	vmul.f32 $5.000000000e-01, v17;
	v17 =	vld.idx.msk [tilespmem:v23+s16+$0x0], $0xffff;
	v23 =	vmul.f32 v24, v24;
	v5 =	vadd.f32 v28, v5  }
0x27f: {  	v43 =	vld.idx.msk [tilespmem:v31+s11+$0x0], $0xffff;
	v31 =	vor.u32 $0xC, v4;
	v0 =	vadd.f32 v14, v0;
	v14 =	vmul.f32 v33, v15  }
0x280: {  	v33 =	vld.idx.msk [tilespmem:v26+s11+$0x0], $0xffff;
	v28 =	vmul.f32 v54, v3;
	v22 =	vadd.f32 v23, v5;
	v23 =	vmul.f32 v40, v40  }
0x281: {  	v61 =	vor.u32 $0x7, v2;
	v62 =	vor.u32 $0x8, v2;
	v15 =	vor.u32 $0xE, v4;
	v38 =	vld.idx.msk [tilespmem:v30+s11+$0x0], $0xffff  }
0x282: {  	v28 =	vmul.f32 v54, v28;
	v5 =	vld.idx.msk [tilespmem:v21+s16+$0x0], $0xffff;
	v21 =	vadd.f32 v23, v22;
	v22 =	vmul.f32 v20, v20  }
0x283: {  	v63 =	vor.u32 $0x9, v2;
	v44 =	vld.idx.msk [tilespmem:v29+s11+$0x0], $0xffff;
	v29 =	vor.u32 $0x2, v2;
	v23 =	vor.u32 $0x1, v2  }
0x284: {  	v26 =	vld.idx.msk [tilespmem:v27+s11+$0x0], $0xffff;
	v28 =	vsub.f32 $1.500000000e+00, v28;
	v21 =	vadd.f32 v22, v21;
	v22 =	vmul.f32 v43, v43  }
0x285: {  	v0 =	vadd.f32 v14, v0;
	v14 =	vor.u32 $0xF, v4;
	v27 =	vmul.f32 v50, v13;
	v45 =	vld.idx.msk [tilespmem:v31+s11+$0x0], $0xffff  }
0x286: {  	v13 =	vmul.f32 v54, v28;
	v28 =	vld.idx.msk [tilespmem:v2+s16+$0x0], $0xffff;
	v21 =	vadd.f32 v22, v21;
	v22 =	vmul.f32 v38, v38  }
0x287: {  	v48 =	vor.u32 $0x17, v4;
	v11 =	vmul.f32 v41, v11;
	v31 =	vld.idx.msk [tilespmem:v15+s11+$0x0], $0xffff;
	v0 =	vadd.f32 v27, v0  }
0x288: {  	v30 =	vmul.f32 v33, v33;
	v15 =	vld.idx.msk [tilespmem:v23+s16+$0x0], $0xffff;
	v23 =	vor.u32 $0x11, v4;
	v21 =	vadd.f32 v22, v21  }
0x289: {  	v46 =	vld.idx.msk [tilespmem:v61+s16+$0x0], $0xffff;
	v0 =	vadd.f32 v11, v0;
	v11 =	vmul.f32 v53, v12;
	v22 =	vor.u32 $0x3, v2  }
0x28a: {  	v49 =	vor.u32 $0xA, v2;
	v27 =	vmul.f32 v44, v44;
	v12 =	vld.idx.msk [tilespmem:v29+s16+$0x0], $0xffff;
	v21 =	vadd.f32 v30, v21  }
0x28b: {  	v34 =	vadd.f32 v11, v0;
	v0 =	vmul.f32 v28, v35;
	v30 =	vld.idx.msk [tilespmem:v14+s11+$0x0], $0xffff;
	v14 =	vor.u32 $0x12, v4  }
0x28c: {  	v51 =	vor.u32 $0x19, v4;
	v29 =	vld.idx.msk [tilespmem:v55+s11+$0x0], $0xffff;
	v21 =	vadd.f32 v27, v21;
	v27 =	vmul.f32 v45, v45  }
0x28d: {  	v56 =	vor.u32 $0x1B, v4;
	v61 =	vor.u32 $0xF, v2;
	v0 =	vadd.f32 $0.0e+00, v0;
	v28 =	vld.idx.msk [tilespmem:v23+s11+$0x0], $0xffff  }
0x28e: {  	v23 =	vor.u32 $0x14, v4;
	v11 =	vld.idx.msk [tilespmem:v22+s16+$0x0], $0xffff;
	v21 =	vadd.f32 v27, v21;
	v27 =	vmul.f32 v26, v26  }
0x28f: {  	v53 =	vld.idx.msk [tilespmem:v49+s16+$0x0], $0xffff;
	v15 =	vmul.f32 v15, v32;
	v32 =	vmul.f32 v59, v52;
	v52 =	vor.u32 $0xC, v2  }
0x290: {  	v60 =	vmul.f32 v31, v31;
	v22 =	vor.u32 $0x13, v4;
	v21 =	vadd.f32 v27, v21;
	v27 =	vld.idx.msk [tilespmem:v14+s11+$0x0], $0xffff  }
0x291: {  	v6 =	vmul.f32 v16, v6;
	v12 =	vmul.f32 v12, v25;
	v0 =	vadd.f32 v15, v0;
	v14 =	vld.idx.msk [tilespmem:v57+s16+$0x0], $0xffff  }
0x292: {  	v55 =	vor.u32 $0xD, v2;
	v35 =	vld.idx.msk [tilespmem:v58+s16+$0x0], $0xffff;
	v25 =	vmul.f32 v30, v30;
	v21 =	vadd.f32 v60, v21  }
0x293: {  	v19 =	vmul.f32 v19, v10;
	v0 =	vadd.f32 v12, v0;
	v23 =	vld.idx.msk [tilespmem:v23+s11+$0x0], $0xffff;
	v11 =	vmul.f32 v11, v37  }
0x294: {  	v9 =	vmul.f32 v18, v9;
	v58 =	vld.idx.msk [tilespmem:v52+s16+$0x0], $0xffff;
	v21 =	vadd.f32 v25, v21;
	v25 =	vmul.f32 v29, v29  }
0x295: {  	v15 =	vor.u32 $0x15, v4;
	v12 =	vor.u32 $0x16, v4;
	v22 =	vld.idx.msk [tilespmem:v22+s11+$0x0], $0xffff;
	v11 =	vadd.f32 v11, v0  }
0x296: {  	v14 =	vmul.f32 v14, v24;
	v24 =	vld.idx.msk [tilespmem:v62+s16+$0x0], $0xffff;
	v21 =	vadd.f32 v25, v21;
	v25 =	vmul.f32 v28, v28  }
0x297: {  	v50 =	vor.u32 $0xB, v2;
	v49 =	vor.u32 $0x10, v2;
	v62 =	vld.idx.msk [tilespmem:v55+s16+$0x0], $0xffff;
	v11 =	vadd.f32 v32, v11  }
0x298: {  	v57 =	vor.u32 $0xE, v2;
	v55 =	vld.idx.msk [tilespmem:v61+s16+$0x0], $0xffff;
	v21 =	vadd.f32 v25, v21;
	v25 =	vmul.f32 v27, v27  }
0x299: {  	v20 =	vmul.f32 v46, v20;
	v35 =	vmul.f32 v35, v40;
	v37 =	vld.idx.msk [tilespmem:v63+s16+$0x0], $0xffff;
	v11 =	vadd.f32 v14, v11  }
0x29a: {  	v0 =	vld.idx.msk [tilespmem:v15+s11+$0x0], $0xffff;
	v15 =	vor.u32 $0x18, v4;
	v21 =	vadd.f32 v25, v21;
	v25 =	vmul.f32 v22, v22  }
0x29b: {  	v54 =	vor.u32 $0x1A, v4;
	v12 =	vld.idx.msk [tilespmem:v12+s11+$0x0], $0xffff;
	v61 =	vor.u32 $0x13, v2;
	v11 =	vadd.f32 v35, v11  }
0x29c: {  	v32 =	vld.idx.msk [tilespmem:v50+s16+$0x0], $0xffff;
	v24 =	vmul.f32 v24, v43;
	v21 =	vadd.f32 v25, v21;
	v25 =	vmul.f32 v23, v23  }
0x29d: {  	v50 =	vld.idx.msk [tilespmem:v57+s16+$0x0], $0xffff;
	v30 =	vmul.f32 v55, v30;
	v55 =	vor.u32 $0x19, v2;
	v11 =	vadd.f32 v20, v11  }
0x29e: {  	v33 =	vmul.f32 v53, v33;
	v59 =	vor.u32 $0x1C, v4;
	v14 =	vld.idx.msk [tilespmem:v48+s11+$0x0], $0xffff;
	v21 =	vadd.f32 v25, v21  }
0x29f: {  	v15 =	vld.idx.msk [tilespmem:v15+s11+$0x0], $0xffff;
	v25 =	vmul.f32 v0, v0;
	v11 =	vadd.f32 v24, v11;
	v24 =	vmul.f32 v37, v38  }
0x2a0: {  	v63 =	vor.u32 $0x1D, v4;
	v20 =	vld.idx.msk [tilespmem:v51+s11+$0x0], $0xffff;
	v51 =	vor.u32 $0x1E, v4;
	v4 =	vor.u32 $0x1F, v4  }
0x2a1: {  	v60 =	vmul.f32 v12, v12;
	v36 =	vld.idx.msk [tilespmem:v61+s16+$0x0], $0xffff;
	v25 =	vadd.f32 v25, v21;
	v24 =	vadd.f32 v24, v11  }
0x2a2: {  	v8 =	vmul.f32 v17, v8;
	v53 =	vor.u32 $0x11, v2;
	v32 =	vmul.f32 v32, v44;
	v39 =	vld.idx.msk [tilespmem:v55+s16+$0x0], $0xffff  }
0x2a3: {  	v48 =	vmul.f32 v14, v14;
	v21 =	vld.idx.msk [tilespmem:v54+s11+$0x0], $0xffff;
	v25 =	vadd.f32 v60, v25;
	v33 =	vadd.f32 v33, v24  }
0x2a4: {  	v46 =	vor.u32 $0x15, v2;
	v19 =	vadd.f32 v19, v34;
	v52 =	vmul.f32 v15, v15;
	v11 =	vld.idx.msk [tilespmem:v56+s11+$0x0], $0xffff  }
0x2a5: {  	v54 =	vmul.f32 v58, v45;
	v10 =	vld.idx.msk [tilespmem:v4+s11+$0x0], $0xffff;
	v25 =	vadd.f32 v48, v25;
	v32 =	vadd.f32 v32, v33  }
0x2a6: {  	v58 =	vor.u32 $0x12, v2;
	v57 =	vmul.f32 v20, v20;
	v4 =	vor.u32 $0x16, v2;
	v24 =	vld.idx.msk [tilespmem:v59+s11+$0x0], $0xffff  }
0x2a7: {  	v59 =	vmul.f32 v62, v26;
	v60 =	vld.idx.msk [tilespmem:v49+s16+$0x0], $0xffff;
	v56 =	vadd.f32 v52, v25;
	v32 =	vadd.f32 v54, v32  }
0x2a8: {  	v31 =	vmul.f32 v50, v31;
	v50 =	vor.u32 $0x17, v2;
	v45 =	vld.idx.msk [tilespmem:v53+s16+$0x0], $0xffff;
	v62 =	vmul.f32 v21, v21  }
0x2a9: {  	v25 =	vld.idx.msk [tilespmem:v63+s11+$0x0], $0xffff;
	v63 =	vor.u32 $0x14, v2;
	v38 =	vadd.f32 v57, v56;
	v32 =	vadd.f32 v59, v32  }
0x2aa: {  	v19 =	vadd.f32 v9, v19;
	v22 =	vmul.f32 v36, v22;
	v26 =	vld.idx.msk [tilespmem:v51+s11+$0x0], $0xffff;
	v52 =	vor.u32 $0x18, v2  }
0x2ab: {  	v48 =	vmul.f32 v11, v11;
	v49 =	vld.idx.msk [tilespmem:v58+s16+$0x0], $0xffff;
	v38 =	vadd.f32 v62, v38;
	v31 =	vadd.f32 v31, v32  }
0x2ac: {  	v58 =	vld.idx.msk [tilespmem:v4+s16+$0x0], $0xffff;
	v29 =	vmul.f32 v60, v29;
	v60 =	vor.u32 $0x1C, v2;
	v56 =	vmul.f32 v24, v24  }
0x2ad: {  	v57 =	vor.u32 $0x1A, v2;
	v59 =	vld.idx.msk [tilespmem:v50+s16+$0x0], $0xffff;
	v53 =	vadd.f32 v48, v38;
	v30 =	vadd.f32 v30, v31  }
0x2ae: {  	v51 =	vmul.f32 v13, v3;
	v4 =	vor.u32 $0x1B, v2;
	v54 =	vld.idx.msk [tilespmem:v63+s16+$0x0], $0xffff;
	v61 =	vmul.f32 v25, v25  }
0x2af: {  	v37 =	vld.idx.msk [tilespmem:v52+s16+$0x0], $0xffff;
	v18 =	vadd.f32 v56, v53;
	v29 =	vadd.f32 v29, v30;
	v30 =	vor.u32 $0x1D, v2  }
0x2b0: {  	v43 =	vmul.f32 v51, v13;
	v28 =	vmul.f32 v45, v28;
	v62 =	vor.u32 $0x1E, v2;
	v31 =	vld.idx.msk [tilespmem:v46+s16+$0x0], $0xffff  }
0x2b1: {  	v63 =	vmul.f32 v26, v26;
	v17 =	vld.idx.msk [tilespmem:v60+s16+$0x0], $0xffff;
	v2 =	vor.u32 $0x1F, v2;
	v18 =	vadd.f32 v61, v18  }
0x2b2: {  	s20 =	simm.s32 $0x0;
	v43 =	vsub.f32 $1.500000000e+00, v43;
	v27 =	vmul.f32 v49, v27;
	v42 =	vld.idx.msk [tilespmem:v57+s16+$0x0], $0xffff;
	v28 =	vadd.f32 v28, v29  }
0x2b3: {  	v29 =	vld.idx.msk [tilespmem:v4+s16+$0x0], $0xffff;
	v4 =	vmov s20;
	v9 =	vadd.f32 v63, v18;
	v18 =	vmul.f32 v10, v10  }
0x2b4: {  	v36 =	vshll.u32 v4, $0x7;
	v4 =	vor.u32 $0xC000, v47;
	v27 =	vadd.f32 v27, v28;
	v28 =	vld.idx.msk [tilespmem:v30+s16+$0x0], $0xffff  }
0x2b5: {  	v13 =	vmul.f32 v43, v13;
	v30 =	vld.idx.msk [tilespmem:v62+s16+$0x0], $0xffff;
	v18 =	vadd.f32 v18, v9;
	v9 =	vor.u32 v4, v36  }
0x2b6: {  	v5 =	vmul.f32 v5, v7;
	v2 =	vld.idx.msk [tilespmem:v2+s16+$0x0], $0xffff;
	[tilespmem:s16], [sflag:$0x1] =	stream.indirect.gather [hbm4b:s3+s13], $0x80, s15, s13, $0xb8;
	v22 =	vadd.f32 v22, v27;
	v27 =	vor.u32 $0x1, v9  }
0x2b7: {  	v8 =	vadd.f32 v8, v19;
	v3 =	vmul.f32 v13, v3;
	v23 =	vmul.f32 v54, v23;
	_ =	swait.ge [sflag:s17], $0x4000  }
0x2b8: {  	v0 =	vmul.f32 v31, v0;
	[sflag:s17] =	ssyncset.done $0x0;
	v19 =	vor.u32 $0x2, v9;
	v16 =	vmax.f32 v18, $1.000000020e-35  }
0x2b9: {  	v18 =	vadd.f32 v23, v22;
	[sflag:s17] =	ssyncadd.s32 $0xFFFFC000;
	v22 =	vshra.s32 v16, $0x1;
	v16 =	vmul.f32 $5.000000000e-01, v16  }
0x2ba: {  	v3 =	vmul.f32 v3, v13;
	v23 =	vor.u32 $0x3, v9;
	v7 =	vsub.s32 $0x5F3759DF, v22;
	v22 =	vld.idx.msk [tilespmem:v9+s11+$0x0], $0xffff  }
0x2bb: {  	v12 =	vmul.f32 v58, v12;
	v0 =	vadd.f32 v0, v18;
	v18 =	vmul.f32 v7, v16;
	v27 =	vld.idx.msk [tilespmem:v27+s11+$0x0], $0xffff  }
0x2bc: {  	v6 =	vadd.f32 v6, v8;
	v3 =	vsub.f32 $1.500000000e+00, v3;
	v8 =	vor.u32 $0x4, v9  }
0x2bd: {  	v0 =	vadd.f32 v12, v0;
	v12 =	vmul.f32 v59, v14;
	v14 =	vld.idx.msk [tilespmem:v19+s11+$0x0], $0xffff;
	v18 =	vmul.f32 v7, v18  }
0x2be: {  	v5 =	vadd.f32 v5, v6;
	v3 =	vmul.f32 v3, v13;
	v6 =	vor.u32 $0x5, v9  }
0x2bf: {  	v23 =	vld.idx.msk [tilespmem:v23+s11+$0x0], $0xffff;
	v0 =	vadd.f32 v12, v0;
	v12 =	vmul.f32 v37, v15;
	v13 =	vsub.f32 $1.500000000e+00, v18  }
0x2c0: {  	v15 =	vor.u32 $0x6, v9;
	v18 =	vmul.f32 v22, v22;
	v19 =	vmul.f32 v27, v27  }
0x2c1: {  	v8 =	vld.idx.msk [tilespmem:v8+s11+$0x0], $0xffff;
	v0 =	vadd.f32 v12, v0;
	v12 =	vmul.f32 v39, v20;
	v7 =	vmul.f32 v7, v13  }
0x2c2: {  	v13 =	vor.u32 $0x7, v9;
	v18 =	vadd.f32 v19, v18;
	v19 =	vmul.f32 v14, v14  }
0x2c3: {  	v6 =	vld.idx.msk [tilespmem:v6+s11+$0x0], $0xffff;
	v0 =	vadd.f32 v12, v0;
	v12 =	vmul.f32 v42, v21;
	v20 =	vmul.f32 v7, v16  }
0x2c4: {  	v21 =	vor.u32 $0x8, v9;
	v18 =	vadd.f32 v19, v18;
	v19 =	vmul.f32 v23, v23  }
0x2c5: {  	v3 =	vmul.f32 v3, v5;
	v0 =	vadd.f32 v12, v0;
	v12 =	vld.idx.msk [tilespmem:v15+s11+$0x0], $0xffff;
	v5 =	vmul.f32 v20, v7  }
0x2c6: {  	v15 =	vadd.f32 v19, v18;
	v18 =	vmul.f32 v8, v8;
	v19 =	vor.u32 $0x9, v9  }
0x2c7: {  	v17 =	vmul.f32 v17, v24;
	v11 =	vmul.f32 v29, v11;
	v13 =	vld.idx.msk [tilespmem:v13+s11+$0x0], $0xffff;
	v5 =	vsub.f32 $1.500000000e+00, v5  }
0x2c8: {  	v20 =	vor.u32 $0xA, v9;
	v15 =	vadd.f32 v18, v15;
	v18 =	vmul.f32 v6, v6  }
0x2c9: {  	v10 =	vmul.f32 v2, v10;
	v0 =	vadd.f32 v11, v0;
	v11 =	vld.idx.msk [tilespmem:v21+s11+$0x0], $0xffff;
	v5 =	vmul.f32 v5, v7  }
0x2ca: {  	v21 =	vor.u32 $0xB, v9;
	v15 =	vadd.f32 v18, v15;
	v18 =	vmul.f32 v12, v12  }
0x2cb: {  	v0 =	vadd.f32 v17, v0;
	v7 =	vmul.f32 v28, v25;
	v16 =	vmul.f32 v5, v16;
	v24 =	vld.idx.msk [tilespmem:v19+s11+$0x0], $0xffff  }
0x2cc: {  	v19 =	vor.u32 $0xC, v9;
	v15 =	vadd.f32 v18, v15;
	v18 =	vmul.f32 v13, v13  }
0x2cd: {  	v17 =	vmul.f32 v30, v26;
	v0 =	vadd.f32 v7, v0;
	v7 =	vmul.f32 v16, v5;
	v16 =	vld.idx.msk [tilespmem:v20+s11+$0x0], $0xffff  }
0x2ce: {  	v20 =	vor.u32 $0xD, v9;
	v15 =	vadd.f32 v18, v15;
	v18 =	vmul.f32 v11, v11  }
0x2cf: {  	v2 =	vor.u32 v47, v36;
	v25 =	vld.idx.msk [tilespmem:v21+s11+$0x0], $0xffff;
	v0 =	vadd.f32 v17, v0;
	v7 =	vsub.f32 $1.500000000e+00, v7  }
0x2d0: {  	v17 =	vor.u32 $0xE, v9;
	v15 =	vadd.f32 v18, v15;
	v18 =	vmul.f32 v24, v24  }
0x2d1: {  	v0 =	vadd.f32 v10, v0;
	v5 =	vmul.f32 v7, v5;
	v7 =	vor.u32 $0x1, v2;
	v26 =	vld.idx.msk [tilespmem:v19+s11+$0x0], $0xffff  }
0x2d2: {  	v21 =	vor.u32 $0xF, v9;
	v19 =	vmul.f32 v16, v16;
	v15 =	vadd.f32 v18, v15  }
0x2d3: {  	v1 =	vadd.f32 v3, v1;
	v3 =	vor.u32 $0x2, v2;
	v10 =	vld.idx.msk [tilespmem:v20+s11+$0x0], $0xffff;
	v0 =	vmul.f32 v5, v0  }
0x2d4: {  	v5 =	vld.idx.msk [tilespmem:v2+s16+$0x0], $0xffff;
	v18 =	vor.u32 $0x10, v9;
	v15 =	vadd.f32 v19, v15;
	v19 =	vmul.f32 v25, v25  }
0x2d5: {  	v46 =	vor.u32 $0x16, v9;
	v61 =	vor.u32 $0x1F, v9;
	v20 =	vor.u32 $0x3, v2;
	v28 =	vld.idx.msk [tilespmem:v17+s11+$0x0], $0xffff  }
0x2d6: {  	s31 =	simm.s32 $0x10;
	v17 =	vor.u32 $0x11, v9;
	v7 =	vld.idx.msk [tilespmem:v7+s16+$0x0], $0xffff;
	v29 =	vmul.f32 v26, v26;
	v19 =	vadd.f32 v19, v15  }
0x2d7: {  	v30 =	vor.u32 $0x4, v2;
	v1 =	vadd.f32 v0, v1;
	v0 =	vmov s31;
	v15 =	vld.idx.msk [tilespmem:v21+s11+$0x0], $0xffff  }
0x2d8: {  	v40 =	vld.idx.msk [tilespmem:v3+s16+$0x0], $0xffff;
	v21 =	vor.u32 $0x12, v9;
	v19 =	vadd.f32 v29, v19;
	v29 =	vmul.f32 v10, v10  }
0x2d9: {  	v41 =	vor.u32 $0x5, v2;
	v31 =	vshll.u32 v0, $0x7;
	v0 =	vld.idx.msk [tilespmem:v18+s11+$0x0], $0xffff;
	v5 =	vmul.f32 v5, v22  }
0x2da: {  	v42 =	vld.idx.msk [tilespmem:v20+s16+$0x0], $0xffff;
	v20 =	vmul.f32 v28, v28;
	v22 =	vor.u32 $0x13, v9;
	v19 =	vadd.f32 v29, v19  }
0x2db: {  	v43 =	vor.u32 $0x6, v2;
	v18 =	vld.idx.msk [tilespmem:v17+s11+$0x0], $0xffff;
	v5 =	vadd.f32 $0.0e+00, v5;
	v7 =	vmul.f32 v7, v27  }
0x2dc: {  	v17 =	vor.u32 $0x14, v9;
	v27 =	vld.idx.msk [tilespmem:v30+s16+$0x0], $0xffff;
	v30 =	vmul.f32 v15, v15;
	v20 =	vadd.f32 v20, v19  }
0x2dd: {  	v29 =	vor.u32 $0x7, v2;
	v19 =	vld.idx.msk [tilespmem:v21+s11+$0x0], $0xffff;
	v5 =	vadd.f32 v7, v5;
	v7 =	vmul.f32 v40, v14  }
0x2de: {  	v14 =	vor.u32 $0x15, v9;
	v21 =	vld.idx.msk [tilespmem:v41+s16+$0x0], $0xffff;
	v45 =	vmul.f32 v0, v0;
	v30 =	vadd.f32 v30, v20  }
0x2df: {  	v44 =	vor.u32 $0x8, v2;
	v20 =	vld.idx.msk [tilespmem:v22+s11+$0x0], $0xffff;
	v5 =	vadd.f32 v7, v5;
	v7 =	vmul.f32 v42, v23  }
0x2e0: {  	v48 =	vor.u32 $0x9, v2;
	v35 =	vld.idx.msk [tilespmem:v43+s16+$0x0], $0xffff;
	v22 =	vadd.f32 v45, v30;
	v30 =	vmul.f32 v18, v18  }
0x2e1: {  	v49 =	vor.u32 $0xB, v2;
	v23 =	vld.idx.msk [tilespmem:v17+s11+$0x0], $0xffff;
	v5 =	vadd.f32 v7, v5;
	v7 =	vmul.f32 v27, v8  }
0x2e2: {  	v8 =	vor.u32 $0x17, v9;
	v27 =	vld.idx.msk [tilespmem:v29+s16+$0x0], $0xffff;
	v17 =	vadd.f32 v30, v22;
	v30 =	vmul.f32 v19, v19  }
0x2e3: {  	v29 =	vor.u32 $0xA, v2;
	v6 =	vmul.f32 v21, v6;
	v22 =	vld.idx.msk [tilespmem:v14+s11+$0x0], $0xffff;
	v5 =	vadd.f32 v7, v5  }
0x2e4: {  	v7 =	vor.u32 $0x18, v9;
	v14 =	vld.idx.msk [tilespmem:v44+s16+$0x0], $0xffff;
	v17 =	vadd.f32 v30, v17;
	v30 =	vmul.f32 v20, v20  }
0x2e5: {  	v51 =	vor.u32 $0xC, v2;
	v21 =	vld.idx.msk [tilespmem:v46+s11+$0x0], $0xffff;
	v5 =	vadd.f32 v6, v5;
	v6 =	vmul.f32 v35, v12  }
0x2e6: {  	v50 =	vld.idx.msk [tilespmem:v48+s16+$0x0], $0xffff;
	v52 =	vmul.f32 v23, v23;
	v12 =	vor.u32 $0x19, v9;
	v30 =	vadd.f32 v30, v17  }
0x2e7: {  	v54 =	vor.u32 $0xE, v2;
	v17 =	vld.idx.msk [tilespmem:v8+s11+$0x0], $0xffff;
	v5 =	vadd.f32 v6, v5;
	v6 =	vmul.f32 v27, v13  }
0x2e8: {  	v8 =	vor.u32 $0x1A, v9;
	v27 =	vld.idx.msk [tilespmem:v29+s16+$0x0], $0xffff;
	v53 =	vmul.f32 v22, v22;
	v30 =	vadd.f32 v52, v30  }
0x2e9: {  	v29 =	vor.u32 $0xD, v2;
	v13 =	vld.idx.msk [tilespmem:v7+s11+$0x0], $0xffff;
	v5 =	vadd.f32 v6, v5;
	v6 =	vmul.f32 v14, v11  }
0x2ea: {  	v7 =	vor.u32 $0x1B, v9;
	v14 =	vld.idx.msk [tilespmem:v49+s16+$0x0], $0xffff;
	v11 =	vadd.f32 v53, v30;
	v30 =	vmul.f32 v21, v21  }
0x2eb: {  	v56 =	vor.u32 $0xF, v2;
	v12 =	vld.idx.msk [tilespmem:v12+s11+$0x0], $0xffff;
	v5 =	vadd.f32 v6, v5;
	v6 =	vmul.f32 v50, v24  }
0x2ec: {  	v55 =	vld.idx.msk [tilespmem:v51+s16+$0x0], $0xffff;
	v24 =	vor.u32 $0x1C, v9;
	v57 =	vmul.f32 v17, v17;
	v30 =	vadd.f32 v30, v11  }
0x2ed: {  	v62 =	vor.u32 $0x12, v2;
	v11 =	vld.idx.msk [tilespmem:v8+s11+$0x0], $0xffff;
	v5 =	vadd.f32 v6, v5;
	v6 =	vmul.f32 v27, v16  }
0x2ee: {  	v16 =	vor.u32 $0x1D, v9;
	v27 =	vld.idx.msk [tilespmem:v29+s16+$0x0], $0xffff;
	v58 =	vmul.f32 v13, v13;
	v30 =	vadd.f32 v57, v30  }
0x2ef: {  	v29 =	vor.u32 $0x10, v2;
	v8 =	vld.idx.msk [tilespmem:v7+s11+$0x0], $0xffff;
	v7 =	vmul.f32 v14, v25;
	v5 =	vadd.f32 v6, v5  }
0x2f0: {  	v14 =	vor.u32 $0x1E, v9;
	v25 =	vld.idx.msk [tilespmem:v54+s16+$0x0], $0xffff;
	v60 =	vmul.f32 v12, v12;
	v30 =	vadd.f32 v58, v30  }
0x2f1: {  	v59 =	vor.u32 $0x11, v2;
	v26 =	vmul.f32 v55, v26;
	v6 =	vld.idx.msk [tilespmem:v24+s11+$0x0], $0xffff;
	v24 =	vadd.f32 v7, v5  }
0x2f2: {  	v63 =	vor.u32 $0x13, v2;
	v34 =	vld.idx.msk [tilespmem:v56+s16+$0x0], $0xffff;
	v9 =	vadd.f32 v60, v30;
	v30 =	vmul.f32 v11, v11  }
0x2f3: {  	v3 =	vor.u32 v47, v31;
	v7 =	vld.idx.msk [tilespmem:v16+s11+$0x0], $0xffff;
	v10 =	vmul.f32 v27, v10;
	v16 =	vadd.f32 v26, v24  }
0x2f4: {  	v5 =	vor.u32 v4, v31;
	v31 =	vld.idx.msk [tilespmem:v29+s16+$0x0], $0xffff;
	v29 =	vmul.f32 v8, v8;
	v26 =	vadd.f32 v30, v9  }
0x2f5: {  	v27 =	vor.u32 $0x14, v2;
	v25 =	vmul.f32 v25, v28;
	v9 =	vld.idx.msk [tilespmem:v14+s11+$0x0], $0xffff;
	v16 =	vadd.f32 v10, v16  }
0x2f6: {  	v24 =	vld.idx.msk [tilespmem:v59+s16+$0x0], $0xffff;
	v14 =	vor.u32 $0x1F, v2;
	v28 =	vadd.f32 v29, v26;
	v29 =	vmul.f32 v6, v6  }
0x2f7: {  	v10 =	vld.idx.msk [tilespmem:v61+s11+$0x0], $0xffff;
	v30 =	vmul.f32 v34, v15;
	v15 =	vor.u32 $0x1E, v2;
	v16 =	vadd.f32 v25, v16  }
0x2f8: {  	v25 =	vld.idx.msk [tilespmem:v62+s16+$0x0], $0xffff;
	v26 =	vor.u32 $0x15, v2;
	v28 =	vadd.f32 v29, v28;
	v29 =	vmul.f32 v7, v7  }
0x2f9: {  	s20 =	simm.s32 $0x20;
	v31 =	vmul.f32 v31, v0;
	v0 =	vld.idx.msk [tilespmem:v63+s16+$0x0], $0xffff;
	v30 =	vadd.f32 v30, v16;
	v16 =	vor.u32 $0x1D, v2  }
.LBB2_8:
0x2fa: {  	p0 =	sne.s32 s20, $0x70;
	v27 =	vld.idx.msk [tilespmem:v27+s16+$0x0], $0xffff;
	v32 =	vor.u32 $0x16, v2;
	v28 =	vadd.f32 v29, v28;
	v29 =	vmul.f32 v9, v9  }
0x2fb: {  	v33 =	vor.u32 $0x1, v5;
	v18 =	vmul.f32 v24, v18;
	v30 =	vadd.f32 v31, v30  }
0x2fc: {  	v24 =	vor.u32 $0x17, v2;
	v28 =	vadd.f32 v29, v28;
	v29 =	vmul.f32 v10, v10  }
0x2fd: {  	v31 =	vor.u32 $0x2, v5;
	v19 =	vmul.f32 v25, v19;
	v30 =	vadd.f32 v18, v30;
	v25 =	vld.idx.msk [tilespmem:v26+s16+$0x0], $0xffff  }
0x2fe: {  	v34 =	vor.u32 $0x19, v2;
	v26 =	vor.u32 $0x18, v2;
	v18 =	vld.idx.msk [tilespmem:v5+s11+$0x0], $0xffff;
	v28 =	vadd.f32 v29, v28  }
0x2ff: {  	v29 =	vor.u32 $0x3, v5;
	v0 =	vmul.f32 v0, v20;
	v30 =	vadd.f32 v19, v30;
	v32 =	vld.idx.msk [tilespmem:v32+s16+$0x0], $0xffff  }
0x300: {  	v23 =	vmul.f32 v27, v23;
	v19 =	vld.idx.msk [tilespmem:v33+s11+$0x0], $0xffff;
	v33 =	vor.u32 $0x4, v5;
	v20 =	vmax.f32 v28, $1.000000020e-35  }
0x301: {  	v0 =	vadd.f32 v0, v30;
	v24 =	vld.idx.msk [tilespmem:v24+s16+$0x0], $0xffff;
	v27 =	vshra.s32 v20, $0x1;
	v28 =	vmul.f32 $5.000000000e-01, v20  }
0x302: {  	v30 =	vor.u32 $0x5, v5;
	v20 =	vld.idx.msk [tilespmem:v31+s11+$0x0], $0xffff;
	v31 =	vor.u32 $0x1A, v2;
	v27 =	vsub.s32 $0x5F3759DF, v27  }
0x303: {  	v0 =	vadd.f32 v23, v0;
	v23 =	vmul.f32 v25, v22;
	v25 =	vld.idx.msk [tilespmem:v26+s16+$0x0], $0xffff;
	v26 =	vmul.f32 v27, v28  }
0x304: {  	v35 =	vor.u32 $0x1B, v2;
	v36 =	vor.u32 $0x1C, v2;
	v2 =	vmovc v3;
	v22 =	vld.idx.msk [tilespmem:v29+s11+$0x0], $0xffff;
	v29 =	vor.u32 $0x6, v5  }
0x305: {  	v3 =	vmul.f32 v32, v21;
	v0 =	vadd.f32 v23, v0;
	v23 =	vld.idx.msk [tilespmem:v34+s16+$0x0], $0xffff;
	v26 =	vmul.f32 v27, v26  }
0x306: {  	v32 =	vmul.f32 v18, v18;
	v34 =	vmul.f32 v19, v19;
	v21 =	vld.idx.msk [tilespmem:v33+s11+$0x0], $0xffff;
	v33 =	vor.u32 $0x7, v5  }
0x307: {  	v0 =	vadd.f32 v3, v0;
	v3 =	vmul.f32 v24, v17;
	v24 =	vld.idx.msk [tilespmem:v31+s16+$0x0], $0xffff;
	v26 =	vsub.f32 $1.500000000e+00, v26  }
0x308: {  	v31 =	vadd.f32 v34, v32;
	v32 =	vmul.f32 v20, v20;
	v17 =	vld.idx.msk [tilespmem:v30+s11+$0x0], $0xffff;
	v30 =	vor.u32 $0x8, v5  }
0x309: {  	v0 =	vadd.f32 v3, v0;
	v3 =	vmul.f32 v25, v13;
	v25 =	vld.idx.msk [tilespmem:v35+s16+$0x0], $0xffff;
	v26 =	vmul.f32 v27, v26  }
0x30a: {  	v27 =	vadd.f32 v32, v31;
	v31 =	vmul.f32 v22, v22;
	v13 =	vld.idx.msk [tilespmem:v29+s11+$0x0], $0xffff;
	v29 =	vor.u32 $0xA, v5  }
0x30b: {  	v0 =	vadd.f32 v3, v0;
	v3 =	vmul.f32 v23, v12;
	v23 =	vld.idx.msk [tilespmem:v36+s16+$0x0], $0xffff;
	v32 =	vmul.f32 v26, v28  }
0x30c: {  	v27 =	vadd.f32 v31, v27;
	v31 =	vmul.f32 v21, v21;
	v12 =	vld.idx.msk [tilespmem:v33+s11+$0x0], $0xffff;
	v33 =	vor.u32 $0x9, v5  }
0x30d: {  	v0 =	vadd.f32 v3, v0;
	v3 =	vmul.f32 v24, v11;
	v16 =	vld.idx.msk [tilespmem:v16+s16+$0x0], $0xffff;
	v24 =	vmul.f32 v32, v26  }
0x30e: {  	v32 =	vor.u32 $0x1, v2;
	v27 =	vadd.f32 v31, v27;
	v31 =	vmul.f32 v17, v17;
	v11 =	vld.idx.msk [tilespmem:v30+s11+$0x0], $0xffff  }
0x30f: {  	v0 =	vadd.f32 v3, v0;
	v3 =	vmul.f32 v25, v8;
	v15 =	vld.idx.msk [tilespmem:v15+s16+$0x0], $0xffff;
	v24 =	vsub.f32 $1.500000000e+00, v24  }
0x310: {  	v30 =	vor.u32 $0xB, v5;
	v25 =	vadd.f32 v31, v27;
	v27 =	vmul.f32 v13, v13;
	v14 =	vld.idx.msk [tilespmem:v14+s16+$0x0], $0xffff  }
0x311: {  	v8 =	vld.idx.msk [tilespmem:v33+s11+$0x0], $0xffff;
	v0 =	vadd.f32 v3, v0;
	v3 =	vmul.f32 v23, v6;
	v23 =	vmul.f32 v24, v26  }
0x312: {  	v24 =	vadd.f32 v27, v25;
	v25 =	vmul.f32 v12, v12;
	v26 =	vor.u32 $0xC, v5;
	v6 =	vld.idx.msk [tilespmem:v29+s11+$0x0], $0xffff  }
0x313: {  	v0 =	vadd.f32 v3, v0;
	v3 =	vmul.f32 v16, v7;
	v16 =	vmul.f32 v23, v28  }
0x314: {  	v27 =	vor.u32 $0xD, v5;
	v24 =	vadd.f32 v25, v24;
	v25 =	vmul.f32 v11, v11  }
0x315: {  	v7 =	vld.idx.msk [tilespmem:v30+s11+$0x0], $0xffff;
	v0 =	vadd.f32 v3, v0;
	v3 =	vmul.f32 v15, v9;
	v9 =	vmul.f32 v16, v23  }
0x316: {  	v15 =	vadd.f32 v25, v24;
	v16 =	vor.u32 $0xE, v5;
	v10 =	vmul.f32 v14, v10  }
0x317: {  	v24 =	vmul.f32 v8, v8;
	v14 =	vld.idx.msk [tilespmem:v26+s11+$0x0], $0xffff;
	v0 =	vadd.f32 v3, v0;
	v3 =	vsub.f32 $1.500000000e+00, v9  }
0x318: {  	v28 =	vor.u32 $0xF, v5;
	v25 =	vor.u32 $0x2, v2;
	v26 =	vmul.f32 v6, v6  }
0x319: {  	v15 =	vadd.f32 v24, v15;
	v9 =	vld.idx.msk [tilespmem:v27+s11+$0x0], $0xffff;
	v0 =	vadd.f32 v10, v0;
	v3 =	vmul.f32 v3, v23  }
0x31a: {  	v24 =	vor.u32 $0x3, v2;
	v27 =	vor.u32 $0x10, v5;
	v23 =	vld.idx.msk [tilespmem:v2+s16+$0x0], $0xffff  }
0x31b: {  	v15 =	vadd.f32 v26, v15;
	v26 =	vmul.f32 v7, v7;
	v10 =	vld.idx.msk [tilespmem:v16+s11+$0x0], $0xffff;
	v0 =	vmul.f32 v3, v0  }
0x31c: {  	v31 =	vor.u32 $0x11, v5;
	v30 =	vor.u32 $0x4, v2;
	v3 =	vmov s20;
	v29 =	vld.idx.msk [tilespmem:v32+s16+$0x0], $0xffff  }
0x31d: {  	v16 =	vadd.f32 v26, v15;
	v26 =	vmul.f32 v14, v14;
	v15 =	vld.idx.msk [tilespmem:v28+s11+$0x0], $0xffff;
	v1 =	vadd.f32 v0, v1  }
0x31e: {  	v0 =	vshll.u32 v3, $0x7;
	v28 =	vor.u32 $0x12, v5;
	v25 =	vld.idx.msk [tilespmem:v25+s16+$0x0], $0xffff  }
0x31f: {  	v32 =	vor.u32 $0x5, v2;
	v26 =	vadd.f32 v26, v16;
	v33 =	vmul.f32 v9, v9;
	v16 =	vld.idx.msk [tilespmem:v27+s11+$0x0], $0xffff  }
0x320: {  	v3 =	vor.u32 v47, v0;
	v23 =	vmul.f32 v23, v18;
	v27 =	vor.u32 $0x13, v5;
	v24 =	vld.idx.msk [tilespmem:v24+s16+$0x0], $0xffff  }
0x321: {  	v34 =	vor.u32 $0x6, v2;
	v26 =	vadd.f32 v33, v26;
	v33 =	vmul.f32 v10, v10;
	v18 =	vld.idx.msk [tilespmem:v31+s11+$0x0], $0xffff  }
0x322: {  	v23 =	vadd.f32 $0.0e+00, v23;
	v29 =	vmul.f32 v29, v19;
	v31 =	vor.u32 $0x14, v5;
	v30 =	vld.idx.msk [tilespmem:v30+s16+$0x0], $0xffff  }
0x323: {  	v35 =	vor.u32 $0x7, v2;
	v26 =	vadd.f32 v33, v26;
	v33 =	vmul.f32 v15, v15;
	v19 =	vld.idx.msk [tilespmem:v28+s11+$0x0], $0xffff  }
0x324: {  	v23 =	vadd.f32 v29, v23;
	v25 =	vmul.f32 v25, v20;
	v29 =	vor.u32 $0x15, v5;
	v28 =	vld.idx.msk [tilespmem:v32+s16+$0x0], $0xffff  }
0x325: {  	v32 =	vor.u32 $0x8, v2;
	v26 =	vadd.f32 v33, v26;
	v33 =	vmul.f32 v16, v16;
	v20 =	vld.idx.msk [tilespmem:v27+s11+$0x0], $0xffff  }
0x326: {  	v25 =	vadd.f32 v25, v23;
	v22 =	vmul.f32 v24, v22;
	v27 =	vor.u32 $0x16, v5;
	v24 =	vld.idx.msk [tilespmem:v34+s16+$0x0], $0xffff  }
0x327: {  	v34 =	vor.u32 $0x9, v2;
	v26 =	vadd.f32 v33, v26;
	v33 =	vmul.f32 v18, v18;
	v23 =	vld.idx.msk [tilespmem:v31+s11+$0x0], $0xffff  }
0x328: {  	v25 =	vadd.f32 v22, v25;
	v21 =	vmul.f32 v30, v21;
	v31 =	vor.u32 $0x17, v5;
	v30 =	vld.idx.msk [tilespmem:v35+s16+$0x0], $0xffff  }
0x329: {  	v35 =	vor.u32 $0xA, v2;
	v26 =	vadd.f32 v33, v26;
	v33 =	vmul.f32 v19, v19;
	v22 =	vld.idx.msk [tilespmem:v29+s11+$0x0], $0xffff  }
0x32a: {  	v25 =	vadd.f32 v21, v25;
	v17 =	vmul.f32 v28, v17;
	v29 =	vor.u32 $0x18, v5;
	v28 =	vld.idx.msk [tilespmem:v32+s16+$0x0], $0xffff  }
0x32b: {  	v32 =	vor.u32 $0xB, v2;
	v26 =	vadd.f32 v33, v26;
	v33 =	vmul.f32 v20, v20;
	v21 =	vld.idx.msk [tilespmem:v27+s11+$0x0], $0xffff  }
0x32c: {  	v25 =	vadd.f32 v17, v25;
	v13 =	vmul.f32 v24, v13;
	v27 =	vor.u32 $0x19, v5;
	v24 =	vld.idx.msk [tilespmem:v34+s16+$0x0], $0xffff  }
0x32d: {  	v34 =	vor.u32 $0xC, v2;
	v26 =	vadd.f32 v33, v26;
	v33 =	vmul.f32 v23, v23;
	v17 =	vld.idx.msk [tilespmem:v31+s11+$0x0], $0xffff  }
0x32e: {  	v25 =	vadd.f32 v13, v25;
	v12 =	vmul.f32 v30, v12;
	v31 =	vor.u32 $0x1A, v5;
	v30 =	vld.idx.msk [tilespmem:v35+s16+$0x0], $0xffff  }
0x32f: {  	v35 =	vor.u32 $0xD, v2;
	v26 =	vadd.f32 v33, v26;
	v33 =	vmul.f32 v22, v22;
	v13 =	vld.idx.msk [tilespmem:v29+s11+$0x0], $0xffff  }
0x330: {  	v25 =	vadd.f32 v12, v25;
	v11 =	vmul.f32 v28, v11;
	v29 =	vor.u32 $0x1B, v5;
	v28 =	vld.idx.msk [tilespmem:v32+s16+$0x0], $0xffff  }
0x331: {  	v32 =	vor.u32 $0xE, v2;
	v26 =	vadd.f32 v33, v26;
	v33 =	vmul.f32 v21, v21;
	v12 =	vld.idx.msk [tilespmem:v27+s11+$0x0], $0xffff  }
0x332: {  	v25 =	vadd.f32 v11, v25;
	v8 =	vmul.f32 v24, v8;
	v27 =	vor.u32 $0x1C, v5;
	v24 =	vld.idx.msk [tilespmem:v34+s16+$0x0], $0xffff  }
0x333: {  	v34 =	vor.u32 $0xF, v2;
	v26 =	vadd.f32 v33, v26;
	v33 =	vmul.f32 v17, v17;
	v11 =	vld.idx.msk [tilespmem:v31+s11+$0x0], $0xffff  }
0x334: {  	v25 =	vadd.f32 v8, v25;
	v6 =	vmul.f32 v30, v6;
	v31 =	vor.u32 $0x1D, v5;
	v30 =	vld.idx.msk [tilespmem:v35+s16+$0x0], $0xffff  }
0x335: {  	v35 =	vor.u32 $0x10, v2;
	v26 =	vadd.f32 v33, v26;
	v33 =	vmul.f32 v13, v13;
	v8 =	vld.idx.msk [tilespmem:v29+s11+$0x0], $0xffff  }
0x336: {  	v25 =	vadd.f32 v6, v25;
	v7 =	vmul.f32 v28, v7;
	v29 =	vor.u32 $0x1E, v5;
	v28 =	vld.idx.msk [tilespmem:v32+s16+$0x0], $0xffff  }
0x337: {  	v32 =	vor.u32 $0x11, v2;
	v26 =	vadd.f32 v33, v26;
	v33 =	vmul.f32 v12, v12;
	v6 =	vld.idx.msk [tilespmem:v27+s11+$0x0], $0xffff  }
0x338: {  	v36 =	vor.u32 $0x1F, v5;
	v25 =	vadd.f32 v7, v25;
	v14 =	vmul.f32 v24, v14;
	v34 =	vld.idx.msk [tilespmem:v34+s16+$0x0], $0xffff  }
0x339: {  	v37 =	vor.u32 $0x12, v2;
	v24 =	vadd.f32 v33, v26;
	v26 =	vmul.f32 v11, v11;
	v7 =	vld.idx.msk [tilespmem:v31+s11+$0x0], $0xffff  }
0x33a: {  	v5 =	vor.u32 v4, v0;
	v0 =	vadd.f32 v14, v25;
	v14 =	vmul.f32 v30, v9;
	v31 =	vld.idx.msk [tilespmem:v35+s16+$0x0], $0xffff  }
0x33b: {  	v33 =	vor.u32 $0x13, v2;
	v25 =	vadd.f32 v26, v24;
	v26 =	vmul.f32 v8, v8;
	v9 =	vld.idx.msk [tilespmem:v29+s11+$0x0], $0xffff  }
.Ltmp3:
0x33c: {  	v27 =	vor.u32 $0x14, v2;
	v0 =	vadd.f32 v14, v0;
	v28 =	vmul.f32 v28, v10;
	v24 =	vld.idx.msk [tilespmem:v32+s16+$0x0], $0xffff;
	(pc) =	sbr.rel @p0 .LBB2_8-.Ltmp3, $4  }
0x33d: {  	v14 =	vor.u32 $0x1F, v2;
	v29 =	vadd.f32 v26, v25;
	v30 =	vmul.f32 v6, v6;
	v10 =	vld.idx.msk [tilespmem:v36+s11+$0x0], $0xffff  }
0x33e: {  	v0 =	vadd.f32 v28, v0;
	v32 =	vmul.f32 v34, v15;
	v15 =	vor.u32 $0x1E, v2;
	v25 =	vld.idx.msk [tilespmem:v37+s16+$0x0], $0xffff  }
0x33f: {  	v26 =	vor.u32 $0x15, v2;
	v28 =	vadd.f32 v30, v29;
	v29 =	vmul.f32 v7, v7  }
0x340: {  	s20 =	sadd.s32 $0x10, s20;
	v30 =	vadd.f32 v32, v0;
	v31 =	vmul.f32 v31, v16;
	v16 =	vor.u32 $0x1D, v2;
	v0 =	vld.idx.msk [tilespmem:v33+s16+$0x0], $0xffff  }
0x341: {  	v4 =	vor.u32 $0x1, v5;
	_ =	sdelay $0x1  }
0x342: {  	v32 =	vor.u32 $0x2, v5;
	_ =	sdelay $0x1  }
0x343: {  	v33 =	vld.idx.msk [tilespmem:v5+s11+$0x0], $0xffff;
	v34 =	vor.u32 $0x3, v5  }
0x344: {  	v35 =	vld.idx.msk [tilespmem:v4+s11+$0x0], $0xffff  }
0x345: {  	v54 =	vor.u32 $0x4, v5  }
0x346: {  	v32 =	vld.idx.msk [tilespmem:v32+s11+$0x0], $0xffff  }
0x347: {  	v36 =	vor.u32 $0x5, v5  }
0x348: {  	v34 =	vld.idx.msk [tilespmem:v34+s11+$0x0], $0xffff  }
0x349: {  	v37 =	vor.u32 $0x6, v5;
	v38 =	vmul.f32 v33, v33;
	v39 =	vmul.f32 v35, v35  }
0x34a: {  	v40 =	vld.idx.msk [tilespmem:v54+s11+$0x0], $0xffff  }
0x34b: {  	v55 =	vor.u32 $0x7, v5;
	v56 =	vmul.f32 v32, v32;
	v38 =	vadd.f32 v39, v38  }
0x34c: {  	v41 =	vor.u32 $0x8, v5;
	v42 =	vor.u32 $0x9, v5;
	v36 =	vld.idx.msk [tilespmem:v36+s11+$0x0], $0xffff  }
0x34d: {  	v43 =	vor.u32 $0x16, v2;
	v27 =	vld.idx.msk [tilespmem:v27+s16+$0x0], $0xffff;
	v57 =	vmul.f32 v34, v34;
	v38 =	vadd.f32 v56, v38  }
0x34e: {  	v18 =	vmul.f32 v24, v18;
	v45 =	vor.u32 $0xB, v5;
	v61 =	vadd.f32 v31, v30;
	v37 =	vld.idx.msk [tilespmem:v37+s11+$0x0], $0xffff  }
0x34f: {  	v59 =	vor.u32 $0xA, v5;
	v26 =	vld.idx.msk [tilespmem:v26+s16+$0x0], $0xffff;
	v58 =	vmul.f32 v40, v40;
	v38 =	vadd.f32 v57, v38  }
0x350: {  	v50 =	vor.u32 $0xC, v5;
	v19 =	vmul.f32 v25, v19;
	v18 =	vadd.f32 v18, v61;
	v44 =	vld.idx.msk [tilespmem:v55+s11+$0x0], $0xffff  }
0x351: {  	v0 =	vmul.f32 v0, v20;
	v24 =	vld.idx.msk [tilespmem:v41+s11+$0x0], $0xffff;
	v60 =	vmul.f32 v36, v36;
	v38 =	vadd.f32 v58, v38  }
0x352: {  	v25 =	vld.idx.msk [tilespmem:v42+s11+$0x0], $0xffff;
	v18 =	vadd.f32 v19, v18;
	v55 =	vor.u32 $0xD, v5;
	v23 =	vmul.f32 v27, v23  }
0x353: {  	v27 =	vld.idx.msk [tilespmem:v45+s11+$0x0], $0xffff;
	v45 =	vor.u32 $0x3, v3;
	v63 =	vmul.f32 v37, v37;
	v62 =	vadd.f32 v60, v38  }
0x354: {  	v46 =	vor.u32 $0x17, v2;
	v42 =	vld.idx.msk [tilespmem:v59+s11+$0x0], $0xffff;
	v22 =	vmul.f32 v26, v22;
	v0 =	vadd.f32 v0, v18  }
0x355: {  	v26 =	vld.idx.msk [tilespmem:v50+s11+$0x0], $0xffff;
	v50 =	vor.u32 $0x11, v5;
	v49 =	vmul.f32 v44, v44;
	v48 =	vadd.f32 v63, v62  }
0x356: {  	v28 =	vadd.f32 v29, v28;
	v52 =	vld.idx.msk [tilespmem:v43+s16+$0x0], $0xffff;
	v0 =	vadd.f32 v23, v0  }
0x357: {  	v54 =	vmul.f32 v24, v24;
	v29 =	vld.idx.msk [tilespmem:v55+s11+$0x0], $0xffff;
	v56 =	vor.u32 $0x1, v3;
	v53 =	vadd.f32 v49, v48  }
0x358: {  	v51 =	vmul.f32 v9, v9;
	v0 =	vadd.f32 v22, v0;
	v22 =	vld.idx.msk [tilespmem:v45+s16+$0x0], $0xffff;
	v58 =	vor.u32 $0xE, v5  }
0x359: {  	v59 =	vmul.f32 v25, v25;
	v57 =	vld.idx.msk [tilespmem:v46+s16+$0x0], $0xffff;
	v46 =	vor.u32 $0x10, v5;
	v19 =	vadd.f32 v54, v53  }
0x35a: {  	v4 =	vadd.f32 v51, v28;
	v45 =	vld.idx.msk [tilespmem:v50+s11+$0x0], $0xffff;
	v60 =	vor.u32 $0x2, v3  }
0x35b: {  	v61 =	vmul.f32 v42, v42;
	v62 =	vor.u32 $0xF, v5;
	v63 =	vld.idx.msk [tilespmem:v3+s16+$0x0], $0xffff;
	v19 =	vadd.f32 v59, v19  }
0x35c: {  	v21 =	vmul.f32 v52, v21;
	v51 =	vmul.f32 v26, v26;
	v18 =	vld.idx.msk [tilespmem:v56+s16+$0x0], $0xffff;
	v56 =	vor.u32 $0x13, v5  }
0x35d: {  	v28 =	vld.idx.msk [tilespmem:v58+s11+$0x0], $0xffff;
	v58 =	vor.u32 $0x7, v3;
	v48 =	vmul.f32 v27, v27;
	v19 =	vadd.f32 v61, v19  }
0x35e: {  	v52 =	vor.u32 $0x5, v3;
	v55 =	vor.u32 $0x6, v3;
	v41 =	vld.idx.msk [tilespmem:v46+s11+$0x0], $0xffff;
	v49 =	vor.u32 $0x4, v3  }
0x35f: {  	v50 =	vor.u32 $0x16, v5;
	v0 =	vadd.f32 v21, v0;
	v23 =	vld.idx.msk [tilespmem:v60+s16+$0x0], $0xffff;
	v19 =	vadd.f32 v48, v19  }
0x360: {  	v17 =	vmul.f32 v57, v17;
	v53 =	vor.u32 $0x12, v5;
	v30 =	vld.idx.msk [tilespmem:v62+s11+$0x0], $0xffff;
	v33 =	vmul.f32 v63, v33  }
0x361: {  	v18 =	vmul.f32 v18, v35;
	v35 =	vld.idx.msk [tilespmem:v56+s11+$0x0], $0xffff;
	v54 =	vmul.f32 v29, v29;
	v19 =	vadd.f32 v51, v19  }
0x362: {  	v22 =	vmul.f32 v22, v34;
	v59 =	vor.u32 $0x14, v5;
	v21 =	vld.idx.msk [tilespmem:v58+s16+$0x0], $0xffff;
	v33 =	vadd.f32 $0.0e+00, v33  }
0x363: {  	v0 =	vadd.f32 v17, v0;
	v57 =	vmul.f32 v28, v28;
	v20 =	vld.idx.msk [tilespmem:v49+s16+$0x0], $0xffff;
	v19 =	vadd.f32 v54, v19  }
0x364: {  	v62 =	vor.u32 $0x8, v3;
	v23 =	vmul.f32 v23, v32;
	v61 =	vld.idx.msk [tilespmem:v52+s16+$0x0], $0xffff;
	v18 =	vadd.f32 v18, v33  }
0x365: {  	v63 =	vor.u32 $0x15, v5;
	v38 =	vld.idx.msk [tilespmem:v53+s11+$0x0], $0xffff;
	v60 =	vmul.f32 v30, v30;
	v19 =	vadd.f32 v57, v19  }
0x366: {  	v56 =	vor.u32 $0xB, v3;
	v49 =	vor.u32 $0x9, v3;
	v48 =	vld.idx.msk [tilespmem:v55+s16+$0x0], $0xffff;
	v18 =	vadd.f32 v23, v18  }
0x367: {  	v46 =	vmul.f32 v41, v41;
	v32 =	vld.idx.msk [tilespmem:v59+s11+$0x0], $0xffff;
	v59 =	vor.u32 $0xC, v3;
	v19 =	vadd.f32 v60, v19  }
0x368: {  	v23 =	vld.idx.msk [tilespmem:v50+s11+$0x0], $0xffff;
	v50 =	vor.u32 $0xE, v3;
	v20 =	vmul.f32 v20, v40;
	v18 =	vadd.f32 v22, v18  }
0x369: {  	v58 =	vmul.f32 v35, v35;
	v55 =	vld.idx.msk [tilespmem:v62+s16+$0x0], $0xffff;
	v51 =	vmul.f32 v45, v45;
	v19 =	vadd.f32 v46, v19  }
0x36a: {  	v52 =	vor.u32 $0xA, v3;
	v34 =	vld.idx.msk [tilespmem:v63+s11+$0x0], $0xffff;
	v33 =	vmul.f32 v61, v36;
	v18 =	vadd.f32 v20, v18  }
0x36b: {  	v53 =	vor.u32 $0x17, v5;
	v22 =	vld.idx.msk [tilespmem:v49+s16+$0x0], $0xffff;
	v54 =	vmul.f32 v38, v38;
	v19 =	vadd.f32 v51, v19  }
0x36c: {  	v63 =	vor.u32 $0xD, v3;
	v37 =	vmul.f32 v48, v37;
	v40 =	vld.idx.msk [tilespmem:v59+s16+$0x0], $0xffff;
	v18 =	vadd.f32 v33, v18  }
0x36d: {  	v21 =	vmul.f32 v21, v44;
	v57 =	vor.u32 $0x18, v5;
	v39 =	vld.idx.msk [tilespmem:v50+s16+$0x0], $0xffff;
	v19 =	vadd.f32 v54, v19  }
0x36e: {  	v24 =	vmul.f32 v55, v24;
	v48 =	vor.u32 $0x1A, v5;
	v33 =	vld.idx.msk [tilespmem:v56+s16+$0x0], $0xffff;
	v37 =	vadd.f32 v37, v18  }
0x36f: {  	v61 =	vmul.f32 v32, v32;
	v60 =	vor.u32 $0x19, v5;
	v46 =	vld.idx.msk [tilespmem:v52+s16+$0x0], $0xffff;
	v19 =	vadd.f32 v58, v19  }
0x370: {  	v49 =	vmul.f32 v34, v34;
	v18 =	vld.idx.msk [tilespmem:v53+s11+$0x0], $0xffff;
	v53 =	vor.u32 $0xF, v3;
	v62 =	vadd.f32 v21, v37  }
0x371: {  	v59 =	vor.u32 $0x1D, v5;
	v50 =	vor.u32 $0x18, v2;
	v56 =	vld.idx.msk [tilespmem:v63+s16+$0x0], $0xffff;
	v31 =	vadd.f32 v61, v19  }
0x372: {  	v63 =	vor.u32 $0x1E, v5;
	v22 =	vmul.f32 v22, v25;
	v24 =	vadd.f32 v24, v62;
	v19 =	vld.idx.msk [tilespmem:v57+s11+$0x0], $0xffff  }
0x373: {  	v52 =	vmul.f32 v23, v23;
	v21 =	vld.idx.msk [tilespmem:v48+s11+$0x0], $0xffff;
	v51 =	vor.u32 $0x1B, v5;
	v31 =	vadd.f32 v49, v31  }
0x374: {  	v20 =	vld.idx.msk [tilespmem:v60+s11+$0x0], $0xffff;
	v54 =	vor.u32 $0x1C, v5;
	v22 =	vadd.f32 v22, v24;
	v42 =	vmul.f32 v46, v42  }
0x375: {  	v55 =	vmul.f32 v18, v18;
	v48 =	vld.idx.msk [tilespmem:v53+s16+$0x0], $0xffff;
	v53 =	vor.u32 $0x13, v3;
	v31 =	vadd.f32 v52, v31  }
0x376: {  	v27 =	vmul.f32 v33, v27;
	v62 =	vor.u32 $0x11, v3;
	v57 =	vadd.f32 v42, v22  }
0x377: {  	v26 =	vmul.f32 v40, v26;
	v36 =	vld.idx.msk [tilespmem:v63+s11+$0x0], $0xffff;
	v60 =	vmul.f32 v19, v19;
	v31 =	vadd.f32 v55, v31  }
0x378: {  	v28 =	vmul.f32 v39, v28;
	v58 =	vor.u32 $0x10, v3;
	v22 =	vld.idx.msk [tilespmem:v51+s11+$0x0], $0xffff;
	v61 =	vadd.f32 v27, v57  }
0x379: {  	v29 =	vmul.f32 v56, v29;
	v46 =	vmul.f32 v20, v20;
	v24 =	vld.idx.msk [tilespmem:v54+s11+$0x0], $0xffff;
	v31 =	vadd.f32 v60, v31  }
0x37a: {  	v56 =	vor.u32 $0x14, v3;
	v63 =	vor.u32 $0x19, v2;
	v33 =	vld.idx.msk [tilespmem:v53+s16+$0x0], $0xffff;
	v25 =	vadd.f32 v26, v61  }
0x37b: {  	v51 =	vmul.f32 v21, v21;
	v27 =	vld.idx.msk [tilespmem:v62+s16+$0x0], $0xffff;
	v52 =	vor.u32 $0x1F, v5;
	v31 =	vadd.f32 v46, v31  }
0x37c: {  	v40 =	vmul.f32 v36, v36;
	v49 =	vor.u32 $0x12, v3;
	v25 =	vadd.f32 v29, v25;
	v29 =	vld.idx.msk [tilespmem:v59+s11+$0x0], $0xffff  }
0x37d: {  	v30 =	vmul.f32 v48, v30;
	v42 =	vld.idx.msk [tilespmem:v58+s16+$0x0], $0xffff;
	v54 =	vmul.f32 v22, v22;
	v31 =	vadd.f32 v51, v31  }
0x37e: {  	v53 =	vor.u32 $0x1A, v3;
	v62 =	vor.u32 $0x15, v3;
	v55 =	vmul.f32 v10, v10  }
0x37f: {  	v57 =	vmul.f32 v24, v24;
	v59 =	vld.idx.msk [tilespmem:v50+s16+$0x0], $0xffff;
	v33 =	vmul.f32 v33, v35;
	v31 =	vadd.f32 v54, v31  }
0x380: {  	v50 =	vor.u32 $0x18, v3;
	v27 =	vmul.f32 v27, v45;
	v25 =	vadd.f32 v28, v25;
	v5 =	vld.idx.msk [tilespmem:v52+s11+$0x0], $0xffff  }
0x381: {  	v26 =	vld.idx.msk [tilespmem:v49+s16+$0x0], $0xffff;
	v45 =	vor.u32 $0x1A, v2;
	v61 =	vmul.f32 v29, v29;
	v60 =	vadd.f32 v57, v31  }
0x382: {  	v4 =	vadd.f32 v55, v4;
	v58 =	vmul.f32 v42, v41;
	v25 =	vadd.f32 v30, v25  }
0x383: {  	v49 =	vor.u32 $0x1B, v2;
	v42 =	vor.u32 $0x16, v3;
	v17 =	vadd.f32 v61, v60  }
0x384: {  	v41 =	vld.idx.msk [tilespmem:v56+s16+$0x0], $0xffff;
	v55 =	vor.u32 $0x1C, v2;
	v4 =	vmax.f32 v4, $1.000000020e-35;
	v25 =	vadd.f32 v58, v25  }
0x385: {  	v46 =	vor.u32 $0x17, v3;
	v44 =	vmul.f32 v5, v5;
	v17 =	vadd.f32 v40, v17  }
0x386: {  	v28 =	vld.idx.msk [tilespmem:v62+s16+$0x0], $0xffff;
	v13 =	vmul.f32 v59, v13;
	v26 =	vmul.f32 v26, v38;
	v25 =	vadd.f32 v27, v25  }
0x387: {  	v37 =	vld.idx.msk [tilespmem:v63+s16+$0x0], $0xffff;
	v43 =	vshra.s32 v4, $0x1;
	v4 =	vmul.f32 $5.000000000e-01, v4;
	v17 =	vadd.f32 v44, v17  }
0x388: {  	v51 =	vor.u32 $0x19, v3;
	v30 =	vld.idx.msk [tilespmem:v42+s16+$0x0], $0xffff;
	v25 =	vadd.f32 v26, v25;
	v31 =	vsub.s32 $0x5F3759DF, v43  }
0x389: {  	v27 =	vmul.f32 v41, v32;
	v48 =	vmul.f32 v31, v4;
	v17 =	vmax.f32 v17, $1.000000020e-35  }
0x38a: {  	v26 =	vld.idx.msk [tilespmem:v46+s16+$0x0], $0xffff;
	v25 =	vadd.f32 v33, v25;
	v52 =	vshra.s32 v17, $0x1;
	v17 =	vmul.f32 $5.000000000e-01, v17  }
0x38b: {  	v0 =	vadd.f32 v13, v0;
	v28 =	vmul.f32 v28, v34;
	v34 =	vsub.s32 $0x5F3759DF, v52  }
0x38c: {  	v13 =	vld.idx.msk [tilespmem:v50+s16+$0x0], $0xffff;
	v32 =	vmul.f32 v31, v48;
	v25 =	vadd.f32 v27, v25;
	v54 =	vmul.f32 v34, v17  }
0x38d: {  	v12 =	vmul.f32 v37, v12;
	v56 =	vor.u32 $0x1B, v3;
	v35 =	vld.idx.msk [tilespmem:v45+s16+$0x0], $0xffff;
	v23 =	vmul.f32 v30, v23  }
0x38e: {  	v57 =	vld.idx.msk [tilespmem:v51+s16+$0x0], $0xffff;
	v32 =	vsub.f32 $1.500000000e+00, v32;
	v25 =	vadd.f32 v28, v25;
	v28 =	vmul.f32 v34, v54  }
0x38f: {  	v37 =	vor.u32 $0x1E, v3;
	v63 =	vld.idx.msk [tilespmem:v53+s16+$0x0], $0xffff;
	v59 =	vor.u32 $0x1C, v3;
	v18 =	vmul.f32 v26, v18  }
0x390: {  	v58 =	vld.idx.msk [tilespmem:v49+s16+$0x0], $0xffff;
	v31 =	vmul.f32 v31, v32;
	v23 =	vadd.f32 v23, v25;
	v60 =	vsub.f32 $1.500000000e+00, v28  }
0x391: {  	v62 =	vor.u32 $0x1D, v3;
	v2 =	vld.idx.msk [tilespmem:v55+s16+$0x0], $0xffff;
	v41 =	vor.u32 $0x1F, v3;
	v13 =	vmul.f32 v13, v19  }
0x392: {  	v38 =	vld.idx.msk [tilespmem:v56+s16+$0x0], $0xffff;
	v61 =	vmul.f32 v31, v4;
	v18 =	vadd.f32 v18, v23;
	v34 =	vmul.f32 v34, v60  }
0x393: {  	v16 =	vld.idx.msk [tilespmem:v16+s16+$0x0], $0xffff;
	v0 =	vadd.f32 v12, v0;
	v11 =	vmul.f32 v35, v11;
	v12 =	vmul.f32 v57, v20  }
0x394: {  	v42 =	vld.idx.msk [tilespmem:v59+s16+$0x0], $0xffff;
	v35 =	vmul.f32 v61, v31;
	v13 =	vadd.f32 v13, v18;
	v39 =	vmul.f32 v34, v17  }
0x395: {  	v15 =	vld.idx.msk [tilespmem:v15+s16+$0x0], $0xffff;
	v43 =	vmul.f32 v63, v21;
	v8 =	vmul.f32 v58, v8;
	v0 =	vadd.f32 v11, v0  }
0x396: {  	v45 =	vld.idx.msk [tilespmem:v62+s16+$0x0], $0xffff;
	v40 =	vsub.f32 $1.500000000e+00, v35;
	v12 =	vadd.f32 v12, v13;
	v18 =	vmul.f32 v39, v34  }
0x397: {  	v14 =	vld.idx.msk [tilespmem:v14+s16+$0x0], $0xffff;
	v2 =	vmul.f32 v2, v6;
	v46 =	vmul.f32 v38, v22;
	v0 =	vadd.f32 v8, v0  }
0x398: {  	v49 =	vld.idx.msk [tilespmem:v37+s16+$0x0], $0xffff;
	v44 =	vmul.f32 v40, v31;
	v12 =	vadd.f32 v43, v12;
	v18 =	vsub.f32 $1.500000000e+00, v18  }
0x399: {  	v48 =	vmul.f32 v16, v7;
	v51 =	vmul.f32 v42, v24;
	v0 =	vadd.f32 v2, v0  }
0x39a: {  	v3 =	vld.idx.msk [tilespmem:v41+s16+$0x0], $0xffff;
	v4 =	vmul.f32 v44, v4;
	v50 =	vadd.f32 v46, v12;
	v52 =	vmul.f32 v18, v34  }
0x39b: {  	v53 =	vmul.f32 v15, v9;
	v8 =	vmul.f32 v45, v29;
	v0 =	vadd.f32 v48, v0  }
0x39c: {  	v4 =	vmul.f32 v4, v44;
	v54 =	vadd.f32 v51, v50;
	v55 =	vmul.f32 v52, v17  }
0x39d: {  	v56 =	vmul.f32 v14, v10;
	v7 =	vmul.f32 v49, v36;
	v0 =	vadd.f32 v53, v0  }
0x39e: {  	v57 =	vsub.f32 $1.500000000e+00, v4;
	v58 =	vadd.f32 v8, v54;
	v59 =	vmul.f32 v55, v52  }
0x39f: {  	v3 =	vmul.f32 v3, v5;
	v0 =	vadd.f32 v56, v0  }
0x3a0: {  	v2 =	vmul.f32 v57, v44;
	v4 =	vadd.f32 v7, v58;
	v60 =	vsub.f32 $1.500000000e+00, v59;
	_ =	sdelay $0x1  }
0x3a1: {  	v0 =	vmul.f32 v2, v0;
	v61 =	vadd.f32 v3, v4;
	v62 =	vmul.f32 v60, v52;
	_ =	sdelay $0x1  }
0x3a2: {  	v0 =	vadd.f32 v0, v1;
	v63 =	vmul.f32 v62, v61;
	_ =	sdelay $0x1  }
0x3a3: {  	s19 =	sadd.s32 $0x1, s19;
	v0 =	vadd.f32 v63, v0  }
0x3a4: {  	p0 =	sne.s32 s19, s10  }
.Ltmp4:
0x3a5: {  	[tilespmem:$0x14200] =	vst v0;
	(pc) =	sbr.rel @p0 .LBB2_1-.Ltmp4, $4  }
0x3a6: {  	[hbm4b:s9+s2] =	stream.linear.scatter [tilespmem:s18], [sflag:$0x2], $0x10, $0x38;
	[tilespmem:$0x14280] =	vst v63  }
0x3a7: {  	_ =	swait.ge [sflag:s12], $0x10  }
0x3a8: {  	[sflag:s12] =	ssyncset.done $0x0  }
0x3a9: {  	[sflag:s12] =	ssyncadd.s32 $0xFFFFFFF0  }
0x3aa: {  	_ =	sfence.sel $0x180000  }
0x3ab: {  	[bflag:$0x0] =	sbarrier.arrive $0xFFFF  }
0x3ac: {  	p0 =	sne.s32 s1, $0x0;
	_ =	strace $0x90000047  }
0x3ad: {  	s0 =	sadd.s32 @!p0 $0x100000, s0;
	[bflag:$0x2] =	sbarrier.arrive $0xFFFF  }
0x3ae: {  	[sflag:s0] =	ssyncadd.tile.s32 @!p0 $0x1;
	_ =	shalt  }
.Lfunc_end2:
_tile_overlayer_lowered:
.L_overlay_start_2:
0x3af: {  	(tag) =	ssettag $0x2  }
0x3b0: {  	s0 =	rddreg [dreg:$0x0];
	s2 =	stileid.u32  }
0x3b1: {  	s1 =	rddreg [dreg:$0x1];
	p0 =	sne.s32 s2, $0x0  }
0x3b2: {  	s3 =	rddreg [dreg:$0x2];
	[bflag:$0x3] =	sbarrier.arrive $0xFFFF;
	s2 =	simm.s32 @!p0 $0x1C02  }
0x3b3: {  	[timem:s3], [sflag:s2] =	dma.local @!p0 [hbm:s0], s1  }
0x3b4: {  	s0 =	simm.s32 @!p0 $0x2  }
0x3b5: {  	_ =	swait.ge @!p0 [sflag:s0], s1  }
0x3b6: {  	s1 =	ssub.s32 @!p0 $0x0, s1;
	[sflag:s0] =	ssyncset.done @!p0 $0x0  }
0x3b7: {  	[sflag:s0] =	ssyncadd.s32 @!p0 s1  }
0x3b8: {  	[bflag:$0x3] =	sbarrier.arrive $0xFFFF  }
0x3b9: {  	_ =	shalt  }

</sc_bundles>
